<compile_context>
chip_gen: v7x
topology: tpu7x:2x2x1
jax: 0.10.2.dev20260603
libtpu: 0.0.44.dev20260713+nightly
codegen_flags: <defaults>
</compile_context>

<pallas_src>
import functools

import jax
import jax.numpy as jnp
from jax import lax
from jax.experimental import pallas as pl
from jax.experimental.pallas import tpu as pltpu
from jax.experimental.pallas import tpu_sc as plsc

N = 10000
E = 320000
F = 128
G = 128
EPS_BN = 1e-4

BLK = 2000
NBLK = N // BLK

NC = 2
NS = 16
TILES = NC * NS
EPT = E // TILES
CH = 80
NCH = EPT // CH
RING = 3
RPT_A = N // NS
NPAD = 10240
RPT = NPAD // NS
RSTG = 128
DEGW = 16

_sc_mesh = plsc.VectorSubcoreMesh(
    core_axis_name="c", subcore_axis_name="s", num_cores=NC, num_subcores=NS)



def _deg_body(dst_hbm, ones_hbm, zeros_hbm, out_hbm, idx_d, ones_v, stage_v,
              shared, ssem0, ssem1):
    c = lax.axis_index("c")
    s = lax.axis_index("s")
    wid = c * NS + s
    ssem = (ssem0, ssem1)
    pltpu.sync_copy(zeros_hbm, stage_v)
    for k in range(RPT // RSTG):
        pltpu.sync_copy(stage_v, shared.at[pl.ds(s * RPT + k * RSTG, RSTG)])
    pltpu.sync_copy(ones_hbm, ones_v)
    pltpu.sync_copy(dst_hbm.at[wid], idx_d)
    plsc.subcore_barrier()

    def step(jo, carry):
        for bb in range(2):
            j = 2 * jo + bb

            @pl.when(j >= 2)
            def _():
                pltpu.make_async_copy(
                    ones_v, shared.at[idx_d.at[j - 2]], ssem[bb]).wait()

            @pl.when(j < NCH)
            def _():
                pltpu.async_copy(
                    ones_v, shared.at[idx_d.at[j]], ssem[bb], add=True)
        return carry

    lax.fori_loop(0, NCH // 2 + 1, step, 0)
    if NCH % 2:
        pltpu.make_async_copy(
            ones_v, shared.at[idx_d.at[NCH - 1]], ssem[0]).wait()
    plsc.subcore_barrier()
    for k in range(RPT // RSTG):
        pltpu.sync_copy(shared.at[pl.ds(s * RPT + k * RSTG, RSTG)], stage_v)
        pltpu.sync_copy(stage_v, out_hbm.at[c, pl.ds(s * RPT + k * RSTG, RSTG)])


_deg_call = functools.partial(
    pl.kernel,
    out_type=jax.ShapeDtypeStruct((NC, NPAD, DEGW), jnp.float32),
    mesh=_sc_mesh,
    scratch_types=[
        pltpu.VMEM((NCH, CH), jnp.int32),
        pltpu.VMEM((CH, DEGW), jnp.float32),
        pltpu.VMEM((RSTG, DEGW), jnp.float32),
        pltpu.VMEM_SHARED((NPAD, DEGW), jnp.float32),
        pltpu.SemaphoreType.DMA,
        pltpu.SemaphoreType.DMA,
    ],
    compiler_params=pltpu.CompilerParams(use_tc_tiling_on_sc=False),
)(_deg_body)


def _agg_body(hp_hbm, src_hbm, dst_hbm, zeros_hbm, out_hbm, idx_s, idx_d,
              rows0, rows1, rows2, gsem0, gsem1, gsem2,
              ssem0, ssem1, ssem2, shared):
    c = lax.axis_index("c")
    s = lax.axis_index("s")
    wid = c * NS + s
    rows = (rows0, rows1, rows2)
    gsem = (gsem0, gsem1, gsem2)
    ssem = (ssem0, ssem1, ssem2)
    tail = RPT_A % CH
    nfull = RPT_A // CH
    base = s * RPT_A
    pltpu.sync_copy(zeros_hbm, rows0)
    for k in range(nfull):
        pltpu.sync_copy(rows0, shared.at[pl.ds(base + k * CH, CH)])
    pltpu.sync_copy(rows0.at[pl.ds(0, tail)],
                    shared.at[pl.ds(base + nfull * CH, tail)])
    pltpu.sync_copy(src_hbm.at[pl.ds(wid * EPT, EPT)], idx_s)
    pltpu.sync_copy(dst_hbm.at[wid], idx_d)
    plsc.subcore_barrier()

    def step(jo, carry):
        for bb in range(RING):
            j = RING * jo + bb
            bs = (bb + 1) % RING

            @pl.when((j >= RING) & (j < NCH + RING))
            def _():
                pltpu.make_async_copy(
                    rows[bb], shared.at[idx_d.at[j - RING]], ssem[bb]).wait()

            @pl.when(j < NCH)
            def _():
                pltpu.async_copy(
                    hp_hbm.at[idx_s.at[pl.ds(pl.multiple_of(j * CH, 8), CH)]],
                    rows[bb], gsem[bb])

            @pl.when((j >= 2) & (j < NCH + 2))
            def _():
                pltpu.make_async_copy(
                    hp_hbm.at[idx_s.at[pl.ds(pl.multiple_of((j - 2) * CH, 8),
                                             CH)]],
                    rows[bs], gsem[bs]).wait()
                pltpu.async_copy(
                    rows[bs], shared.at[idx_d.at[j - 2]], ssem[bs], add=True)
        return carry

    lax.fori_loop(0, (NCH + 2 * RING) // RING + 1, step, 0)
    plsc.subcore_barrier()
    for k in range(nfull):
        pltpu.sync_copy(shared.at[pl.ds(base + k * CH, CH)], rows0)
        pltpu.sync_copy(rows0, out_hbm.at[c, pl.ds(base + k * CH, CH)])
    pltpu.sync_copy(shared.at[pl.ds(base + nfull * CH, tail)],
                    rows0.at[pl.ds(0, tail)])
    pltpu.sync_copy(rows0.at[pl.ds(0, tail)],
                    out_hbm.at[c, pl.ds(base + nfull * CH, tail)])


_agg_call = functools.partial(
    pl.kernel,
    out_type=jax.ShapeDtypeStruct((NC, N, F), jnp.float32),
    mesh=_sc_mesh,
    scratch_types=[
        pltpu.VMEM((EPT,), jnp.int32),
        pltpu.VMEM((NCH, CH), jnp.int32),
        pltpu.VMEM((CH, F), jnp.float32),
        pltpu.VMEM((CH, F), jnp.float32),
        pltpu.VMEM((CH, F), jnp.float32),
        pltpu.SemaphoreType.DMA,
        pltpu.SemaphoreType.DMA,
        pltpu.SemaphoreType.DMA,
        pltpu.SemaphoreType.DMA,
        pltpu.SemaphoreType.DMA,
        pltpu.SemaphoreType.DMA,
        pltpu.VMEM_SHARED((N, F), jnp.float32),
    ],
    compiler_params=pltpu.CompilerParams(use_tc_tiling_on_sc=False),
)(_agg_body)



def _pre_body(x_ref, w_ref, deg_ref, hp_ref, dis_ref):
    d = deg_ref[0, :, 0:1] + deg_ref[1, :, 0:1] + 1.0
    dis = jnp.broadcast_to(lax.rsqrt(d), (BLK, F))
    h = jnp.dot(x_ref[...], w_ref[...], preferred_element_type=jnp.float32)
    hp_ref[...] = dis * h
    dis_ref[...] = dis


def _pre(x, w0, degp):
    return pl.pallas_call(
        _pre_body,
        grid=(NBLK,),
        in_specs=[
            pl.BlockSpec((BLK, F), lambda i: (i, 0)),
            pl.BlockSpec((F, F), lambda i: (0, 0)),
            pl.BlockSpec((NC, BLK, DEGW), lambda i: (0, i, 0)),
        ],
        out_specs=[
            pl.BlockSpec((BLK, F), lambda i: (i, 0)),
            pl.BlockSpec((BLK, F), lambda i: (i, 0)),
        ],
        out_shape=[
            jax.ShapeDtypeStruct((N, F), jnp.float32),
            jax.ShapeDtypeStruct((N, F), jnp.float32),
        ],
    )(x, w0, degp)


def _layer_body(agg_ref, hp_ref, dis_ref, b_ref, g_ref, be_ref, w_ref,
                o_ref, s_scr, st_scr):
    p = pl.program_id(0)
    i = pl.program_id(1)

    @pl.when(p == 0)
    def _():
        t = (dis_ref[...] * (agg_ref[0] + agg_ref[1] + hp_ref[...])
             + b_ref[...])
        sv = jax.nn.sigmoid(t)
        s_scr[pl.ds(i * BLK, BLK), :] = sv

        @pl.when(i == 0)
        def _():
            st_scr[...] = jnp.zeros_like(st_scr)

        st_scr[0:1, :] += jnp.sum(sv, axis=0, keepdims=True)
        st_scr[1:2, :] += jnp.sum(sv * sv, axis=0, keepdims=True)

    @pl.when(p == 1)
    def _():
        mean = st_scr[0:1, :] / N
        var = st_scr[1:2, :] / N - mean * mean
        sv = s_scr[pl.ds(i * BLK, BLK), :]
        y = (sv - mean) * lax.rsqrt(var + EPS_BN) * g_ref[...] + be_ref[...]
        o_ref[...] = dis_ref[...] * jnp.dot(
            y, w_ref[...], preferred_element_type=jnp.float32)


def _layer(aggp, hp, dis, b, g, be, wnext):
    return pl.pallas_call(
        _layer_body,
        grid=(2, NBLK),
        in_specs=[
            pl.BlockSpec((NC, BLK, F), lambda p, i: (0, i, 0)),
            pl.BlockSpec((BLK, F), lambda p, i: (i, 0)),
            pl.BlockSpec((BLK, F), lambda p, i: (i, 0)),
            pl.BlockSpec((1, F), lambda p, i: (0, 0)),
            pl.BlockSpec((1, F), lambda p, i: (0, 0)),
            pl.BlockSpec((1, F), lambda p, i: (0, 0)),
            pl.BlockSpec((F, F), lambda p, i: (0, 0)),
        ],
        out_specs=pl.BlockSpec((BLK, F), lambda p, i: (i, 0)),
        out_shape=jax.ShapeDtypeStruct((N, F), jnp.float32),
        scratch_shapes=[
            pltpu.VMEM((N, F), jnp.float32),
            pltpu.VMEM((8, F), jnp.float32),
        ],
    )(aggp, hp, dis, b, g, be, wnext)


def _last_body(agg_ref, hp_ref, dis_ref, b_ref, g_ref, be_ref, batch_ref,
               h_ref, xp_ref, s_scr, st_scr, ps_scr, pc_scr):
    p = pl.program_id(0)
    i = pl.program_id(1)

    @pl.when(p == 0)
    def _():
        t = (dis_ref[...] * (agg_ref[0] + agg_ref[1] + hp_ref[...])
             + b_ref[...])
        sv = jax.nn.sigmoid(t)
        s_scr[pl.ds(i * BLK, BLK), :] = sv

        @pl.when(i == 0)
        def _():
            st_scr[...] = jnp.zeros_like(st_scr)

        st_scr[0:1, :] += jnp.sum(sv, axis=0, keepdims=True)
        st_scr[1:2, :] += jnp.sum(sv * sv, axis=0, keepdims=True)

    @pl.when(p == 1)
    def _():
        mean = st_scr[0:1, :] / N
        var = st_scr[1:2, :] / N - mean * mean
        sv = s_scr[pl.ds(i * BLK, BLK), :]
        y = (sv - mean) * lax.rsqrt(var + EPS_BN) * g_ref[...] + be_ref[...]
        h_ref[...] = y

        oh = (batch_ref[...] == lax.broadcasted_iota(jnp.int32, (BLK, G), 1)
              ).astype(jnp.float32)

        @pl.when(i == 0)
        def _():
            ps_scr[...] = jnp.zeros_like(ps_scr)
            pc_scr[...] = jnp.zeros_like(pc_scr)

        ps_scr[...] += lax.dot_general(oh, y, (((0,), (0,)), ((), ())),
                                       preferred_element_type=jnp.float32)
        pc_scr[...] += jnp.sum(oh, axis=0, keepdims=True)

        @pl.when(i == NBLK - 1)
        def _():
            xp_ref[...] = (ps_scr[...]
                           / jnp.maximum(pc_scr[...], 1.0).reshape(G, 1))


def _last(aggp, hp, dis, b, g, be, batch2):
    return pl.pallas_call(
        _last_body,
        grid=(2, NBLK),
        in_specs=[
            pl.BlockSpec((NC, BLK, F), lambda p, i: (0, i, 0)),
            pl.BlockSpec((BLK, F), lambda p, i: (i, 0)),
            pl.BlockSpec((BLK, F), lambda p, i: (i, 0)),
            pl.BlockSpec((1, F), lambda p, i: (0, 0)),
            pl.BlockSpec((1, F), lambda p, i: (0, 0)),
            pl.BlockSpec((1, F), lambda p, i: (0, 0)),
            pl.BlockSpec((BLK, 1), lambda p, i: (i, 0)),
        ],
        out_specs=[
            pl.BlockSpec((BLK, F), lambda p, i: (i, 0)),
            pl.BlockSpec((G, G), lambda p, i: (0, 0)),
        ],
        out_shape=[
            jax.ShapeDtypeStruct((N, F), jnp.float32),
            jax.ShapeDtypeStruct((G, G), jnp.float32),
        ],
        scratch_shapes=[
            pltpu.VMEM((N, F), jnp.float32),
            pltpu.VMEM((8, F), jnp.float32),
            pltpu.VMEM((G, G), jnp.float32),
            pltpu.VMEM((1, G), jnp.float32),
        ],
    )(aggp, hp, dis, b, g, be, batch2)



def kernel(x, edge_index, batch, W0, b0, g0, be0, W1, b1, g1, be1,
           W2, b2, g2, be2):
    src = edge_index[0]
    dst = edge_index[1].reshape(TILES, NCH, CH)
    batch2 = batch.reshape(N, 1)
    ones_deg = jnp.ones((CH, DEGW), jnp.float32)
    zeros_deg = jnp.zeros((RSTG, DEGW), jnp.float32)
    zeros_f = jnp.zeros((CH, F), jnp.float32)

    degp = _deg_call(dst, ones_deg, zeros_deg)
    hp, dis = _pre(x, W0, degp)

    params = [(b0, g0, be0, W1), (b1, g1, be1, W2), (b2, g2, be2, None)]
    for (b, g, be, wnext) in params:
        aggp = _agg_call(hp, src, dst, zeros_f)
        if wnext is not None:
            hp = _layer(aggp, hp, dis, b.reshape(1, F), g.reshape(1, F),
                        be.reshape(1, F), wnext)
        else:
            h, xpool = _last(aggp, hp, dis, b.reshape(1, F), g.reshape(1, F),
                             be.reshape(1, F), batch2)
    return (xpool, h)

# --- scband reference (transcript-rebuilt; emitter-appended) ---
"""Pipeline reference for scband-encoder-25752623907305 (READ-ONLY COPY).

The authoritative reference and input builder live on the scoring server;
editing this copy changes nothing except your own understanding.
"""

import jax, jax.numpy as jnp
import numpy as np

N = 10000
E = 320000
F_IN = 128
DIM = 128
G = 128
EPS_BN = 1e-4


def setup_inputs(seed: int = 0) -> dict:
    key = jax.random.key(seed)
    ks = jax.random.split(key, 16)
    inp = {}
    inp["x"] = jax.random.normal(ks[0], (N, F_IN), dtype=jnp.float32)
    inp["edge_index"] = jax.random.randint(ks[1], (2, E), 0, N, dtype=jnp.int32)
    inp["batch"] = jnp.sort(jax.random.randint(ks[2], (N,), 0, G, dtype=jnp.int32))
    in_dims = [F_IN, DIM, DIM]
    for i in range(3):
        inp[f"W{i}"] = jax.random.normal(ks[3 + i], (in_dims[i], DIM), dtype=jnp.float32) * (1.0 / np.sqrt(in_dims[i]))
        inp[f"b{i}"] = jnp.zeros((DIM,), dtype=jnp.float32)
        inp[f"g{i}"] = jnp.ones((DIM,), dtype=jnp.float32)
        inp[f"be{i}"] = jnp.zeros((DIM,), dtype=jnp.float32)
    return inp


def _gcn_norm(edge_index, num_nodes):
    # add self loops, symmetric normalization (PyG GCNConv default)
    loops = jnp.arange(num_nodes, dtype=edge_index.dtype)
    src = jnp.concatenate([edge_index[0], loops])
    dst = jnp.concatenate([edge_index[1], loops])
    deg = jnp.zeros((num_nodes,), dtype=jnp.float32).at[dst].add(1.0)
    dis = jnp.where(deg > 0, jax.lax.rsqrt(jnp.maximum(deg, 1e-12)), 0.0)
    norm = dis[src] * dis[dst]
    return src, dst, norm


def _gcn_conv(x, W, b, src, dst, norm, num_nodes):
    h = x @ W
    msg = h[src] * norm[:, None]
    out = jnp.zeros((num_nodes, h.shape[1]), dtype=h.dtype).at[dst].add(msg)
    return out + b


def _batchnorm(x, gamma, beta):
    mean = jnp.mean(x, axis=0)
    var = jnp.mean((x - mean) ** 2, axis=0)
    return (x - mean) * jax.lax.rsqrt(var + EPS_BN) * gamma + beta


def reference(x, edge_index, batch, W0, b0, g0, be0, W1, b1, g1, be1, W2, b2, g2, be2):
    src, dst, norm = _gcn_norm(edge_index, N)
    params = [(W0, b0, g0, be0), (W1, b1, g1, be1), (W2, b2, g2, be2)]
    h = x
    for (W, b, gm, bt) in params:
        h = _gcn_conv(h, W, b, src, dst, norm, N)
        h = jax.nn.sigmoid(h)
        # dropout p=0.0 -> identity
        h = _batchnorm(h, gm, bt)
    sums = jax.ops.segment_sum(h, batch, num_segments=G)
    cnts = jax.ops.segment_sum(jnp.ones((N,), dtype=h.dtype), batch, num_segments=G)
    xpool = sums / jnp.maximum(cnts, 1.0)[:, None]
    return (xpool, h)

if __name__ == "__main__":
    import jax
    _d = setup_inputs()
    print(jax.jit(kernel)(*tuple(_d.values())))

</pallas_src>

<mosaic_0001>
#map = affine_map<(d0, d1) -> (0, 0, 0)>
#map1 = affine_map<(d0, d1) -> (0, 0)>
module attributes {stable_mosaic.version = 14 : i64} {
  func.func @_deg_body(%arg0: i32, %arg1: i32, %arg2: memref<32x125x80xi32, #tpu.memory_space<hbm>>, %arg3: memref<80x16xf32, #tpu.memory_space<hbm>>, %arg4: memref<128x16xf32, #tpu.memory_space<hbm>>, %arg5: memref<2x10240x16xf32, #tpu.memory_space<hbm>>, %arg6: memref<125x80xi32, #tpu.memory_space<vmem>>, %arg7: memref<80x16xf32, #tpu.memory_space<vmem>>, %arg8: memref<128x16xf32, #tpu.memory_space<vmem>>, %arg9: memref<10240x16xf32, #tpu.memory_space<vmem_shared>>, %arg10: memref<!tpu.dma_semaphore, #tpu.memory_space<semaphore_mem>>, %arg11: memref<!tpu.dma_semaphore, #tpu.memory_space<semaphore_mem>>) attributes {dimension_semantics = [#tpu.dimension_semantics<core_parallel>, #tpu.dimension_semantics<subcore_parallel>], iteration_bounds = array<i64: 2, 16>, scalar_prefetch = 0 : i64, scratch_operands = 6 : i64, tpu.core_type = #tpu.core_type<sc_vector_subcore>, window_params = [{transform_indices = #map}, {transform_indices = #map1}, {transform_indices = #map1}, {transform_indices = #map}]} {
    %mul3A = arith.constant 16 : i32
    %mul3A_0 = arith.muli %arg0, %mul3A : i32
    %add3A = arith.addi %mul3A_0, %arg1 : i32
    "tpu.region"() ({
      %run_scoped3A = tpu.sem_alloc : memref<!tpu.dma_semaphore, #tpu.memory_space<semaphore_mem>>
      tpu.enqueue_dma source(%arg4 : memref<128x16xf32, #tpu.memory_space<hbm>>) target(%arg8 : memref<128x16xf32, #tpu.memory_space<vmem>>) target_semaphore(%run_scoped3A : memref<!tpu.dma_semaphore, #tpu.memory_space<semaphore_mem>>)
      tpu.wait_dma2 semaphore(%run_scoped3A : memref<!tpu.dma_semaphore, #tpu.memory_space<semaphore_mem>>) src(%arg4 : memref<128x16xf32, #tpu.memory_space<hbm>>) dst(%arg8 : memref<128x16xf32, #tpu.memory_space<vmem>>)
      tpu.yield
    }) : () -> ()
    %mul3A_1 = arith.constant 640 : i32
    %mul3A_2 = arith.muli %arg1, %mul3A_1 : i32
    %add3A_3 = arith.constant 0 : i32
    %add3A_4 = arith.addi %mul3A_2, %add3A_3 : i32
    "tpu.region"() ({
      %run_scoped3A = tpu.sem_alloc : memref<!tpu.dma_semaphore, #tpu.memory_space<semaphore_mem>>
      %dma_start3A = arith.constant 0 : i32
      %dma_start3A_73 = tpu.memref_slice %arg9[%add3A_4, %dma_start3A] : memref<10240x16xf32, #tpu.memory_space<vmem_shared>> -> memref<128x16xf32, #tpu.memory_space<vmem_shared>>
      %dma_start3A_74 = arith.constant 0 : i32
      %dma_start3A_75 = tpu.memref_slice %arg9[%add3A_4, %dma_start3A_74] : memref<10240x16xf32, #tpu.memory_space<vmem_shared>> -> memref<128x16xf32, #tpu.memory_space<vmem_shared>>
      tpu.enqueue_dma source(%arg8 : memref<128x16xf32, #tpu.memory_space<vmem>>) target(%dma_start3A_75 : memref<128x16xf32, #tpu.memory_space<vmem_shared>>) target_semaphore(%run_scoped3A : memref<!tpu.dma_semaphore, #tpu.memory_space<semaphore_mem>>)
      %dma_wait3A_76 = arith.constant 0 : i32
      %dma_wait3A_77 = tpu.memref_slice %arg9[%add3A_4, %dma_wait3A_76] : memref<10240x16xf32, #tpu.memory_space<vmem_shared>> -> memref<128x16xf32, #tpu.memory_space<vmem_shared>>
      %dma_wait3A_78 = arith.constant 0 : i32
      %dma_wait3A_79 = tpu.memref_slice %arg9[%add3A_4, %dma_wait3A_78] : memref<10240x16xf32, #tpu.memory_space<vmem_shared>> -> memref<128x16xf32, #tpu.memory_space<vmem_shared>>
      tpu.wait_dma2 semaphore(%run_scoped3A : memref<!tpu.dma_semaphore, #tpu.memory_space<semaphore_mem>>) src(%arg8 : memref<128x16xf32, #tpu.memory_space<vmem>>) dst(%dma_wait3A_79 : memref<128x16xf32, #tpu.memory_space<vmem_shared>>)
      tpu.yield
    }) : () -> ()
    %mul3A_5 = arith.constant 640 : i32
    %mul3A_6 = arith.muli %arg1, %mul3A_5 : i32
    %add3A_7 = arith.constant 128 : i32
    %add3A_8 = arith.addi %mul3A_6, %add3A_7 : i32
    "tpu.region"() ({
      %run_scoped3A = tpu.sem_alloc : memref<!tpu.dma_semaphore, #tpu.memory_space<semaphore_mem>>
      %dma_start3A = arith.constant 0 : i32
      %dma_start3A_73 = tpu.memref_slice %arg9[%add3A_8, %dma_start3A] : memref<10240x16xf32, #tpu.memory_space<vmem_shared>> -> memref<128x16xf32, #tpu.memory_space<vmem_shared>>
      %dma_start3A_74 = arith.constant 0 : i32
      %dma_start3A_75 = tpu.memref_slice %arg9[%add3A_8, %dma_start3A_74] : memref<10240x16xf32, #tpu.memory_space<vmem_shared>> -> memref<128x16xf32, #tpu.memory_space<vmem_shared>>
      tpu.enqueue_dma source(%arg8 : memref<128x16xf32, #tpu.memory_space<vmem>>) target(%dma_start3A_75 : memref<128x16xf32, #tpu.memory_space<vmem_shared>>) target_semaphore(%run_scoped3A : memref<!tpu.dma_semaphore, #tpu.memory_space<semaphore_mem>>)
      %dma_wait3A_76 = arith.constant 0 : i32
      %dma_wait3A_77 = tpu.memref_slice %arg9[%add3A_8, %dma_wait3A_76] : memref<10240x16xf32, #tpu.memory_space<vmem_shared>> -> memref<128x16xf32, #tpu.memory_space<vmem_shared>>
      %dma_wait3A_78 = arith.constant 0 : i32
      %dma_wait3A_79 = tpu.memref_slice %arg9[%add3A_8, %dma_wait3A_78] : memref<10240x16xf32, #tpu.memory_space<vmem_shared>> -> memref<128x16xf32, #tpu.memory_space<vmem_shared>>
      tpu.wait_dma2 semaphore(%run_scoped3A : memref<!tpu.dma_semaphore, #tpu.memory_space<semaphore_mem>>) src(%arg8 : memref<128x16xf32, #tpu.memory_space<vmem>>) dst(%dma_wait3A_79 : memref<128x16xf32, #tpu.memory_space<vmem_shared>>)
      tpu.yield
    }) : () -> ()
    %mul3A_9 = arith.constant 640 : i32
    %mul3A_10 = arith.muli %arg1, %mul3A_9 : i32
    %add3A_11 = arith.constant 256 : i32
    %add3A_12 = arith.addi %mul3A_10, %add3A_11 : i32
    "tpu.region"() ({
      %run_scoped3A = tpu.sem_alloc : memref<!tpu.dma_semaphore, #tpu.memory_space<semaphore_mem>>
      %dma_start3A = arith.constant 0 : i32
      %dma_start3A_73 = tpu.memref_slice %arg9[%add3A_12, %dma_start3A] : memref<10240x16xf32, #tpu.memory_space<vmem_shared>> -> memref<128x16xf32, #tpu.memory_space<vmem_shared>>
      %dma_start3A_74 = arith.constant 0 : i32
      %dma_start3A_75 = tpu.memref_slice %arg9[%add3A_12, %dma_start3A_74] : memref<10240x16xf32, #tpu.memory_space<vmem_shared>> -> memref<128x16xf32, #tpu.memory_space<vmem_shared>>
      tpu.enqueue_dma source(%arg8 : memref<128x16xf32, #tpu.memory_space<vmem>>) target(%dma_start3A_75 : memref<128x16xf32, #tpu.memory_space<vmem_shared>>) target_semaphore(%run_scoped3A : memref<!tpu.dma_semaphore, #tpu.memory_space<semaphore_mem>>)
      %dma_wait3A_76 = arith.constant 0 : i32
      %dma_wait3A_77 = tpu.memref_slice %arg9[%add3A_12, %dma_wait3A_76] : memref<10240x16xf32, #tpu.memory_space<vmem_shared>> -> memref<128x16xf32, #tpu.memory_space<vmem_shared>>
      %dma_wait3A_78 = arith.constant 0 : i32
      %dma_wait3A_79 = tpu.memref_slice %arg9[%add3A_12, %dma_wait3A_78] : memref<10240x16xf32, #tpu.memory_space<vmem_shared>> -> memref<128x16xf32, #tpu.memory_space<vmem_shared>>
      tpu.wait_dma2 semaphore(%run_scoped3A : memref<!tpu.dma_semaphore, #tpu.memory_space<semaphore_mem>>) src(%arg8 : memref<128x16xf32, #tpu.memory_space<vmem>>) dst(%dma_wait3A_79 : memref<128x16xf32, #tpu.memory_space<vmem_shared>>)
      tpu.yield
    }) : () -> ()
    %mul3A_13 = arith.constant 640 : i32
    %mul3A_14 = arith.muli %arg1, %mul3A_13 : i32
    %add3A_15 = arith.constant 384 : i32
    %add3A_16 = arith.addi %mul3A_14, %add3A_15 : i32
    "tpu.region"() ({
      %run_scoped3A = tpu.sem_alloc : memref<!tpu.dma_semaphore, #tpu.memory_space<semaphore_mem>>
      %dma_start3A = arith.constant 0 : i32
      %dma_start3A_73 = tpu.memref_slice %arg9[%add3A_16, %dma_start3A] : memref<10240x16xf32, #tpu.memory_space<vmem_shared>> -> memref<128x16xf32, #tpu.memory_space<vmem_shared>>
      %dma_start3A_74 = arith.constant 0 : i32
      %dma_start3A_75 = tpu.memref_slice %arg9[%add3A_16, %dma_start3A_74] : memref<10240x16xf32, #tpu.memory_space<vmem_shared>> -> memref<128x16xf32, #tpu.memory_space<vmem_shared>>
      tpu.enqueue_dma source(%arg8 : memref<128x16xf32, #tpu.memory_space<vmem>>) target(%dma_start3A_75 : memref<128x16xf32, #tpu.memory_space<vmem_shared>>) target_semaphore(%run_scoped3A : memref<!tpu.dma_semaphore, #tpu.memory_space<semaphore_mem>>)
      %dma_wait3A_76 = arith.constant 0 : i32
      %dma_wait3A_77 = tpu.memref_slice %arg9[%add3A_16, %dma_wait3A_76] : memref<10240x16xf32, #tpu.memory_space<vmem_shared>> -> memref<128x16xf32, #tpu.memory_space<vmem_shared>>
      %dma_wait3A_78 = arith.constant 0 : i32
      %dma_wait3A_79 = tpu.memref_slice %arg9[%add3A_16, %dma_wait3A_78] : memref<10240x16xf32, #tpu.memory_space<vmem_shared>> -> memref<128x16xf32, #tpu.memory_space<vmem_shared>>
      tpu.wait_dma2 semaphore(%run_scoped3A : memref<!tpu.dma_semaphore, #tpu.memory_space<semaphore_mem>>) src(%arg8 : memref<128x16xf32, #tpu.memory_space<vmem>>) dst(%dma_wait3A_79 : memref<128x16xf32, #tpu.memory_space<vmem_shared>>)
      tpu.yield
    }) : () -> ()
    %mul3A_17 = arith.constant 640 : i32
    %mul3A_18 = arith.muli %arg1, %mul3A_17 : i32
    %add3A_19 = arith.constant 512 : i32
    %add3A_20 = arith.addi %mul3A_18, %add3A_19 : i32
    "tpu.region"() ({
      %run_scoped3A = tpu.sem_alloc : memref<!tpu.dma_semaphore, #tpu.memory_space<semaphore_mem>>
      %dma_start3A = arith.constant 0 : i32
      %dma_start3A_73 = tpu.memref_slice %arg9[%add3A_20, %dma_start3A] : memref<10240x16xf32, #tpu.memory_space<vmem_shared>> -> memref<128x16xf32, #tpu.memory_space<vmem_shared>>
      %dma_start3A_74 = arith.constant 0 : i32
      %dma_start3A_75 = tpu.memref_slice %arg9[%add3A_20, %dma_start3A_74] : memref<10240x16xf32, #tpu.memory_space<vmem_shared>> -> memref<128x16xf32, #tpu.memory_space<vmem_shared>>
      tpu.enqueue_dma source(%arg8 : memref<128x16xf32, #tpu.memory_space<vmem>>) target(%dma_start3A_75 : memref<128x16xf32, #tpu.memory_space<vmem_shared>>) target_semaphore(%run_scoped3A : memref<!tpu.dma_semaphore, #tpu.memory_space<semaphore_mem>>)
      %dma_wait3A_76 = arith.constant 0 : i32
      %dma_wait3A_77 = tpu.memref_slice %arg9[%add3A_20, %dma_wait3A_76] : memref<10240x16xf32, #tpu.memory_space<vmem_shared>> -> memref<128x16xf32, #tpu.memory_space<vmem_shared>>
      %dma_wait3A_78 = arith.constant 0 : i32
      %dma_wait3A_79 = tpu.memref_slice %arg9[%add3A_20, %dma_wait3A_78] : memref<10240x16xf32, #tpu.memory_space<vmem_shared>> -> memref<128x16xf32, #tpu.memory_space<vmem_shared>>
      tpu.wait_dma2 semaphore(%run_scoped3A : memref<!tpu.dma_semaphore, #tpu.memory_space<semaphore_mem>>) src(%arg8 : memref<128x16xf32, #tpu.memory_space<vmem>>) dst(%dma_wait3A_79 : memref<128x16xf32, #tpu.memory_space<vmem_shared>>)
      tpu.yield
    }) : () -> ()
    "tpu.region"() ({
      %run_scoped3A = tpu.sem_alloc : memref<!tpu.dma_semaphore, #tpu.memory_space<semaphore_mem>>
      tpu.enqueue_dma source(%arg3 : memref<80x16xf32, #tpu.memory_space<hbm>>) target(%arg7 : memref<80x16xf32, #tpu.memory_space<vmem>>) target_semaphore(%run_scoped3A : memref<!tpu.dma_semaphore, #tpu.memory_space<semaphore_mem>>)
      tpu.wait_dma2 semaphore(%run_scoped3A : memref<!tpu.dma_semaphore, #tpu.memory_space<semaphore_mem>>) src(%arg3 : memref<80x16xf32, #tpu.memory_space<hbm>>) dst(%arg7 : memref<80x16xf32, #tpu.memory_space<vmem>>)
      tpu.yield
    }) : () -> ()
    "tpu.region"() ({
      %run_scoped3A = tpu.sem_alloc : memref<!tpu.dma_semaphore, #tpu.memory_space<semaphore_mem>>
      %dma_start3A = arith.constant 0 : i32
      %dma_start3A_73 = arith.constant 0 : i32
      %dma_start3A_74 = tpu.memref_slice %arg2[%add3A, %dma_start3A, %dma_start3A_73] : memref<32x125x80xi32, #tpu.memory_space<hbm>> -> memref<1x125x80xi32, #tpu.memory_space<hbm>>
      %dma_start3A_75 = tpu.memref_squeeze %dma_start3A_74 : memref<1x125x80xi32, #tpu.memory_space<hbm>> -> memref<125x80xi32, #tpu.memory_space<hbm>>
      %dma_start3A_76 = arith.constant 0 : i32
      %dma_start3A_77 = arith.constant 0 : i32
      %dma_start3A_78 = tpu.memref_slice %arg2[%add3A, %dma_start3A_76, %dma_start3A_77] : memref<32x125x80xi32, #tpu.memory_space<hbm>> -> memref<1x125x80xi32, #tpu.memory_space<hbm>>
      %dma_start3A_79 = tpu.memref_squeeze %dma_start3A_78 : memref<1x125x80xi32, #tpu.memory_space<hbm>> -> memref<125x80xi32, #tpu.memory_space<hbm>>
      tpu.enqueue_dma source(%dma_start3A_79 : memref<125x80xi32, #tpu.memory_space<hbm>>) target(%arg6 : memref<125x80xi32, #tpu.memory_space<vmem>>) target_semaphore(%run_scoped3A : memref<!tpu.dma_semaphore, #tpu.memory_space<semaphore_mem>>)
      %dma_wait3A_80 = arith.constant 0 : i32
      %dma_wait3A_81 = arith.constant 0 : i32
      %dma_wait3A_82 = tpu.memref_slice %arg2[%add3A, %dma_wait3A_80, %dma_wait3A_81] : memref<32x125x80xi32, #tpu.memory_space<hbm>> -> memref<1x125x80xi32, #tpu.memory_space<hbm>>
      %dma_wait3A_83 = tpu.memref_squeeze %dma_wait3A_82 : memref<1x125x80xi32, #tpu.memory_space<hbm>> -> memref<125x80xi32, #tpu.memory_space<hbm>>
      %dma_wait3A_84 = arith.constant 0 : i32
      %dma_wait3A_85 = arith.constant 0 : i32
      %dma_wait3A_86 = tpu.memref_slice %arg2[%add3A, %dma_wait3A_84, %dma_wait3A_85] : memref<32x125x80xi32, #tpu.memory_space<hbm>> -> memref<1x125x80xi32, #tpu.memory_space<hbm>>
      %dma_wait3A_87 = tpu.memref_squeeze %dma_wait3A_86 : memref<1x125x80xi32, #tpu.memory_space<hbm>> -> memref<125x80xi32, #tpu.memory_space<hbm>>
      tpu.wait_dma2 semaphore(%run_scoped3A : memref<!tpu.dma_semaphore, #tpu.memory_space<semaphore_mem>>) src(%dma_wait3A_87 : memref<125x80xi32, #tpu.memory_space<hbm>>) dst(%arg6 : memref<125x80xi32, #tpu.memory_space<vmem>>)
      tpu.yield
    }) : () -> ()
    %barrier3A = arith.constant 0 : index
    tpu.barrier barrier_id(%barrier3A)
    %scan3A = arith.constant 0 : i32
    %scan3A_21 = arith.constant 0 : i32
    %scan3A_22 = arith.constant 63 : i32
    %scan3A_23 = arith.addi %scan3A_21, %scan3A_22 : i32
    %scan3A_24 = arith.constant 1 : i32
    scf.for %scan3A_73 = %scan3A_21 to %scan3A_23 step %scan3A_24  : i32 {
      %mul3A_74 = arith.constant 2 : i32
      %mul3A_75 = arith.muli %mul3A_74, %scan3A_73 : i32
      %add3A_76 = arith.constant 0 : i32
      %add3A_77 = arith.addi %mul3A_75, %add3A_76 : i32
      %ge3A = arith.constant 2 : i32
      %ge3A_78 = arith.cmpi sge, %add3A_77, %ge3A : i32
      %convert_element_type3A = arith.extui %ge3A_78 : i1 to i32
      %cond3A = arith.constant 0 : i32
      %cond3A_79 = arith.cmpi ne, %convert_element_type3A, %cond3A : i32
      scf.if %cond3A_79 {
        %sub3A = arith.constant 2 : i32
        %sub3A_98 = arith.subi %add3A_77, %sub3A : i32
        %dma_wait3A_99 = arith.constant 0 : i32
        %dma_wait3A_100 = tpu.memref_slice %arg6[%sub3A_98, %dma_wait3A_99] : memref<125x80xi32, #tpu.memory_space<vmem>> -> memref<1x80xi32, #tpu.memory_space<vmem>>
        %dma_wait3A_101 = tpu.memref_squeeze %dma_wait3A_100 : memref<1x80xi32, #tpu.memory_space<vmem>> -> memref<80xi32, #tpu.memory_space<vmem>>
        %dma_wait3A_102 = arith.constant 0 : i32
        %dma_wait3A_103 = arith.constant 0 : i32
        %dma_wait3A_104 = tpu.memref_slice %arg9[%dma_wait3A_102, %dma_wait3A_103] : memref<10240x16xf32, #tpu.memory_space<vmem_shared>> -> memref<10240x16xf32, #tpu.memory_space<vmem_shared>>
        tpu.wait_indirect_dma semaphore(%arg10 : memref<!tpu.dma_semaphore, #tpu.memory_space<semaphore_mem>>) src(%arg7 : memref<80x16xf32, #tpu.memory_space<vmem>>) dst(%dma_wait3A_104 : memref<10240x16xf32, #tpu.memory_space<vmem_shared>>)
      } else {
      }
      %lt3A = arith.constant 125 : i32
      %lt3A_80 = arith.cmpi slt, %add3A_77, %lt3A : i32
      %convert_element_type3A_81 = arith.extui %lt3A_80 : i1 to i32
      %cond3A_82 = arith.constant 0 : i32
      %cond3A_83 = arith.cmpi ne, %convert_element_type3A_81, %cond3A_82 : i32
      scf.if %cond3A_83 {
        %dma_start3A = arith.constant 0 : i32
        %dma_start3A_98 = tpu.memref_slice %arg6[%add3A_77, %dma_start3A] : memref<125x80xi32, #tpu.memory_space<vmem>> -> memref<1x80xi32, #tpu.memory_space<vmem>>
        %dma_start3A_99 = tpu.memref_squeeze %dma_start3A_98 : memref<1x80xi32, #tpu.memory_space<vmem>> -> memref<80xi32, #tpu.memory_space<vmem>>
        %dma_start3A_100 = arith.constant 0 : i32
        %dma_start3A_101 = arith.constant 0 : i32
        %dma_start3A_102 = tpu.memref_slice %arg9[%dma_start3A_100, %dma_start3A_101] : memref<10240x16xf32, #tpu.memory_space<vmem_shared>> -> memref<10240x16xf32, #tpu.memory_space<vmem_shared>>
        tpu.enqueue_indirect_dma source(%arg7 : memref<80x16xf32, #tpu.memory_space<vmem>>) target(%dma_start3A_102 : memref<10240x16xf32, #tpu.memory_space<vmem_shared>>) offsets(%dma_start3A_99 : memref<80xi32, #tpu.memory_space<vmem>>) semaphore(%arg10 : memref<!tpu.dma_semaphore, #tpu.memory_space<semaphore_mem>>) {add = true}
      } else {
      }
      %mul3A_84 = arith.constant 2 : i32
      %mul3A_85 = arith.muli %mul3A_84, %scan3A_73 : i32
      %add3A_86 = arith.constant 1 : i32
      %add3A_87 = arith.addi %mul3A_85, %add3A_86 : i32
      %ge3A_88 = arith.constant 2 : i32
      %ge3A_89 = arith.cmpi sge, %add3A_87, %ge3A_88 : i32
      %convert_element_type3A_90 = arith.extui %ge3A_89 : i1 to i32
      %cond3A_91 = arith.constant 0 : i32
      %cond3A_92 = arith.cmpi ne, %convert_element_type3A_90, %cond3A_91 : i32
      scf.if %cond3A_92 {
        %sub3A = arith.constant 2 : i32
        %sub3A_98 = arith.subi %add3A_87, %sub3A : i32
        %dma_wait3A_99 = arith.constant 0 : i32
        %dma_wait3A_100 = tpu.memref_slice %arg6[%sub3A_98, %dma_wait3A_99] : memref<125x80xi32, #tpu.memory_space<vmem>> -> memref<1x80xi32, #tpu.memory_space<vmem>>
        %dma_wait3A_101 = tpu.memref_squeeze %dma_wait3A_100 : memref<1x80xi32, #tpu.memory_space<vmem>> -> memref<80xi32, #tpu.memory_space<vmem>>
        %dma_wait3A_102 = arith.constant 0 : i32
        %dma_wait3A_103 = arith.constant 0 : i32
        %dma_wait3A_104 = tpu.memref_slice %arg9[%dma_wait3A_102, %dma_wait3A_103] : memref<10240x16xf32, #tpu.memory_space<vmem_shared>> -> memref<10240x16xf32, #tpu.memory_space<vmem_shared>>
        tpu.wait_indirect_dma semaphore(%arg11 : memref<!tpu.dma_semaphore, #tpu.memory_space<semaphore_mem>>) src(%arg7 : memref<80x16xf32, #tpu.memory_space<vmem>>) dst(%dma_wait3A_104 : memref<10240x16xf32, #tpu.memory_space<vmem_shared>>)
      } else {
      }
      %lt3A_93 = arith.constant 125 : i32
      %lt3A_94 = arith.cmpi slt, %add3A_87, %lt3A_93 : i32
      %convert_element_type3A_95 = arith.extui %lt3A_94 : i1 to i32
      %cond3A_96 = arith.constant 0 : i32
      %cond3A_97 = arith.cmpi ne, %convert_element_type3A_95, %cond3A_96 : i32
      scf.if %cond3A_97 {
        %dma_start3A = arith.constant 0 : i32
        %dma_start3A_98 = tpu.memref_slice %arg6[%add3A_87, %dma_start3A] : memref<125x80xi32, #tpu.memory_space<vmem>> -> memref<1x80xi32, #tpu.memory_space<vmem>>
        %dma_start3A_99 = tpu.memref_squeeze %dma_start3A_98 : memref<1x80xi32, #tpu.memory_space<vmem>> -> memref<80xi32, #tpu.memory_space<vmem>>
        %dma_start3A_100 = arith.constant 0 : i32
        %dma_start3A_101 = arith.constant 0 : i32
        %dma_start3A_102 = tpu.memref_slice %arg9[%dma_start3A_100, %dma_start3A_101] : memref<10240x16xf32, #tpu.memory_space<vmem_shared>> -> memref<10240x16xf32, #tpu.memory_space<vmem_shared>>
        tpu.enqueue_indirect_dma source(%arg7 : memref<80x16xf32, #tpu.memory_space<vmem>>) target(%dma_start3A_102 : memref<10240x16xf32, #tpu.memory_space<vmem_shared>>) offsets(%dma_start3A_99 : memref<80xi32, #tpu.memory_space<vmem>>) semaphore(%arg11 : memref<!tpu.dma_semaphore, #tpu.memory_space<semaphore_mem>>) {add = true}
      } else {
      }
    }
    %scan3A_25 = arith.constant 63 : i32
    %dma_wait3A = arith.constant 124 : i32
    %dma_wait3A_26 = arith.constant 0 : i32
    %dma_wait3A_27 = tpu.memref_slice %arg6[%dma_wait3A, %dma_wait3A_26] : memref<125x80xi32, #tpu.memory_space<vmem>> -> memref<1x80xi32, #tpu.memory_space<vmem>>
    %dma_wait3A_28 = tpu.memref_squeeze %dma_wait3A_27 : memref<1x80xi32, #tpu.memory_space<vmem>> -> memref<80xi32, #tpu.memory_space<vmem>>
    %dma_wait3A_29 = arith.constant 0 : i32
    %dma_wait3A_30 = arith.constant 0 : i32
    %dma_wait3A_31 = tpu.memref_slice %arg9[%dma_wait3A_29, %dma_wait3A_30] : memref<10240x16xf32, #tpu.memory_space<vmem_shared>> -> memref<10240x16xf32, #tpu.memory_space<vmem_shared>>
    tpu.wait_indirect_dma semaphore(%arg10 : memref<!tpu.dma_semaphore, #tpu.memory_space<semaphore_mem>>) src(%arg7 : memref<80x16xf32, #tpu.memory_space<vmem>>) dst(%dma_wait3A_31 : memref<10240x16xf32, #tpu.memory_space<vmem_shared>>)
    %barrier3A_32 = arith.constant 0 : index
    tpu.barrier barrier_id(%barrier3A_32)
    %mul3A_33 = arith.constant 640 : i32
    %mul3A_34 = arith.muli %arg1, %mul3A_33 : i32
    %add3A_35 = arith.constant 0 : i32
    %add3A_36 = arith.addi %mul3A_34, %add3A_35 : i32
    "tpu.region"() ({
      %run_scoped3A = tpu.sem_alloc : memref<!tpu.dma_semaphore, #tpu.memory_space<semaphore_mem>>
      %dma_start3A = arith.constant 0 : i32
      %dma_start3A_73 = tpu.memref_slice %arg9[%add3A_36, %dma_start3A] : memref<10240x16xf32, #tpu.memory_space<vmem_shared>> -> memref<128x16xf32, #tpu.memory_space<vmem_shared>>
      %dma_start3A_74 = arith.constant 0 : i32
      %dma_start3A_75 = tpu.memref_slice %arg9[%add3A_36, %dma_start3A_74] : memref<10240x16xf32, #tpu.memory_space<vmem_shared>> -> memref<128x16xf32, #tpu.memory_space<vmem_shared>>
      tpu.enqueue_dma source(%dma_start3A_75 : memref<128x16xf32, #tpu.memory_space<vmem_shared>>) target(%arg8 : memref<128x16xf32, #tpu.memory_space<vmem>>) target_semaphore(%run_scoped3A : memref<!tpu.dma_semaphore, #tpu.memory_space<semaphore_mem>>)
      %dma_wait3A_76 = arith.constant 0 : i32
      %dma_wait3A_77 = tpu.memref_slice %arg9[%add3A_36, %dma_wait3A_76] : memref<10240x16xf32, #tpu.memory_space<vmem_shared>> -> memref<128x16xf32, #tpu.memory_space<vmem_shared>>
      %dma_wait3A_78 = arith.constant 0 : i32
      %dma_wait3A_79 = tpu.memref_slice %arg9[%add3A_36, %dma_wait3A_78] : memref<10240x16xf32, #tpu.memory_space<vmem_shared>> -> memref<128x16xf32, #tpu.memory_space<vmem_shared>>
      tpu.wait_dma2 semaphore(%run_scoped3A : memref<!tpu.dma_semaphore, #tpu.memory_space<semaphore_mem>>) src(%dma_wait3A_79 : memref<128x16xf32, #tpu.memory_space<vmem_shared>>) dst(%arg8 : memref<128x16xf32, #tpu.memory_space<vmem>>)
      tpu.yield
    }) : () -> ()
    %mul3A_37 = arith.constant 640 : i32
    %mul3A_38 = arith.muli %arg1, %mul3A_37 : i32
    %add3A_39 = arith.constant 0 : i32
    %add3A_40 = arith.addi %mul3A_38, %add3A_39 : i32
    "tpu.region"() ({
      %run_scoped3A = tpu.sem_alloc : memref<!tpu.dma_semaphore, #tpu.memory_space<semaphore_mem>>
      %dma_start3A = arith.constant 0 : i32
      %dma_start3A_73 = tpu.memref_slice %arg5[%arg0, %add3A_40, %dma_start3A] : memref<2x10240x16xf32, #tpu.memory_space<hbm>> -> memref<1x128x16xf32, #tpu.memory_space<hbm>>
      %dma_start3A_74 = tpu.memref_squeeze %dma_start3A_73 : memref<1x128x16xf32, #tpu.memory_space<hbm>> -> memref<128x16xf32, #tpu.memory_space<hbm>>
      %dma_start3A_75 = arith.constant 0 : i32
      %dma_start3A_76 = tpu.memref_slice %arg5[%arg0, %add3A_40, %dma_start3A_75] : memref<2x10240x16xf32, #tpu.memory_space<hbm>> -> memref<1x128x16xf32, #tpu.memory_space<hbm>>
      %dma_start3A_77 = tpu.memref_squeeze %dma_start3A_76 : memref<1x128x16xf32, #tpu.memory_space<hbm>> -> memref<128x16xf32, #tpu.memory_space<hbm>>
      tpu.enqueue_dma source(%arg8 : memref<128x16xf32, #tpu.memory_space<vmem>>) target(%dma_start3A_77 : memref<128x16xf32, #tpu.memory_space<hbm>>) target_semaphore(%run_scoped3A : memref<!tpu.dma_semaphore, #tpu.memory_space<semaphore_mem>>)
      %dma_wait3A_78 = arith.constant 0 : i32
      %dma_wait3A_79 = tpu.memref_slice %arg5[%arg0, %add3A_40, %dma_wait3A_78] : memref<2x10240x16xf32, #tpu.memory_space<hbm>> -> memref<1x128x16xf32, #tpu.memory_space<hbm>>
      %dma_wait3A_80 = tpu.memref_squeeze %dma_wait3A_79 : memref<1x128x16xf32, #tpu.memory_space<hbm>> -> memref<128x16xf32, #tpu.memory_space<hbm>>
      %dma_wait3A_81 = arith.constant 0 : i32
      %dma_wait3A_82 = tpu.memref_slice %arg5[%arg0, %add3A_40, %dma_wait3A_81] : memref<2x10240x16xf32, #tpu.memory_space<hbm>> -> memref<1x128x16xf32, #tpu.memory_space<hbm>>
      %dma_wait3A_83 = tpu.memref_squeeze %dma_wait3A_82 : memref<1x128x16xf32, #tpu.memory_space<hbm>> -> memref<128x16xf32, #tpu.memory_space<hbm>>
      tpu.wait_dma2 semaphore(%run_scoped3A : memref<!tpu.dma_semaphore, #tpu.memory_space<semaphore_mem>>) src(%arg8 : memref<128x16xf32, #tpu.memory_space<vmem>>) dst(%dma_wait3A_83 : memref<128x16xf32, #tpu.memory_space<hbm>>)
      tpu.yield
    }) : () -> ()
    %mul3A_41 = arith.constant 640 : i32
    %mul3A_42 = arith.muli %arg1, %mul3A_41 : i32
    %add3A_43 = arith.constant 128 : i32
    %add3A_44 = arith.addi %mul3A_42, %add3A_43 : i32
    "tpu.region"() ({
      %run_scoped3A = tpu.sem_alloc : memref<!tpu.dma_semaphore, #tpu.memory_space<semaphore_mem>>
      %dma_start3A = arith.constant 0 : i32
      %dma_start3A_73 = tpu.memref_slice %arg9[%add3A_44, %dma_start3A] : memref<10240x16xf32, #tpu.memory_space<vmem_shared>> -> memref<128x16xf32, #tpu.memory_space<vmem_shared>>
      %dma_start3A_74 = arith.constant 0 : i32
      %dma_start3A_75 = tpu.memref_slice %arg9[%add3A_44, %dma_start3A_74] : memref<10240x16xf32, #tpu.memory_space<vmem_shared>> -> memref<128x16xf32, #tpu.memory_space<vmem_shared>>
      tpu.enqueue_dma source(%dma_start3A_75 : memref<128x16xf32, #tpu.memory_space<vmem_shared>>) target(%arg8 : memref<128x16xf32, #tpu.memory_space<vmem>>) target_semaphore(%run_scoped3A : memref<!tpu.dma_semaphore, #tpu.memory_space<semaphore_mem>>)
      %dma_wait3A_76 = arith.constant 0 : i32
      %dma_wait3A_77 = tpu.memref_slice %arg9[%add3A_44, %dma_wait3A_76] : memref<10240x16xf32, #tpu.memory_space<vmem_shared>> -> memref<128x16xf32, #tpu.memory_space<vmem_shared>>
      %dma_wait3A_78 = arith.constant 0 : i32
      %dma_wait3A_79 = tpu.memref_slice %arg9[%add3A_44, %dma_wait3A_78] : memref<10240x16xf32, #tpu.memory_space<vmem_shared>> -> memref<128x16xf32, #tpu.memory_space<vmem_shared>>
      tpu.wait_dma2 semaphore(%run_scoped3A : memref<!tpu.dma_semaphore, #tpu.memory_space<semaphore_mem>>) src(%dma_wait3A_79 : memref<128x16xf32, #tpu.memory_space<vmem_shared>>) dst(%arg8 : memref<128x16xf32, #tpu.memory_space<vmem>>)
      tpu.yield
    }) : () -> ()
    %mul3A_45 = arith.constant 640 : i32
    %mul3A_46 = arith.muli %arg1, %mul3A_45 : i32
    %add3A_47 = arith.constant 128 : i32
    %add3A_48 = arith.addi %mul3A_46, %add3A_47 : i32
    "tpu.region"() ({
      %run_scoped3A = tpu.sem_alloc : memref<!tpu.dma_semaphore, #tpu.memory_space<semaphore_mem>>
      %dma_start3A = arith.constant 0 : i32
      %dma_start3A_73 = tpu.memref_slice %arg5[%arg0, %add3A_48, %dma_start3A] : memref<2x10240x16xf32, #tpu.memory_space<hbm>> -> memref<1x128x16xf32, #tpu.memory_space<hbm>>
      %dma_start3A_74 = tpu.memref_squeeze %dma_start3A_73 : memref<1x128x16xf32, #tpu.memory_space<hbm>> -> memref<128x16xf32, #tpu.memory_space<hbm>>
      %dma_start3A_75 = arith.constant 0 : i32
      %dma_start3A_76 = tpu.memref_slice %arg5[%arg0, %add3A_48, %dma_start3A_75] : memref<2x10240x16xf32, #tpu.memory_space<hbm>> -> memref<1x128x16xf32, #tpu.memory_space<hbm>>
      %dma_start3A_77 = tpu.memref_squeeze %dma_start3A_76 : memref<1x128x16xf32, #tpu.memory_space<hbm>> -> memref<128x16xf32, #tpu.memory_space<hbm>>
      tpu.enqueue_dma source(%arg8 : memref<128x16xf32, #tpu.memory_space<vmem>>) target(%dma_start3A_77 : memref<128x16xf32, #tpu.memory_space<hbm>>) target_semaphore(%run_scoped3A : memref<!tpu.dma_semaphore, #tpu.memory_space<semaphore_mem>>)
      %dma_wait3A_78 = arith.constant 0 : i32
      %dma_wait3A_79 = tpu.memref_slice %arg5[%arg0, %add3A_48, %dma_wait3A_78] : memref<2x10240x16xf32, #tpu.memory_space<hbm>> -> memref<1x128x16xf32, #tpu.memory_space<hbm>>
      %dma_wait3A_80 = tpu.memref_squeeze %dma_wait3A_79 : memref<1x128x16xf32, #tpu.memory_space<hbm>> -> memref<128x16xf32, #tpu.memory_space<hbm>>
      %dma_wait3A_81 = arith.constant 0 : i32
      %dma_wait3A_82 = tpu.memref_slice %arg5[%arg0, %add3A_48, %dma_wait3A_81] : memref<2x10240x16xf32, #tpu.memory_space<hbm>> -> memref<1x128x16xf32, #tpu.memory_space<hbm>>
      %dma_wait3A_83 = tpu.memref_squeeze %dma_wait3A_82 : memref<1x128x16xf32, #tpu.memory_space<hbm>> -> memref<128x16xf32, #tpu.memory_space<hbm>>
      tpu.wait_dma2 semaphore(%run_scoped3A : memref<!tpu.dma_semaphore, #tpu.memory_space<semaphore_mem>>) src(%arg8 : memref<128x16xf32, #tpu.memory_space<vmem>>) dst(%dma_wait3A_83 : memref<128x16xf32, #tpu.memory_space<hbm>>)
      tpu.yield
    }) : () -> ()
    %mul3A_49 = arith.constant 640 : i32
    %mul3A_50 = arith.muli %arg1, %mul3A_49 : i32
    %add3A_51 = arith.constant 256 : i32
    %add3A_52 = arith.addi %mul3A_50, %add3A_51 : i32
    "tpu.region"() ({
      %run_scoped3A = tpu.sem_alloc : memref<!tpu.dma_semaphore, #tpu.memory_space<semaphore_mem>>
      %dma_start3A = arith.constant 0 : i32
      %dma_start3A_73 = tpu.memref_slice %arg9[%add3A_52, %dma_start3A] : memref<10240x16xf32, #tpu.memory_space<vmem_shared>> -> memref<128x16xf32, #tpu.memory_space<vmem_shared>>
      %dma_start3A_74 = arith.constant 0 : i32
      %dma_start3A_75 = tpu.memref_slice %arg9[%add3A_52, %dma_start3A_74] : memref<10240x16xf32, #tpu.memory_space<vmem_shared>> -> memref<128x16xf32, #tpu.memory_space<vmem_shared>>
      tpu.enqueue_dma source(%dma_start3A_75 : memref<128x16xf32, #tpu.memory_space<vmem_shared>>) target(%arg8 : memref<128x16xf32, #tpu.memory_space<vmem>>) target_semaphore(%run_scoped3A : memref<!tpu.dma_semaphore, #tpu.memory_space<semaphore_mem>>)
      %dma_wait3A_76 = arith.constant 0 : i32
      %dma_wait3A_77 = tpu.memref_slice %arg9[%add3A_52, %dma_wait3A_76] : memref<10240x16xf32, #tpu.memory_space<vmem_shared>> -> memref<128x16xf32, #tpu.memory_space<vmem_shared>>
      %dma_wait3A_78 = arith.constant 0 : i32
      %dma_wait3A_79 = tpu.memref_slice %arg9[%add3A_52, %dma_wait3A_78] : memref<10240x16xf32, #tpu.memory_space<vmem_shared>> -> memref<128x16xf32, #tpu.memory_space<vmem_shared>>
      tpu.wait_dma2 semaphore(%run_scoped3A : memref<!tpu.dma_semaphore, #tpu.memory_space<semaphore_mem>>) src(%dma_wait3A_79 : memref<128x16xf32, #tpu.memory_space<vmem_shared>>) dst(%arg8 : memref<128x16xf32, #tpu.memory_space<vmem>>)
      tpu.yield
    }) : () -> ()
    %mul3A_53 = arith.constant 640 : i32
    %mul3A_54 = arith.muli %arg1, %mul3A_53 : i32
    %add3A_55 = arith.constant 256 : i32
    %add3A_56 = arith.addi %mul3A_54, %add3A_55 : i32
    "tpu.region"() ({
      %run_scoped3A = tpu.sem_alloc : memref<!tpu.dma_semaphore, #tpu.memory_space<semaphore_mem>>
      %dma_start3A = arith.constant 0 : i32
      %dma_start3A_73 = tpu.memref_slice %arg5[%arg0, %add3A_56, %dma_start3A] : memref<2x10240x16xf32, #tpu.memory_space<hbm>> -> memref<1x128x16xf32, #tpu.memory_space<hbm>>
      %dma_start3A_74 = tpu.memref_squeeze %dma_start3A_73 : memref<1x128x16xf32, #tpu.memory_space<hbm>> -> memref<128x16xf32, #tpu.memory_space<hbm>>
      %dma_start3A_75 = arith.constant 0 : i32
      %dma_start3A_76 = tpu.memref_slice %arg5[%arg0, %add3A_56, %dma_start3A_75] : memref<2x10240x16xf32, #tpu.memory_space<hbm>> -> memref<1x128x16xf32, #tpu.memory_space<hbm>>
      %dma_start3A_77 = tpu.memref_squeeze %dma_start3A_76 : memref<1x128x16xf32, #tpu.memory_space<hbm>> -> memref<128x16xf32, #tpu.memory_space<hbm>>
      tpu.enqueue_dma source(%arg8 : memref<128x16xf32, #tpu.memory_space<vmem>>) target(%dma_start3A_77 : memref<128x16xf32, #tpu.memory_space<hbm>>) target_semaphore(%run_scoped3A : memref<!tpu.dma_semaphore, #tpu.memory_space<semaphore_mem>>)
      %dma_wait3A_78 = arith.constant 0 : i32
      %dma_wait3A_79 = tpu.memref_slice %arg5[%arg0, %add3A_56, %dma_wait3A_78] : memref<2x10240x16xf32, #tpu.memory_space<hbm>> -> memref<1x128x16xf32, #tpu.memory_space<hbm>>
      %dma_wait3A_80 = tpu.memref_squeeze %dma_wait3A_79 : memref<1x128x16xf32, #tpu.memory_space<hbm>> -> memref<128x16xf32, #tpu.memory_space<hbm>>
      %dma_wait3A_81 = arith.constant 0 : i32
      %dma_wait3A_82 = tpu.memref_slice %arg5[%arg0, %add3A_56, %dma_wait3A_81] : memref<2x10240x16xf32, #tpu.memory_space<hbm>> -> memref<1x128x16xf32, #tpu.memory_space<hbm>>
      %dma_wait3A_83 = tpu.memref_squeeze %dma_wait3A_82 : memref<1x128x16xf32, #tpu.memory_space<hbm>> -> memref<128x16xf32, #tpu.memory_space<hbm>>
      tpu.wait_dma2 semaphore(%run_scoped3A : memref<!tpu.dma_semaphore, #tpu.memory_space<semaphore_mem>>) src(%arg8 : memref<128x16xf32, #tpu.memory_space<vmem>>) dst(%dma_wait3A_83 : memref<128x16xf32, #tpu.memory_space<hbm>>)
      tpu.yield
    }) : () -> ()
    %mul3A_57 = arith.constant 640 : i32
    %mul3A_58 = arith.muli %arg1, %mul3A_57 : i32
    %add3A_59 = arith.constant 384 : i32
    %add3A_60 = arith.addi %mul3A_58, %add3A_59 : i32
    "tpu.region"() ({
      %run_scoped3A = tpu.sem_alloc : memref<!tpu.dma_semaphore, #tpu.memory_space<semaphore_mem>>
      %dma_start3A = arith.constant 0 : i32
      %dma_start3A_73 = tpu.memref_slice %arg9[%add3A_60, %dma_start3A] : memref<10240x16xf32, #tpu.memory_space<vmem_shared>> -> memref<128x16xf32, #tpu.memory_space<vmem_shared>>
      %dma_start3A_74 = arith.constant 0 : i32
      %dma_start3A_75 = tpu.memref_slice %arg9[%add3A_60, %dma_start3A_74] : memref<10240x16xf32, #tpu.memory_space<vmem_shared>> -> memref<128x16xf32, #tpu.memory_space<vmem_shared>>
      tpu.enqueue_dma source(%dma_start3A_75 : memref<128x16xf32, #tpu.memory_space<vmem_shared>>) target(%arg8 : memref<128x16xf32, #tpu.memory_space<vmem>>) target_semaphore(%run_scoped3A : memref<!tpu.dma_semaphore, #tpu.memory_space<semaphore_mem>>)
      %dma_wait3A_76 = arith.constant 0 : i32
      %dma_wait3A_77 = tpu.memref_slice %arg9[%add3A_60, %dma_wait3A_76] : memref<10240x16xf32, #tpu.memory_space<vmem_shared>> -> memref<128x16xf32, #tpu.memory_space<vmem_shared>>
      %dma_wait3A_78 = arith.constant 0 : i32
      %dma_wait3A_79 = tpu.memref_slice %arg9[%add3A_60, %dma_wait3A_78] : memref<10240x16xf32, #tpu.memory_space<vmem_shared>> -> memref<128x16xf32, #tpu.memory_space<vmem_shared>>
      tpu.wait_dma2 semaphore(%run_scoped3A : memref<!tpu.dma_semaphore, #tpu.memory_space<semaphore_mem>>) src(%dma_wait3A_79 : memref<128x16xf32, #tpu.memory_space<vmem_shared>>) dst(%arg8 : memref<128x16xf32, #tpu.memory_space<vmem>>)
      tpu.yield
    }) : () -> ()
    %mul3A_61 = arith.constant 640 : i32
    %mul3A_62 = arith.muli %arg1, %mul3A_61 : i32
    %add3A_63 = arith.constant 384 : i32
    %add3A_64 = arith.addi %mul3A_62, %add3A_63 : i32
    "tpu.region"() ({
      %run_scoped3A = tpu.sem_alloc : memref<!tpu.dma_semaphore, #tpu.memory_space<semaphore_mem>>
      %dma_start3A = arith.constant 0 : i32
      %dma_start3A_73 = tpu.memref_slice %arg5[%arg0, %add3A_64, %dma_start3A] : memref<2x10240x16xf32, #tpu.memory_space<hbm>> -> memref<1x128x16xf32, #tpu.memory_space<hbm>>
      %dma_start3A_74 = tpu.memref_squeeze %dma_start3A_73 : memref<1x128x16xf32, #tpu.memory_space<hbm>> -> memref<128x16xf32, #tpu.memory_space<hbm>>
      %dma_start3A_75 = arith.constant 0 : i32
      %dma_start3A_76 = tpu.memref_slice %arg5[%arg0, %add3A_64, %dma_start3A_75] : memref<2x10240x16xf32, #tpu.memory_space<hbm>> -> memref<1x128x16xf32, #tpu.memory_space<hbm>>
      %dma_start3A_77 = tpu.memref_squeeze %dma_start3A_76 : memref<1x128x16xf32, #tpu.memory_space<hbm>> -> memref<128x16xf32, #tpu.memory_space<hbm>>
      tpu.enqueue_dma source(%arg8 : memref<128x16xf32, #tpu.memory_space<vmem>>) target(%dma_start3A_77 : memref<128x16xf32, #tpu.memory_space<hbm>>) target_semaphore(%run_scoped3A : memref<!tpu.dma_semaphore, #tpu.memory_space<semaphore_mem>>)
      %dma_wait3A_78 = arith.constant 0 : i32
      %dma_wait3A_79 = tpu.memref_slice %arg5[%arg0, %add3A_64, %dma_wait3A_78] : memref<2x10240x16xf32, #tpu.memory_space<hbm>> -> memref<1x128x16xf32, #tpu.memory_space<hbm>>
      %dma_wait3A_80 = tpu.memref_squeeze %dma_wait3A_79 : memref<1x128x16xf32, #tpu.memory_space<hbm>> -> memref<128x16xf32, #tpu.memory_space<hbm>>
      %dma_wait3A_81 = arith.constant 0 : i32
      %dma_wait3A_82 = tpu.memref_slice %arg5[%arg0, %add3A_64, %dma_wait3A_81] : memref<2x10240x16xf32, #tpu.memory_space<hbm>> -> memref<1x128x16xf32, #tpu.memory_space<hbm>>
      %dma_wait3A_83 = tpu.memref_squeeze %dma_wait3A_82 : memref<1x128x16xf32, #tpu.memory_space<hbm>> -> memref<128x16xf32, #tpu.memory_space<hbm>>
      tpu.wait_dma2 semaphore(%run_scoped3A : memref<!tpu.dma_semaphore, #tpu.memory_space<semaphore_mem>>) src(%arg8 : memref<128x16xf32, #tpu.memory_space<vmem>>) dst(%dma_wait3A_83 : memref<128x16xf32, #tpu.memory_space<hbm>>)
      tpu.yield
    }) : () -> ()
    %mul3A_65 = arith.constant 640 : i32
    %mul3A_66 = arith.muli %arg1, %mul3A_65 : i32
    %add3A_67 = arith.constant 512 : i32
    %add3A_68 = arith.addi %mul3A_66, %add3A_67 : i32
    "tpu.region"() ({
      %run_scoped3A = tpu.sem_alloc : memref<!tpu.dma_semaphore, #tpu.memory_space<semaphore_mem>>
      %dma_start3A = arith.constant 0 : i32
      %dma_start3A_73 = tpu.memref_slice %arg9[%add3A_68, %dma_start3A] : memref<10240x16xf32, #tpu.memory_space<vmem_shared>> -> memref<128x16xf32, #tpu.memory_space<vmem_shared>>
      %dma_start3A_74 = arith.constant 0 : i32
      %dma_start3A_75 = tpu.memref_slice %arg9[%add3A_68, %dma_start3A_74] : memref<10240x16xf32, #tpu.memory_space<vmem_shared>> -> memref<128x16xf32, #tpu.memory_space<vmem_shared>>
      tpu.enqueue_dma source(%dma_start3A_75 : memref<128x16xf32, #tpu.memory_space<vmem_shared>>) target(%arg8 : memref<128x16xf32, #tpu.memory_space<vmem>>) target_semaphore(%run_scoped3A : memref<!tpu.dma_semaphore, #tpu.memory_space<semaphore_mem>>)
      %dma_wait3A_76 = arith.constant 0 : i32
      %dma_wait3A_77 = tpu.memref_slice %arg9[%add3A_68, %dma_wait3A_76] : memref<10240x16xf32, #tpu.memory_space<vmem_shared>> -> memref<128x16xf32, #tpu.memory_space<vmem_shared>>
      %dma_wait3A_78 = arith.constant 0 : i32
      %dma_wait3A_79 = tpu.memref_slice %arg9[%add3A_68, %dma_wait3A_78] : memref<10240x16xf32, #tpu.memory_space<vmem_shared>> -> memref<128x16xf32, #tpu.memory_space<vmem_shared>>
      tpu.wait_dma2 semaphore(%run_scoped3A : memref<!tpu.dma_semaphore, #tpu.memory_space<semaphore_mem>>) src(%dma_wait3A_79 : memref<128x16xf32, #tpu.memory_space<vmem_shared>>) dst(%arg8 : memref<128x16xf32, #tpu.memory_space<vmem>>)
      tpu.yield
    }) : () -> ()
    %mul3A_69 = arith.constant 640 : i32
    %mul3A_70 = arith.muli %arg1, %mul3A_69 : i32
    %add3A_71 = arith.constant 512 : i32
    %add3A_72 = arith.addi %mul3A_70, %add3A_71 : i32
    "tpu.region"() ({
      %run_scoped3A = tpu.sem_alloc : memref<!tpu.dma_semaphore, #tpu.memory_space<semaphore_mem>>
      %dma_start3A = arith.constant 0 : i32
      %dma_start3A_73 = tpu.memref_slice %arg5[%arg0, %add3A_72, %dma_start3A] : memref<2x10240x16xf32, #tpu.memory_space<hbm>> -> memref<1x128x16xf32, #tpu.memory_space<hbm>>
      %dma_start3A_74 = tpu.memref_squeeze %dma_start3A_73 : memref<1x128x16xf32, #tpu.memory_space<hbm>> -> memref<128x16xf32, #tpu.memory_space<hbm>>
      %dma_start3A_75 = arith.constant 0 : i32
      %dma_start3A_76 = tpu.memref_slice %arg5[%arg0, %add3A_72, %dma_start3A_75] : memref<2x10240x16xf32, #tpu.memory_space<hbm>> -> memref<1x128x16xf32, #tpu.memory_space<hbm>>
      %dma_start3A_77 = tpu.memref_squeeze %dma_start3A_76 : memref<1x128x16xf32, #tpu.memory_space<hbm>> -> memref<128x16xf32, #tpu.memory_space<hbm>>
      tpu.enqueue_dma source(%arg8 : memref<128x16xf32, #tpu.memory_space<vmem>>) target(%dma_start3A_77 : memref<128x16xf32, #tpu.memory_space<hbm>>) target_semaphore(%run_scoped3A : memref<!tpu.dma_semaphore, #tpu.memory_space<semaphore_mem>>)
      %dma_wait3A_78 = arith.constant 0 : i32
      %dma_wait3A_79 = tpu.memref_slice %arg5[%arg0, %add3A_72, %dma_wait3A_78] : memref<2x10240x16xf32, #tpu.memory_space<hbm>> -> memref<1x128x16xf32, #tpu.memory_space<hbm>>
      %dma_wait3A_80 = tpu.memref_squeeze %dma_wait3A_79 : memref<1x128x16xf32, #tpu.memory_space<hbm>> -> memref<128x16xf32, #tpu.memory_space<hbm>>
      %dma_wait3A_81 = arith.constant 0 : i32
      %dma_wait3A_82 = tpu.memref_slice %arg5[%arg0, %add3A_72, %dma_wait3A_81] : memref<2x10240x16xf32, #tpu.memory_space<hbm>> -> memref<1x128x16xf32, #tpu.memory_space<hbm>>
      %dma_wait3A_83 = tpu.memref_squeeze %dma_wait3A_82 : memref<1x128x16xf32, #tpu.memory_space<hbm>> -> memref<128x16xf32, #tpu.memory_space<hbm>>
      tpu.wait_dma2 semaphore(%run_scoped3A : memref<!tpu.dma_semaphore, #tpu.memory_space<semaphore_mem>>) src(%arg8 : memref<128x16xf32, #tpu.memory_space<vmem>>) dst(%dma_wait3A_83 : memref<128x16xf32, #tpu.memory_space<hbm>>)
      tpu.yield
    }) : () -> ()
    return
  }
}

#map = affine_map<(d0, d1) -> (0, 0)>
#map1 = affine_map<(d0, d1) -> (0)>
#map2 = affine_map<(d0, d1) -> (0, 0, 0)>
module attributes {stable_mosaic.version = 14 : i64} {
  func.func @_agg_body(%arg0: i32, %arg1: i32, %arg2: memref<10000x128xf32, #tpu.memory_space<hbm>>, %arg3: memref<320000xi32, #tpu.memory_space<hbm>>, %arg4: memref<32x125x80xi32, #tpu.memory_space<hbm>>, %arg5: memref<80x128xf32, #tpu.memory_space<hbm>>, %arg6: memref<2x10000x128xf32, #tpu.memory_space<hbm>>, %arg7: memref<10000xi32, #tpu.memory_space<vmem>>, %arg8: memref<125x80xi32, #tpu.memory_space<vmem>>, %arg9: memref<80x128xf32, #tpu.memory_space<vmem>>, %arg10: memref<80x128xf32, #tpu.memory_space<vmem>>, %arg11: memref<80x128xf32, #tpu.memory_space<vmem>>, %arg12: memref<!tpu.dma_semaphore, #tpu.memory_space<semaphore_mem>>, %arg13: memref<!tpu.dma_semaphore, #tpu.memory_space<semaphore_mem>>, %arg14: memref<!tpu.dma_semaphore, #tpu.memory_space<semaphore_mem>>, %arg15: memref<!tpu.dma_semaphore, #tpu.memory_space<semaphore_mem>>, %arg16: memref<!tpu.dma_semaphore, #tpu.memory_space<semaphore_mem>>, %arg17: memref<!tpu.dma_semaphore, #tpu.memory_space<semaphore_mem>>, %arg18: memref<10000x128xf32, #tpu.memory_space<vmem_shared>>) attributes {dimension_semantics = [#tpu.dimension_semantics<core_parallel>, #tpu.dimension_semantics<subcore_parallel>], iteration_bounds = array<i64: 2, 16>, scalar_prefetch = 0 : i64, scratch_operands = 12 : i64, tpu.core_type = #tpu.core_type<sc_vector_subcore>, window_params = [{transform_indices = #map}, {transform_indices = #map1}, {transform_indices = #map2}, {transform_indices = #map}, {transform_indices = #map2}]} {
    %mul3A = arith.constant 16 : i32
    %mul3A_0 = arith.muli %arg0, %mul3A : i32
    %add3A = arith.addi %mul3A_0, %arg1 : i32
    %mul3A_1 = arith.constant 625 : i32
    %mul3A_2 = arith.muli %arg1, %mul3A_1 : i32
    "tpu.region"() ({
      %run_scoped3A = tpu.sem_alloc : memref<!tpu.dma_semaphore, #tpu.memory_space<semaphore_mem>>
      tpu.enqueue_dma source(%arg5 : memref<80x128xf32, #tpu.memory_space<hbm>>) target(%arg9 : memref<80x128xf32, #tpu.memory_space<vmem>>) target_semaphore(%run_scoped3A : memref<!tpu.dma_semaphore, #tpu.memory_space<semaphore_mem>>)
      tpu.wait_dma2 semaphore(%run_scoped3A : memref<!tpu.dma_semaphore, #tpu.memory_space<semaphore_mem>>) src(%arg5 : memref<80x128xf32, #tpu.memory_space<hbm>>) dst(%arg9 : memref<80x128xf32, #tpu.memory_space<vmem>>)
      tpu.yield
    }) : () -> ()
    %add3A_3 = arith.constant 0 : i32
    %add3A_4 = arith.addi %mul3A_2, %add3A_3 : i32
    "tpu.region"() ({
      %run_scoped3A = tpu.sem_alloc : memref<!tpu.dma_semaphore, #tpu.memory_space<semaphore_mem>>
      %dma_start3A = arith.constant 0 : i32
      %dma_start3A_59 = tpu.memref_slice %arg18[%add3A_4, %dma_start3A] : memref<10000x128xf32, #tpu.memory_space<vmem_shared>> -> memref<80x128xf32, #tpu.memory_space<vmem_shared>>
      %dma_start3A_60 = arith.constant 0 : i32
      %dma_start3A_61 = tpu.memref_slice %arg18[%add3A_4, %dma_start3A_60] : memref<10000x128xf32, #tpu.memory_space<vmem_shared>> -> memref<80x128xf32, #tpu.memory_space<vmem_shared>>
      tpu.enqueue_dma source(%arg9 : memref<80x128xf32, #tpu.memory_space<vmem>>) target(%dma_start3A_61 : memref<80x128xf32, #tpu.memory_space<vmem_shared>>) target_semaphore(%run_scoped3A : memref<!tpu.dma_semaphore, #tpu.memory_space<semaphore_mem>>)
      %dma_wait3A = arith.constant 0 : i32
      %dma_wait3A_62 = tpu.memref_slice %arg18[%add3A_4, %dma_wait3A] : memref<10000x128xf32, #tpu.memory_space<vmem_shared>> -> memref<80x128xf32, #tpu.memory_space<vmem_shared>>
      %dma_wait3A_63 = arith.constant 0 : i32
      %dma_wait3A_64 = tpu.memref_slice %arg18[%add3A_4, %dma_wait3A_63] : memref<10000x128xf32, #tpu.memory_space<vmem_shared>> -> memref<80x128xf32, #tpu.memory_space<vmem_shared>>
      tpu.wait_dma2 semaphore(%run_scoped3A : memref<!tpu.dma_semaphore, #tpu.memory_space<semaphore_mem>>) src(%arg9 : memref<80x128xf32, #tpu.memory_space<vmem>>) dst(%dma_wait3A_64 : memref<80x128xf32, #tpu.memory_space<vmem_shared>>)
      tpu.yield
    }) : () -> ()
    %add3A_5 = arith.constant 80 : i32
    %add3A_6 = arith.addi %mul3A_2, %add3A_5 : i32
    "tpu.region"() ({
      %run_scoped3A = tpu.sem_alloc : memref<!tpu.dma_semaphore, #tpu.memory_space<semaphore_mem>>
      %dma_start3A = arith.constant 0 : i32
      %dma_start3A_59 = tpu.memref_slice %arg18[%add3A_6, %dma_start3A] : memref<10000x128xf32, #tpu.memory_space<vmem_shared>> -> memref<80x128xf32, #tpu.memory_space<vmem_shared>>
      %dma_start3A_60 = arith.constant 0 : i32
      %dma_start3A_61 = tpu.memref_slice %arg18[%add3A_6, %dma_start3A_60] : memref<10000x128xf32, #tpu.memory_space<vmem_shared>> -> memref<80x128xf32, #tpu.memory_space<vmem_shared>>
      tpu.enqueue_dma source(%arg9 : memref<80x128xf32, #tpu.memory_space<vmem>>) target(%dma_start3A_61 : memref<80x128xf32, #tpu.memory_space<vmem_shared>>) target_semaphore(%run_scoped3A : memref<!tpu.dma_semaphore, #tpu.memory_space<semaphore_mem>>)
      %dma_wait3A = arith.constant 0 : i32
      %dma_wait3A_62 = tpu.memref_slice %arg18[%add3A_6, %dma_wait3A] : memref<10000x128xf32, #tpu.memory_space<vmem_shared>> -> memref<80x128xf32, #tpu.memory_space<vmem_shared>>
      %dma_wait3A_63 = arith.constant 0 : i32
      %dma_wait3A_64 = tpu.memref_slice %arg18[%add3A_6, %dma_wait3A_63] : memref<10000x128xf32, #tpu.memory_space<vmem_shared>> -> memref<80x128xf32, #tpu.memory_space<vmem_shared>>
      tpu.wait_dma2 semaphore(%run_scoped3A : memref<!tpu.dma_semaphore, #tpu.memory_space<semaphore_mem>>) src(%arg9 : memref<80x128xf32, #tpu.memory_space<vmem>>) dst(%dma_wait3A_64 : memref<80x128xf32, #tpu.memory_space<vmem_shared>>)
      tpu.yield
    }) : () -> ()
    %add3A_7 = arith.constant 160 : i32
    %add3A_8 = arith.addi %mul3A_2, %add3A_7 : i32
    "tpu.region"() ({
      %run_scoped3A = tpu.sem_alloc : memref<!tpu.dma_semaphore, #tpu.memory_space<semaphore_mem>>
      %dma_start3A = arith.constant 0 : i32
      %dma_start3A_59 = tpu.memref_slice %arg18[%add3A_8, %dma_start3A] : memref<10000x128xf32, #tpu.memory_space<vmem_shared>> -> memref<80x128xf32, #tpu.memory_space<vmem_shared>>
      %dma_start3A_60 = arith.constant 0 : i32
      %dma_start3A_61 = tpu.memref_slice %arg18[%add3A_8, %dma_start3A_60] : memref<10000x128xf32, #tpu.memory_space<vmem_shared>> -> memref<80x128xf32, #tpu.memory_space<vmem_shared>>
      tpu.enqueue_dma source(%arg9 : memref<80x128xf32, #tpu.memory_space<vmem>>) target(%dma_start3A_61 : memref<80x128xf32, #tpu.memory_space<vmem_shared>>) target_semaphore(%run_scoped3A : memref<!tpu.dma_semaphore, #tpu.memory_space<semaphore_mem>>)
      %dma_wait3A = arith.constant 0 : i32
      %dma_wait3A_62 = tpu.memref_slice %arg18[%add3A_8, %dma_wait3A] : memref<10000x128xf32, #tpu.memory_space<vmem_shared>> -> memref<80x128xf32, #tpu.memory_space<vmem_shared>>
      %dma_wait3A_63 = arith.constant 0 : i32
      %dma_wait3A_64 = tpu.memref_slice %arg18[%add3A_8, %dma_wait3A_63] : memref<10000x128xf32, #tpu.memory_space<vmem_shared>> -> memref<80x128xf32, #tpu.memory_space<vmem_shared>>
      tpu.wait_dma2 semaphore(%run_scoped3A : memref<!tpu.dma_semaphore, #tpu.memory_space<semaphore_mem>>) src(%arg9 : memref<80x128xf32, #tpu.memory_space<vmem>>) dst(%dma_wait3A_64 : memref<80x128xf32, #tpu.memory_space<vmem_shared>>)
      tpu.yield
    }) : () -> ()
    %add3A_9 = arith.constant 240 : i32
    %add3A_10 = arith.addi %mul3A_2, %add3A_9 : i32
    "tpu.region"() ({
      %run_scoped3A = tpu.sem_alloc : memref<!tpu.dma_semaphore, #tpu.memory_space<semaphore_mem>>
      %dma_start3A = arith.constant 0 : i32
      %dma_start3A_59 = tpu.memref_slice %arg18[%add3A_10, %dma_start3A] : memref<10000x128xf32, #tpu.memory_space<vmem_shared>> -> memref<80x128xf32, #tpu.memory_space<vmem_shared>>
      %dma_start3A_60 = arith.constant 0 : i32
      %dma_start3A_61 = tpu.memref_slice %arg18[%add3A_10, %dma_start3A_60] : memref<10000x128xf32, #tpu.memory_space<vmem_shared>> -> memref<80x128xf32, #tpu.memory_space<vmem_shared>>
      tpu.enqueue_dma source(%arg9 : memref<80x128xf32, #tpu.memory_space<vmem>>) target(%dma_start3A_61 : memref<80x128xf32, #tpu.memory_space<vmem_shared>>) target_semaphore(%run_scoped3A : memref<!tpu.dma_semaphore, #tpu.memory_space<semaphore_mem>>)
      %dma_wait3A = arith.constant 0 : i32
      %dma_wait3A_62 = tpu.memref_slice %arg18[%add3A_10, %dma_wait3A] : memref<10000x128xf32, #tpu.memory_space<vmem_shared>> -> memref<80x128xf32, #tpu.memory_space<vmem_shared>>
      %dma_wait3A_63 = arith.constant 0 : i32
      %dma_wait3A_64 = tpu.memref_slice %arg18[%add3A_10, %dma_wait3A_63] : memref<10000x128xf32, #tpu.memory_space<vmem_shared>> -> memref<80x128xf32, #tpu.memory_space<vmem_shared>>
      tpu.wait_dma2 semaphore(%run_scoped3A : memref<!tpu.dma_semaphore, #tpu.memory_space<semaphore_mem>>) src(%arg9 : memref<80x128xf32, #tpu.memory_space<vmem>>) dst(%dma_wait3A_64 : memref<80x128xf32, #tpu.memory_space<vmem_shared>>)
      tpu.yield
    }) : () -> ()
    %add3A_11 = arith.constant 320 : i32
    %add3A_12 = arith.addi %mul3A_2, %add3A_11 : i32
    "tpu.region"() ({
      %run_scoped3A = tpu.sem_alloc : memref<!tpu.dma_semaphore, #tpu.memory_space<semaphore_mem>>
      %dma_start3A = arith.constant 0 : i32
      %dma_start3A_59 = tpu.memref_slice %arg18[%add3A_12, %dma_start3A] : memref<10000x128xf32, #tpu.memory_space<vmem_shared>> -> memref<80x128xf32, #tpu.memory_space<vmem_shared>>
      %dma_start3A_60 = arith.constant 0 : i32
      %dma_start3A_61 = tpu.memref_slice %arg18[%add3A_12, %dma_start3A_60] : memref<10000x128xf32, #tpu.memory_space<vmem_shared>> -> memref<80x128xf32, #tpu.memory_space<vmem_shared>>
      tpu.enqueue_dma source(%arg9 : memref<80x128xf32, #tpu.memory_space<vmem>>) target(%dma_start3A_61 : memref<80x128xf32, #tpu.memory_space<vmem_shared>>) target_semaphore(%run_scoped3A : memref<!tpu.dma_semaphore, #tpu.memory_space<semaphore_mem>>)
      %dma_wait3A = arith.constant 0 : i32
      %dma_wait3A_62 = tpu.memref_slice %arg18[%add3A_12, %dma_wait3A] : memref<10000x128xf32, #tpu.memory_space<vmem_shared>> -> memref<80x128xf32, #tpu.memory_space<vmem_shared>>
      %dma_wait3A_63 = arith.constant 0 : i32
      %dma_wait3A_64 = tpu.memref_slice %arg18[%add3A_12, %dma_wait3A_63] : memref<10000x128xf32, #tpu.memory_space<vmem_shared>> -> memref<80x128xf32, #tpu.memory_space<vmem_shared>>
      tpu.wait_dma2 semaphore(%run_scoped3A : memref<!tpu.dma_semaphore, #tpu.memory_space<semaphore_mem>>) src(%arg9 : memref<80x128xf32, #tpu.memory_space<vmem>>) dst(%dma_wait3A_64 : memref<80x128xf32, #tpu.memory_space<vmem_shared>>)
      tpu.yield
    }) : () -> ()
    %add3A_13 = arith.constant 400 : i32
    %add3A_14 = arith.addi %mul3A_2, %add3A_13 : i32
    "tpu.region"() ({
      %run_scoped3A = tpu.sem_alloc : memref<!tpu.dma_semaphore, #tpu.memory_space<semaphore_mem>>
      %dma_start3A = arith.constant 0 : i32
      %dma_start3A_59 = tpu.memref_slice %arg18[%add3A_14, %dma_start3A] : memref<10000x128xf32, #tpu.memory_space<vmem_shared>> -> memref<80x128xf32, #tpu.memory_space<vmem_shared>>
      %dma_start3A_60 = arith.constant 0 : i32
      %dma_start3A_61 = tpu.memref_slice %arg18[%add3A_14, %dma_start3A_60] : memref<10000x128xf32, #tpu.memory_space<vmem_shared>> -> memref<80x128xf32, #tpu.memory_space<vmem_shared>>
      tpu.enqueue_dma source(%arg9 : memref<80x128xf32, #tpu.memory_space<vmem>>) target(%dma_start3A_61 : memref<80x128xf32, #tpu.memory_space<vmem_shared>>) target_semaphore(%run_scoped3A : memref<!tpu.dma_semaphore, #tpu.memory_space<semaphore_mem>>)
      %dma_wait3A = arith.constant 0 : i32
      %dma_wait3A_62 = tpu.memref_slice %arg18[%add3A_14, %dma_wait3A] : memref<10000x128xf32, #tpu.memory_space<vmem_shared>> -> memref<80x128xf32, #tpu.memory_space<vmem_shared>>
      %dma_wait3A_63 = arith.constant 0 : i32
      %dma_wait3A_64 = tpu.memref_slice %arg18[%add3A_14, %dma_wait3A_63] : memref<10000x128xf32, #tpu.memory_space<vmem_shared>> -> memref<80x128xf32, #tpu.memory_space<vmem_shared>>
      tpu.wait_dma2 semaphore(%run_scoped3A : memref<!tpu.dma_semaphore, #tpu.memory_space<semaphore_mem>>) src(%arg9 : memref<80x128xf32, #tpu.memory_space<vmem>>) dst(%dma_wait3A_64 : memref<80x128xf32, #tpu.memory_space<vmem_shared>>)
      tpu.yield
    }) : () -> ()
    %add3A_15 = arith.constant 480 : i32
    %add3A_16 = arith.addi %mul3A_2, %add3A_15 : i32
    "tpu.region"() ({
      %run_scoped3A = tpu.sem_alloc : memref<!tpu.dma_semaphore, #tpu.memory_space<semaphore_mem>>
      %dma_start3A = arith.constant 0 : i32
      %dma_start3A_59 = tpu.memref_slice %arg18[%add3A_16, %dma_start3A] : memref<10000x128xf32, #tpu.memory_space<vmem_shared>> -> memref<80x128xf32, #tpu.memory_space<vmem_shared>>
      %dma_start3A_60 = arith.constant 0 : i32
      %dma_start3A_61 = tpu.memref_slice %arg18[%add3A_16, %dma_start3A_60] : memref<10000x128xf32, #tpu.memory_space<vmem_shared>> -> memref<80x128xf32, #tpu.memory_space<vmem_shared>>
      tpu.enqueue_dma source(%arg9 : memref<80x128xf32, #tpu.memory_space<vmem>>) target(%dma_start3A_61 : memref<80x128xf32, #tpu.memory_space<vmem_shared>>) target_semaphore(%run_scoped3A : memref<!tpu.dma_semaphore, #tpu.memory_space<semaphore_mem>>)
      %dma_wait3A = arith.constant 0 : i32
      %dma_wait3A_62 = tpu.memref_slice %arg18[%add3A_16, %dma_wait3A] : memref<10000x128xf32, #tpu.memory_space<vmem_shared>> -> memref<80x128xf32, #tpu.memory_space<vmem_shared>>
      %dma_wait3A_63 = arith.constant 0 : i32
      %dma_wait3A_64 = tpu.memref_slice %arg18[%add3A_16, %dma_wait3A_63] : memref<10000x128xf32, #tpu.memory_space<vmem_shared>> -> memref<80x128xf32, #tpu.memory_space<vmem_shared>>
      tpu.wait_dma2 semaphore(%run_scoped3A : memref<!tpu.dma_semaphore, #tpu.memory_space<semaphore_mem>>) src(%arg9 : memref<80x128xf32, #tpu.memory_space<vmem>>) dst(%dma_wait3A_64 : memref<80x128xf32, #tpu.memory_space<vmem_shared>>)
      tpu.yield
    }) : () -> ()
    %add3A_17 = arith.constant 560 : i32
    %add3A_18 = arith.addi %mul3A_2, %add3A_17 : i32
    "tpu.region"() ({
      %run_scoped3A = tpu.sem_alloc : memref<!tpu.dma_semaphore, #tpu.memory_space<semaphore_mem>>
      %dma_start3A = arith.constant 0 : i32
      %dma_start3A_59 = arith.constant 0 : i32
      %dma_start3A_60 = tpu.memref_slice %arg9[%dma_start3A, %dma_start3A_59] : memref<80x128xf32, #tpu.memory_space<vmem>> -> memref<65x128xf32, #tpu.memory_space<vmem>>
      %dma_start3A_61 = arith.constant 0 : i32
      %dma_start3A_62 = tpu.memref_slice %arg18[%add3A_18, %dma_start3A_61] : memref<10000x128xf32, #tpu.memory_space<vmem_shared>> -> memref<65x128xf32, #tpu.memory_space<vmem_shared>>
      %dma_start3A_63 = arith.constant 0 : i32
      %dma_start3A_64 = tpu.memref_slice %arg18[%add3A_18, %dma_start3A_63] : memref<10000x128xf32, #tpu.memory_space<vmem_shared>> -> memref<65x128xf32, #tpu.memory_space<vmem_shared>>
      %dma_start3A_65 = arith.constant 0 : i32
      %dma_start3A_66 = arith.constant 0 : i32
      %dma_start3A_67 = tpu.memref_slice %arg9[%dma_start3A_65, %dma_start3A_66] : memref<80x128xf32, #tpu.memory_space<vmem>> -> memref<65x128xf32, #tpu.memory_space<vmem>>
      tpu.enqueue_dma source(%dma_start3A_67 : memref<65x128xf32, #tpu.memory_space<vmem>>) target(%dma_start3A_64 : memref<65x128xf32, #tpu.memory_space<vmem_shared>>) target_semaphore(%run_scoped3A : memref<!tpu.dma_semaphore, #tpu.memory_space<semaphore_mem>>)
      %dma_wait3A = arith.constant 0 : i32
      %dma_wait3A_68 = arith.constant 0 : i32
      %dma_wait3A_69 = tpu.memref_slice %arg9[%dma_wait3A, %dma_wait3A_68] : memref<80x128xf32, #tpu.memory_space<vmem>> -> memref<65x128xf32, #tpu.memory_space<vmem>>
      %dma_wait3A_70 = arith.constant 0 : i32
      %dma_wait3A_71 = tpu.memref_slice %arg18[%add3A_18, %dma_wait3A_70] : memref<10000x128xf32, #tpu.memory_space<vmem_shared>> -> memref<65x128xf32, #tpu.memory_space<vmem_shared>>
      %dma_wait3A_72 = arith.constant 0 : i32
      %dma_wait3A_73 = tpu.memref_slice %arg18[%add3A_18, %dma_wait3A_72] : memref<10000x128xf32, #tpu.memory_space<vmem_shared>> -> memref<65x128xf32, #tpu.memory_space<vmem_shared>>
      %dma_wait3A_74 = arith.constant 0 : i32
      %dma_wait3A_75 = arith.constant 0 : i32
      %dma_wait3A_76 = tpu.memref_slice %arg9[%dma_wait3A_74, %dma_wait3A_75] : memref<80x128xf32, #tpu.memory_space<vmem>> -> memref<65x128xf32, #tpu.memory_space<vmem>>
      tpu.wait_dma2 semaphore(%run_scoped3A : memref<!tpu.dma_semaphore, #tpu.memory_space<semaphore_mem>>) src(%dma_wait3A_76 : memref<65x128xf32, #tpu.memory_space<vmem>>) dst(%dma_wait3A_73 : memref<65x128xf32, #tpu.memory_space<vmem_shared>>)
      tpu.yield
    }) : () -> ()
    %mul3A_19 = arith.constant 10000 : i32
    %mul3A_20 = arith.muli %add3A, %mul3A_19 : i32
    "tpu.region"() ({
      %run_scoped3A = tpu.sem_alloc : memref<!tpu.dma_semaphore, #tpu.memory_space<semaphore_mem>>
      %dma_start3A = tpu.memref_slice %arg3[%mul3A_20] : memref<320000xi32, #tpu.memory_space<hbm>> -> memref<10000xi32, #tpu.memory_space<hbm>>
      %dma_start3A_59 = tpu.memref_slice %arg3[%mul3A_20] : memref<320000xi32, #tpu.memory_space<hbm>> -> memref<10000xi32, #tpu.memory_space<hbm>>
      tpu.enqueue_dma source(%dma_start3A_59 : memref<10000xi32, #tpu.memory_space<hbm>>) target(%arg7 : memref<10000xi32, #tpu.memory_space<vmem>>) target_semaphore(%run_scoped3A : memref<!tpu.dma_semaphore, #tpu.memory_space<semaphore_mem>>)
      %dma_wait3A = tpu.memref_slice %arg3[%mul3A_20] : memref<320000xi32, #tpu.memory_space<hbm>> -> memref<10000xi32, #tpu.memory_space<hbm>>
      %dma_wait3A_60 = tpu.memref_slice %arg3[%mul3A_20] : memref<320000xi32, #tpu.memory_space<hbm>> -> memref<10000xi32, #tpu.memory_space<hbm>>
      tpu.wait_dma2 semaphore(%run_scoped3A : memref<!tpu.dma_semaphore, #tpu.memory_space<semaphore_mem>>) src(%dma_wait3A_60 : memref<10000xi32, #tpu.memory_space<hbm>>) dst(%arg7 : memref<10000xi32, #tpu.memory_space<vmem>>)
      tpu.yield
    }) : () -> ()
    "tpu.region"() ({
      %run_scoped3A = tpu.sem_alloc : memref<!tpu.dma_semaphore, #tpu.memory_space<semaphore_mem>>
      %dma_start3A = arith.constant 0 : i32
      %dma_start3A_59 = arith.constant 0 : i32
      %dma_start3A_60 = tpu.memref_slice %arg4[%add3A, %dma_start3A, %dma_start3A_59] : memref<32x125x80xi32, #tpu.memory_space<hbm>> -> memref<1x125x80xi32, #tpu.memory_space<hbm>>
      %dma_start3A_61 = tpu.memref_squeeze %dma_start3A_60 : memref<1x125x80xi32, #tpu.memory_space<hbm>> -> memref<125x80xi32, #tpu.memory_space<hbm>>
      %dma_start3A_62 = arith.constant 0 : i32
      %dma_start3A_63 = arith.constant 0 : i32
      %dma_start3A_64 = tpu.memref_slice %arg4[%add3A, %dma_start3A_62, %dma_start3A_63] : memref<32x125x80xi32, #tpu.memory_space<hbm>> -> memref<1x125x80xi32, #tpu.memory_space<hbm>>
      %dma_start3A_65 = tpu.memref_squeeze %dma_start3A_64 : memref<1x125x80xi32, #tpu.memory_space<hbm>> -> memref<125x80xi32, #tpu.memory_space<hbm>>
      tpu.enqueue_dma source(%dma_start3A_65 : memref<125x80xi32, #tpu.memory_space<hbm>>) target(%arg8 : memref<125x80xi32, #tpu.memory_space<vmem>>) target_semaphore(%run_scoped3A : memref<!tpu.dma_semaphore, #tpu.memory_space<semaphore_mem>>)
      %dma_wait3A = arith.constant 0 : i32
      %dma_wait3A_66 = arith.constant 0 : i32
      %dma_wait3A_67 = tpu.memref_slice %arg4[%add3A, %dma_wait3A, %dma_wait3A_66] : memref<32x125x80xi32, #tpu.memory_space<hbm>> -> memref<1x125x80xi32, #tpu.memory_space<hbm>>
      %dma_wait3A_68 = tpu.memref_squeeze %dma_wait3A_67 : memref<1x125x80xi32, #tpu.memory_space<hbm>> -> memref<125x80xi32, #tpu.memory_space<hbm>>
      %dma_wait3A_69 = arith.constant 0 : i32
      %dma_wait3A_70 = arith.constant 0 : i32
      %dma_wait3A_71 = tpu.memref_slice %arg4[%add3A, %dma_wait3A_69, %dma_wait3A_70] : memref<32x125x80xi32, #tpu.memory_space<hbm>> -> memref<1x125x80xi32, #tpu.memory_space<hbm>>
      %dma_wait3A_72 = tpu.memref_squeeze %dma_wait3A_71 : memref<1x125x80xi32, #tpu.memory_space<hbm>> -> memref<125x80xi32, #tpu.memory_space<hbm>>
      tpu.wait_dma2 semaphore(%run_scoped3A : memref<!tpu.dma_semaphore, #tpu.memory_space<semaphore_mem>>) src(%dma_wait3A_72 : memref<125x80xi32, #tpu.memory_space<hbm>>) dst(%arg8 : memref<125x80xi32, #tpu.memory_space<vmem>>)
      tpu.yield
    }) : () -> ()
    %barrier3A = arith.constant 0 : index
    tpu.barrier barrier_id(%barrier3A)
    %scan3A = arith.constant 0 : i32
    %scan3A_21 = arith.constant 0 : i32
    %scan3A_22 = arith.constant 44 : i32
    %scan3A_23 = arith.addi %scan3A_21, %scan3A_22 : i32
    %scan3A_24 = arith.constant 1 : i32
    scf.for %scan3A_59 = %scan3A_21 to %scan3A_23 step %scan3A_24  : i32 {
      %mul3A_60 = arith.constant 3 : i32
      %mul3A_61 = arith.muli %mul3A_60, %scan3A_59 : i32
      %add3A_62 = arith.constant 0 : i32
      %add3A_63 = arith.addi %mul3A_61, %add3A_62 : i32
      %ge3A = arith.constant 3 : i32
      %ge3A_64 = arith.cmpi sge, %add3A_63, %ge3A : i32
      %lt3A = arith.constant 128 : i32
      %lt3A_65 = arith.cmpi slt, %add3A_63, %lt3A : i32
      %and3A = arith.andi %ge3A_64, %lt3A_65 : i1
      %convert_element_type3A = arith.extui %and3A : i1 to i32
      %cond3A = arith.constant 0 : i32
      %cond3A_66 = arith.cmpi ne, %convert_element_type3A, %cond3A : i32
      scf.if %cond3A_66 {
        %sub3A = arith.constant 3 : i32
        %sub3A_130 = arith.subi %add3A_63, %sub3A : i32
        %dma_wait3A = arith.constant 0 : i32
        %dma_wait3A_131 = tpu.memref_slice %arg8[%sub3A_130, %dma_wait3A] : memref<125x80xi32, #tpu.memory_space<vmem>> -> memref<1x80xi32, #tpu.memory_space<vmem>>
        %dma_wait3A_132 = tpu.memref_squeeze %dma_wait3A_131 : memref<1x80xi32, #tpu.memory_space<vmem>> -> memref<80xi32, #tpu.memory_space<vmem>>
        %dma_wait3A_133 = arith.constant 0 : i32
        %dma_wait3A_134 = arith.constant 0 : i32
        %dma_wait3A_135 = tpu.memref_slice %arg18[%dma_wait3A_133, %dma_wait3A_134] : memref<10000x128xf32, #tpu.memory_space<vmem_shared>> -> memref<10000x128xf32, #tpu.memory_space<vmem_shared>>
        tpu.wait_indirect_dma semaphore(%arg15 : memref<!tpu.dma_semaphore, #tpu.memory_space<semaphore_mem>>) src(%arg9 : memref<80x128xf32, #tpu.memory_space<vmem>>) dst(%dma_wait3A_135 : memref<10000x128xf32, #tpu.memory_space<vmem_shared>>)
      } else {
      }
      %lt3A_67 = arith.constant 125 : i32
      %lt3A_68 = arith.cmpi slt, %add3A_63, %lt3A_67 : i32
      %convert_element_type3A_69 = arith.extui %lt3A_68 : i1 to i32
      %cond3A_70 = arith.constant 0 : i32
      %cond3A_71 = arith.cmpi ne, %convert_element_type3A_69, %cond3A_70 : i32
      scf.if %cond3A_71 {
        %mul3A_130 = arith.constant 80 : i32
        %mul3A_131 = arith.muli %add3A_63, %mul3A_130 : i32
        %multiple_of3A = tpu.assume_multiple %mul3A_131, 8 : i32
        %dma_start3A = tpu.memref_slice %arg7[%multiple_of3A] : memref<10000xi32, #tpu.memory_space<vmem>> -> memref<80xi32, #tpu.memory_space<vmem>>
        %dma_start3A_132 = arith.constant 0 : i32
        %dma_start3A_133 = arith.constant 0 : i32
        %dma_start3A_134 = tpu.memref_slice %arg2[%dma_start3A_132, %dma_start3A_133] : memref<10000x128xf32, #tpu.memory_space<hbm>> -> memref<10000x128xf32, #tpu.memory_space<hbm>>
        tpu.enqueue_indirect_dma source(%dma_start3A_134 : memref<10000x128xf32, #tpu.memory_space<hbm>>) target(%arg9 : memref<80x128xf32, #tpu.memory_space<vmem>>) offsets(%dma_start3A : memref<80xi32, #tpu.memory_space<vmem>>) semaphore(%arg12 : memref<!tpu.dma_semaphore, #tpu.memory_space<semaphore_mem>>)
      } else {
      }
      %ge3A_72 = arith.constant 2 : i32
      %ge3A_73 = arith.cmpi sge, %add3A_63, %ge3A_72 : i32
      %lt3A_74 = arith.constant 127 : i32
      %lt3A_75 = arith.cmpi slt, %add3A_63, %lt3A_74 : i32
      %and3A_76 = arith.andi %ge3A_73, %lt3A_75 : i1
      %convert_element_type3A_77 = arith.extui %and3A_76 : i1 to i32
      %cond3A_78 = arith.constant 0 : i32
      %cond3A_79 = arith.cmpi ne, %convert_element_type3A_77, %cond3A_78 : i32
      scf.if %cond3A_79 {
        %sub3A = arith.constant 2 : i32
        %sub3A_130 = arith.subi %add3A_63, %sub3A : i32
        %mul3A_131 = arith.constant 80 : i32
        %mul3A_132 = arith.muli %sub3A_130, %mul3A_131 : i32
        %multiple_of3A = tpu.assume_multiple %mul3A_132, 8 : i32
        %dma_wait3A = tpu.memref_slice %arg7[%multiple_of3A] : memref<10000xi32, #tpu.memory_space<vmem>> -> memref<80xi32, #tpu.memory_space<vmem>>
        %dma_wait3A_133 = arith.constant 0 : i32
        %dma_wait3A_134 = arith.constant 0 : i32
        %dma_wait3A_135 = tpu.memref_slice %arg2[%dma_wait3A_133, %dma_wait3A_134] : memref<10000x128xf32, #tpu.memory_space<hbm>> -> memref<10000x128xf32, #tpu.memory_space<hbm>>
        tpu.wait_indirect_dma semaphore(%arg13 : memref<!tpu.dma_semaphore, #tpu.memory_space<semaphore_mem>>) src(%dma_wait3A_135 : memref<10000x128xf32, #tpu.memory_space<hbm>>) dst(%arg10 : memref<80x128xf32, #tpu.memory_space<vmem>>)
        %sub3A_136 = arith.constant 2 : i32
        %sub3A_137 = arith.subi %add3A_63, %sub3A_136 : i32
        %dma_start3A = arith.constant 0 : i32
        %dma_start3A_138 = tpu.memref_slice %arg8[%sub3A_137, %dma_start3A] : memref<125x80xi32, #tpu.memory_space<vmem>> -> memref<1x80xi32, #tpu.memory_space<vmem>>
        %dma_start3A_139 = tpu.memref_squeeze %dma_start3A_138 : memref<1x80xi32, #tpu.memory_space<vmem>> -> memref<80xi32, #tpu.memory_space<vmem>>
        %dma_start3A_140 = arith.constant 0 : i32
        %dma_start3A_141 = arith.constant 0 : i32
        %dma_start3A_142 = tpu.memref_slice %arg18[%dma_start3A_140, %dma_start3A_141] : memref<10000x128xf32, #tpu.memory_space<vmem_shared>> -> memref<10000x128xf32, #tpu.memory_space<vmem_shared>>
        tpu.enqueue_indirect_dma source(%arg10 : memref<80x128xf32, #tpu.memory_space<vmem>>) target(%dma_start3A_142 : memref<10000x128xf32, #tpu.memory_space<vmem_shared>>) offsets(%dma_start3A_139 : memref<80xi32, #tpu.memory_space<vmem>>) semaphore(%arg16 : memref<!tpu.dma_semaphore, #tpu.memory_space<semaphore_mem>>) {add = true}
      } else {
      }
      %mul3A_80 = arith.constant 3 : i32
      %mul3A_81 = arith.muli %mul3A_80, %scan3A_59 : i32
      %add3A_82 = arith.constant 1 : i32
      %add3A_83 = arith.addi %mul3A_81, %add3A_82 : i32
      %ge3A_84 = arith.constant 3 : i32
      %ge3A_85 = arith.cmpi sge, %add3A_83, %ge3A_84 : i32
      %lt3A_86 = arith.constant 128 : i32
      %lt3A_87 = arith.cmpi slt, %add3A_83, %lt3A_86 : i32
      %and3A_88 = arith.andi %ge3A_85, %lt3A_87 : i1
      %convert_element_type3A_89 = arith.extui %and3A_88 : i1 to i32
      %cond3A_90 = arith.constant 0 : i32
      %cond3A_91 = arith.cmpi ne, %convert_element_type3A_89, %cond3A_90 : i32
      scf.if %cond3A_91 {
        %sub3A = arith.constant 3 : i32
        %sub3A_130 = arith.subi %add3A_83, %sub3A : i32
        %dma_wait3A = arith.constant 0 : i32
        %dma_wait3A_131 = tpu.memref_slice %arg8[%sub3A_130, %dma_wait3A] : memref<125x80xi32, #tpu.memory_space<vmem>> -> memref<1x80xi32, #tpu.memory_space<vmem>>
        %dma_wait3A_132 = tpu.memref_squeeze %dma_wait3A_131 : memref<1x80xi32, #tpu.memory_space<vmem>> -> memref<80xi32, #tpu.memory_space<vmem>>
        %dma_wait3A_133 = arith.constant 0 : i32
        %dma_wait3A_134 = arith.constant 0 : i32
        %dma_wait3A_135 = tpu.memref_slice %arg18[%dma_wait3A_133, %dma_wait3A_134] : memref<10000x128xf32, #tpu.memory_space<vmem_shared>> -> memref<10000x128xf32, #tpu.memory_space<vmem_shared>>
        tpu.wait_indirect_dma semaphore(%arg16 : memref<!tpu.dma_semaphore, #tpu.memory_space<semaphore_mem>>) src(%arg10 : memref<80x128xf32, #tpu.memory_space<vmem>>) dst(%dma_wait3A_135 : memref<10000x128xf32, #tpu.memory_space<vmem_shared>>)
      } else {
      }
      %lt3A_92 = arith.constant 125 : i32
      %lt3A_93 = arith.cmpi slt, %add3A_83, %lt3A_92 : i32
      %convert_element_type3A_94 = arith.extui %lt3A_93 : i1 to i32
      %cond3A_95 = arith.constant 0 : i32
      %cond3A_96 = arith.cmpi ne, %convert_element_type3A_94, %cond3A_95 : i32
      scf.if %cond3A_96 {
        %mul3A_130 = arith.constant 80 : i32
        %mul3A_131 = arith.muli %add3A_83, %mul3A_130 : i32
        %multiple_of3A = tpu.assume_multiple %mul3A_131, 8 : i32
        %dma_start3A = tpu.memref_slice %arg7[%multiple_of3A] : memref<10000xi32, #tpu.memory_space<vmem>> -> memref<80xi32, #tpu.memory_space<vmem>>
        %dma_start3A_132 = arith.constant 0 : i32
        %dma_start3A_133 = arith.constant 0 : i32
        %dma_start3A_134 = tpu.memref_slice %arg2[%dma_start3A_132, %dma_start3A_133] : memref<10000x128xf32, #tpu.memory_space<hbm>> -> memref<10000x128xf32, #tpu.memory_space<hbm>>
        tpu.enqueue_indirect_dma source(%dma_start3A_134 : memref<10000x128xf32, #tpu.memory_space<hbm>>) target(%arg10 : memref<80x128xf32, #tpu.memory_space<vmem>>) offsets(%dma_start3A : memref<80xi32, #tpu.memory_space<vmem>>) semaphore(%arg13 : memref<!tpu.dma_semaphore, #tpu.memory_space<semaphore_mem>>)
      } else {
      }
      %ge3A_97 = arith.constant 2 : i32
      %ge3A_98 = arith.cmpi sge, %add3A_83, %ge3A_97 : i32
      %lt3A_99 = arith.constant 127 : i32
      %lt3A_100 = arith.cmpi slt, %add3A_83, %lt3A_99 : i32
      %and3A_101 = arith.andi %ge3A_98, %lt3A_100 : i1
      %convert_element_type3A_102 = arith.extui %and3A_101 : i1 to i32
      %cond3A_103 = arith.constant 0 : i32
      %cond3A_104 = arith.cmpi ne, %convert_element_type3A_102, %cond3A_103 : i32
      scf.if %cond3A_104 {
        %sub3A = arith.constant 2 : i32
        %sub3A_130 = arith.subi %add3A_83, %sub3A : i32
        %mul3A_131 = arith.constant 80 : i32
        %mul3A_132 = arith.muli %sub3A_130, %mul3A_131 : i32
        %multiple_of3A = tpu.assume_multiple %mul3A_132, 8 : i32
        %dma_wait3A = tpu.memref_slice %arg7[%multiple_of3A] : memref<10000xi32, #tpu.memory_space<vmem>> -> memref<80xi32, #tpu.memory_space<vmem>>
        %dma_wait3A_133 = arith.constant 0 : i32
        %dma_wait3A_134 = arith.constant 0 : i32
        %dma_wait3A_135 = tpu.memref_slice %arg2[%dma_wait3A_133, %dma_wait3A_134] : memref<10000x128xf32, #tpu.memory_space<hbm>> -> memref<10000x128xf32, #tpu.memory_space<hbm>>
        tpu.wait_indirect_dma semaphore(%arg14 : memref<!tpu.dma_semaphore, #tpu.memory_space<semaphore_mem>>) src(%dma_wait3A_135 : memref<10000x128xf32, #tpu.memory_space<hbm>>) dst(%arg11 : memref<80x128xf32, #tpu.memory_space<vmem>>)
        %sub3A_136 = arith.constant 2 : i32
        %sub3A_137 = arith.subi %add3A_83, %sub3A_136 : i32
        %dma_start3A = arith.constant 0 : i32
        %dma_start3A_138 = tpu.memref_slice %arg8[%sub3A_137, %dma_start3A] : memref<125x80xi32, #tpu.memory_space<vmem>> -> memref<1x80xi32, #tpu.memory_space<vmem>>
        %dma_start3A_139 = tpu.memref_squeeze %dma_start3A_138 : memref<1x80xi32, #tpu.memory_space<vmem>> -> memref<80xi32, #tpu.memory_space<vmem>>
        %dma_start3A_140 = arith.constant 0 : i32
        %dma_start3A_141 = arith.constant 0 : i32
        %dma_start3A_142 = tpu.memref_slice %arg18[%dma_start3A_140, %dma_start3A_141] : memref<10000x128xf32, #tpu.memory_space<vmem_shared>> -> memref<10000x128xf32, #tpu.memory_space<vmem_shared>>
        tpu.enqueue_indirect_dma source(%arg11 : memref<80x128xf32, #tpu.memory_space<vmem>>) target(%dma_start3A_142 : memref<10000x128xf32, #tpu.memory_space<vmem_shared>>) offsets(%dma_start3A_139 : memref<80xi32, #tpu.memory_space<vmem>>) semaphore(%arg17 : memref<!tpu.dma_semaphore, #tpu.memory_space<semaphore_mem>>) {add = true}
      } else {
      }
      %mul3A_105 = arith.constant 3 : i32
      %mul3A_106 = arith.muli %mul3A_105, %scan3A_59 : i32
      %add3A_107 = arith.constant 2 : i32
      %add3A_108 = arith.addi %mul3A_106, %add3A_107 : i32
      %ge3A_109 = arith.constant 3 : i32
      %ge3A_110 = arith.cmpi sge, %add3A_108, %ge3A_109 : i32
      %lt3A_111 = arith.constant 128 : i32
      %lt3A_112 = arith.cmpi slt, %add3A_108, %lt3A_111 : i32
      %and3A_113 = arith.andi %ge3A_110, %lt3A_112 : i1
      %convert_element_type3A_114 = arith.extui %and3A_113 : i1 to i32
      %cond3A_115 = arith.constant 0 : i32
      %cond3A_116 = arith.cmpi ne, %convert_element_type3A_114, %cond3A_115 : i32
      scf.if %cond3A_116 {
        %sub3A = arith.constant 3 : i32
        %sub3A_130 = arith.subi %add3A_108, %sub3A : i32
        %dma_wait3A = arith.constant 0 : i32
        %dma_wait3A_131 = tpu.memref_slice %arg8[%sub3A_130, %dma_wait3A] : memref<125x80xi32, #tpu.memory_space<vmem>> -> memref<1x80xi32, #tpu.memory_space<vmem>>
        %dma_wait3A_132 = tpu.memref_squeeze %dma_wait3A_131 : memref<1x80xi32, #tpu.memory_space<vmem>> -> memref<80xi32, #tpu.memory_space<vmem>>
        %dma_wait3A_133 = arith.constant 0 : i32
        %dma_wait3A_134 = arith.constant 0 : i32
        %dma_wait3A_135 = tpu.memref_slice %arg18[%dma_wait3A_133, %dma_wait3A_134] : memref<10000x128xf32, #tpu.memory_space<vmem_shared>> -> memref<10000x128xf32, #tpu.memory_space<vmem_shared>>
        tpu.wait_indirect_dma semaphore(%arg17 : memref<!tpu.dma_semaphore, #tpu.memory_space<semaphore_mem>>) src(%arg11 : memref<80x128xf32, #tpu.memory_space<vmem>>) dst(%dma_wait3A_135 : memref<10000x128xf32, #tpu.memory_space<vmem_shared>>)
      } else {
      }
      %lt3A_117 = arith.constant 125 : i32
      %lt3A_118 = arith.cmpi slt, %add3A_108, %lt3A_117 : i32
      %convert_element_type3A_119 = arith.extui %lt3A_118 : i1 to i32
      %cond3A_120 = arith.constant 0 : i32
      %cond3A_121 = arith.cmpi ne, %convert_element_type3A_119, %cond3A_120 : i32
      scf.if %cond3A_121 {
        %mul3A_130 = arith.constant 80 : i32
        %mul3A_131 = arith.muli %add3A_108, %mul3A_130 : i32
        %multiple_of3A = tpu.assume_multiple %mul3A_131, 8 : i32
        %dma_start3A = tpu.memref_slice %arg7[%multiple_of3A] : memref<10000xi32, #tpu.memory_space<vmem>> -> memref<80xi32, #tpu.memory_space<vmem>>
        %dma_start3A_132 = arith.constant 0 : i32
        %dma_start3A_133 = arith.constant 0 : i32
        %dma_start3A_134 = tpu.memref_slice %arg2[%dma_start3A_132, %dma_start3A_133] : memref<10000x128xf32, #tpu.memory_space<hbm>> -> memref<10000x128xf32, #tpu.memory_space<hbm>>
        tpu.enqueue_indirect_dma source(%dma_start3A_134 : memref<10000x128xf32, #tpu.memory_space<hbm>>) target(%arg11 : memref<80x128xf32, #tpu.memory_space<vmem>>) offsets(%dma_start3A : memref<80xi32, #tpu.memory_space<vmem>>) semaphore(%arg14 : memref<!tpu.dma_semaphore, #tpu.memory_space<semaphore_mem>>)
      } else {
      }
      %ge3A_122 = arith.constant 2 : i32
      %ge3A_123 = arith.cmpi sge, %add3A_108, %ge3A_122 : i32
      %lt3A_124 = arith.constant 127 : i32
      %lt3A_125 = arith.cmpi slt, %add3A_108, %lt3A_124 : i32
      %and3A_126 = arith.andi %ge3A_123, %lt3A_125 : i1
      %convert_element_type3A_127 = arith.extui %and3A_126 : i1 to i32
      %cond3A_128 = arith.constant 0 : i32
      %cond3A_129 = arith.cmpi ne, %convert_element_type3A_127, %cond3A_128 : i32
      scf.if %cond3A_129 {
        %sub3A = arith.constant 2 : i32
        %sub3A_130 = arith.subi %add3A_108, %sub3A : i32
        %mul3A_131 = arith.constant 80 : i32
        %mul3A_132 = arith.muli %sub3A_130, %mul3A_131 : i32
        %multiple_of3A = tpu.assume_multiple %mul3A_132, 8 : i32
        %dma_wait3A = tpu.memref_slice %arg7[%multiple_of3A] : memref<10000xi32, #tpu.memory_space<vmem>> -> memref<80xi32, #tpu.memory_space<vmem>>
        %dma_wait3A_133 = arith.constant 0 : i32
        %dma_wait3A_134 = arith.constant 0 : i32
        %dma_wait3A_135 = tpu.memref_slice %arg2[%dma_wait3A_133, %dma_wait3A_134] : memref<10000x128xf32, #tpu.memory_space<hbm>> -> memref<10000x128xf32, #tpu.memory_space<hbm>>
        tpu.wait_indirect_dma semaphore(%arg12 : memref<!tpu.dma_semaphore, #tpu.memory_space<semaphore_mem>>) src(%dma_wait3A_135 : memref<10000x128xf32, #tpu.memory_space<hbm>>) dst(%arg9 : memref<80x128xf32, #tpu.memory_space<vmem>>)
        %sub3A_136 = arith.constant 2 : i32
        %sub3A_137 = arith.subi %add3A_108, %sub3A_136 : i32
        %dma_start3A = arith.constant 0 : i32
        %dma_start3A_138 = tpu.memref_slice %arg8[%sub3A_137, %dma_start3A] : memref<125x80xi32, #tpu.memory_space<vmem>> -> memref<1x80xi32, #tpu.memory_space<vmem>>
        %dma_start3A_139 = tpu.memref_squeeze %dma_start3A_138 : memref<1x80xi32, #tpu.memory_space<vmem>> -> memref<80xi32, #tpu.memory_space<vmem>>
        %dma_start3A_140 = arith.constant 0 : i32
        %dma_start3A_141 = arith.constant 0 : i32
        %dma_start3A_142 = tpu.memref_slice %arg18[%dma_start3A_140, %dma_start3A_141] : memref<10000x128xf32, #tpu.memory_space<vmem_shared>> -> memref<10000x128xf32, #tpu.memory_space<vmem_shared>>
        tpu.enqueue_indirect_dma source(%arg9 : memref<80x128xf32, #tpu.memory_space<vmem>>) target(%dma_start3A_142 : memref<10000x128xf32, #tpu.memory_space<vmem_shared>>) offsets(%dma_start3A_139 : memref<80xi32, #tpu.memory_space<vmem>>) semaphore(%arg15 : memref<!tpu.dma_semaphore, #tpu.memory_space<semaphore_mem>>) {add = true}
      } else {
      }
    }
    %scan3A_25 = arith.constant 44 : i32
    %barrier3A_26 = arith.constant 0 : index
    tpu.barrier barrier_id(%barrier3A_26)
    %add3A_27 = arith.constant 0 : i32
    %add3A_28 = arith.addi %mul3A_2, %add3A_27 : i32
    "tpu.region"() ({
      %run_scoped3A = tpu.sem_alloc : memref<!tpu.dma_semaphore, #tpu.memory_space<semaphore_mem>>
      %dma_start3A = arith.constant 0 : i32
      %dma_start3A_59 = tpu.memref_slice %arg18[%add3A_28, %dma_start3A] : memref<10000x128xf32, #tpu.memory_space<vmem_shared>> -> memref<80x128xf32, #tpu.memory_space<vmem_shared>>
      %dma_start3A_60 = arith.constant 0 : i32
      %dma_start3A_61 = tpu.memref_slice %arg18[%add3A_28, %dma_start3A_60] : memref<10000x128xf32, #tpu.memory_space<vmem_shared>> -> memref<80x128xf32, #tpu.memory_space<vmem_shared>>
      tpu.enqueue_dma source(%dma_start3A_61 : memref<80x128xf32, #tpu.memory_space<vmem_shared>>) target(%arg9 : memref<80x128xf32, #tpu.memory_space<vmem>>) target_semaphore(%run_scoped3A : memref<!tpu.dma_semaphore, #tpu.memory_space<semaphore_mem>>)
      %dma_wait3A = arith.constant 0 : i32
      %dma_wait3A_62 = tpu.memref_slice %arg18[%add3A_28, %dma_wait3A] : memref<10000x128xf32, #tpu.memory_space<vmem_shared>> -> memref<80x128xf32, #tpu.memory_space<vmem_shared>>
      %dma_wait3A_63 = arith.constant 0 : i32
      %dma_wait3A_64 = tpu.memref_slice %arg18[%add3A_28, %dma_wait3A_63] : memref<10000x128xf32, #tpu.memory_space<vmem_shared>> -> memref<80x128xf32, #tpu.memory_space<vmem_shared>>
      tpu.wait_dma2 semaphore(%run_scoped3A : memref<!tpu.dma_semaphore, #tpu.memory_space<semaphore_mem>>) src(%dma_wait3A_64 : memref<80x128xf32, #tpu.memory_space<vmem_shared>>) dst(%arg9 : memref<80x128xf32, #tpu.memory_space<vmem>>)
      tpu.yield
    }) : () -> ()
    %add3A_29 = arith.constant 0 : i32
    %add3A_30 = arith.addi %mul3A_2, %add3A_29 : i32
    "tpu.region"() ({
      %run_scoped3A = tpu.sem_alloc : memref<!tpu.dma_semaphore, #tpu.memory_space<semaphore_mem>>
      %dma_start3A = arith.constant 0 : i32
      %dma_start3A_59 = tpu.memref_slice %arg6[%arg0, %add3A_30, %dma_start3A] : memref<2x10000x128xf32, #tpu.memory_space<hbm>> -> memref<1x80x128xf32, #tpu.memory_space<hbm>>
      %dma_start3A_60 = tpu.memref_squeeze %dma_start3A_59 : memref<1x80x128xf32, #tpu.memory_space<hbm>> -> memref<80x128xf32, #tpu.memory_space<hbm>>
      %dma_start3A_61 = arith.constant 0 : i32
      %dma_start3A_62 = tpu.memref_slice %arg6[%arg0, %add3A_30, %dma_start3A_61] : memref<2x10000x128xf32, #tpu.memory_space<hbm>> -> memref<1x80x128xf32, #tpu.memory_space<hbm>>
      %dma_start3A_63 = tpu.memref_squeeze %dma_start3A_62 : memref<1x80x128xf32, #tpu.memory_space<hbm>> -> memref<80x128xf32, #tpu.memory_space<hbm>>
      tpu.enqueue_dma source(%arg9 : memref<80x128xf32, #tpu.memory_space<vmem>>) target(%dma_start3A_63 : memref<80x128xf32, #tpu.memory_space<hbm>>) target_semaphore(%run_scoped3A : memref<!tpu.dma_semaphore, #tpu.memory_space<semaphore_mem>>)
      %dma_wait3A = arith.constant 0 : i32
      %dma_wait3A_64 = tpu.memref_slice %arg6[%arg0, %add3A_30, %dma_wait3A] : memref<2x10000x128xf32, #tpu.memory_space<hbm>> -> memref<1x80x128xf32, #tpu.memory_space<hbm>>
      %dma_wait3A_65 = tpu.memref_squeeze %dma_wait3A_64 : memref<1x80x128xf32, #tpu.memory_space<hbm>> -> memref<80x128xf32, #tpu.memory_space<hbm>>
      %dma_wait3A_66 = arith.constant 0 : i32
      %dma_wait3A_67 = tpu.memref_slice %arg6[%arg0, %add3A_30, %dma_wait3A_66] : memref<2x10000x128xf32, #tpu.memory_space<hbm>> -> memref<1x80x128xf32, #tpu.memory_space<hbm>>
      %dma_wait3A_68 = tpu.memref_squeeze %dma_wait3A_67 : memref<1x80x128xf32, #tpu.memory_space<hbm>> -> memref<80x128xf32, #tpu.memory_space<hbm>>
      tpu.wait_dma2 semaphore(%run_scoped3A : memref<!tpu.dma_semaphore, #tpu.memory_space<semaphore_mem>>) src(%arg9 : memref<80x128xf32, #tpu.memory_space<vmem>>) dst(%dma_wait3A_68 : memref<80x128xf32, #tpu.memory_space<hbm>>)
      tpu.yield
    }) : () -> ()
    %add3A_31 = arith.constant 80 : i32
    %add3A_32 = arith.addi %mul3A_2, %add3A_31 : i32
    "tpu.region"() ({
      %run_scoped3A = tpu.sem_alloc : memref<!tpu.dma_semaphore, #tpu.memory_space<semaphore_mem>>
      %dma_start3A = arith.constant 0 : i32
      %dma_start3A_59 = tpu.memref_slice %arg18[%add3A_32, %dma_start3A] : memref<10000x128xf32, #tpu.memory_space<vmem_shared>> -> memref<80x128xf32, #tpu.memory_space<vmem_shared>>
      %dma_start3A_60 = arith.constant 0 : i32
      %dma_start3A_61 = tpu.memref_slice %arg18[%add3A_32, %dma_start3A_60] : memref<10000x128xf32, #tpu.memory_space<vmem_shared>> -> memref<80x128xf32, #tpu.memory_space<vmem_shared>>
      tpu.enqueue_dma source(%dma_start3A_61 : memref<80x128xf32, #tpu.memory_space<vmem_shared>>) target(%arg9 : memref<80x128xf32, #tpu.memory_space<vmem>>) target_semaphore(%run_scoped3A : memref<!tpu.dma_semaphore, #tpu.memory_space<semaphore_mem>>)
      %dma_wait3A = arith.constant 0 : i32
      %dma_wait3A_62 = tpu.memref_slice %arg18[%add3A_32, %dma_wait3A] : memref<10000x128xf32, #tpu.memory_space<vmem_shared>> -> memref<80x128xf32, #tpu.memory_space<vmem_shared>>
      %dma_wait3A_63 = arith.constant 0 : i32
      %dma_wait3A_64 = tpu.memref_slice %arg18[%add3A_32, %dma_wait3A_63] : memref<10000x128xf32, #tpu.memory_space<vmem_shared>> -> memref<80x128xf32, #tpu.memory_space<vmem_shared>>
      tpu.wait_dma2 semaphore(%run_scoped3A : memref<!tpu.dma_semaphore, #tpu.memory_space<semaphore_mem>>) src(%dma_wait3A_64 : memref<80x128xf32, #tpu.memory_space<vmem_shared>>) dst(%arg9 : memref<80x128xf32, #tpu.memory_space<vmem>>)
      tpu.yield
    }) : () -> ()
    %add3A_33 = arith.constant 80 : i32
    %add3A_34 = arith.addi %mul3A_2, %add3A_33 : i32
    "tpu.region"() ({
      %run_scoped3A = tpu.sem_alloc : memref<!tpu.dma_semaphore, #tpu.memory_space<semaphore_mem>>
      %dma_start3A = arith.constant 0 : i32
      %dma_start3A_59 = tpu.memref_slice %arg6[%arg0, %add3A_34, %dma_start3A] : memref<2x10000x128xf32, #tpu.memory_space<hbm>> -> memref<1x80x128xf32, #tpu.memory_space<hbm>>
      %dma_start3A_60 = tpu.memref_squeeze %dma_start3A_59 : memref<1x80x128xf32, #tpu.memory_space<hbm>> -> memref<80x128xf32, #tpu.memory_space<hbm>>
      %dma_start3A_61 = arith.constant 0 : i32
      %dma_start3A_62 = tpu.memref_slice %arg6[%arg0, %add3A_34, %dma_start3A_61] : memref<2x10000x128xf32, #tpu.memory_space<hbm>> -> memref<1x80x128xf32, #tpu.memory_space<hbm>>
      %dma_start3A_63 = tpu.memref_squeeze %dma_start3A_62 : memref<1x80x128xf32, #tpu.memory_space<hbm>> -> memref<80x128xf32, #tpu.memory_space<hbm>>
      tpu.enqueue_dma source(%arg9 : memref<80x128xf32, #tpu.memory_space<vmem>>) target(%dma_start3A_63 : memref<80x128xf32, #tpu.memory_space<hbm>>) target_semaphore(%run_scoped3A : memref<!tpu.dma_semaphore, #tpu.memory_space<semaphore_mem>>)
      %dma_wait3A = arith.constant 0 : i32
      %dma_wait3A_64 = tpu.memref_slice %arg6[%arg0, %add3A_34, %dma_wait3A] : memref<2x10000x128xf32, #tpu.memory_space<hbm>> -> memref<1x80x128xf32, #tpu.memory_space<hbm>>
      %dma_wait3A_65 = tpu.memref_squeeze %dma_wait3A_64 : memref<1x80x128xf32, #tpu.memory_space<hbm>> -> memref<80x128xf32, #tpu.memory_space<hbm>>
      %dma_wait3A_66 = arith.constant 0 : i32
      %dma_wait3A_67 = tpu.memref_slice %arg6[%arg0, %add3A_34, %dma_wait3A_66] : memref<2x10000x128xf32, #tpu.memory_space<hbm>> -> memref<1x80x128xf32, #tpu.memory_space<hbm>>
      %dma_wait3A_68 = tpu.memref_squeeze %dma_wait3A_67 : memref<1x80x128xf32, #tpu.memory_space<hbm>> -> memref<80x128xf32, #tpu.memory_space<hbm>>
      tpu.wait_dma2 semaphore(%run_scoped3A : memref<!tpu.dma_semaphore, #tpu.memory_space<semaphore_mem>>) src(%arg9 : memref<80x128xf32, #tpu.memory_space<vmem>>) dst(%dma_wait3A_68 : memref<80x128xf32, #tpu.memory_space<hbm>>)
      tpu.yield
    }) : () -> ()
    %add3A_35 = arith.constant 160 : i32
    %add3A_36 = arith.addi %mul3A_2, %add3A_35 : i32
    "tpu.region"() ({
      %run_scoped3A = tpu.sem_alloc : memref<!tpu.dma_semaphore, #tpu.memory_space<semaphore_mem>>
      %dma_start3A = arith.constant 0 : i32
      %dma_start3A_59 = tpu.memref_slice %arg18[%add3A_36, %dma_start3A] : memref<10000x128xf32, #tpu.memory_space<vmem_shared>> -> memref<80x128xf32, #tpu.memory_space<vmem_shared>>
      %dma_start3A_60 = arith.constant 0 : i32
      %dma_start3A_61 = tpu.memref_slice %arg18[%add3A_36, %dma_start3A_60] : memref<10000x128xf32, #tpu.memory_space<vmem_shared>> -> memref<80x128xf32, #tpu.memory_space<vmem_shared>>
      tpu.enqueue_dma source(%dma_start3A_61 : memref<80x128xf32, #tpu.memory_space<vmem_shared>>) target(%arg9 : memref<80x128xf32, #tpu.memory_space<vmem>>) target_semaphore(%run_scoped3A : memref<!tpu.dma_semaphore, #tpu.memory_space<semaphore_mem>>)
      %dma_wait3A = arith.constant 0 : i32
      %dma_wait3A_62 = tpu.memref_slice %arg18[%add3A_36, %dma_wait3A] : memref<10000x128xf32, #tpu.memory_space<vmem_shared>> -> memref<80x128xf32, #tpu.memory_space<vmem_shared>>
      %dma_wait3A_63 = arith.constant 0 : i32
      %dma_wait3A_64 = tpu.memref_slice %arg18[%add3A_36, %dma_wait3A_63] : memref<10000x128xf32, #tpu.memory_space<vmem_shared>> -> memref<80x128xf32, #tpu.memory_space<vmem_shared>>
      tpu.wait_dma2 semaphore(%run_scoped3A : memref<!tpu.dma_semaphore, #tpu.memory_space<semaphore_mem>>) src(%dma_wait3A_64 : memref<80x128xf32, #tpu.memory_space<vmem_shared>>) dst(%arg9 : memref<80x128xf32, #tpu.memory_space<vmem>>)
      tpu.yield
    }) : () -> ()
    %add3A_37 = arith.constant 160 : i32
    %add3A_38 = arith.addi %mul3A_2, %add3A_37 : i32
    "tpu.region"() ({
      %run_scoped3A = tpu.sem_alloc : memref<!tpu.dma_semaphore, #tpu.memory_space<semaphore_mem>>
      %dma_start3A = arith.constant 0 : i32
      %dma_start3A_59 = tpu.memref_slice %arg6[%arg0, %add3A_38, %dma_start3A] : memref<2x10000x128xf32, #tpu.memory_space<hbm>> -> memref<1x80x128xf32, #tpu.memory_space<hbm>>
      %dma_start3A_60 = tpu.memref_squeeze %dma_start3A_59 : memref<1x80x128xf32, #tpu.memory_space<hbm>> -> memref<80x128xf32, #tpu.memory_space<hbm>>
      %dma_start3A_61 = arith.constant 0 : i32
      %dma_start3A_62 = tpu.memref_slice %arg6[%arg0, %add3A_38, %dma_start3A_61] : memref<2x10000x128xf32, #tpu.memory_space<hbm>> -> memref<1x80x128xf32, #tpu.memory_space<hbm>>
      %dma_start3A_63 = tpu.memref_squeeze %dma_start3A_62 : memref<1x80x128xf32, #tpu.memory_space<hbm>> -> memref<80x128xf32, #tpu.memory_space<hbm>>
      tpu.enqueue_dma source(%arg9 : memref<80x128xf32, #tpu.memory_space<vmem>>) target(%dma_start3A_63 : memref<80x128xf32, #tpu.memory_space<hbm>>) target_semaphore(%run_scoped3A : memref<!tpu.dma_semaphore, #tpu.memory_space<semaphore_mem>>)
      %dma_wait3A = arith.constant 0 : i32
      %dma_wait3A_64 = tpu.memref_slice %arg6[%arg0, %add3A_38, %dma_wait3A] : memref<2x10000x128xf32, #tpu.memory_space<hbm>> -> memref<1x80x128xf32, #tpu.memory_space<hbm>>
      %dma_wait3A_65 = tpu.memref_squeeze %dma_wait3A_64 : memref<1x80x128xf32, #tpu.memory_space<hbm>> -> memref<80x128xf32, #tpu.memory_space<hbm>>
      %dma_wait3A_66 = arith.constant 0 : i32
      %dma_wait3A_67 = tpu.memref_slice %arg6[%arg0, %add3A_38, %dma_wait3A_66] : memref<2x10000x128xf32, #tpu.memory_space<hbm>> -> memref<1x80x128xf32, #tpu.memory_space<hbm>>
      %dma_wait3A_68 = tpu.memref_squeeze %dma_wait3A_67 : memref<1x80x128xf32, #tpu.memory_space<hbm>> -> memref<80x128xf32, #tpu.memory_space<hbm>>
      tpu.wait_dma2 semaphore(%run_scoped3A : memref<!tpu.dma_semaphore, #tpu.memory_space<semaphore_mem>>) src(%arg9 : memref<80x128xf32, #tpu.memory_space<vmem>>) dst(%dma_wait3A_68 : memref<80x128xf32, #tpu.memory_space<hbm>>)
      tpu.yield
    }) : () -> ()
    %add3A_39 = arith.constant 240 : i32
    %add3A_40 = arith.addi %mul3A_2, %add3A_39 : i32
    "tpu.region"() ({
      %run_scoped3A = tpu.sem_alloc : memref<!tpu.dma_semaphore, #tpu.memory_space<semaphore_mem>>
      %dma_start3A = arith.constant 0 : i32
      %dma_start3A_59 = tpu.memref_slice %arg18[%add3A_40, %dma_start3A] : memref<10000x128xf32, #tpu.memory_space<vmem_shared>> -> memref<80x128xf32, #tpu.memory_space<vmem_shared>>
      %dma_start3A_60 = arith.constant 0 : i32
      %dma_start3A_61 = tpu.memref_slice %arg18[%add3A_40, %dma_start3A_60] : memref<10000x128xf32, #tpu.memory_space<vmem_shared>> -> memref<80x128xf32, #tpu.memory_space<vmem_shared>>
      tpu.enqueue_dma source(%dma_start3A_61 : memref<80x128xf32, #tpu.memory_space<vmem_shared>>) target(%arg9 : memref<80x128xf32, #tpu.memory_space<vmem>>) target_semaphore(%run_scoped3A : memref<!tpu.dma_semaphore, #tpu.memory_space<semaphore_mem>>)
      %dma_wait3A = arith.constant 0 : i32
      %dma_wait3A_62 = tpu.memref_slice %arg18[%add3A_40, %dma_wait3A] : memref<10000x128xf32, #tpu.memory_space<vmem_shared>> -> memref<80x128xf32, #tpu.memory_space<vmem_shared>>
      %dma_wait3A_63 = arith.constant 0 : i32
      %dma_wait3A_64 = tpu.memref_slice %arg18[%add3A_40, %dma_wait3A_63] : memref<10000x128xf32, #tpu.memory_space<vmem_shared>> -> memref<80x128xf32, #tpu.memory_space<vmem_shared>>
      tpu.wait_dma2 semaphore(%run_scoped3A : memref<!tpu.dma_semaphore, #tpu.memory_space<semaphore_mem>>) src(%dma_wait3A_64 : memref<80x128xf32, #tpu.memory_space<vmem_shared>>) dst(%arg9 : memref<80x128xf32, #tpu.memory_space<vmem>>)
      tpu.yield
    }) : () -> ()
    %add3A_41 = arith.constant 240 : i32
    %add3A_42 = arith.addi %mul3A_2, %add3A_41 : i32
    "tpu.region"() ({
      %run_scoped3A = tpu.sem_alloc : memref<!tpu.dma_semaphore, #tpu.memory_space<semaphore_mem>>
      %dma_start3A = arith.constant 0 : i32
      %dma_start3A_59 = tpu.memref_slice %arg6[%arg0, %add3A_42, %dma_start3A] : memref<2x10000x128xf32, #tpu.memory_space<hbm>> -> memref<1x80x128xf32, #tpu.memory_space<hbm>>
      %dma_start3A_60 = tpu.memref_squeeze %dma_start3A_59 : memref<1x80x128xf32, #tpu.memory_space<hbm>> -> memref<80x128xf32, #tpu.memory_space<hbm>>
      %dma_start3A_61 = arith.constant 0 : i32
      %dma_start3A_62 = tpu.memref_slice %arg6[%arg0, %add3A_42, %dma_start3A_61] : memref<2x10000x128xf32, #tpu.memory_space<hbm>> -> memref<1x80x128xf32, #tpu.memory_space<hbm>>
      %dma_start3A_63 = tpu.memref_squeeze %dma_start3A_62 : memref<1x80x128xf32, #tpu.memory_space<hbm>> -> memref<80x128xf32, #tpu.memory_space<hbm>>
      tpu.enqueue_dma source(%arg9 : memref<80x128xf32, #tpu.memory_space<vmem>>) target(%dma_start3A_63 : memref<80x128xf32, #tpu.memory_space<hbm>>) target_semaphore(%run_scoped3A : memref<!tpu.dma_semaphore, #tpu.memory_space<semaphore_mem>>)
      %dma_wait3A = arith.constant 0 : i32
      %dma_wait3A_64 = tpu.memref_slice %arg6[%arg0, %add3A_42, %dma_wait3A] : memref<2x10000x128xf32, #tpu.memory_space<hbm>> -> memref<1x80x128xf32, #tpu.memory_space<hbm>>
      %dma_wait3A_65 = tpu.memref_squeeze %dma_wait3A_64 : memref<1x80x128xf32, #tpu.memory_space<hbm>> -> memref<80x128xf32, #tpu.memory_space<hbm>>
      %dma_wait3A_66 = arith.constant 0 : i32
      %dma_wait3A_67 = tpu.memref_slice %arg6[%arg0, %add3A_42, %dma_wait3A_66] : memref<2x10000x128xf32, #tpu.memory_space<hbm>> -> memref<1x80x128xf32, #tpu.memory_space<hbm>>
      %dma_wait3A_68 = tpu.memref_squeeze %dma_wait3A_67 : memref<1x80x128xf32, #tpu.memory_space<hbm>> -> memref<80x128xf32, #tpu.memory_space<hbm>>
      tpu.wait_dma2 semaphore(%run_scoped3A : memref<!tpu.dma_semaphore, #tpu.memory_space<semaphore_mem>>) src(%arg9 : memref<80x128xf32, #tpu.memory_space<vmem>>) dst(%dma_wait3A_68 : memref<80x128xf32, #tpu.memory_space<hbm>>)
      tpu.yield
    }) : () -> ()
    %add3A_43 = arith.constant 320 : i32
    %add3A_44 = arith.addi %mul3A_2, %add3A_43 : i32
    "tpu.region"() ({
      %run_scoped3A = tpu.sem_alloc : memref<!tpu.dma_semaphore, #tpu.memory_space<semaphore_mem>>
      %dma_start3A = arith.constant 0 : i32
      %dma_start3A_59 = tpu.memref_slice %arg18[%add3A_44, %dma_start3A] : memref<10000x128xf32, #tpu.memory_space<vmem_shared>> -> memref<80x128xf32, #tpu.memory_space<vmem_shared>>
      %dma_start3A_60 = arith.constant 0 : i32
      %dma_start3A_61 = tpu.memref_slice %arg18[%add3A_44, %dma_start3A_60] : memref<10000x128xf32, #tpu.memory_space<vmem_shared>> -> memref<80x128xf32, #tpu.memory_space<vmem_shared>>
      tpu.enqueue_dma source(%dma_start3A_61 : memref<80x128xf32, #tpu.memory_space<vmem_shared>>) target(%arg9 : memref<80x128xf32, #tpu.memory_space<vmem>>) target_semaphore(%run_scoped3A : memref<!tpu.dma_semaphore, #tpu.memory_space<semaphore_mem>>)
      %dma_wait3A = arith.constant 0 : i32
      %dma_wait3A_62 = tpu.memref_slice %arg18[%add3A_44, %dma_wait3A] : memref<10000x128xf32, #tpu.memory_space<vmem_shared>> -> memref<80x128xf32, #tpu.memory_space<vmem_shared>>
      %dma_wait3A_63 = arith.constant 0 : i32
      %dma_wait3A_64 = tpu.memref_slice %arg18[%add3A_44, %dma_wait3A_63] : memref<10000x128xf32, #tpu.memory_space<vmem_shared>> -> memref<80x128xf32, #tpu.memory_space<vmem_shared>>
      tpu.wait_dma2 semaphore(%run_scoped3A : memref<!tpu.dma_semaphore, #tpu.memory_space<semaphore_mem>>) src(%dma_wait3A_64 : memref<80x128xf32, #tpu.memory_space<vmem_shared>>) dst(%arg9 : memref<80x128xf32, #tpu.memory_space<vmem>>)
      tpu.yield
    }) : () -> ()
    %add3A_45 = arith.constant 320 : i32
    %add3A_46 = arith.addi %mul3A_2, %add3A_45 : i32
    "tpu.region"() ({
      %run_scoped3A = tpu.sem_alloc : memref<!tpu.dma_semaphore, #tpu.memory_space<semaphore_mem>>
      %dma_start3A = arith.constant 0 : i32
      %dma_start3A_59 = tpu.memref_slice %arg6[%arg0, %add3A_46, %dma_start3A] : memref<2x10000x128xf32, #tpu.memory_space<hbm>> -> memref<1x80x128xf32, #tpu.memory_space<hbm>>
      %dma_start3A_60 = tpu.memref_squeeze %dma_start3A_59 : memref<1x80x128xf32, #tpu.memory_space<hbm>> -> memref<80x128xf32, #tpu.memory_space<hbm>>
      %dma_start3A_61 = arith.constant 0 : i32
      %dma_start3A_62 = tpu.memref_slice %arg6[%arg0, %add3A_46, %dma_start3A_61] : memref<2x10000x128xf32, #tpu.memory_space<hbm>> -> memref<1x80x128xf32, #tpu.memory_space<hbm>>
      %dma_start3A_63 = tpu.memref_squeeze %dma_start3A_62 : memref<1x80x128xf32, #tpu.memory_space<hbm>> -> memref<80x128xf32, #tpu.memory_space<hbm>>
      tpu.enqueue_dma source(%arg9 : memref<80x128xf32, #tpu.memory_space<vmem>>) target(%dma_start3A_63 : memref<80x128xf32, #tpu.memory_space<hbm>>) target_semaphore(%run_scoped3A : memref<!tpu.dma_semaphore, #tpu.memory_space<semaphore_mem>>)
      %dma_wait3A = arith.constant 0 : i32
      %dma_wait3A_64 = tpu.memref_slice %arg6[%arg0, %add3A_46, %dma_wait3A] : memref<2x10000x128xf32, #tpu.memory_space<hbm>> -> memref<1x80x128xf32, #tpu.memory_space<hbm>>
      %dma_wait3A_65 = tpu.memref_squeeze %dma_wait3A_64 : memref<1x80x128xf32, #tpu.memory_space<hbm>> -> memref<80x128xf32, #tpu.memory_space<hbm>>
      %dma_wait3A_66 = arith.constant 0 : i32
      %dma_wait3A_67 = tpu.memref_slice %arg6[%arg0, %add3A_46, %dma_wait3A_66] : memref<2x10000x128xf32, #tpu.memory_space<hbm>> -> memref<1x80x128xf32, #tpu.memory_space<hbm>>
      %dma_wait3A_68 = tpu.memref_squeeze %dma_wait3A_67 : memref<1x80x128xf32, #tpu.memory_space<hbm>> -> memref<80x128xf32, #tpu.memory_space<hbm>>
      tpu.wait_dma2 semaphore(%run_scoped3A : memref<!tpu.dma_semaphore, #tpu.memory_space<semaphore_mem>>) src(%arg9 : memref<80x128xf32, #tpu.memory_space<vmem>>) dst(%dma_wait3A_68 : memref<80x128xf32, #tpu.memory_space<hbm>>)
      tpu.yield
    }) : () -> ()
    %add3A_47 = arith.constant 400 : i32
    %add3A_48 = arith.addi %mul3A_2, %add3A_47 : i32
    "tpu.region"() ({
      %run_scoped3A = tpu.sem_alloc : memref<!tpu.dma_semaphore, #tpu.memory_space<semaphore_mem>>
      %dma_start3A = arith.constant 0 : i32
      %dma_start3A_59 = tpu.memref_slice %arg18[%add3A_48, %dma_start3A] : memref<10000x128xf32, #tpu.memory_space<vmem_shared>> -> memref<80x128xf32, #tpu.memory_space<vmem_shared>>
      %dma_start3A_60 = arith.constant 0 : i32
      %dma_start3A_61 = tpu.memref_slice %arg18[%add3A_48, %dma_start3A_60] : memref<10000x128xf32, #tpu.memory_space<vmem_shared>> -> memref<80x128xf32, #tpu.memory_space<vmem_shared>>
      tpu.enqueue_dma source(%dma_start3A_61 : memref<80x128xf32, #tpu.memory_space<vmem_shared>>) target(%arg9 : memref<80x128xf32, #tpu.memory_space<vmem>>) target_semaphore(%run_scoped3A : memref<!tpu.dma_semaphore, #tpu.memory_space<semaphore_mem>>)
      %dma_wait3A = arith.constant 0 : i32
      %dma_wait3A_62 = tpu.memref_slice %arg18[%add3A_48, %dma_wait3A] : memref<10000x128xf32, #tpu.memory_space<vmem_shared>> -> memref<80x128xf32, #tpu.memory_space<vmem_shared>>
      %dma_wait3A_63 = arith.constant 0 : i32
      %dma_wait3A_64 = tpu.memref_slice %arg18[%add3A_48, %dma_wait3A_63] : memref<10000x128xf32, #tpu.memory_space<vmem_shared>> -> memref<80x128xf32, #tpu.memory_space<vmem_shared>>
      tpu.wait_dma2 semaphore(%run_scoped3A : memref<!tpu.dma_semaphore, #tpu.memory_space<semaphore_mem>>) src(%dma_wait3A_64 : memref<80x128xf32, #tpu.memory_space<vmem_shared>>) dst(%arg9 : memref<80x128xf32, #tpu.memory_space<vmem>>)
      tpu.yield
    }) : () -> ()
    %add3A_49 = arith.constant 400 : i32
    %add3A_50 = arith.addi %mul3A_2, %add3A_49 : i32
    "tpu.region"() ({
      %run_scoped3A = tpu.sem_alloc : memref<!tpu.dma_semaphore, #tpu.memory_space<semaphore_mem>>
      %dma_start3A = arith.constant 0 : i32
      %dma_start3A_59 = tpu.memref_slice %arg6[%arg0, %add3A_50, %dma_start3A] : memref<2x10000x128xf32, #tpu.memory_space<hbm>> -> memref<1x80x128xf32, #tpu.memory_space<hbm>>
      %dma_start3A_60 = tpu.memref_squeeze %dma_start3A_59 : memref<1x80x128xf32, #tpu.memory_space<hbm>> -> memref<80x128xf32, #tpu.memory_space<hbm>>
      %dma_start3A_61 = arith.constant 0 : i32
      %dma_start3A_62 = tpu.memref_slice %arg6[%arg0, %add3A_50, %dma_start3A_61] : memref<2x10000x128xf32, #tpu.memory_space<hbm>> -> memref<1x80x128xf32, #tpu.memory_space<hbm>>
      %dma_start3A_63 = tpu.memref_squeeze %dma_start3A_62 : memref<1x80x128xf32, #tpu.memory_space<hbm>> -> memref<80x128xf32, #tpu.memory_space<hbm>>
      tpu.enqueue_dma source(%arg9 : memref<80x128xf32, #tpu.memory_space<vmem>>) target(%dma_start3A_63 : memref<80x128xf32, #tpu.memory_space<hbm>>) target_semaphore(%run_scoped3A : memref<!tpu.dma_semaphore, #tpu.memory_space<semaphore_mem>>)
      %dma_wait3A = arith.constant 0 : i32
      %dma_wait3A_64 = tpu.memref_slice %arg6[%arg0, %add3A_50, %dma_wait3A] : memref<2x10000x128xf32, #tpu.memory_space<hbm>> -> memref<1x80x128xf32, #tpu.memory_space<hbm>>
      %dma_wait3A_65 = tpu.memref_squeeze %dma_wait3A_64 : memref<1x80x128xf32, #tpu.memory_space<hbm>> -> memref<80x128xf32, #tpu.memory_space<hbm>>
      %dma_wait3A_66 = arith.constant 0 : i32
      %dma_wait3A_67 = tpu.memref_slice %arg6[%arg0, %add3A_50, %dma_wait3A_66] : memref<2x10000x128xf32, #tpu.memory_space<hbm>> -> memref<1x80x128xf32, #tpu.memory_space<hbm>>
      %dma_wait3A_68 = tpu.memref_squeeze %dma_wait3A_67 : memref<1x80x128xf32, #tpu.memory_space<hbm>> -> memref<80x128xf32, #tpu.memory_space<hbm>>
      tpu.wait_dma2 semaphore(%run_scoped3A : memref<!tpu.dma_semaphore, #tpu.memory_space<semaphore_mem>>) src(%arg9 : memref<80x128xf32, #tpu.memory_space<vmem>>) dst(%dma_wait3A_68 : memref<80x128xf32, #tpu.memory_space<hbm>>)
      tpu.yield
    }) : () -> ()
    %add3A_51 = arith.constant 480 : i32
    %add3A_52 = arith.addi %mul3A_2, %add3A_51 : i32
    "tpu.region"() ({
      %run_scoped3A = tpu.sem_alloc : memref<!tpu.dma_semaphore, #tpu.memory_space<semaphore_mem>>
      %dma_start3A = arith.constant 0 : i32
      %dma_start3A_59 = tpu.memref_slice %arg18[%add3A_52, %dma_start3A] : memref<10000x128xf32, #tpu.memory_space<vmem_shared>> -> memref<80x128xf32, #tpu.memory_space<vmem_shared>>
      %dma_start3A_60 = arith.constant 0 : i32
      %dma_start3A_61 = tpu.memref_slice %arg18[%add3A_52, %dma_start3A_60] : memref<10000x128xf32, #tpu.memory_space<vmem_shared>> -> memref<80x128xf32, #tpu.memory_space<vmem_shared>>
      tpu.enqueue_dma source(%dma_start3A_61 : memref<80x128xf32, #tpu.memory_space<vmem_shared>>) target(%arg9 : memref<80x128xf32, #tpu.memory_space<vmem>>) target_semaphore(%run_scoped3A : memref<!tpu.dma_semaphore, #tpu.memory_space<semaphore_mem>>)
      %dma_wait3A = arith.constant 0 : i32
      %dma_wait3A_62 = tpu.memref_slice %arg18[%add3A_52, %dma_wait3A] : memref<10000x128xf32, #tpu.memory_space<vmem_shared>> -> memref<80x128xf32, #tpu.memory_space<vmem_shared>>
      %dma_wait3A_63 = arith.constant 0 : i32
      %dma_wait3A_64 = tpu.memref_slice %arg18[%add3A_52, %dma_wait3A_63] : memref<10000x128xf32, #tpu.memory_space<vmem_shared>> -> memref<80x128xf32, #tpu.memory_space<vmem_shared>>
      tpu.wait_dma2 semaphore(%run_scoped3A : memref<!tpu.dma_semaphore, #tpu.memory_space<semaphore_mem>>) src(%dma_wait3A_64 : memref<80x128xf32, #tpu.memory_space<vmem_shared>>) dst(%arg9 : memref<80x128xf32, #tpu.memory_space<vmem>>)
      tpu.yield
    }) : () -> ()
    %add3A_53 = arith.constant 480 : i32
    %add3A_54 = arith.addi %mul3A_2, %add3A_53 : i32
    "tpu.region"() ({
      %run_scoped3A = tpu.sem_alloc : memref<!tpu.dma_semaphore, #tpu.memory_space<semaphore_mem>>
      %dma_start3A = arith.constant 0 : i32
      %dma_start3A_59 = tpu.memref_slice %arg6[%arg0, %add3A_54, %dma_start3A] : memref<2x10000x128xf32, #tpu.memory_space<hbm>> -> memref<1x80x128xf32, #tpu.memory_space<hbm>>
      %dma_start3A_60 = tpu.memref_squeeze %dma_start3A_59 : memref<1x80x128xf32, #tpu.memory_space<hbm>> -> memref<80x128xf32, #tpu.memory_space<hbm>>
      %dma_start3A_61 = arith.constant 0 : i32
      %dma_start3A_62 = tpu.memref_slice %arg6[%arg0, %add3A_54, %dma_start3A_61] : memref<2x10000x128xf32, #tpu.memory_space<hbm>> -> memref<1x80x128xf32, #tpu.memory_space<hbm>>
      %dma_start3A_63 = tpu.memref_squeeze %dma_start3A_62 : memref<1x80x128xf32, #tpu.memory_space<hbm>> -> memref<80x128xf32, #tpu.memory_space<hbm>>
      tpu.enqueue_dma source(%arg9 : memref<80x128xf32, #tpu.memory_space<vmem>>) target(%dma_start3A_63 : memref<80x128xf32, #tpu.memory_space<hbm>>) target_semaphore(%run_scoped3A : memref<!tpu.dma_semaphore, #tpu.memory_space<semaphore_mem>>)
      %dma_wait3A = arith.constant 0 : i32
      %dma_wait3A_64 = tpu.memref_slice %arg6[%arg0, %add3A_54, %dma_wait3A] : memref<2x10000x128xf32, #tpu.memory_space<hbm>> -> memref<1x80x128xf32, #tpu.memory_space<hbm>>
      %dma_wait3A_65 = tpu.memref_squeeze %dma_wait3A_64 : memref<1x80x128xf32, #tpu.memory_space<hbm>> -> memref<80x128xf32, #tpu.memory_space<hbm>>
      %dma_wait3A_66 = arith.constant 0 : i32
      %dma_wait3A_67 = tpu.memref_slice %arg6[%arg0, %add3A_54, %dma_wait3A_66] : memref<2x10000x128xf32, #tpu.memory_space<hbm>> -> memref<1x80x128xf32, #tpu.memory_space<hbm>>
      %dma_wait3A_68 = tpu.memref_squeeze %dma_wait3A_67 : memref<1x80x128xf32, #tpu.memory_space<hbm>> -> memref<80x128xf32, #tpu.memory_space<hbm>>
      tpu.wait_dma2 semaphore(%run_scoped3A : memref<!tpu.dma_semaphore, #tpu.memory_space<semaphore_mem>>) src(%arg9 : memref<80x128xf32, #tpu.memory_space<vmem>>) dst(%dma_wait3A_68 : memref<80x128xf32, #tpu.memory_space<hbm>>)
      tpu.yield
    }) : () -> ()
    %add3A_55 = arith.constant 560 : i32
    %add3A_56 = arith.addi %mul3A_2, %add3A_55 : i32
    "tpu.region"() ({
      %run_scoped3A = tpu.sem_alloc : memref<!tpu.dma_semaphore, #tpu.memory_space<semaphore_mem>>
      %dma_start3A = arith.constant 0 : i32
      %dma_start3A_59 = arith.constant 0 : i32
      %dma_start3A_60 = tpu.memref_slice %arg9[%dma_start3A, %dma_start3A_59] : memref<80x128xf32, #tpu.memory_space<vmem>> -> memref<65x128xf32, #tpu.memory_space<vmem>>
      %dma_start3A_61 = arith.constant 0 : i32
      %dma_start3A_62 = tpu.memref_slice %arg18[%add3A_56, %dma_start3A_61] : memref<10000x128xf32, #tpu.memory_space<vmem_shared>> -> memref<65x128xf32, #tpu.memory_space<vmem_shared>>
      %dma_start3A_63 = arith.constant 0 : i32
      %dma_start3A_64 = arith.constant 0 : i32
      %dma_start3A_65 = tpu.memref_slice %arg9[%dma_start3A_63, %dma_start3A_64] : memref<80x128xf32, #tpu.memory_space<vmem>> -> memref<65x128xf32, #tpu.memory_space<vmem>>
      %dma_start3A_66 = arith.constant 0 : i32
      %dma_start3A_67 = tpu.memref_slice %arg18[%add3A_56, %dma_start3A_66] : memref<10000x128xf32, #tpu.memory_space<vmem_shared>> -> memref<65x128xf32, #tpu.memory_space<vmem_shared>>
      tpu.enqueue_dma source(%dma_start3A_67 : memref<65x128xf32, #tpu.memory_space<vmem_shared>>) target(%dma_start3A_65 : memref<65x128xf32, #tpu.memory_space<vmem>>) target_semaphore(%run_scoped3A : memref<!tpu.dma_semaphore, #tpu.memory_space<semaphore_mem>>)
      %dma_wait3A = arith.constant 0 : i32
      %dma_wait3A_68 = arith.constant 0 : i32
      %dma_wait3A_69 = tpu.memref_slice %arg9[%dma_wait3A, %dma_wait3A_68] : memref<80x128xf32, #tpu.memory_space<vmem>> -> memref<65x128xf32, #tpu.memory_space<vmem>>
      %dma_wait3A_70 = arith.constant 0 : i32
      %dma_wait3A_71 = tpu.memref_slice %arg18[%add3A_56, %dma_wait3A_70] : memref<10000x128xf32, #tpu.memory_space<vmem_shared>> -> memref<65x128xf32, #tpu.memory_space<vmem_shared>>
      %dma_wait3A_72 = arith.constant 0 : i32
      %dma_wait3A_73 = arith.constant 0 : i32
      %dma_wait3A_74 = tpu.memref_slice %arg9[%dma_wait3A_72, %dma_wait3A_73] : memref<80x128xf32, #tpu.memory_space<vmem>> -> memref<65x128xf32, #tpu.memory_space<vmem>>
      %dma_wait3A_75 = arith.constant 0 : i32
      %dma_wait3A_76 = tpu.memref_slice %arg18[%add3A_56, %dma_wait3A_75] : memref<10000x128xf32, #tpu.memory_space<vmem_shared>> -> memref<65x128xf32, #tpu.memory_space<vmem_shared>>
      tpu.wait_dma2 semaphore(%run_scoped3A : memref<!tpu.dma_semaphore, #tpu.memory_space<semaphore_mem>>) src(%dma_wait3A_76 : memref<65x128xf32, #tpu.memory_space<vmem_shared>>) dst(%dma_wait3A_74 : memref<65x128xf32, #tpu.memory_space<vmem>>)
      tpu.yield
    }) : () -> ()
    %add3A_57 = arith.constant 560 : i32
    %add3A_58 = arith.addi %mul3A_2, %add3A_57 : i32
    "tpu.region"() ({
      %run_scoped3A = tpu.sem_alloc : memref<!tpu.dma_semaphore, #tpu.memory_space<semaphore_mem>>
      %dma_start3A = arith.constant 0 : i32
      %dma_start3A_59 = arith.constant 0 : i32
      %dma_start3A_60 = tpu.memref_slice %arg9[%dma_start3A, %dma_start3A_59] : memref<80x128xf32, #tpu.memory_space<vmem>> -> memref<65x128xf32, #tpu.memory_space<vmem>>
      %dma_start3A_61 = arith.constant 0 : i32
      %dma_start3A_62 = tpu.memref_slice %arg6[%arg0, %add3A_58, %dma_start3A_61] : memref<2x10000x128xf32, #tpu.memory_space<hbm>> -> memref<1x65x128xf32, #tpu.memory_space<hbm>>
      %dma_start3A_63 = tpu.memref_squeeze %dma_start3A_62 : memref<1x65x128xf32, #tpu.memory_space<hbm>> -> memref<65x128xf32, #tpu.memory_space<hbm>>
      %dma_start3A_64 = arith.constant 0 : i32
      %dma_start3A_65 = tpu.memref_slice %arg6[%arg0, %add3A_58, %dma_start3A_64] : memref<2x10000x128xf32, #tpu.memory_space<hbm>> -> memref<1x65x128xf32, #tpu.memory_space<hbm>>
      %dma_start3A_66 = tpu.memref_squeeze %dma_start3A_65 : memref<1x65x128xf32, #tpu.memory_space<hbm>> -> memref<65x128xf32, #tpu.memory_space<hbm>>
      %dma_start3A_67 = arith.constant 0 : i32
      %dma_start3A_68 = arith.constant 0 : i32
      %dma_start3A_69 = tpu.memref_slice %arg9[%dma_start3A_67, %dma_start3A_68] : memref<80x128xf32, #tpu.memory_space<vmem>> -> memref<65x128xf32, #tpu.memory_space<vmem>>
      tpu.enqueue_dma source(%dma_start3A_69 : memref<65x128xf32, #tpu.memory_space<vmem>>) target(%dma_start3A_66 : memref<65x128xf32, #tpu.memory_space<hbm>>) target_semaphore(%run_scoped3A : memref<!tpu.dma_semaphore, #tpu.memory_space<semaphore_mem>>)
      %dma_wait3A = arith.constant 0 : i32
      %dma_wait3A_70 = arith.constant 0 : i32
      %dma_wait3A_71 = tpu.memref_slice %arg9[%dma_wait3A, %dma_wait3A_70] : memref<80x128xf32, #tpu.memory_space<vmem>> -> memref<65x128xf32, #tpu.memory_space<vmem>>
      %dma_wait3A_72 = arith.constant 0 : i32
      %dma_wait3A_73 = tpu.memref_slice %arg6[%arg0, %add3A_58, %dma_wait3A_72] : memref<2x10000x128xf32, #tpu.memory_space<hbm>> -> memref<1x65x128xf32, #tpu.memory_space<hbm>>
      %dma_wait3A_74 = tpu.memref_squeeze %dma_wait3A_73 : memref<1x65x128xf32, #tpu.memory_space<hbm>> -> memref<65x128xf32, #tpu.memory_space<hbm>>
      %dma_wait3A_75 = arith.constant 0 : i32
      %dma_wait3A_76 = tpu.memref_slice %arg6[%arg0, %add3A_58, %dma_wait3A_75] : memref<2x10000x128xf32, #tpu.memory_space<hbm>> -> memref<1x65x128xf32, #tpu.memory_space<hbm>>
      %dma_wait3A_77 = tpu.memref_squeeze %dma_wait3A_76 : memref<1x65x128xf32, #tpu.memory_space<hbm>> -> memref<65x128xf32, #tpu.memory_space<hbm>>
      %dma_wait3A_78 = arith.constant 0 : i32
      %dma_wait3A_79 = arith.constant 0 : i32
      %dma_wait3A_80 = tpu.memref_slice %arg9[%dma_wait3A_78, %dma_wait3A_79] : memref<80x128xf32, #tpu.memory_space<vmem>> -> memref<65x128xf32, #tpu.memory_space<vmem>>
      tpu.wait_dma2 semaphore(%run_scoped3A : memref<!tpu.dma_semaphore, #tpu.memory_space<semaphore_mem>>) src(%dma_wait3A_80 : memref<65x128xf32, #tpu.memory_space<vmem>>) dst(%dma_wait3A_77 : memref<65x128xf32, #tpu.memory_space<hbm>>)
      tpu.yield
    }) : () -> ()
    return
  }
}

#map = affine_map<(d0, d1) -> (0, 0)>
#map1 = affine_map<(d0, d1) -> (0)>
#map2 = affine_map<(d0, d1) -> (0, 0, 0)>
module attributes {stable_mosaic.version = 14 : i64} {
  func.func @_agg_body(%arg0: i32, %arg1: i32, %arg2: memref<10000x128xf32, #tpu.memory_space<hbm>>, %arg3: memref<320000xi32, #tpu.memory_space<hbm>>, %arg4: memref<32x125x80xi32, #tpu.memory_space<hbm>>, %arg5: memref<80x128xf32, #tpu.memory_space<hbm>>, %arg6: memref<2x10000x128xf32, #tpu.memory_space<hbm>>, %arg7: memref<10000xi32, #tpu.memory_space<vmem>>, %arg8: memref<125x80xi32, #tpu.memory_space<vmem>>, %arg9: memref<80x128xf32, #tpu.memory_space<vmem>>, %arg10: memref<80x128xf32, #tpu.memory_space<vmem>>, %arg11: memref<80x128xf32, #tpu.memory_space<vmem>>, %arg12: memref<!tpu.dma_semaphore, #tpu.memory_space<semaphore_mem>>, %arg13: memref<!tpu.dma_semaphore, #tpu.memory_space<semaphore_mem>>, %arg14: memref<!tpu.dma_semaphore, #tpu.memory_space<semaphore_mem>>, %arg15: memref<!tpu.dma_semaphore, #tpu.memory_space<semaphore_mem>>, %arg16: memref<!tpu.dma_semaphore, #tpu.memory_space<semaphore_mem>>, %arg17: memref<!tpu.dma_semaphore, #tpu.memory_space<semaphore_mem>>, %arg18: memref<10000x128xf32, #tpu.memory_space<vmem_shared>>) attributes {dimension_semantics = [#tpu.dimension_semantics<core_parallel>, #tpu.dimension_semantics<subcore_parallel>], iteration_bounds = array<i64: 2, 16>, scalar_prefetch = 0 : i64, scratch_operands = 12 : i64, tpu.core_type = #tpu.core_type<sc_vector_subcore>, window_params = [{transform_indices = #map}, {transform_indices = #map1}, {transform_indices = #map2}, {transform_indices = #map}, {transform_indices = #map2}]} {
    %mul3A = arith.constant 16 : i32
    %mul3A_0 = arith.muli %arg0, %mul3A : i32
    %add3A = arith.addi %mul3A_0, %arg1 : i32
    %mul3A_1 = arith.constant 625 : i32
    %mul3A_2 = arith.muli %arg1, %mul3A_1 : i32
    "tpu.region"() ({
      %run_scoped3A = tpu.sem_alloc : memref<!tpu.dma_semaphore, #tpu.memory_space<semaphore_mem>>
      tpu.enqueue_dma source(%arg5 : memref<80x128xf32, #tpu.memory_space<hbm>>) target(%arg9 : memref<80x128xf32, #tpu.memory_space<vmem>>) target_semaphore(%run_scoped3A : memref<!tpu.dma_semaphore, #tpu.memory_space<semaphore_mem>>)
      tpu.wait_dma2 semaphore(%run_scoped3A : memref<!tpu.dma_semaphore, #tpu.memory_space<semaphore_mem>>) src(%arg5 : memref<80x128xf32, #tpu.memory_space<hbm>>) dst(%arg9 : memref<80x128xf32, #tpu.memory_space<vmem>>)
      tpu.yield
    }) : () -> ()
    %add3A_3 = arith.constant 0 : i32
    %add3A_4 = arith.addi %mul3A_2, %add3A_3 : i32
    "tpu.region"() ({
      %run_scoped3A = tpu.sem_alloc : memref<!tpu.dma_semaphore, #tpu.memory_space<semaphore_mem>>
      %dma_start3A = arith.constant 0 : i32
      %dma_start3A_59 = tpu.memref_slice %arg18[%add3A_4, %dma_start3A] : memref<10000x128xf32, #tpu.memory_space<vmem_shared>> -> memref<80x128xf32, #tpu.memory_space<vmem_shared>>
      %dma_start3A_60 = arith.constant 0 : i32
      %dma_start3A_61 = tpu.memref_slice %arg18[%add3A_4, %dma_start3A_60] : memref<10000x128xf32, #tpu.memory_space<vmem_shared>> -> memref<80x128xf32, #tpu.memory_space<vmem_shared>>
      tpu.enqueue_dma source(%arg9 : memref<80x128xf32, #tpu.memory_space<vmem>>) target(%dma_start3A_61 : memref<80x128xf32, #tpu.memory_space<vmem_shared>>) target_semaphore(%run_scoped3A : memref<!tpu.dma_semaphore, #tpu.memory_space<semaphore_mem>>)
      %dma_wait3A = arith.constant 0 : i32
      %dma_wait3A_62 = tpu.memref_slice %arg18[%add3A_4, %dma_wait3A] : memref<10000x128xf32, #tpu.memory_space<vmem_shared>> -> memref<80x128xf32, #tpu.memory_space<vmem_shared>>
      %dma_wait3A_63 = arith.constant 0 : i32
      %dma_wait3A_64 = tpu.memref_slice %arg18[%add3A_4, %dma_wait3A_63] : memref<10000x128xf32, #tpu.memory_space<vmem_shared>> -> memref<80x128xf32, #tpu.memory_space<vmem_shared>>
      tpu.wait_dma2 semaphore(%run_scoped3A : memref<!tpu.dma_semaphore, #tpu.memory_space<semaphore_mem>>) src(%arg9 : memref<80x128xf32, #tpu.memory_space<vmem>>) dst(%dma_wait3A_64 : memref<80x128xf32, #tpu.memory_space<vmem_shared>>)
      tpu.yield
    }) : () -> ()
    %add3A_5 = arith.constant 80 : i32
    %add3A_6 = arith.addi %mul3A_2, %add3A_5 : i32
    "tpu.region"() ({
      %run_scoped3A = tpu.sem_alloc : memref<!tpu.dma_semaphore, #tpu.memory_space<semaphore_mem>>
      %dma_start3A = arith.constant 0 : i32
      %dma_start3A_59 = tpu.memref_slice %arg18[%add3A_6, %dma_start3A] : memref<10000x128xf32, #tpu.memory_space<vmem_shared>> -> memref<80x128xf32, #tpu.memory_space<vmem_shared>>
      %dma_start3A_60 = arith.constant 0 : i32
      %dma_start3A_61 = tpu.memref_slice %arg18[%add3A_6, %dma_start3A_60] : memref<10000x128xf32, #tpu.memory_space<vmem_shared>> -> memref<80x128xf32, #tpu.memory_space<vmem_shared>>
      tpu.enqueue_dma source(%arg9 : memref<80x128xf32, #tpu.memory_space<vmem>>) target(%dma_start3A_61 : memref<80x128xf32, #tpu.memory_space<vmem_shared>>) target_semaphore(%run_scoped3A : memref<!tpu.dma_semaphore, #tpu.memory_space<semaphore_mem>>)
      %dma_wait3A = arith.constant 0 : i32
      %dma_wait3A_62 = tpu.memref_slice %arg18[%add3A_6, %dma_wait3A] : memref<10000x128xf32, #tpu.memory_space<vmem_shared>> -> memref<80x128xf32, #tpu.memory_space<vmem_shared>>
      %dma_wait3A_63 = arith.constant 0 : i32
      %dma_wait3A_64 = tpu.memref_slice %arg18[%add3A_6, %dma_wait3A_63] : memref<10000x128xf32, #tpu.memory_space<vmem_shared>> -> memref<80x128xf32, #tpu.memory_space<vmem_shared>>
      tpu.wait_dma2 semaphore(%run_scoped3A : memref<!tpu.dma_semaphore, #tpu.memory_space<semaphore_mem>>) src(%arg9 : memref<80x128xf32, #tpu.memory_space<vmem>>) dst(%dma_wait3A_64 : memref<80x128xf32, #tpu.memory_space<vmem_shared>>)
      tpu.yield
    }) : () -> ()
    %add3A_7 = arith.constant 160 : i32
    %add3A_8 = arith.addi %mul3A_2, %add3A_7 : i32
    "tpu.region"() ({
      %run_scoped3A = tpu.sem_alloc : memref<!tpu.dma_semaphore, #tpu.memory_space<semaphore_mem>>
      %dma_start3A = arith.constant 0 : i32
      %dma_start3A_59 = tpu.memref_slice %arg18[%add3A_8, %dma_start3A] : memref<10000x128xf32, #tpu.memory_space<vmem_shared>> -> memref<80x128xf32, #tpu.memory_space<vmem_shared>>
      %dma_start3A_60 = arith.constant 0 : i32
      %dma_start3A_61 = tpu.memref_slice %arg18[%add3A_8, %dma_start3A_60] : memref<10000x128xf32, #tpu.memory_space<vmem_shared>> -> memref<80x128xf32, #tpu.memory_space<vmem_shared>>
      tpu.enqueue_dma source(%arg9 : memref<80x128xf32, #tpu.memory_space<vmem>>) target(%dma_start3A_61 : memref<80x128xf32, #tpu.memory_space<vmem_shared>>) target_semaphore(%run_scoped3A : memref<!tpu.dma_semaphore, #tpu.memory_space<semaphore_mem>>)
      %dma_wait3A = arith.constant 0 : i32
      %dma_wait3A_62 = tpu.memref_slice %arg18[%add3A_8, %dma_wait3A] : memref<10000x128xf32, #tpu.memory_space<vmem_shared>> -> memref<80x128xf32, #tpu.memory_space<vmem_shared>>
      %dma_wait3A_63 = arith.constant 0 : i32
      %dma_wait3A_64 = tpu.memref_slice %arg18[%add3A_8, %dma_wait3A_63] : memref<10000x128xf32, #tpu.memory_space<vmem_shared>> -> memref<80x128xf32, #tpu.memory_space<vmem_shared>>
      tpu.wait_dma2 semaphore(%run_scoped3A : memref<!tpu.dma_semaphore, #tpu.memory_space<semaphore_mem>>) src(%arg9 : memref<80x128xf32, #tpu.memory_space<vmem>>) dst(%dma_wait3A_64 : memref<80x128xf32, #tpu.memory_space<vmem_shared>>)
      tpu.yield
    }) : () -> ()
    %add3A_9 = arith.constant 240 : i32
    %add3A_10 = arith.addi %mul3A_2, %add3A_9 : i32
    "tpu.region"() ({
      %run_scoped3A = tpu.sem_alloc : memref<!tpu.dma_semaphore, #tpu.memory_space<semaphore_mem>>
      %dma_start3A = arith.constant 0 : i32
      %dma_start3A_59 = tpu.memref_slice %arg18[%add3A_10, %dma_start3A] : memref<10000x128xf32, #tpu.memory_space<vmem_shared>> -> memref<80x128xf32, #tpu.memory_space<vmem_shared>>
      %dma_start3A_60 = arith.constant 0 : i32
      %dma_start3A_61 = tpu.memref_slice %arg18[%add3A_10, %dma_start3A_60] : memref<10000x128xf32, #tpu.memory_space<vmem_shared>> -> memref<80x128xf32, #tpu.memory_space<vmem_shared>>
      tpu.enqueue_dma source(%arg9 : memref<80x128xf32, #tpu.memory_space<vmem>>) target(%dma_start3A_61 : memref<80x128xf32, #tpu.memory_space<vmem_shared>>) target_semaphore(%run_scoped3A : memref<!tpu.dma_semaphore, #tpu.memory_space<semaphore_mem>>)
      %dma_wait3A = arith.constant 0 : i32
      %dma_wait3A_62 = tpu.memref_slice %arg18[%add3A_10, %dma_wait3A] : memref<10000x128xf32, #tpu.memory_space<vmem_shared>> -> memref<80x128xf32, #tpu.memory_space<vmem_shared>>
      %dma_wait3A_63 = arith.constant 0 : i32
      %dma_wait3A_64 = tpu.memref_slice %arg18[%add3A_10, %dma_wait3A_63] : memref<10000x128xf32, #tpu.memory_space<vmem_shared>> -> memref<80x128xf32, #tpu.memory_space<vmem_shared>>
      tpu.wait_dma2 semaphore(%run_scoped3A : memref<!tpu.dma_semaphore, #tpu.memory_space<semaphore_mem>>) src(%arg9 : memref<80x128xf32, #tpu.memory_space<vmem>>) dst(%dma_wait3A_64 : memref<80x128xf32, #tpu.memory_space<vmem_shared>>)
      tpu.yield
    }) : () -> ()
    %add3A_11 = arith.constant 320 : i32
    %add3A_12 = arith.addi %mul3A_2, %add3A_11 : i32
    "tpu.region"() ({
      %run_scoped3A = tpu.sem_alloc : memref<!tpu.dma_semaphore, #tpu.memory_space<semaphore_mem>>
      %dma_start3A = arith.constant 0 : i32
      %dma_start3A_59 = tpu.memref_slice %arg18[%add3A_12, %dma_start3A] : memref<10000x128xf32, #tpu.memory_space<vmem_shared>> -> memref<80x128xf32, #tpu.memory_space<vmem_shared>>
      %dma_start3A_60 = arith.constant 0 : i32
      %dma_start3A_61 = tpu.memref_slice %arg18[%add3A_12, %dma_start3A_60] : memref<10000x128xf32, #tpu.memory_space<vmem_shared>> -> memref<80x128xf32, #tpu.memory_space<vmem_shared>>
      tpu.enqueue_dma source(%arg9 : memref<80x128xf32, #tpu.memory_space<vmem>>) target(%dma_start3A_61 : memref<80x128xf32, #tpu.memory_space<vmem_shared>>) target_semaphore(%run_scoped3A : memref<!tpu.dma_semaphore, #tpu.memory_space<semaphore_mem>>)
      %dma_wait3A = arith.constant 0 : i32
      %dma_wait3A_62 = tpu.memref_slice %arg18[%add3A_12, %dma_wait3A] : memref<10000x128xf32, #tpu.memory_space<vmem_shared>> -> memref<80x128xf32, #tpu.memory_space<vmem_shared>>
      %dma_wait3A_63 = arith.constant 0 : i32
      %dma_wait3A_64 = tpu.memref_slice %arg18[%add3A_12, %dma_wait3A_63] : memref<10000x128xf32, #tpu.memory_space<vmem_shared>> -> memref<80x128xf32, #tpu.memory_space<vmem_shared>>
      tpu.wait_dma2 semaphore(%run_scoped3A : memref<!tpu.dma_semaphore, #tpu.memory_space<semaphore_mem>>) src(%arg9 : memref<80x128xf32, #tpu.memory_space<vmem>>) dst(%dma_wait3A_64 : memref<80x128xf32, #tpu.memory_space<vmem_shared>>)
      tpu.yield
    }) : () -> ()
    %add3A_13 = arith.constant 400 : i32
    %add3A_14 = arith.addi %mul3A_2, %add3A_13 : i32
    "tpu.region"() ({
      %run_scoped3A = tpu.sem_alloc : memref<!tpu.dma_semaphore, #tpu.memory_space<semaphore_mem>>
      %dma_start3A = arith.constant 0 : i32
      %dma_start3A_59 = tpu.memref_slice %arg18[%add3A_14, %dma_start3A] : memref<10000x128xf32, #tpu.memory_space<vmem_shared>> -> memref<80x128xf32, #tpu.memory_space<vmem_shared>>
      %dma_start3A_60 = arith.constant 0 : i32
      %dma_start3A_61 = tpu.memref_slice %arg18[%add3A_14, %dma_start3A_60] : memref<10000x128xf32, #tpu.memory_space<vmem_shared>> -> memref<80x128xf32, #tpu.memory_space<vmem_shared>>
      tpu.enqueue_dma source(%arg9 : memref<80x128xf32, #tpu.memory_space<vmem>>) target(%dma_start3A_61 : memref<80x128xf32, #tpu.memory_space<vmem_shared>>) target_semaphore(%run_scoped3A : memref<!tpu.dma_semaphore, #tpu.memory_space<semaphore_mem>>)
      %dma_wait3A = arith.constant 0 : i32
      %dma_wait3A_62 = tpu.memref_slice %arg18[%add3A_14, %dma_wait3A] : memref<10000x128xf32, #tpu.memory_space<vmem_shared>> -> memref<80x128xf32, #tpu.memory_space<vmem_shared>>
      %dma_wait3A_63 = arith.constant 0 : i32
      %dma_wait3A_64 = tpu.memref_slice %arg18[%add3A_14, %dma_wait3A_63] : memref<10000x128xf32, #tpu.memory_space<vmem_shared>> -> memref<80x128xf32, #tpu.memory_space<vmem_shared>>
      tpu.wait_dma2 semaphore(%run_scoped3A : memref<!tpu.dma_semaphore, #tpu.memory_space<semaphore_mem>>) src(%arg9 : memref<80x128xf32, #tpu.memory_space<vmem>>) dst(%dma_wait3A_64 : memref<80x128xf32, #tpu.memory_space<vmem_shared>>)
      tpu.yield
    }) : () -> ()
    %add3A_15 = arith.constant 480 : i32
    %add3A_16 = arith.addi %mul3A_2, %add3A_15 : i32
    "tpu.region"() ({
      %run_scoped3A = tpu.sem_alloc : memref<!tpu.dma_semaphore, #tpu.memory_space<semaphore_mem>>
      %dma_start3A = arith.constant 0 : i32
      %dma_start3A_59 = tpu.memref_slice %arg18[%add3A_16, %dma_start3A] : memref<10000x128xf32, #tpu.memory_space<vmem_shared>> -> memref<80x128xf32, #tpu.memory_space<vmem_shared>>
      %dma_start3A_60 = arith.constant 0 : i32
      %dma_start3A_61 = tpu.memref_slice %arg18[%add3A_16, %dma_start3A_60] : memref<10000x128xf32, #tpu.memory_space<vmem_shared>> -> memref<80x128xf32, #tpu.memory_space<vmem_shared>>
      tpu.enqueue_dma source(%arg9 : memref<80x128xf32, #tpu.memory_space<vmem>>) target(%dma_start3A_61 : memref<80x128xf32, #tpu.memory_space<vmem_shared>>) target_semaphore(%run_scoped3A : memref<!tpu.dma_semaphore, #tpu.memory_space<semaphore_mem>>)
      %dma_wait3A = arith.constant 0 : i32
      %dma_wait3A_62 = tpu.memref_slice %arg18[%add3A_16, %dma_wait3A] : memref<10000x128xf32, #tpu.memory_space<vmem_shared>> -> memref<80x128xf32, #tpu.memory_space<vmem_shared>>
      %dma_wait3A_63 = arith.constant 0 : i32
      %dma_wait3A_64 = tpu.memref_slice %arg18[%add3A_16, %dma_wait3A_63] : memref<10000x128xf32, #tpu.memory_space<vmem_shared>> -> memref<80x128xf32, #tpu.memory_space<vmem_shared>>
      tpu.wait_dma2 semaphore(%run_scoped3A : memref<!tpu.dma_semaphore, #tpu.memory_space<semaphore_mem>>) src(%arg9 : memref<80x128xf32, #tpu.memory_space<vmem>>) dst(%dma_wait3A_64 : memref<80x128xf32, #tpu.memory_space<vmem_shared>>)
      tpu.yield
    }) : () -> ()
    %add3A_17 = arith.constant 560 : i32
    %add3A_18 = arith.addi %mul3A_2, %add3A_17 : i32
    "tpu.region"() ({
      %run_scoped3A = tpu.sem_alloc : memref<!tpu.dma_semaphore, #tpu.memory_space<semaphore_mem>>
      %dma_start3A = arith.constant 0 : i32
      %dma_start3A_59 = arith.constant 0 : i32
      %dma_start3A_60 = tpu.memref_slice %arg9[%dma_start3A, %dma_start3A_59] : memref<80x128xf32, #tpu.memory_space<vmem>> -> memref<65x128xf32, #tpu.memory_space<vmem>>
      %dma_start3A_61 = arith.constant 0 : i32
      %dma_start3A_62 = tpu.memref_slice %arg18[%add3A_18, %dma_start3A_61] : memref<10000x128xf32, #tpu.memory_space<vmem_shared>> -> memref<65x128xf32, #tpu.memory_space<vmem_shared>>
      %dma_start3A_63 = arith.constant 0 : i32
      %dma_start3A_64 = tpu.memref_slice %arg18[%add3A_18, %dma_start3A_63] : memref<10000x128xf32, #tpu.memory_space<vmem_shared>> -> memref<65x128xf32, #tpu.memory_space<vmem_shared>>
      %dma_start3A_65 = arith.constant 0 : i32
      %dma_start3A_66 = arith.constant 0 : i32
      %dma_start3A_67 = tpu.memref_slice %arg9[%dma_start3A_65, %dma_start3A_66] : memref<80x128xf32, #tpu.memory_space<vmem>> -> memref<65x128xf32, #tpu.memory_space<vmem>>
      tpu.enqueue_dma source(%dma_start3A_67 : memref<65x128xf32, #tpu.memory_space<vmem>>) target(%dma_start3A_64 : memref<65x128xf32, #tpu.memory_space<vmem_shared>>) target_semaphore(%run_scoped3A : memref<!tpu.dma_semaphore, #tpu.memory_space<semaphore_mem>>)
      %dma_wait3A = arith.constant 0 : i32
      %dma_wait3A_68 = arith.constant 0 : i32
      %dma_wait3A_69 = tpu.memref_slice %arg9[%dma_wait3A, %dma_wait3A_68] : memref<80x128xf32, #tpu.memory_space<vmem>> -> memref<65x128xf32, #tpu.memory_space<vmem>>
      %dma_wait3A_70 = arith.constant 0 : i32
      %dma_wait3A_71 = tpu.memref_slice %arg18[%add3A_18, %dma_wait3A_70] : memref<10000x128xf32, #tpu.memory_space<vmem_shared>> -> memref<65x128xf32, #tpu.memory_space<vmem_shared>>
      %dma_wait3A_72 = arith.constant 0 : i32
      %dma_wait3A_73 = tpu.memref_slice %arg18[%add3A_18, %dma_wait3A_72] : memref<10000x128xf32, #tpu.memory_space<vmem_shared>> -> memref<65x128xf32, #tpu.memory_space<vmem_shared>>
      %dma_wait3A_74 = arith.constant 0 : i32
      %dma_wait3A_75 = arith.constant 0 : i32
      %dma_wait3A_76 = tpu.memref_slice %arg9[%dma_wait3A_74, %dma_wait3A_75] : memref<80x128xf32, #tpu.memory_space<vmem>> -> memref<65x128xf32, #tpu.memory_space<vmem>>
      tpu.wait_dma2 semaphore(%run_scoped3A : memref<!tpu.dma_semaphore, #tpu.memory_space<semaphore_mem>>) src(%dma_wait3A_76 : memref<65x128xf32, #tpu.memory_space<vmem>>) dst(%dma_wait3A_73 : memref<65x128xf32, #tpu.memory_space<vmem_shared>>)
      tpu.yield
    }) : () -> ()
    %mul3A_19 = arith.constant 10000 : i32
    %mul3A_20 = arith.muli %add3A, %mul3A_19 : i32
    "tpu.region"() ({
      %run_scoped3A = tpu.sem_alloc : memref<!tpu.dma_semaphore, #tpu.memory_space<semaphore_mem>>
      %dma_start3A = tpu.memref_slice %arg3[%mul3A_20] : memref<320000xi32, #tpu.memory_space<hbm>> -> memref<10000xi32, #tpu.memory_space<hbm>>
      %dma_start3A_59 = tpu.memref_slice %arg3[%mul3A_20] : memref<320000xi32, #tpu.memory_space<hbm>> -> memref<10000xi32, #tpu.memory_space<hbm>>
      tpu.enqueue_dma source(%dma_start3A_59 : memref<10000xi32, #tpu.memory_space<hbm>>) target(%arg7 : memref<10000xi32, #tpu.memory_space<vmem>>) target_semaphore(%run_scoped3A : memref<!tpu.dma_semaphore, #tpu.memory_space<semaphore_mem>>)
      %dma_wait3A = tpu.memref_slice %arg3[%mul3A_20] : memref<320000xi32, #tpu.memory_space<hbm>> -> memref<10000xi32, #tpu.memory_space<hbm>>
      %dma_wait3A_60 = tpu.memref_slice %arg3[%mul3A_20] : memref<320000xi32, #tpu.memory_space<hbm>> -> memref<10000xi32, #tpu.memory_space<hbm>>
      tpu.wait_dma2 semaphore(%run_scoped3A : memref<!tpu.dma_semaphore, #tpu.memory_space<semaphore_mem>>) src(%dma_wait3A_60 : memref<10000xi32, #tpu.memory_space<hbm>>) dst(%arg7 : memref<10000xi32, #tpu.memory_space<vmem>>)
      tpu.yield
    }) : () -> ()
    "tpu.region"() ({
      %run_scoped3A = tpu.sem_alloc : memref<!tpu.dma_semaphore, #tpu.memory_space<semaphore_mem>>
      %dma_start3A = arith.constant 0 : i32
      %dma_start3A_59 = arith.constant 0 : i32
      %dma_start3A_60 = tpu.memref_slice %arg4[%add3A, %dma_start3A, %dma_start3A_59] : memref<32x125x80xi32, #tpu.memory_space<hbm>> -> memref<1x125x80xi32, #tpu.memory_space<hbm>>
      %dma_start3A_61 = tpu.memref_squeeze %dma_start3A_60 : memref<1x125x80xi32, #tpu.memory_space<hbm>> -> memref<125x80xi32, #tpu.memory_space<hbm>>
      %dma_start3A_62 = arith.constant 0 : i32
      %dma_start3A_63 = arith.constant 0 : i32
      %dma_start3A_64 = tpu.memref_slice %arg4[%add3A, %dma_start3A_62, %dma_start3A_63] : memref<32x125x80xi32, #tpu.memory_space<hbm>> -> memref<1x125x80xi32, #tpu.memory_space<hbm>>
      %dma_start3A_65 = tpu.memref_squeeze %dma_start3A_64 : memref<1x125x80xi32, #tpu.memory_space<hbm>> -> memref<125x80xi32, #tpu.memory_space<hbm>>
      tpu.enqueue_dma source(%dma_start3A_65 : memref<125x80xi32, #tpu.memory_space<hbm>>) target(%arg8 : memref<125x80xi32, #tpu.memory_space<vmem>>) target_semaphore(%run_scoped3A : memref<!tpu.dma_semaphore, #tpu.memory_space<semaphore_mem>>)
      %dma_wait3A = arith.constant 0 : i32
      %dma_wait3A_66 = arith.constant 0 : i32
      %dma_wait3A_67 = tpu.memref_slice %arg4[%add3A, %dma_wait3A, %dma_wait3A_66] : memref<32x125x80xi32, #tpu.memory_space<hbm>> -> memref<1x125x80xi32, #tpu.memory_space<hbm>>
      %dma_wait3A_68 = tpu.memref_squeeze %dma_wait3A_67 : memref<1x125x80xi32, #tpu.memory_space<hbm>> -> memref<125x80xi32, #tpu.memory_space<hbm>>
      %dma_wait3A_69 = arith.constant 0 : i32
      %dma_wait3A_70 = arith.constant 0 : i32
      %dma_wait3A_71 = tpu.memref_slice %arg4[%add3A, %dma_wait3A_69, %dma_wait3A_70] : memref<32x125x80xi32, #tpu.memory_space<hbm>> -> memref<1x125x80xi32, #tpu.memory_space<hbm>>
      %dma_wait3A_72 = tpu.memref_squeeze %dma_wait3A_71 : memref<1x125x80xi32, #tpu.memory_space<hbm>> -> memref<125x80xi32, #tpu.memory_space<hbm>>
      tpu.wait_dma2 semaphore(%run_scoped3A : memref<!tpu.dma_semaphore, #tpu.memory_space<semaphore_mem>>) src(%dma_wait3A_72 : memref<125x80xi32, #tpu.memory_space<hbm>>) dst(%arg8 : memref<125x80xi32, #tpu.memory_space<vmem>>)
      tpu.yield
    }) : () -> ()
    %barrier3A = arith.constant 0 : index
    tpu.barrier barrier_id(%barrier3A)
    %scan3A = arith.constant 0 : i32
    %scan3A_21 = arith.constant 0 : i32
    %scan3A_22 = arith.constant 44 : i32
    %scan3A_23 = arith.addi %scan3A_21, %scan3A_22 : i32
    %scan3A_24 = arith.constant 1 : i32
    scf.for %scan3A_59 = %scan3A_21 to %scan3A_23 step %scan3A_24  : i32 {
      %mul3A_60 = arith.constant 3 : i32
      %mul3A_61 = arith.muli %mul3A_60, %scan3A_59 : i32
      %add3A_62 = arith.constant 0 : i32
      %add3A_63 = arith.addi %mul3A_61, %add3A_62 : i32
      %ge3A = arith.constant 3 : i32
      %ge3A_64 = arith.cmpi sge, %add3A_63, %ge3A : i32
      %lt3A = arith.constant 128 : i32
      %lt3A_65 = arith.cmpi slt, %add3A_63, %lt3A : i32
      %and3A = arith.andi %ge3A_64, %lt3A_65 : i1
      %convert_element_type3A = arith.extui %and3A : i1 to i32
      %cond3A = arith.constant 0 : i32
      %cond3A_66 = arith.cmpi ne, %convert_element_type3A, %cond3A : i32
      scf.if %cond3A_66 {
        %sub3A = arith.constant 3 : i32
        %sub3A_130 = arith.subi %add3A_63, %sub3A : i32
        %dma_wait3A = arith.constant 0 : i32
        %dma_wait3A_131 = tpu.memref_slice %arg8[%sub3A_130, %dma_wait3A] : memref<125x80xi32, #tpu.memory_space<vmem>> -> memref<1x80xi32, #tpu.memory_space<vmem>>
        %dma_wait3A_132 = tpu.memref_squeeze %dma_wait3A_131 : memref<1x80xi32, #tpu.memory_space<vmem>> -> memref<80xi32, #tpu.memory_space<vmem>>
        %dma_wait3A_133 = arith.constant 0 : i32
        %dma_wait3A_134 = arith.constant 0 : i32
        %dma_wait3A_135 = tpu.memref_slice %arg18[%dma_wait3A_133, %dma_wait3A_134] : memref<10000x128xf32, #tpu.memory_space<vmem_shared>> -> memref<10000x128xf32, #tpu.memory_space<vmem_shared>>
        tpu.wait_indirect_dma semaphore(%arg15 : memref<!tpu.dma_semaphore, #tpu.memory_space<semaphore_mem>>) src(%arg9 : memref<80x128xf32, #tpu.memory_space<vmem>>) dst(%dma_wait3A_135 : memref<10000x128xf32, #tpu.memory_space<vmem_shared>>)
      } else {
      }
      %lt3A_67 = arith.constant 125 : i32
      %lt3A_68 = arith.cmpi slt, %add3A_63, %lt3A_67 : i32
      %convert_element_type3A_69 = arith.extui %lt3A_68 : i1 to i32
      %cond3A_70 = arith.constant 0 : i32
      %cond3A_71 = arith.cmpi ne, %convert_element_type3A_69, %cond3A_70 : i32
      scf.if %cond3A_71 {
        %mul3A_130 = arith.constant 80 : i32
        %mul3A_131 = arith.muli %add3A_63, %mul3A_130 : i32
        %multiple_of3A = tpu.assume_multiple %mul3A_131, 8 : i32
        %dma_start3A = tpu.memref_slice %arg7[%multiple_of3A] : memref<10000xi32, #tpu.memory_space<vmem>> -> memref<80xi32, #tpu.memory_space<vmem>>
        %dma_start3A_132 = arith.constant 0 : i32
        %dma_start3A_133 = arith.constant 0 : i32
        %dma_start3A_134 = tpu.memref_slice %arg2[%dma_start3A_132, %dma_start3A_133] : memref<10000x128xf32, #tpu.memory_space<hbm>> -> memref<10000x128xf32, #tpu.memory_space<hbm>>
        tpu.enqueue_indirect_dma source(%dma_start3A_134 : memref<10000x128xf32, #tpu.memory_space<hbm>>) target(%arg9 : memref<80x128xf32, #tpu.memory_space<vmem>>) offsets(%dma_start3A : memref<80xi32, #tpu.memory_space<vmem>>) semaphore(%arg12 : memref<!tpu.dma_semaphore, #tpu.memory_space<semaphore_mem>>)
      } else {
      }
      %ge3A_72 = arith.constant 2 : i32
      %ge3A_73 = arith.cmpi sge, %add3A_63, %ge3A_72 : i32
      %lt3A_74 = arith.constant 127 : i32
      %lt3A_75 = arith.cmpi slt, %add3A_63, %lt3A_74 : i32
      %and3A_76 = arith.andi %ge3A_73, %lt3A_75 : i1
      %convert_element_type3A_77 = arith.extui %and3A_76 : i1 to i32
      %cond3A_78 = arith.constant 0 : i32
      %cond3A_79 = arith.cmpi ne, %convert_element_type3A_77, %cond3A_78 : i32
      scf.if %cond3A_79 {
        %sub3A = arith.constant 2 : i32
        %sub3A_130 = arith.subi %add3A_63, %sub3A : i32
        %mul3A_131 = arith.constant 80 : i32
        %mul3A_132 = arith.muli %sub3A_130, %mul3A_131 : i32
        %multiple_of3A = tpu.assume_multiple %mul3A_132, 8 : i32
        %dma_wait3A = tpu.memref_slice %arg7[%multiple_of3A] : memref<10000xi32, #tpu.memory_space<vmem>> -> memref<80xi32, #tpu.memory_space<vmem>>
        %dma_wait3A_133 = arith.constant 0 : i32
        %dma_wait3A_134 = arith.constant 0 : i32
        %dma_wait3A_135 = tpu.memref_slice %arg2[%dma_wait3A_133, %dma_wait3A_134] : memref<10000x128xf32, #tpu.memory_space<hbm>> -> memref<10000x128xf32, #tpu.memory_space<hbm>>
        tpu.wait_indirect_dma semaphore(%arg13 : memref<!tpu.dma_semaphore, #tpu.memory_space<semaphore_mem>>) src(%dma_wait3A_135 : memref<10000x128xf32, #tpu.memory_space<hbm>>) dst(%arg10 : memref<80x128xf32, #tpu.memory_space<vmem>>)
        %sub3A_136 = arith.constant 2 : i32
        %sub3A_137 = arith.subi %add3A_63, %sub3A_136 : i32
        %dma_start3A = arith.constant 0 : i32
        %dma_start3A_138 = tpu.memref_slice %arg8[%sub3A_137, %dma_start3A] : memref<125x80xi32, #tpu.memory_space<vmem>> -> memref<1x80xi32, #tpu.memory_space<vmem>>
        %dma_start3A_139 = tpu.memref_squeeze %dma_start3A_138 : memref<1x80xi32, #tpu.memory_space<vmem>> -> memref<80xi32, #tpu.memory_space<vmem>>
        %dma_start3A_140 = arith.constant 0 : i32
        %dma_start3A_141 = arith.constant 0 : i32
        %dma_start3A_142 = tpu.memref_slice %arg18[%dma_start3A_140, %dma_start3A_141] : memref<10000x128xf32, #tpu.memory_space<vmem_shared>> -> memref<10000x128xf32, #tpu.memory_space<vmem_shared>>
        tpu.enqueue_indirect_dma source(%arg10 : memref<80x128xf32, #tpu.memory_space<vmem>>) target(%dma_start3A_142 : memref<10000x128xf32, #tpu.memory_space<vmem_shared>>) offsets(%dma_start3A_139 : memref<80xi32, #tpu.memory_space<vmem>>) semaphore(%arg16 : memref<!tpu.dma_semaphore, #tpu.memory_space<semaphore_mem>>) {add = true}
      } else {
      }
      %mul3A_80 = arith.constant 3 : i32
      %mul3A_81 = arith.muli %mul3A_80, %scan3A_59 : i32
      %add3A_82 = arith.constant 1 : i32
      %add3A_83 = arith.addi %mul3A_81, %add3A_82 : i32
      %ge3A_84 = arith.constant 3 : i32
      %ge3A_85 = arith.cmpi sge, %add3A_83, %ge3A_84 : i32
      %lt3A_86 = arith.constant 128 : i32
      %lt3A_87 = arith.cmpi slt, %add3A_83, %lt3A_86 : i32
      %and3A_88 = arith.andi %ge3A_85, %lt3A_87 : i1
      %convert_element_type3A_89 = arith.extui %and3A_88 : i1 to i32
      %cond3A_90 = arith.constant 0 : i32
      %cond3A_91 = arith.cmpi ne, %convert_element_type3A_89, %cond3A_90 : i32
      scf.if %cond3A_91 {
        %sub3A = arith.constant 3 : i32
        %sub3A_130 = arith.subi %add3A_83, %sub3A : i32
        %dma_wait3A = arith.constant 0 : i32
        %dma_wait3A_131 = tpu.memref_slice %arg8[%sub3A_130, %dma_wait3A] : memref<125x80xi32, #tpu.memory_space<vmem>> -> memref<1x80xi32, #tpu.memory_space<vmem>>
        %dma_wait3A_132 = tpu.memref_squeeze %dma_wait3A_131 : memref<1x80xi32, #tpu.memory_space<vmem>> -> memref<80xi32, #tpu.memory_space<vmem>>
        %dma_wait3A_133 = arith.constant 0 : i32
        %dma_wait3A_134 = arith.constant 0 : i32
        %dma_wait3A_135 = tpu.memref_slice %arg18[%dma_wait3A_133, %dma_wait3A_134] : memref<10000x128xf32, #tpu.memory_space<vmem_shared>> -> memref<10000x128xf32, #tpu.memory_space<vmem_shared>>
        tpu.wait_indirect_dma semaphore(%arg16 : memref<!tpu.dma_semaphore, #tpu.memory_space<semaphore_mem>>) src(%arg10 : memref<80x128xf32, #tpu.memory_space<vmem>>) dst(%dma_wait3A_135 : memref<10000x128xf32, #tpu.memory_space<vmem_shared>>)
      } else {
      }
      %lt3A_92 = arith.constant 125 : i32
      %lt3A_93 = arith.cmpi slt, %add3A_83, %lt3A_92 : i32
      %convert_element_type3A_94 = arith.extui %lt3A_93 : i1 to i32
      %cond3A_95 = arith.constant 0 : i32
      %cond3A_96 = arith.cmpi ne, %convert_element_type3A_94, %cond3A_95 : i32
      scf.if %cond3A_96 {
        %mul3A_130 = arith.constant 80 : i32
        %mul3A_131 = arith.muli %add3A_83, %mul3A_130 : i32
        %multiple_of3A = tpu.assume_multiple %mul3A_131, 8 : i32
        %dma_start3A = tpu.memref_slice %arg7[%multiple_of3A] : memref<10000xi32, #tpu.memory_space<vmem>> -> memref<80xi32, #tpu.memory_space<vmem>>
        %dma_start3A_132 = arith.constant 0 : i32
        %dma_start3A_133 = arith.constant 0 : i32
        %dma_start3A_134 = tpu.memref_slice %arg2[%dma_start3A_132, %dma_start3A_133] : memref<10000x128xf32, #tpu.memory_space<hbm>> -> memref<10000x128xf32, #tpu.memory_space<hbm>>
        tpu.enqueue_indirect_dma source(%dma_start3A_134 : memref<10000x128xf32, #tpu.memory_space<hbm>>) target(%arg10 : memref<80x128xf32, #tpu.memory_space<vmem>>) offsets(%dma_start3A : memref<80xi32, #tpu.memory_space<vmem>>) semaphore(%arg13 : memref<!tpu.dma_semaphore, #tpu.memory_space<semaphore_mem>>)
      } else {
      }
      %ge3A_97 = arith.constant 2 : i32
      %ge3A_98 = arith.cmpi sge, %add3A_83, %ge3A_97 : i32
      %lt3A_99 = arith.constant 127 : i32
      %lt3A_100 = arith.cmpi slt, %add3A_83, %lt3A_99 : i32
      %and3A_101 = arith.andi %ge3A_98, %lt3A_100 : i1
      %convert_element_type3A_102 = arith.extui %and3A_101 : i1 to i32
      %cond3A_103 = arith.constant 0 : i32
      %cond3A_104 = arith.cmpi ne, %convert_element_type3A_102, %cond3A_103 : i32
      scf.if %cond3A_104 {
        %sub3A = arith.constant 2 : i32
        %sub3A_130 = arith.subi %add3A_83, %sub3A : i32
        %mul3A_131 = arith.constant 80 : i32
        %mul3A_132 = arith.muli %sub3A_130, %mul3A_131 : i32
        %multiple_of3A = tpu.assume_multiple %mul3A_132, 8 : i32
        %dma_wait3A = tpu.memref_slice %arg7[%multiple_of3A] : memref<10000xi32, #tpu.memory_space<vmem>> -> memref<80xi32, #tpu.memory_space<vmem>>
        %dma_wait3A_133 = arith.constant 0 : i32
        %dma_wait3A_134 = arith.constant 0 : i32
        %dma_wait3A_135 = tpu.memref_slice %arg2[%dma_wait3A_133, %dma_wait3A_134] : memref<10000x128xf32, #tpu.memory_space<hbm>> -> memref<10000x128xf32, #tpu.memory_space<hbm>>
        tpu.wait_indirect_dma semaphore(%arg14 : memref<!tpu.dma_semaphore, #tpu.memory_space<semaphore_mem>>) src(%dma_wait3A_135 : memref<10000x128xf32, #tpu.memory_space<hbm>>) dst(%arg11 : memref<80x128xf32, #tpu.memory_space<vmem>>)
        %sub3A_136 = arith.constant 2 : i32
        %sub3A_137 = arith.subi %add3A_83, %sub3A_136 : i32
        %dma_start3A = arith.constant 0 : i32
        %dma_start3A_138 = tpu.memref_slice %arg8[%sub3A_137, %dma_start3A] : memref<125x80xi32, #tpu.memory_space<vmem>> -> memref<1x80xi32, #tpu.memory_space<vmem>>
        %dma_start3A_139 = tpu.memref_squeeze %dma_start3A_138 : memref<1x80xi32, #tpu.memory_space<vmem>> -> memref<80xi32, #tpu.memory_space<vmem>>
        %dma_start3A_140 = arith.constant 0 : i32
        %dma_start3A_141 = arith.constant 0 : i32
        %dma_start3A_142 = tpu.memref_slice %arg18[%dma_start3A_140, %dma_start3A_141] : memref<10000x128xf32, #tpu.memory_space<vmem_shared>> -> memref<10000x128xf32, #tpu.memory_space<vmem_shared>>
        tpu.enqueue_indirect_dma source(%arg11 : memref<80x128xf32, #tpu.memory_space<vmem>>) target(%dma_start3A_142 : memref<10000x128xf32, #tpu.memory_space<vmem_shared>>) offsets(%dma_start3A_139 : memref<80xi32, #tpu.memory_space<vmem>>) semaphore(%arg17 : memref<!tpu.dma_semaphore, #tpu.memory_space<semaphore_mem>>) {add = true}
      } else {
      }
      %mul3A_105 = arith.constant 3 : i32
      %mul3A_106 = arith.muli %mul3A_105, %scan3A_59 : i32
      %add3A_107 = arith.constant 2 : i32
      %add3A_108 = arith.addi %mul3A_106, %add3A_107 : i32
      %ge3A_109 = arith.constant 3 : i32
      %ge3A_110 = arith.cmpi sge, %add3A_108, %ge3A_109 : i32
      %lt3A_111 = arith.constant 128 : i32
      %lt3A_112 = arith.cmpi slt, %add3A_108, %lt3A_111 : i32
      %and3A_113 = arith.andi %ge3A_110, %lt3A_112 : i1
      %convert_element_type3A_114 = arith.extui %and3A_113 : i1 to i32
      %cond3A_115 = arith.constant 0 : i32
      %cond3A_116 = arith.cmpi ne, %convert_element_type3A_114, %cond3A_115 : i32
      scf.if %cond3A_116 {
        %sub3A = arith.constant 3 : i32
        %sub3A_130 = arith.subi %add3A_108, %sub3A : i32
        %dma_wait3A = arith.constant 0 : i32
        %dma_wait3A_131 = tpu.memref_slice %arg8[%sub3A_130, %dma_wait3A] : memref<125x80xi32, #tpu.memory_space<vmem>> -> memref<1x80xi32, #tpu.memory_space<vmem>>
        %dma_wait3A_132 = tpu.memref_squeeze %dma_wait3A_131 : memref<1x80xi32, #tpu.memory_space<vmem>> -> memref<80xi32, #tpu.memory_space<vmem>>
        %dma_wait3A_133 = arith.constant 0 : i32
        %dma_wait3A_134 = arith.constant 0 : i32
        %dma_wait3A_135 = tpu.memref_slice %arg18[%dma_wait3A_133, %dma_wait3A_134] : memref<10000x128xf32, #tpu.memory_space<vmem_shared>> -> memref<10000x128xf32, #tpu.memory_space<vmem_shared>>
        tpu.wait_indirect_dma semaphore(%arg17 : memref<!tpu.dma_semaphore, #tpu.memory_space<semaphore_mem>>) src(%arg11 : memref<80x128xf32, #tpu.memory_space<vmem>>) dst(%dma_wait3A_135 : memref<10000x128xf32, #tpu.memory_space<vmem_shared>>)
      } else {
      }
      %lt3A_117 = arith.constant 125 : i32
      %lt3A_118 = arith.cmpi slt, %add3A_108, %lt3A_117 : i32
      %convert_element_type3A_119 = arith.extui %lt3A_118 : i1 to i32
      %cond3A_120 = arith.constant 0 : i32
      %cond3A_121 = arith.cmpi ne, %convert_element_type3A_119, %cond3A_120 : i32
      scf.if %cond3A_121 {
        %mul3A_130 = arith.constant 80 : i32
        %mul3A_131 = arith.muli %add3A_108, %mul3A_130 : i32
        %multiple_of3A = tpu.assume_multiple %mul3A_131, 8 : i32
        %dma_start3A = tpu.memref_slice %arg7[%multiple_of3A] : memref<10000xi32, #tpu.memory_space<vmem>> -> memref<80xi32, #tpu.memory_space<vmem>>
        %dma_start3A_132 = arith.constant 0 : i32
        %dma_start3A_133 = arith.constant 0 : i32
        %dma_start3A_134 = tpu.memref_slice %arg2[%dma_start3A_132, %dma_start3A_133] : memref<10000x128xf32, #tpu.memory_space<hbm>> -> memref<10000x128xf32, #tpu.memory_space<hbm>>
        tpu.enqueue_indirect_dma source(%dma_start3A_134 : memref<10000x128xf32, #tpu.memory_space<hbm>>) target(%arg11 : memref<80x128xf32, #tpu.memory_space<vmem>>) offsets(%dma_start3A : memref<80xi32, #tpu.memory_space<vmem>>) semaphore(%arg14 : memref<!tpu.dma_semaphore, #tpu.memory_space<semaphore_mem>>)
      } else {
      }
      %ge3A_122 = arith.constant 2 : i32
      %ge3A_123 = arith.cmpi sge, %add3A_108, %ge3A_122 : i32
      %lt3A_124 = arith.constant 127 : i32
      %lt3A_125 = arith.cmpi slt, %add3A_108, %lt3A_124 : i32
      %and3A_126 = arith.andi %ge3A_123, %lt3A_125 : i1
      %convert_element_type3A_127 = arith.extui %and3A_126 : i1 to i32
      %cond3A_128 = arith.constant 0 : i32
      %cond3A_129 = arith.cmpi ne, %convert_element_type3A_127, %cond3A_128 : i32
      scf.if %cond3A_129 {
        %sub3A = arith.constant 2 : i32
        %sub3A_130 = arith.subi %add3A_108, %sub3A : i32
        %mul3A_131 = arith.constant 80 : i32
        %mul3A_132 = arith.muli %sub3A_130, %mul3A_131 : i32
        %multiple_of3A = tpu.assume_multiple %mul3A_132, 8 : i32
        %dma_wait3A = tpu.memref_slice %arg7[%multiple_of3A] : memref<10000xi32, #tpu.memory_space<vmem>> -> memref<80xi32, #tpu.memory_space<vmem>>
        %dma_wait3A_133 = arith.constant 0 : i32
        %dma_wait3A_134 = arith.constant 0 : i32
        %dma_wait3A_135 = tpu.memref_slice %arg2[%dma_wait3A_133, %dma_wait3A_134] : memref<10000x128xf32, #tpu.memory_space<hbm>> -> memref<10000x128xf32, #tpu.memory_space<hbm>>
        tpu.wait_indirect_dma semaphore(%arg12 : memref<!tpu.dma_semaphore, #tpu.memory_space<semaphore_mem>>) src(%dma_wait3A_135 : memref<10000x128xf32, #tpu.memory_space<hbm>>) dst(%arg9 : memref<80x128xf32, #tpu.memory_space<vmem>>)
        %sub3A_136 = arith.constant 2 : i32
        %sub3A_137 = arith.subi %add3A_108, %sub3A_136 : i32
        %dma_start3A = arith.constant 0 : i32
        %dma_start3A_138 = tpu.memref_slice %arg8[%sub3A_137, %dma_start3A] : memref<125x80xi32, #tpu.memory_space<vmem>> -> memref<1x80xi32, #tpu.memory_space<vmem>>
        %dma_start3A_139 = tpu.memref_squeeze %dma_start3A_138 : memref<1x80xi32, #tpu.memory_space<vmem>> -> memref<80xi32, #tpu.memory_space<vmem>>
        %dma_start3A_140 = arith.constant 0 : i32
        %dma_start3A_141 = arith.constant 0 : i32
        %dma_start3A_142 = tpu.memref_slice %arg18[%dma_start3A_140, %dma_start3A_141] : memref<10000x128xf32, #tpu.memory_space<vmem_shared>> -> memref<10000x128xf32, #tpu.memory_space<vmem_shared>>
        tpu.enqueue_indirect_dma source(%arg9 : memref<80x128xf32, #tpu.memory_space<vmem>>) target(%dma_start3A_142 : memref<10000x128xf32, #tpu.memory_space<vmem_shared>>) offsets(%dma_start3A_139 : memref<80xi32, #tpu.memory_space<vmem>>) semaphore(%arg15 : memref<!tpu.dma_semaphore, #tpu.memory_space<semaphore_mem>>) {add = true}
      } else {
      }
    }
    %scan3A_25 = arith.constant 44 : i32
    %barrier3A_26 = arith.constant 0 : index
    tpu.barrier barrier_id(%barrier3A_26)
    %add3A_27 = arith.constant 0 : i32
    %add3A_28 = arith.addi %mul3A_2, %add3A_27 : i32
    "tpu.region"() ({
      %run_scoped3A = tpu.sem_alloc : memref<!tpu.dma_semaphore, #tpu.memory_space<semaphore_mem>>
      %dma_start3A = arith.constant 0 : i32
      %dma_start3A_59 = tpu.memref_slice %arg18[%add3A_28, %dma_start3A] : memref<10000x128xf32, #tpu.memory_space<vmem_shared>> -> memref<80x128xf32, #tpu.memory_space<vmem_shared>>
      %dma_start3A_60 = arith.constant 0 : i32
      %dma_start3A_61 = tpu.memref_slice %arg18[%add3A_28, %dma_start3A_60] : memref<10000x128xf32, #tpu.memory_space<vmem_shared>> -> memref<80x128xf32, #tpu.memory_space<vmem_shared>>
      tpu.enqueue_dma source(%dma_start3A_61 : memref<80x128xf32, #tpu.memory_space<vmem_shared>>) target(%arg9 : memref<80x128xf32, #tpu.memory_space<vmem>>) target_semaphore(%run_scoped3A : memref<!tpu.dma_semaphore, #tpu.memory_space<semaphore_mem>>)
      %dma_wait3A = arith.constant 0 : i32
      %dma_wait3A_62 = tpu.memref_slice %arg18[%add3A_28, %dma_wait3A] : memref<10000x128xf32, #tpu.memory_space<vmem_shared>> -> memref<80x128xf32, #tpu.memory_space<vmem_shared>>
      %dma_wait3A_63 = arith.constant 0 : i32
      %dma_wait3A_64 = tpu.memref_slice %arg18[%add3A_28, %dma_wait3A_63] : memref<10000x128xf32, #tpu.memory_space<vmem_shared>> -> memref<80x128xf32, #tpu.memory_space<vmem_shared>>
      tpu.wait_dma2 semaphore(%run_scoped3A : memref<!tpu.dma_semaphore, #tpu.memory_space<semaphore_mem>>) src(%dma_wait3A_64 : memref<80x128xf32, #tpu.memory_space<vmem_shared>>) dst(%arg9 : memref<80x128xf32, #tpu.memory_space<vmem>>)
      tpu.yield
    }) : () -> ()
    %add3A_29 = arith.constant 0 : i32
    %add3A_30 = arith.addi %mul3A_2, %add3A_29 : i32
    "tpu.region"() ({
      %run_scoped3A = tpu.sem_alloc : memref<!tpu.dma_semaphore, #tpu.memory_space<semaphore_mem>>
      %dma_start3A = arith.constant 0 : i32
      %dma_start3A_59 = tpu.memref_slice %arg6[%arg0, %add3A_30, %dma_start3A] : memref<2x10000x128xf32, #tpu.memory_space<hbm>> -> memref<1x80x128xf32, #tpu.memory_space<hbm>>
      %dma_start3A_60 = tpu.memref_squeeze %dma_start3A_59 : memref<1x80x128xf32, #tpu.memory_space<hbm>> -> memref<80x128xf32, #tpu.memory_space<hbm>>
      %dma_start3A_61 = arith.constant 0 : i32
      %dma_start3A_62 = tpu.memref_slice %arg6[%arg0, %add3A_30, %dma_start3A_61] : memref<2x10000x128xf32, #tpu.memory_space<hbm>> -> memref<1x80x128xf32, #tpu.memory_space<hbm>>
      %dma_start3A_63 = tpu.memref_squeeze %dma_start3A_62 : memref<1x80x128xf32, #tpu.memory_space<hbm>> -> memref<80x128xf32, #tpu.memory_space<hbm>>
      tpu.enqueue_dma source(%arg9 : memref<80x128xf32, #tpu.memory_space<vmem>>) target(%dma_start3A_63 : memref<80x128xf32, #tpu.memory_space<hbm>>) target_semaphore(%run_scoped3A : memref<!tpu.dma_semaphore, #tpu.memory_space<semaphore_mem>>)
      %dma_wait3A = arith.constant 0 : i32
      %dma_wait3A_64 = tpu.memref_slice %arg6[%arg0, %add3A_30, %dma_wait3A] : memref<2x10000x128xf32, #tpu.memory_space<hbm>> -> memref<1x80x128xf32, #tpu.memory_space<hbm>>
      %dma_wait3A_65 = tpu.memref_squeeze %dma_wait3A_64 : memref<1x80x128xf32, #tpu.memory_space<hbm>> -> memref<80x128xf32, #tpu.memory_space<hbm>>
      %dma_wait3A_66 = arith.constant 0 : i32
      %dma_wait3A_67 = tpu.memref_slice %arg6[%arg0, %add3A_30, %dma_wait3A_66] : memref<2x10000x128xf32, #tpu.memory_space<hbm>> -> memref<1x80x128xf32, #tpu.memory_space<hbm>>
      %dma_wait3A_68 = tpu.memref_squeeze %dma_wait3A_67 : memref<1x80x128xf32, #tpu.memory_space<hbm>> -> memref<80x128xf32, #tpu.memory_space<hbm>>
      tpu.wait_dma2 semaphore(%run_scoped3A : memref<!tpu.dma_semaphore, #tpu.memory_space<semaphore_mem>>) src(%arg9 : memref<80x128xf32, #tpu.memory_space<vmem>>) dst(%dma_wait3A_68 : memref<80x128xf32, #tpu.memory_space<hbm>>)
      tpu.yield
    }) : () -> ()
    %add3A_31 = arith.constant 80 : i32
    %add3A_32 = arith.addi %mul3A_2, %add3A_31 : i32
    "tpu.region"() ({
      %run_scoped3A = tpu.sem_alloc : memref<!tpu.dma_semaphore, #tpu.memory_space<semaphore_mem>>
      %dma_start3A = arith.constant 0 : i32
      %dma_start3A_59 = tpu.memref_slice %arg18[%add3A_32, %dma_start3A] : memref<10000x128xf32, #tpu.memory_space<vmem_shared>> -> memref<80x128xf32, #tpu.memory_space<vmem_shared>>
      %dma_start3A_60 = arith.constant 0 : i32
      %dma_start3A_61 = tpu.memref_slice %arg18[%add3A_32, %dma_start3A_60] : memref<10000x128xf32, #tpu.memory_space<vmem_shared>> -> memref<80x128xf32, #tpu.memory_space<vmem_shared>>
      tpu.enqueue_dma source(%dma_start3A_61 : memref<80x128xf32, #tpu.memory_space<vmem_shared>>) target(%arg9 : memref<80x128xf32, #tpu.memory_space<vmem>>) target_semaphore(%run_scoped3A : memref<!tpu.dma_semaphore, #tpu.memory_space<semaphore_mem>>)
      %dma_wait3A = arith.constant 0 : i32
      %dma_wait3A_62 = tpu.memref_slice %arg18[%add3A_32, %dma_wait3A] : memref<10000x128xf32, #tpu.memory_space<vmem_shared>> -> memref<80x128xf32, #tpu.memory_space<vmem_shared>>
      %dma_wait3A_63 = arith.constant 0 : i32
      %dma_wait3A_64 = tpu.memref_slice %arg18[%add3A_32, %dma_wait3A_63] : memref<10000x128xf32, #tpu.memory_space<vmem_shared>> -> memref<80x128xf32, #tpu.memory_space<vmem_shared>>
      tpu.wait_dma2 semaphore(%run_scoped3A : memref<!tpu.dma_semaphore, #tpu.memory_space<semaphore_mem>>) src(%dma_wait3A_64 : memref<80x128xf32, #tpu.memory_space<vmem_shared>>) dst(%arg9 : memref<80x128xf32, #tpu.memory_space<vmem>>)
      tpu.yield
    }) : () -> ()
    %add3A_33 = arith.constant 80 : i32
    %add3A_34 = arith.addi %mul3A_2, %add3A_33 : i32
    "tpu.region"() ({
      %run_scoped3A = tpu.sem_alloc : memref<!tpu.dma_semaphore, #tpu.memory_space<semaphore_mem>>
      %dma_start3A = arith.constant 0 : i32
      %dma_start3A_59 = tpu.memref_slice %arg6[%arg0, %add3A_34, %dma_start3A] : memref<2x10000x128xf32, #tpu.memory_space<hbm>> -> memref<1x80x128xf32, #tpu.memory_space<hbm>>
      %dma_start3A_60 = tpu.memref_squeeze %dma_start3A_59 : memref<1x80x128xf32, #tpu.memory_space<hbm>> -> memref<80x128xf32, #tpu.memory_space<hbm>>
      %dma_start3A_61 = arith.constant 0 : i32
      %dma_start3A_62 = tpu.memref_slice %arg6[%arg0, %add3A_34, %dma_start3A_61] : memref<2x10000x128xf32, #tpu.memory_space<hbm>> -> memref<1x80x128xf32, #tpu.memory_space<hbm>>
      %dma_start3A_63 = tpu.memref_squeeze %dma_start3A_62 : memref<1x80x128xf32, #tpu.memory_space<hbm>> -> memref<80x128xf32, #tpu.memory_space<hbm>>
      tpu.enqueue_dma source(%arg9 : memref<80x128xf32, #tpu.memory_space<vmem>>) target(%dma_start3A_63 : memref<80x128xf32, #tpu.memory_space<hbm>>) target_semaphore(%run_scoped3A : memref<!tpu.dma_semaphore, #tpu.memory_space<semaphore_mem>>)
      %dma_wait3A = arith.constant 0 : i32
      %dma_wait3A_64 = tpu.memref_slice %arg6[%arg0, %add3A_34, %dma_wait3A] : memref<2x10000x128xf32, #tpu.memory_space<hbm>> -> memref<1x80x128xf32, #tpu.memory_space<hbm>>
      %dma_wait3A_65 = tpu.memref_squeeze %dma_wait3A_64 : memref<1x80x128xf32, #tpu.memory_space<hbm>> -> memref<80x128xf32, #tpu.memory_space<hbm>>
      %dma_wait3A_66 = arith.constant 0 : i32
      %dma_wait3A_67 = tpu.memref_slice %arg6[%arg0, %add3A_34, %dma_wait3A_66] : memref<2x10000x128xf32, #tpu.memory_space<hbm>> -> memref<1x80x128xf32, #tpu.memory_space<hbm>>
      %dma_wait3A_68 = tpu.memref_squeeze %dma_wait3A_67 : memref<1x80x128xf32, #tpu.memory_space<hbm>> -> memref<80x128xf32, #tpu.memory_space<hbm>>
      tpu.wait_dma2 semaphore(%run_scoped3A : memref<!tpu.dma_semaphore, #tpu.memory_space<semaphore_mem>>) src(%arg9 : memref<80x128xf32, #tpu.memory_space<vmem>>) dst(%dma_wait3A_68 : memref<80x128xf32, #tpu.memory_space<hbm>>)
      tpu.yield
    }) : () -> ()
    %add3A_35 = arith.constant 160 : i32
    %add3A_36 = arith.addi %mul3A_2, %add3A_35 : i32
    "tpu.region"() ({
      %run_scoped3A = tpu.sem_alloc : memref<!tpu.dma_semaphore, #tpu.memory_space<semaphore_mem>>
      %dma_start3A = arith.constant 0 : i32
      %dma_start3A_59 = tpu.memref_slice %arg18[%add3A_36, %dma_start3A] : memref<10000x128xf32, #tpu.memory_space<vmem_shared>> -> memref<80x128xf32, #tpu.memory_space<vmem_shared>>
      %dma_start3A_60 = arith.constant 0 : i32
      %dma_start3A_61 = tpu.memref_slice %arg18[%add3A_36, %dma_start3A_60] : memref<10000x128xf32, #tpu.memory_space<vmem_shared>> -> memref<80x128xf32, #tpu.memory_space<vmem_shared>>
      tpu.enqueue_dma source(%dma_start3A_61 : memref<80x128xf32, #tpu.memory_space<vmem_shared>>) target(%arg9 : memref<80x128xf32, #tpu.memory_space<vmem>>) target_semaphore(%run_scoped3A : memref<!tpu.dma_semaphore, #tpu.memory_space<semaphore_mem>>)
      %dma_wait3A = arith.constant 0 : i32
      %dma_wait3A_62 = tpu.memref_slice %arg18[%add3A_36, %dma_wait3A] : memref<10000x128xf32, #tpu.memory_space<vmem_shared>> -> memref<80x128xf32, #tpu.memory_space<vmem_shared>>
      %dma_wait3A_63 = arith.constant 0 : i32
      %dma_wait3A_64 = tpu.memref_slice %arg18[%add3A_36, %dma_wait3A_63] : memref<10000x128xf32, #tpu.memory_space<vmem_shared>> -> memref<80x128xf32, #tpu.memory_space<vmem_shared>>
      tpu.wait_dma2 semaphore(%run_scoped3A : memref<!tpu.dma_semaphore, #tpu.memory_space<semaphore_mem>>) src(%dma_wait3A_64 : memref<80x128xf32, #tpu.memory_space<vmem_shared>>) dst(%arg9 : memref<80x128xf32, #tpu.memory_space<vmem>>)
      tpu.yield
    }) : () -> ()
    %add3A_37 = arith.constant 160 : i32
    %add3A_38 = arith.addi %mul3A_2, %add3A_37 : i32
    "tpu.region"() ({
      %run_scoped3A = tpu.sem_alloc : memref<!tpu.dma_semaphore, #tpu.memory_space<semaphore_mem>>
      %dma_start3A = arith.constant 0 : i32
      %dma_start3A_59 = tpu.memref_slice %arg6[%arg0, %add3A_38, %dma_start3A] : memref<2x10000x128xf32, #tpu.memory_space<hbm>> -> memref<1x80x128xf32, #tpu.memory_space<hbm>>
      %dma_start3A_60 = tpu.memref_squeeze %dma_start3A_59 : memref<1x80x128xf32, #tpu.memory_space<hbm>> -> memref<80x128xf32, #tpu.memory_space<hbm>>
      %dma_start3A_61 = arith.constant 0 : i32
      %dma_start3A_62 = tpu.memref_slice %arg6[%arg0, %add3A_38, %dma_start3A_61] : memref<2x10000x128xf32, #tpu.memory_space<hbm>> -> memref<1x80x128xf32, #tpu.memory_space<hbm>>
      %dma_start3A_63 = tpu.memref_squeeze %dma_start3A_62 : memref<1x80x128xf32, #tpu.memory_space<hbm>> -> memref<80x128xf32, #tpu.memory_space<hbm>>
      tpu.enqueue_dma source(%arg9 : memref<80x128xf32, #tpu.memory_space<vmem>>) target(%dma_start3A_63 : memref<80x128xf32, #tpu.memory_space<hbm>>) target_semaphore(%run_scoped3A : memref<!tpu.dma_semaphore, #tpu.memory_space<semaphore_mem>>)
      %dma_wait3A = arith.constant 0 : i32
      %dma_wait3A_64 = tpu.memref_slice %arg6[%arg0, %add3A_38, %dma_wait3A] : memref<2x10000x128xf32, #tpu.memory_space<hbm>> -> memref<1x80x128xf32, #tpu.memory_space<hbm>>
      %dma_wait3A_65 = tpu.memref_squeeze %dma_wait3A_64 : memref<1x80x128xf32, #tpu.memory_space<hbm>> -> memref<80x128xf32, #tpu.memory_space<hbm>>
      %dma_wait3A_66 = arith.constant 0 : i32
      %dma_wait3A_67 = tpu.memref_slice %arg6[%arg0, %add3A_38, %dma_wait3A_66] : memref<2x10000x128xf32, #tpu.memory_space<hbm>> -> memref<1x80x128xf32, #tpu.memory_space<hbm>>
      %dma_wait3A_68 = tpu.memref_squeeze %dma_wait3A_67 : memref<1x80x128xf32, #tpu.memory_space<hbm>> -> memref<80x128xf32, #tpu.memory_space<hbm>>
      tpu.wait_dma2 semaphore(%run_scoped3A : memref<!tpu.dma_semaphore, #tpu.memory_space<semaphore_mem>>) src(%arg9 : memref<80x128xf32, #tpu.memory_space<vmem>>) dst(%dma_wait3A_68 : memref<80x128xf32, #tpu.memory_space<hbm>>)
      tpu.yield
    }) : () -> ()
    %add3A_39 = arith.constant 240 : i32
    %add3A_40 = arith.addi %mul3A_2, %add3A_39 : i32
    "tpu.region"() ({
      %run_scoped3A = tpu.sem_alloc : memref<!tpu.dma_semaphore, #tpu.memory_space<semaphore_mem>>
      %dma_start3A = arith.constant 0 : i32
      %dma_start3A_59 = tpu.memref_slice %arg18[%add3A_40, %dma_start3A] : memref<10000x128xf32, #tpu.memory_space<vmem_shared>> -> memref<80x128xf32, #tpu.memory_space<vmem_shared>>
      %dma_start3A_60 = arith.constant 0 : i32
      %dma_start3A_61 = tpu.memref_slice %arg18[%add3A_40, %dma_start3A_60] : memref<10000x128xf32, #tpu.memory_space<vmem_shared>> -> memref<80x128xf32, #tpu.memory_space<vmem_shared>>
      tpu.enqueue_dma source(%dma_start3A_61 : memref<80x128xf32, #tpu.memory_space<vmem_shared>>) target(%arg9 : memref<80x128xf32, #tpu.memory_space<vmem>>) target_semaphore(%run_scoped3A : memref<!tpu.dma_semaphore, #tpu.memory_space<semaphore_mem>>)
      %dma_wait3A = arith.constant 0 : i32
      %dma_wait3A_62 = tpu.memref_slice %arg18[%add3A_40, %dma_wait3A] : memref<10000x128xf32, #tpu.memory_space<vmem_shared>> -> memref<80x128xf32, #tpu.memory_space<vmem_shared>>
      %dma_wait3A_63 = arith.constant 0 : i32
      %dma_wait3A_64 = tpu.memref_slice %arg18[%add3A_40, %dma_wait3A_63] : memref<10000x128xf32, #tpu.memory_space<vmem_shared>> -> memref<80x128xf32, #tpu.memory_space<vmem_shared>>
      tpu.wait_dma2 semaphore(%run_scoped3A : memref<!tpu.dma_semaphore, #tpu.memory_space<semaphore_mem>>) src(%dma_wait3A_64 : memref<80x128xf32, #tpu.memory_space<vmem_shared>>) dst(%arg9 : memref<80x128xf32, #tpu.memory_space<vmem>>)
      tpu.yield
    }) : () -> ()
    %add3A_41 = arith.constant 240 : i32
    %add3A_42 = arith.addi %mul3A_2, %add3A_41 : i32
    "tpu.region"() ({
      %run_scoped3A = tpu.sem_alloc : memref<!tpu.dma_semaphore, #tpu.memory_space<semaphore_mem>>
      %dma_start3A = arith.constant 0 : i32
      %dma_start3A_59 = tpu.memref_slice %arg6[%arg0, %add3A_42, %dma_start3A] : memref<2x10000x128xf32, #tpu.memory_space<hbm>> -> memref<1x80x128xf32, #tpu.memory_space<hbm>>
      %dma_start3A_60 = tpu.memref_squeeze %dma_start3A_59 : memref<1x80x128xf32, #tpu.memory_space<hbm>> -> memref<80x128xf32, #tpu.memory_space<hbm>>
      %dma_start3A_61 = arith.constant 0 : i32
      %dma_start3A_62 = tpu.memref_slice %arg6[%arg0, %add3A_42, %dma_start3A_61] : memref<2x10000x128xf32, #tpu.memory_space<hbm>> -> memref<1x80x128xf32, #tpu.memory_space<hbm>>
      %dma_start3A_63 = tpu.memref_squeeze %dma_start3A_62 : memref<1x80x128xf32, #tpu.memory_space<hbm>> -> memref<80x128xf32, #tpu.memory_space<hbm>>
      tpu.enqueue_dma source(%arg9 : memref<80x128xf32, #tpu.memory_space<vmem>>) target(%dma_start3A_63 : memref<80x128xf32, #tpu.memory_space<hbm>>) target_semaphore(%run_scoped3A : memref<!tpu.dma_semaphore, #tpu.memory_space<semaphore_mem>>)
      %dma_wait3A = arith.constant 0 : i32
      %dma_wait3A_64 = tpu.memref_slice %arg6[%arg0, %add3A_42, %dma_wait3A] : memref<2x10000x128xf32, #tpu.memory_space<hbm>> -> memref<1x80x128xf32, #tpu.memory_space<hbm>>
      %dma_wait3A_65 = tpu.memref_squeeze %dma_wait3A_64 : memref<1x80x128xf32, #tpu.memory_space<hbm>> -> memref<80x128xf32, #tpu.memory_space<hbm>>
      %dma_wait3A_66 = arith.constant 0 : i32
      %dma_wait3A_67 = tpu.memref_slice %arg6[%arg0, %add3A_42, %dma_wait3A_66] : memref<2x10000x128xf32, #tpu.memory_space<hbm>> -> memref<1x80x128xf32, #tpu.memory_space<hbm>>
      %dma_wait3A_68 = tpu.memref_squeeze %dma_wait3A_67 : memref<1x80x128xf32, #tpu.memory_space<hbm>> -> memref<80x128xf32, #tpu.memory_space<hbm>>
      tpu.wait_dma2 semaphore(%run_scoped3A : memref<!tpu.dma_semaphore, #tpu.memory_space<semaphore_mem>>) src(%arg9 : memref<80x128xf32, #tpu.memory_space<vmem>>) dst(%dma_wait3A_68 : memref<80x128xf32, #tpu.memory_space<hbm>>)
      tpu.yield
    }) : () -> ()
    %add3A_43 = arith.constant 320 : i32
    %add3A_44 = arith.addi %mul3A_2, %add3A_43 : i32
    "tpu.region"() ({
      %run_scoped3A = tpu.sem_alloc : memref<!tpu.dma_semaphore, #tpu.memory_space<semaphore_mem>>
      %dma_start3A = arith.constant 0 : i32
      %dma_start3A_59 = tpu.memref_slice %arg18[%add3A_44, %dma_start3A] : memref<10000x128xf32, #tpu.memory_space<vmem_shared>> -> memref<80x128xf32, #tpu.memory_space<vmem_shared>>
      %dma_start3A_60 = arith.constant 0 : i32
      %dma_start3A_61 = tpu.memref_slice %arg18[%add3A_44, %dma_start3A_60] : memref<10000x128xf32, #tpu.memory_space<vmem_shared>> -> memref<80x128xf32, #tpu.memory_space<vmem_shared>>
      tpu.enqueue_dma source(%dma_start3A_61 : memref<80x128xf32, #tpu.memory_space<vmem_shared>>) target(%arg9 : memref<80x128xf32, #tpu.memory_space<vmem>>) target_semaphore(%run_scoped3A : memref<!tpu.dma_semaphore, #tpu.memory_space<semaphore_mem>>)
      %dma_wait3A = arith.constant 0 : i32
      %dma_wait3A_62 = tpu.memref_slice %arg18[%add3A_44, %dma_wait3A] : memref<10000x128xf32, #tpu.memory_space<vmem_shared>> -> memref<80x128xf32, #tpu.memory_space<vmem_shared>>
      %dma_wait3A_63 = arith.constant 0 : i32
      %dma_wait3A_64 = tpu.memref_slice %arg18[%add3A_44, %dma_wait3A_63] : memref<10000x128xf32, #tpu.memory_space<vmem_shared>> -> memref<80x128xf32, #tpu.memory_space<vmem_shared>>
      tpu.wait_dma2 semaphore(%run_scoped3A : memref<!tpu.dma_semaphore, #tpu.memory_space<semaphore_mem>>) src(%dma_wait3A_64 : memref<80x128xf32, #tpu.memory_space<vmem_shared>>) dst(%arg9 : memref<80x128xf32, #tpu.memory_space<vmem>>)
      tpu.yield
    }) : () -> ()
    %add3A_45 = arith.constant 320 : i32
    %add3A_46 = arith.addi %mul3A_2, %add3A_45 : i32
    "tpu.region"() ({
      %run_scoped3A = tpu.sem_alloc : memref<!tpu.dma_semaphore, #tpu.memory_space<semaphore_mem>>
      %dma_start3A = arith.constant 0 : i32
      %dma_start3A_59 = tpu.memref_slice %arg6[%arg0, %add3A_46, %dma_start3A] : memref<2x10000x128xf32, #tpu.memory_space<hbm>> -> memref<1x80x128xf32, #tpu.memory_space<hbm>>
      %dma_start3A_60 = tpu.memref_squeeze %dma_start3A_59 : memref<1x80x128xf32, #tpu.memory_space<hbm>> -> memref<80x128xf32, #tpu.memory_space<hbm>>
      %dma_start3A_61 = arith.constant 0 : i32
      %dma_start3A_62 = tpu.memref_slice %arg6[%arg0, %add3A_46, %dma_start3A_61] : memref<2x10000x128xf32, #tpu.memory_space<hbm>> -> memref<1x80x128xf32, #tpu.memory_space<hbm>>
      %dma_start3A_63 = tpu.memref_squeeze %dma_start3A_62 : memref<1x80x128xf32, #tpu.memory_space<hbm>> -> memref<80x128xf32, #tpu.memory_space<hbm>>
      tpu.enqueue_dma source(%arg9 : memref<80x128xf32, #tpu.memory_space<vmem>>) target(%dma_start3A_63 : memref<80x128xf32, #tpu.memory_space<hbm>>) target_semaphore(%run_scoped3A : memref<!tpu.dma_semaphore, #tpu.memory_space<semaphore_mem>>)
      %dma_wait3A = arith.constant 0 : i32
      %dma_wait3A_64 = tpu.memref_slice %arg6[%arg0, %add3A_46, %dma_wait3A] : memref<2x10000x128xf32, #tpu.memory_space<hbm>> -> memref<1x80x128xf32, #tpu.memory_space<hbm>>
      %dma_wait3A_65 = tpu.memref_squeeze %dma_wait3A_64 : memref<1x80x128xf32, #tpu.memory_space<hbm>> -> memref<80x128xf32, #tpu.memory_space<hbm>>
      %dma_wait3A_66 = arith.constant 0 : i32
      %dma_wait3A_67 = tpu.memref_slice %arg6[%arg0, %add3A_46, %dma_wait3A_66] : memref<2x10000x128xf32, #tpu.memory_space<hbm>> -> memref<1x80x128xf32, #tpu.memory_space<hbm>>
      %dma_wait3A_68 = tpu.memref_squeeze %dma_wait3A_67 : memref<1x80x128xf32, #tpu.memory_space<hbm>> -> memref<80x128xf32, #tpu.memory_space<hbm>>
      tpu.wait_dma2 semaphore(%run_scoped3A : memref<!tpu.dma_semaphore, #tpu.memory_space<semaphore_mem>>) src(%arg9 : memref<80x128xf32, #tpu.memory_space<vmem>>) dst(%dma_wait3A_68 : memref<80x128xf32, #tpu.memory_space<hbm>>)
      tpu.yield
    }) : () -> ()
    %add3A_47 = arith.constant 400 : i32
    %add3A_48 = arith.addi %mul3A_2, %add3A_47 : i32
    "tpu.region"() ({
      %run_scoped3A = tpu.sem_alloc : memref<!tpu.dma_semaphore, #tpu.memory_space<semaphore_mem>>
      %dma_start3A = arith.constant 0 : i32
      %dma_start3A_59 = tpu.memref_slice %arg18[%add3A_48, %dma_start3A] : memref<10000x128xf32, #tpu.memory_space<vmem_shared>> -> memref<80x128xf32, #tpu.memory_space<vmem_shared>>
      %dma_start3A_60 = arith.constant 0 : i32
      %dma_start3A_61 = tpu.memref_slice %arg18[%add3A_48, %dma_start3A_60] : memref<10000x128xf32, #tpu.memory_space<vmem_shared>> -> memref<80x128xf32, #tpu.memory_space<vmem_shared>>
      tpu.enqueue_dma source(%dma_start3A_61 : memref<80x128xf32, #tpu.memory_space<vmem_shared>>) target(%arg9 : memref<80x128xf32, #tpu.memory_space<vmem>>) target_semaphore(%run_scoped3A : memref<!tpu.dma_semaphore, #tpu.memory_space<semaphore_mem>>)
      %dma_wait3A = arith.constant 0 : i32
      %dma_wait3A_62 = tpu.memref_slice %arg18[%add3A_48, %dma_wait3A] : memref<10000x128xf32, #tpu.memory_space<vmem_shared>> -> memref<80x128xf32, #tpu.memory_space<vmem_shared>>
      %dma_wait3A_63 = arith.constant 0 : i32
      %dma_wait3A_64 = tpu.memref_slice %arg18[%add3A_48, %dma_wait3A_63] : memref<10000x128xf32, #tpu.memory_space<vmem_shared>> -> memref<80x128xf32, #tpu.memory_space<vmem_shared>>
      tpu.wait_dma2 semaphore(%run_scoped3A : memref<!tpu.dma_semaphore, #tpu.memory_space<semaphore_mem>>) src(%dma_wait3A_64 : memref<80x128xf32, #tpu.memory_space<vmem_shared>>) dst(%arg9 : memref<80x128xf32, #tpu.memory_space<vmem>>)
      tpu.yield
    }) : () -> ()
    %add3A_49 = arith.constant 400 : i32
    %add3A_50 = arith.addi %mul3A_2, %add3A_49 : i32
    "tpu.region"() ({
      %run_scoped3A = tpu.sem_alloc : memref<!tpu.dma_semaphore, #tpu.memory_space<semaphore_mem>>
      %dma_start3A = arith.constant 0 : i32
      %dma_start3A_59 = tpu.memref_slice %arg6[%arg0, %add3A_50, %dma_start3A] : memref<2x10000x128xf32, #tpu.memory_space<hbm>> -> memref<1x80x128xf32, #tpu.memory_space<hbm>>
      %dma_start3A_60 = tpu.memref_squeeze %dma_start3A_59 : memref<1x80x128xf32, #tpu.memory_space<hbm>> -> memref<80x128xf32, #tpu.memory_space<hbm>>
      %dma_start3A_61 = arith.constant 0 : i32
      %dma_start3A_62 = tpu.memref_slice %arg6[%arg0, %add3A_50, %dma_start3A_61] : memref<2x10000x128xf32, #tpu.memory_space<hbm>> -> memref<1x80x128xf32, #tpu.memory_space<hbm>>
      %dma_start3A_63 = tpu.memref_squeeze %dma_start3A_62 : memref<1x80x128xf32, #tpu.memory_space<hbm>> -> memref<80x128xf32, #tpu.memory_space<hbm>>
      tpu.enqueue_dma source(%arg9 : memref<80x128xf32, #tpu.memory_space<vmem>>) target(%dma_start3A_63 : memref<80x128xf32, #tpu.memory_space<hbm>>) target_semaphore(%run_scoped3A : memref<!tpu.dma_semaphore, #tpu.memory_space<semaphore_mem>>)
      %dma_wait3A = arith.constant 0 : i32
      %dma_wait3A_64 = tpu.memref_slice %arg6[%arg0, %add3A_50, %dma_wait3A] : memref<2x10000x128xf32, #tpu.memory_space<hbm>> -> memref<1x80x128xf32, #tpu.memory_space<hbm>>
      %dma_wait3A_65 = tpu.memref_squeeze %dma_wait3A_64 : memref<1x80x128xf32, #tpu.memory_space<hbm>> -> memref<80x128xf32, #tpu.memory_space<hbm>>
      %dma_wait3A_66 = arith.constant 0 : i32
      %dma_wait3A_67 = tpu.memref_slice %arg6[%arg0, %add3A_50, %dma_wait3A_66] : memref<2x10000x128xf32, #tpu.memory_space<hbm>> -> memref<1x80x128xf32, #tpu.memory_space<hbm>>
      %dma_wait3A_68 = tpu.memref_squeeze %dma_wait3A_67 : memref<1x80x128xf32, #tpu.memory_space<hbm>> -> memref<80x128xf32, #tpu.memory_space<hbm>>
      tpu.wait_dma2 semaphore(%run_scoped3A : memref<!tpu.dma_semaphore, #tpu.memory_space<semaphore_mem>>) src(%arg9 : memref<80x128xf32, #tpu.memory_space<vmem>>) dst(%dma_wait3A_68 : memref<80x128xf32, #tpu.memory_space<hbm>>)
      tpu.yield
    }) : () -> ()
    %add3A_51 = arith.constant 480 : i32
    %add3A_52 = arith.addi %mul3A_2, %add3A_51 : i32
    "tpu.region"() ({
      %run_scoped3A = tpu.sem_alloc : memref<!tpu.dma_semaphore, #tpu.memory_space<semaphore_mem>>
      %dma_start3A = arith.constant 0 : i32
      %dma_start3A_59 = tpu.memref_slice %arg18[%add3A_52, %dma_start3A] : memref<10000x128xf32, #tpu.memory_space<vmem_shared>> -> memref<80x128xf32, #tpu.memory_space<vmem_shared>>
      %dma_start3A_60 = arith.constant 0 : i32
      %dma_start3A_61 = tpu.memref_slice %arg18[%add3A_52, %dma_start3A_60] : memref<10000x128xf32, #tpu.memory_space<vmem_shared>> -> memref<80x128xf32, #tpu.memory_space<vmem_shared>>
      tpu.enqueue_dma source(%dma_start3A_61 : memref<80x128xf32, #tpu.memory_space<vmem_shared>>) target(%arg9 : memref<80x128xf32, #tpu.memory_space<vmem>>) target_semaphore(%run_scoped3A : memref<!tpu.dma_semaphore, #tpu.memory_space<semaphore_mem>>)
      %dma_wait3A = arith.constant 0 : i32
      %dma_wait3A_62 = tpu.memref_slice %arg18[%add3A_52, %dma_wait3A] : memref<10000x128xf32, #tpu.memory_space<vmem_shared>> -> memref<80x128xf32, #tpu.memory_space<vmem_shared>>
      %dma_wait3A_63 = arith.constant 0 : i32
      %dma_wait3A_64 = tpu.memref_slice %arg18[%add3A_52, %dma_wait3A_63] : memref<10000x128xf32, #tpu.memory_space<vmem_shared>> -> memref<80x128xf32, #tpu.memory_space<vmem_shared>>
      tpu.wait_dma2 semaphore(%run_scoped3A : memref<!tpu.dma_semaphore, #tpu.memory_space<semaphore_mem>>) src(%dma_wait3A_64 : memref<80x128xf32, #tpu.memory_space<vmem_shared>>) dst(%arg9 : memref<80x128xf32, #tpu.memory_space<vmem>>)
      tpu.yield
    }) : () -> ()
    %add3A_53 = arith.constant 480 : i32
    %add3A_54 = arith.addi %mul3A_2, %add3A_53 : i32
    "tpu.region"() ({
      %run_scoped3A = tpu.sem_alloc : memref<!tpu.dma_semaphore, #tpu.memory_space<semaphore_mem>>
      %dma_start3A = arith.constant 0 : i32
      %dma_start3A_59 = tpu.memref_slice %arg6[%arg0, %add3A_54, %dma_start3A] : memref<2x10000x128xf32, #tpu.memory_space<hbm>> -> memref<1x80x128xf32, #tpu.memory_space<hbm>>
      %dma_start3A_60 = tpu.memref_squeeze %dma_start3A_59 : memref<1x80x128xf32, #tpu.memory_space<hbm>> -> memref<80x128xf32, #tpu.memory_space<hbm>>
      %dma_start3A_61 = arith.constant 0 : i32
      %dma_start3A_62 = tpu.memref_slice %arg6[%arg0, %add3A_54, %dma_start3A_61] : memref<2x10000x128xf32, #tpu.memory_space<hbm>> -> memref<1x80x128xf32, #tpu.memory_space<hbm>>
      %dma_start3A_63 = tpu.memref_squeeze %dma_start3A_62 : memref<1x80x128xf32, #tpu.memory_space<hbm>> -> memref<80x128xf32, #tpu.memory_space<hbm>>
      tpu.enqueue_dma source(%arg9 : memref<80x128xf32, #tpu.memory_space<vmem>>) target(%dma_start3A_63 : memref<80x128xf32, #tpu.memory_space<hbm>>) target_semaphore(%run_scoped3A : memref<!tpu.dma_semaphore, #tpu.memory_space<semaphore_mem>>)
      %dma_wait3A = arith.constant 0 : i32
      %dma_wait3A_64 = tpu.memref_slice %arg6[%arg0, %add3A_54, %dma_wait3A] : memref<2x10000x128xf32, #tpu.memory_space<hbm>> -> memref<1x80x128xf32, #tpu.memory_space<hbm>>
      %dma_wait3A_65 = tpu.memref_squeeze %dma_wait3A_64 : memref<1x80x128xf32, #tpu.memory_space<hbm>> -> memref<80x128xf32, #tpu.memory_space<hbm>>
      %dma_wait3A_66 = arith.constant 0 : i32
      %dma_wait3A_67 = tpu.memref_slice %arg6[%arg0, %add3A_54, %dma_wait3A_66] : memref<2x10000x128xf32, #tpu.memory_space<hbm>> -> memref<1x80x128xf32, #tpu.memory_space<hbm>>
      %dma_wait3A_68 = tpu.memref_squeeze %dma_wait3A_67 : memref<1x80x128xf32, #tpu.memory_space<hbm>> -> memref<80x128xf32, #tpu.memory_space<hbm>>
      tpu.wait_dma2 semaphore(%run_scoped3A : memref<!tpu.dma_semaphore, #tpu.memory_space<semaphore_mem>>) src(%arg9 : memref<80x128xf32, #tpu.memory_space<vmem>>) dst(%dma_wait3A_68 : memref<80x128xf32, #tpu.memory_space<hbm>>)
      tpu.yield
    }) : () -> ()
    %add3A_55 = arith.constant 560 : i32
    %add3A_56 = arith.addi %mul3A_2, %add3A_55 : i32
    "tpu.region"() ({
      %run_scoped3A = tpu.sem_alloc : memref<!tpu.dma_semaphore, #tpu.memory_space<semaphore_mem>>
      %dma_start3A = arith.constant 0 : i32
      %dma_start3A_59 = arith.constant 0 : i32
      %dma_start3A_60 = tpu.memref_slice %arg9[%dma_start3A, %dma_start3A_59] : memref<80x128xf32, #tpu.memory_space<vmem>> -> memref<65x128xf32, #tpu.memory_space<vmem>>
      %dma_start3A_61 = arith.constant 0 : i32
      %dma_start3A_62 = tpu.memref_slice %arg18[%add3A_56, %dma_start3A_61] : memref<10000x128xf32, #tpu.memory_space<vmem_shared>> -> memref<65x128xf32, #tpu.memory_space<vmem_shared>>
      %dma_start3A_63 = arith.constant 0 : i32
      %dma_start3A_64 = arith.constant 0 : i32
      %dma_start3A_65 = tpu.memref_slice %arg9[%dma_start3A_63, %dma_start3A_64] : memref<80x128xf32, #tpu.memory_space<vmem>> -> memref<65x128xf32, #tpu.memory_space<vmem>>
      %dma_start3A_66 = arith.constant 0 : i32
      %dma_start3A_67 = tpu.memref_slice %arg18[%add3A_56, %dma_start3A_66] : memref<10000x128xf32, #tpu.memory_space<vmem_shared>> -> memref<65x128xf32, #tpu.memory_space<vmem_shared>>
      tpu.enqueue_dma source(%dma_start3A_67 : memref<65x128xf32, #tpu.memory_space<vmem_shared>>) target(%dma_start3A_65 : memref<65x128xf32, #tpu.memory_space<vmem>>) target_semaphore(%run_scoped3A : memref<!tpu.dma_semaphore, #tpu.memory_space<semaphore_mem>>)
      %dma_wait3A = arith.constant 0 : i32
      %dma_wait3A_68 = arith.constant 0 : i32
      %dma_wait3A_69 = tpu.memref_slice %arg9[%dma_wait3A, %dma_wait3A_68] : memref<80x128xf32, #tpu.memory_space<vmem>> -> memref<65x128xf32, #tpu.memory_space<vmem>>
      %dma_wait3A_70 = arith.constant 0 : i32
      %dma_wait3A_71 = tpu.memref_slice %arg18[%add3A_56, %dma_wait3A_70] : memref<10000x128xf32, #tpu.memory_space<vmem_shared>> -> memref<65x128xf32, #tpu.memory_space<vmem_shared>>
      %dma_wait3A_72 = arith.constant 0 : i32
      %dma_wait3A_73 = arith.constant 0 : i32
      %dma_wait3A_74 = tpu.memref_slice %arg9[%dma_wait3A_72, %dma_wait3A_73] : memref<80x128xf32, #tpu.memory_space<vmem>> -> memref<65x128xf32, #tpu.memory_space<vmem>>
      %dma_wait3A_75 = arith.constant 0 : i32
      %dma_wait3A_76 = tpu.memref_slice %arg18[%add3A_56, %dma_wait3A_75] : memref<10000x128xf32, #tpu.memory_space<vmem_shared>> -> memref<65x128xf32, #tpu.memory_space<vmem_shared>>
      tpu.wait_dma2 semaphore(%run_scoped3A : memref<!tpu.dma_semaphore, #tpu.memory_space<semaphore_mem>>) src(%dma_wait3A_76 : memref<65x128xf32, #tpu.memory_space<vmem_shared>>) dst(%dma_wait3A_74 : memref<65x128xf32, #tpu.memory_space<vmem>>)
      tpu.yield
    }) : () -> ()
    %add3A_57 = arith.constant 560 : i32
    %add3A_58 = arith.addi %mul3A_2, %add3A_57 : i32
    "tpu.region"() ({
      %run_scoped3A = tpu.sem_alloc : memref<!tpu.dma_semaphore, #tpu.memory_space<semaphore_mem>>
      %dma_start3A = arith.constant 0 : i32
      %dma_start3A_59 = arith.constant 0 : i32
      %dma_start3A_60 = tpu.memref_slice %arg9[%dma_start3A, %dma_start3A_59] : memref<80x128xf32, #tpu.memory_space<vmem>> -> memref<65x128xf32, #tpu.memory_space<vmem>>
      %dma_start3A_61 = arith.constant 0 : i32
      %dma_start3A_62 = tpu.memref_slice %arg6[%arg0, %add3A_58, %dma_start3A_61] : memref<2x10000x128xf32, #tpu.memory_space<hbm>> -> memref<1x65x128xf32, #tpu.memory_space<hbm>>
      %dma_start3A_63 = tpu.memref_squeeze %dma_start3A_62 : memref<1x65x128xf32, #tpu.memory_space<hbm>> -> memref<65x128xf32, #tpu.memory_space<hbm>>
      %dma_start3A_64 = arith.constant 0 : i32
      %dma_start3A_65 = tpu.memref_slice %arg6[%arg0, %add3A_58, %dma_start3A_64] : memref<2x10000x128xf32, #tpu.memory_space<hbm>> -> memref<1x65x128xf32, #tpu.memory_space<hbm>>
      %dma_start3A_66 = tpu.memref_squeeze %dma_start3A_65 : memref<1x65x128xf32, #tpu.memory_space<hbm>> -> memref<65x128xf32, #tpu.memory_space<hbm>>
      %dma_start3A_67 = arith.constant 0 : i32
      %dma_start3A_68 = arith.constant 0 : i32
      %dma_start3A_69 = tpu.memref_slice %arg9[%dma_start3A_67, %dma_start3A_68] : memref<80x128xf32, #tpu.memory_space<vmem>> -> memref<65x128xf32, #tpu.memory_space<vmem>>
      tpu.enqueue_dma source(%dma_start3A_69 : memref<65x128xf32, #tpu.memory_space<vmem>>) target(%dma_start3A_66 : memref<65x128xf32, #tpu.memory_space<hbm>>) target_semaphore(%run_scoped3A : memref<!tpu.dma_semaphore, #tpu.memory_space<semaphore_mem>>)
      %dma_wait3A = arith.constant 0 : i32
      %dma_wait3A_70 = arith.constant 0 : i32
      %dma_wait3A_71 = tpu.memref_slice %arg9[%dma_wait3A, %dma_wait3A_70] : memref<80x128xf32, #tpu.memory_space<vmem>> -> memref<65x128xf32, #tpu.memory_space<vmem>>
      %dma_wait3A_72 = arith.constant 0 : i32
      %dma_wait3A_73 = tpu.memref_slice %arg6[%arg0, %add3A_58, %dma_wait3A_72] : memref<2x10000x128xf32, #tpu.memory_space<hbm>> -> memref<1x65x128xf32, #tpu.memory_space<hbm>>
      %dma_wait3A_74 = tpu.memref_squeeze %dma_wait3A_73 : memref<1x65x128xf32, #tpu.memory_space<hbm>> -> memref<65x128xf32, #tpu.memory_space<hbm>>
      %dma_wait3A_75 = arith.constant 0 : i32
      %dma_wait3A_76 = tpu.memref_slice %arg6[%arg0, %add3A_58, %dma_wait3A_75] : memref<2x10000x128xf32, #tpu.memory_space<hbm>> -> memref<1x65x128xf32, #tpu.memory_space<hbm>>
      %dma_wait3A_77 = tpu.memref_squeeze %dma_wait3A_76 : memref<1x65x128xf32, #tpu.memory_space<hbm>> -> memref<65x128xf32, #tpu.memory_space<hbm>>
      %dma_wait3A_78 = arith.constant 0 : i32
      %dma_wait3A_79 = arith.constant 0 : i32
      %dma_wait3A_80 = tpu.memref_slice %arg9[%dma_wait3A_78, %dma_wait3A_79] : memref<80x128xf32, #tpu.memory_space<vmem>> -> memref<65x128xf32, #tpu.memory_space<vmem>>
      tpu.wait_dma2 semaphore(%run_scoped3A : memref<!tpu.dma_semaphore, #tpu.memory_space<semaphore_mem>>) src(%dma_wait3A_80 : memref<65x128xf32, #tpu.memory_space<vmem>>) dst(%dma_wait3A_77 : memref<65x128xf32, #tpu.memory_space<hbm>>)
      tpu.yield
    }) : () -> ()
    return
  }
}

#map = affine_map<(d0, d1) -> (0, 0)>
#map1 = affine_map<(d0, d1) -> (0)>
#map2 = affine_map<(d0, d1) -> (0, 0, 0)>
module attributes {stable_mosaic.version = 14 : i64} {
  func.func @_agg_body(%arg0: i32, %arg1: i32, %arg2: memref<10000x128xf32, #tpu.memory_space<hbm>>, %arg3: memref<320000xi32, #tpu.memory_space<hbm>>, %arg4: memref<32x125x80xi32, #tpu.memory_space<hbm>>, %arg5: memref<80x128xf32, #tpu.memory_space<hbm>>, %arg6: memref<2x10000x128xf32, #tpu.memory_space<hbm>>, %arg7: memref<10000xi32, #tpu.memory_space<vmem>>, %arg8: memref<125x80xi32, #tpu.memory_space<vmem>>, %arg9: memref<80x128xf32, #tpu.memory_space<vmem>>, %arg10: memref<80x128xf32, #tpu.memory_space<vmem>>, %arg11: memref<80x128xf32, #tpu.memory_space<vmem>>, %arg12: memref<!tpu.dma_semaphore, #tpu.memory_space<semaphore_mem>>, %arg13: memref<!tpu.dma_semaphore, #tpu.memory_space<semaphore_mem>>, %arg14: memref<!tpu.dma_semaphore, #tpu.memory_space<semaphore_mem>>, %arg15: memref<!tpu.dma_semaphore, #tpu.memory_space<semaphore_mem>>, %arg16: memref<!tpu.dma_semaphore, #tpu.memory_space<semaphore_mem>>, %arg17: memref<!tpu.dma_semaphore, #tpu.memory_space<semaphore_mem>>, %arg18: memref<10000x128xf32, #tpu.memory_space<vmem_shared>>) attributes {dimension_semantics = [#tpu.dimension_semantics<core_parallel>, #tpu.dimension_semantics<subcore_parallel>], iteration_bounds = array<i64: 2, 16>, scalar_prefetch = 0 : i64, scratch_operands = 12 : i64, tpu.core_type = #tpu.core_type<sc_vector_subcore>, window_params = [{transform_indices = #map}, {transform_indices = #map1}, {transform_indices = #map2}, {transform_indices = #map}, {transform_indices = #map2}]} {
    %mul3A = arith.constant 16 : i32
    %mul3A_0 = arith.muli %arg0, %mul3A : i32
    %add3A = arith.addi %mul3A_0, %arg1 : i32
    %mul3A_1 = arith.constant 625 : i32
    %mul3A_2 = arith.muli %arg1, %mul3A_1 : i32
    "tpu.region"() ({
      %run_scoped3A = tpu.sem_alloc : memref<!tpu.dma_semaphore, #tpu.memory_space<semaphore_mem>>
      tpu.enqueue_dma source(%arg5 : memref<80x128xf32, #tpu.memory_space<hbm>>) target(%arg9 : memref<80x128xf32, #tpu.memory_space<vmem>>) target_semaphore(%run_scoped3A : memref<!tpu.dma_semaphore, #tpu.memory_space<semaphore_mem>>)
      tpu.wait_dma2 semaphore(%run_scoped3A : memref<!tpu.dma_semaphore, #tpu.memory_space<semaphore_mem>>) src(%arg5 : memref<80x128xf32, #tpu.memory_space<hbm>>) dst(%arg9 : memref<80x128xf32, #tpu.memory_space<vmem>>)
      tpu.yield
    }) : () -> ()
    %add3A_3 = arith.constant 0 : i32
    %add3A_4 = arith.addi %mul3A_2, %add3A_3 : i32
    "tpu.region"() ({
      %run_scoped3A = tpu.sem_alloc : memref<!tpu.dma_semaphore, #tpu.memory_space<semaphore_mem>>
      %dma_start3A = arith.constant 0 : i32
      %dma_start3A_59 = tpu.memref_slice %arg18[%add3A_4, %dma_start3A] : memref<10000x128xf32, #tpu.memory_space<vmem_shared>> -> memref<80x128xf32, #tpu.memory_space<vmem_shared>>
      %dma_start3A_60 = arith.constant 0 : i32
      %dma_start3A_61 = tpu.memref_slice %arg18[%add3A_4, %dma_start3A_60] : memref<10000x128xf32, #tpu.memory_space<vmem_shared>> -> memref<80x128xf32, #tpu.memory_space<vmem_shared>>
      tpu.enqueue_dma source(%arg9 : memref<80x128xf32, #tpu.memory_space<vmem>>) target(%dma_start3A_61 : memref<80x128xf32, #tpu.memory_space<vmem_shared>>) target_semaphore(%run_scoped3A : memref<!tpu.dma_semaphore, #tpu.memory_space<semaphore_mem>>)
      %dma_wait3A = arith.constant 0 : i32
      %dma_wait3A_62 = tpu.memref_slice %arg18[%add3A_4, %dma_wait3A] : memref<10000x128xf32, #tpu.memory_space<vmem_shared>> -> memref<80x128xf32, #tpu.memory_space<vmem_shared>>
      %dma_wait3A_63 = arith.constant 0 : i32
      %dma_wait3A_64 = tpu.memref_slice %arg18[%add3A_4, %dma_wait3A_63] : memref<10000x128xf32, #tpu.memory_space<vmem_shared>> -> memref<80x128xf32, #tpu.memory_space<vmem_shared>>
      tpu.wait_dma2 semaphore(%run_scoped3A : memref<!tpu.dma_semaphore, #tpu.memory_space<semaphore_mem>>) src(%arg9 : memref<80x128xf32, #tpu.memory_space<vmem>>) dst(%dma_wait3A_64 : memref<80x128xf32, #tpu.memory_space<vmem_shared>>)
      tpu.yield
    }) : () -> ()
    %add3A_5 = arith.constant 80 : i32
    %add3A_6 = arith.addi %mul3A_2, %add3A_5 : i32
    "tpu.region"() ({
      %run_scoped3A = tpu.sem_alloc : memref<!tpu.dma_semaphore, #tpu.memory_space<semaphore_mem>>
      %dma_start3A = arith.constant 0 : i32
      %dma_start3A_59 = tpu.memref_slice %arg18[%add3A_6, %dma_start3A] : memref<10000x128xf32, #tpu.memory_space<vmem_shared>> -> memref<80x128xf32, #tpu.memory_space<vmem_shared>>
      %dma_start3A_60 = arith.constant 0 : i32
      %dma_start3A_61 = tpu.memref_slice %arg18[%add3A_6, %dma_start3A_60] : memref<10000x128xf32, #tpu.memory_space<vmem_shared>> -> memref<80x128xf32, #tpu.memory_space<vmem_shared>>
      tpu.enqueue_dma source(%arg9 : memref<80x128xf32, #tpu.memory_space<vmem>>) target(%dma_start3A_61 : memref<80x128xf32, #tpu.memory_space<vmem_shared>>) target_semaphore(%run_scoped3A : memref<!tpu.dma_semaphore, #tpu.memory_space<semaphore_mem>>)
      %dma_wait3A = arith.constant 0 : i32
      %dma_wait3A_62 = tpu.memref_slice %arg18[%add3A_6, %dma_wait3A] : memref<10000x128xf32, #tpu.memory_space<vmem_shared>> -> memref<80x128xf32, #tpu.memory_space<vmem_shared>>
      %dma_wait3A_63 = arith.constant 0 : i32
      %dma_wait3A_64 = tpu.memref_slice %arg18[%add3A_6, %dma_wait3A_63] : memref<10000x128xf32, #tpu.memory_space<vmem_shared>> -> memref<80x128xf32, #tpu.memory_space<vmem_shared>>
      tpu.wait_dma2 semaphore(%run_scoped3A : memref<!tpu.dma_semaphore, #tpu.memory_space<semaphore_mem>>) src(%arg9 : memref<80x128xf32, #tpu.memory_space<vmem>>) dst(%dma_wait3A_64 : memref<80x128xf32, #tpu.memory_space<vmem_shared>>)
      tpu.yield
    }) : () -> ()
    %add3A_7 = arith.constant 160 : i32
    %add3A_8 = arith.addi %mul3A_2, %add3A_7 : i32
    "tpu.region"() ({
      %run_scoped3A = tpu.sem_alloc : memref<!tpu.dma_semaphore, #tpu.memory_space<semaphore_mem>>
      %dma_start3A = arith.constant 0 : i32
      %dma_start3A_59 = tpu.memref_slice %arg18[%add3A_8, %dma_start3A] : memref<10000x128xf32, #tpu.memory_space<vmem_shared>> -> memref<80x128xf32, #tpu.memory_space<vmem_shared>>
      %dma_start3A_60 = arith.constant 0 : i32
      %dma_start3A_61 = tpu.memref_slice %arg18[%add3A_8, %dma_start3A_60] : memref<10000x128xf32, #tpu.memory_space<vmem_shared>> -> memref<80x128xf32, #tpu.memory_space<vmem_shared>>
      tpu.enqueue_dma source(%arg9 : memref<80x128xf32, #tpu.memory_space<vmem>>) target(%dma_start3A_61 : memref<80x128xf32, #tpu.memory_space<vmem_shared>>) target_semaphore(%run_scoped3A : memref<!tpu.dma_semaphore, #tpu.memory_space<semaphore_mem>>)
      %dma_wait3A = arith.constant 0 : i32
      %dma_wait3A_62 = tpu.memref_slice %arg18[%add3A_8, %dma_wait3A] : memref<10000x128xf32, #tpu.memory_space<vmem_shared>> -> memref<80x128xf32, #tpu.memory_space<vmem_shared>>
      %dma_wait3A_63 = arith.constant 0 : i32
      %dma_wait3A_64 = tpu.memref_slice %arg18[%add3A_8, %dma_wait3A_63] : memref<10000x128xf32, #tpu.memory_space<vmem_shared>> -> memref<80x128xf32, #tpu.memory_space<vmem_shared>>
      tpu.wait_dma2 semaphore(%run_scoped3A : memref<!tpu.dma_semaphore, #tpu.memory_space<semaphore_mem>>) src(%arg9 : memref<80x128xf32, #tpu.memory_space<vmem>>) dst(%dma_wait3A_64 : memref<80x128xf32, #tpu.memory_space<vmem_shared>>)
      tpu.yield
    }) : () -> ()
    %add3A_9 = arith.constant 240 : i32
    %add3A_10 = arith.addi %mul3A_2, %add3A_9 : i32
    "tpu.region"() ({
      %run_scoped3A = tpu.sem_alloc : memref<!tpu.dma_semaphore, #tpu.memory_space<semaphore_mem>>
      %dma_start3A = arith.constant 0 : i32
      %dma_start3A_59 = tpu.memref_slice %arg18[%add3A_10, %dma_start3A] : memref<10000x128xf32, #tpu.memory_space<vmem_shared>> -> memref<80x128xf32, #tpu.memory_space<vmem_shared>>
      %dma_start3A_60 = arith.constant 0 : i32
      %dma_start3A_61 = tpu.memref_slice %arg18[%add3A_10, %dma_start3A_60] : memref<10000x128xf32, #tpu.memory_space<vmem_shared>> -> memref<80x128xf32, #tpu.memory_space<vmem_shared>>
      tpu.enqueue_dma source(%arg9 : memref<80x128xf32, #tpu.memory_space<vmem>>) target(%dma_start3A_61 : memref<80x128xf32, #tpu.memory_space<vmem_shared>>) target_semaphore(%run_scoped3A : memref<!tpu.dma_semaphore, #tpu.memory_space<semaphore_mem>>)
      %dma_wait3A = arith.constant 0 : i32
      %dma_wait3A_62 = tpu.memref_slice %arg18[%add3A_10, %dma_wait3A] : memref<10000x128xf32, #tpu.memory_space<vmem_shared>> -> memref<80x128xf32, #tpu.memory_space<vmem_shared>>
      %dma_wait3A_63 = arith.constant 0 : i32
      %dma_wait3A_64 = tpu.memref_slice %arg18[%add3A_10, %dma_wait3A_63] : memref<10000x128xf32, #tpu.memory_space<vmem_shared>> -> memref<80x128xf32, #tpu.memory_space<vmem_shared>>
      tpu.wait_dma2 semaphore(%run_scoped3A : memref<!tpu.dma_semaphore, #tpu.memory_space<semaphore_mem>>) src(%arg9 : memref<80x128xf32, #tpu.memory_space<vmem>>) dst(%dma_wait3A_64 : memref<80x128xf32, #tpu.memory_space<vmem_shared>>)
      tpu.yield
    }) : () -> ()
    %add3A_11 = arith.constant 320 : i32
    %add3A_12 = arith.addi %mul3A_2, %add3A_11 : i32
    "tpu.region"() ({
      %run_scoped3A = tpu.sem_alloc : memref<!tpu.dma_semaphore, #tpu.memory_space<semaphore_mem>>
      %dma_start3A = arith.constant 0 : i32
      %dma_start3A_59 = tpu.memref_slice %arg18[%add3A_12, %dma_start3A] : memref<10000x128xf32, #tpu.memory_space<vmem_shared>> -> memref<80x128xf32, #tpu.memory_space<vmem_shared>>
      %dma_start3A_60 = arith.constant 0 : i32
      %dma_start3A_61 = tpu.memref_slice %arg18[%add3A_12, %dma_start3A_60] : memref<10000x128xf32, #tpu.memory_space<vmem_shared>> -> memref<80x128xf32, #tpu.memory_space<vmem_shared>>
      tpu.enqueue_dma source(%arg9 : memref<80x128xf32, #tpu.memory_space<vmem>>) target(%dma_start3A_61 : memref<80x128xf32, #tpu.memory_space<vmem_shared>>) target_semaphore(%run_scoped3A : memref<!tpu.dma_semaphore, #tpu.memory_space<semaphore_mem>>)
      %dma_wait3A = arith.constant 0 : i32
      %dma_wait3A_62 = tpu.memref_slice %arg18[%add3A_12, %dma_wait3A] : memref<10000x128xf32, #tpu.memory_space<vmem_shared>> -> memref<80x128xf32, #tpu.memory_space<vmem_shared>>
      %dma_wait3A_63 = arith.constant 0 : i32
      %dma_wait3A_64 = tpu.memref_slice %arg18[%add3A_12, %dma_wait3A_63] : memref<10000x128xf32, #tpu.memory_space<vmem_shared>> -> memref<80x128xf32, #tpu.memory_space<vmem_shared>>
      tpu.wait_dma2 semaphore(%run_scoped3A : memref<!tpu.dma_semaphore, #tpu.memory_space<semaphore_mem>>) src(%arg9 : memref<80x128xf32, #tpu.memory_space<vmem>>) dst(%dma_wait3A_64 : memref<80x128xf32, #tpu.memory_space<vmem_shared>>)
      tpu.yield
    }) : () -> ()
    %add3A_13 = arith.constant 400 : i32
    %add3A_14 = arith.addi %mul3A_2, %add3A_13 : i32
    "tpu.region"() ({
      %run_scoped3A = tpu.sem_alloc : memref<!tpu.dma_semaphore, #tpu.memory_space<semaphore_mem>>
      %dma_start3A = arith.constant 0 : i32
      %dma_start3A_59 = tpu.memref_slice %arg18[%add3A_14, %dma_start3A] : memref<10000x128xf32, #tpu.memory_space<vmem_shared>> -> memref<80x128xf32, #tpu.memory_space<vmem_shared>>
      %dma_start3A_60 = arith.constant 0 : i32
      %dma_start3A_61 = tpu.memref_slice %arg18[%add3A_14, %dma_start3A_60] : memref<10000x128xf32, #tpu.memory_space<vmem_shared>> -> memref<80x128xf32, #tpu.memory_space<vmem_shared>>
      tpu.enqueue_dma source(%arg9 : memref<80x128xf32, #tpu.memory_space<vmem>>) target(%dma_start3A_61 : memref<80x128xf32, #tpu.memory_space<vmem_shared>>) target_semaphore(%run_scoped3A : memref<!tpu.dma_semaphore, #tpu.memory_space<semaphore_mem>>)
      %dma_wait3A = arith.constant 0 : i32
      %dma_wait3A_62 = tpu.memref_slice %arg18[%add3A_14, %dma_wait3A] : memref<10000x128xf32, #tpu.memory_space<vmem_shared>> -> memref<80x128xf32, #tpu.memory_space<vmem_shared>>
      %dma_wait3A_63 = arith.constant 0 : i32
      %dma_wait3A_64 = tpu.memref_slice %arg18[%add3A_14, %dma_wait3A_63] : memref<10000x128xf32, #tpu.memory_space<vmem_shared>> -> memref<80x128xf32, #tpu.memory_space<vmem_shared>>
      tpu.wait_dma2 semaphore(%run_scoped3A : memref<!tpu.dma_semaphore, #tpu.memory_space<semaphore_mem>>) src(%arg9 : memref<80x128xf32, #tpu.memory_space<vmem>>) dst(%dma_wait3A_64 : memref<80x128xf32, #tpu.memory_space<vmem_shared>>)
      tpu.yield
    }) : () -> ()
    %add3A_15 = arith.constant 480 : i32
    %add3A_16 = arith.addi %mul3A_2, %add3A_15 : i32
    "tpu.region"() ({
      %run_scoped3A = tpu.sem_alloc : memref<!tpu.dma_semaphore, #tpu.memory_space<semaphore_mem>>
      %dma_start3A = arith.constant 0 : i32
      %dma_start3A_59 = tpu.memref_slice %arg18[%add3A_16, %dma_start3A] : memref<10000x128xf32, #tpu.memory_space<vmem_shared>> -> memref<80x128xf32, #tpu.memory_space<vmem_shared>>
      %dma_start3A_60 = arith.constant 0 : i32
      %dma_start3A_61 = tpu.memref_slice %arg18[%add3A_16, %dma_start3A_60] : memref<10000x128xf32, #tpu.memory_space<vmem_shared>> -> memref<80x128xf32, #tpu.memory_space<vmem_shared>>
      tpu.enqueue_dma source(%arg9 : memref<80x128xf32, #tpu.memory_space<vmem>>) target(%dma_start3A_61 : memref<80x128xf32, #tpu.memory_space<vmem_shared>>) target_semaphore(%run_scoped3A : memref<!tpu.dma_semaphore, #tpu.memory_space<semaphore_mem>>)
      %dma_wait3A = arith.constant 0 : i32
      %dma_wait3A_62 = tpu.memref_slice %arg18[%add3A_16, %dma_wait3A] : memref<10000x128xf32, #tpu.memory_space<vmem_shared>> -> memref<80x128xf32, #tpu.memory_space<vmem_shared>>
      %dma_wait3A_63 = arith.constant 0 : i32
      %dma_wait3A_64 = tpu.memref_slice %arg18[%add3A_16, %dma_wait3A_63] : memref<10000x128xf32, #tpu.memory_space<vmem_shared>> -> memref<80x128xf32, #tpu.memory_space<vmem_shared>>
      tpu.wait_dma2 semaphore(%run_scoped3A : memref<!tpu.dma_semaphore, #tpu.memory_space<semaphore_mem>>) src(%arg9 : memref<80x128xf32, #tpu.memory_space<vmem>>) dst(%dma_wait3A_64 : memref<80x128xf32, #tpu.memory_space<vmem_shared>>)
      tpu.yield
    }) : () -> ()
    %add3A_17 = arith.constant 560 : i32
    %add3A_18 = arith.addi %mul3A_2, %add3A_17 : i32
    "tpu.region"() ({
      %run_scoped3A = tpu.sem_alloc : memref<!tpu.dma_semaphore, #tpu.memory_space<semaphore_mem>>
      %dma_start3A = arith.constant 0 : i32
      %dma_start3A_59 = arith.constant 0 : i32
      %dma_start3A_60 = tpu.memref_slice %arg9[%dma_start3A, %dma_start3A_59] : memref<80x128xf32, #tpu.memory_space<vmem>> -> memref<65x128xf32, #tpu.memory_space<vmem>>
      %dma_start3A_61 = arith.constant 0 : i32
      %dma_start3A_62 = tpu.memref_slice %arg18[%add3A_18, %dma_start3A_61] : memref<10000x128xf32, #tpu.memory_space<vmem_shared>> -> memref<65x128xf32, #tpu.memory_space<vmem_shared>>
      %dma_start3A_63 = arith.constant 0 : i32
      %dma_start3A_64 = tpu.memref_slice %arg18[%add3A_18, %dma_start3A_63] : memref<10000x128xf32, #tpu.memory_space<vmem_shared>> -> memref<65x128xf32, #tpu.memory_space<vmem_shared>>
      %dma_start3A_65 = arith.constant 0 : i32
      %dma_start3A_66 = arith.constant 0 : i32
      %dma_start3A_67 = tpu.memref_slice %arg9[%dma_start3A_65, %dma_start3A_66] : memref<80x128xf32, #tpu.memory_space<vmem>> -> memref<65x128xf32, #tpu.memory_space<vmem>>
      tpu.enqueue_dma source(%dma_start3A_67 : memref<65x128xf32, #tpu.memory_space<vmem>>) target(%dma_start3A_64 : memref<65x128xf32, #tpu.memory_space<vmem_shared>>) target_semaphore(%run_scoped3A : memref<!tpu.dma_semaphore, #tpu.memory_space<semaphore_mem>>)
      %dma_wait3A = arith.constant 0 : i32
      %dma_wait3A_68 = arith.constant 0 : i32
      %dma_wait3A_69 = tpu.memref_slice %arg9[%dma_wait3A, %dma_wait3A_68] : memref<80x128xf32, #tpu.memory_space<vmem>> -> memref<65x128xf32, #tpu.memory_space<vmem>>
      %dma_wait3A_70 = arith.constant 0 : i32
      %dma_wait3A_71 = tpu.memref_slice %arg18[%add3A_18, %dma_wait3A_70] : memref<10000x128xf32, #tpu.memory_space<vmem_shared>> -> memref<65x128xf32, #tpu.memory_space<vmem_shared>>
      %dma_wait3A_72 = arith.constant 0 : i32
      %dma_wait3A_73 = tpu.memref_slice %arg18[%add3A_18, %dma_wait3A_72] : memref<10000x128xf32, #tpu.memory_space<vmem_shared>> -> memref<65x128xf32, #tpu.memory_space<vmem_shared>>
      %dma_wait3A_74 = arith.constant 0 : i32
      %dma_wait3A_75 = arith.constant 0 : i32
      %dma_wait3A_76 = tpu.memref_slice %arg9[%dma_wait3A_74, %dma_wait3A_75] : memref<80x128xf32, #tpu.memory_space<vmem>> -> memref<65x128xf32, #tpu.memory_space<vmem>>
      tpu.wait_dma2 semaphore(%run_scoped3A : memref<!tpu.dma_semaphore, #tpu.memory_space<semaphore_mem>>) src(%dma_wait3A_76 : memref<65x128xf32, #tpu.memory_space<vmem>>) dst(%dma_wait3A_73 : memref<65x128xf32, #tpu.memory_space<vmem_shared>>)
      tpu.yield
    }) : () -> ()
    %mul3A_19 = arith.constant 10000 : i32
    %mul3A_20 = arith.muli %add3A, %mul3A_19 : i32
    "tpu.region"() ({
      %run_scoped3A = tpu.sem_alloc : memref<!tpu.dma_semaphore, #tpu.memory_space<semaphore_mem>>
      %dma_start3A = tpu.memref_slice %arg3[%mul3A_20] : memref<320000xi32, #tpu.memory_space<hbm>> -> memref<10000xi32, #tpu.memory_space<hbm>>
      %dma_start3A_59 = tpu.memref_slice %arg3[%mul3A_20] : memref<320000xi32, #tpu.memory_space<hbm>> -> memref<10000xi32, #tpu.memory_space<hbm>>
      tpu.enqueue_dma source(%dma_start3A_59 : memref<10000xi32, #tpu.memory_space<hbm>>) target(%arg7 : memref<10000xi32, #tpu.memory_space<vmem>>) target_semaphore(%run_scoped3A : memref<!tpu.dma_semaphore, #tpu.memory_space<semaphore_mem>>)
      %dma_wait3A = tpu.memref_slice %arg3[%mul3A_20] : memref<320000xi32, #tpu.memory_space<hbm>> -> memref<10000xi32, #tpu.memory_space<hbm>>
      %dma_wait3A_60 = tpu.memref_slice %arg3[%mul3A_20] : memref<320000xi32, #tpu.memory_space<hbm>> -> memref<10000xi32, #tpu.memory_space<hbm>>
      tpu.wait_dma2 semaphore(%run_scoped3A : memref<!tpu.dma_semaphore, #tpu.memory_space<semaphore_mem>>) src(%dma_wait3A_60 : memref<10000xi32, #tpu.memory_space<hbm>>) dst(%arg7 : memref<10000xi32, #tpu.memory_space<vmem>>)
      tpu.yield
    }) : () -> ()
    "tpu.region"() ({
      %run_scoped3A = tpu.sem_alloc : memref<!tpu.dma_semaphore, #tpu.memory_space<semaphore_mem>>
      %dma_start3A = arith.constant 0 : i32
      %dma_start3A_59 = arith.constant 0 : i32
      %dma_start3A_60 = tpu.memref_slice %arg4[%add3A, %dma_start3A, %dma_start3A_59] : memref<32x125x80xi32, #tpu.memory_space<hbm>> -> memref<1x125x80xi32, #tpu.memory_space<hbm>>
      %dma_start3A_61 = tpu.memref_squeeze %dma_start3A_60 : memref<1x125x80xi32, #tpu.memory_space<hbm>> -> memref<125x80xi32, #tpu.memory_space<hbm>>
      %dma_start3A_62 = arith.constant 0 : i32
      %dma_start3A_63 = arith.constant 0 : i32
      %dma_start3A_64 = tpu.memref_slice %arg4[%add3A, %dma_start3A_62, %dma_start3A_63] : memref<32x125x80xi32, #tpu.memory_space<hbm>> -> memref<1x125x80xi32, #tpu.memory_space<hbm>>
      %dma_start3A_65 = tpu.memref_squeeze %dma_start3A_64 : memref<1x125x80xi32, #tpu.memory_space<hbm>> -> memref<125x80xi32, #tpu.memory_space<hbm>>
      tpu.enqueue_dma source(%dma_start3A_65 : memref<125x80xi32, #tpu.memory_space<hbm>>) target(%arg8 : memref<125x80xi32, #tpu.memory_space<vmem>>) target_semaphore(%run_scoped3A : memref<!tpu.dma_semaphore, #tpu.memory_space<semaphore_mem>>)
      %dma_wait3A = arith.constant 0 : i32
      %dma_wait3A_66 = arith.constant 0 : i32
      %dma_wait3A_67 = tpu.memref_slice %arg4[%add3A, %dma_wait3A, %dma_wait3A_66] : memref<32x125x80xi32, #tpu.memory_space<hbm>> -> memref<1x125x80xi32, #tpu.memory_space<hbm>>
      %dma_wait3A_68 = tpu.memref_squeeze %dma_wait3A_67 : memref<1x125x80xi32, #tpu.memory_space<hbm>> -> memref<125x80xi32, #tpu.memory_space<hbm>>
      %dma_wait3A_69 = arith.constant 0 : i32
      %dma_wait3A_70 = arith.constant 0 : i32
      %dma_wait3A_71 = tpu.memref_slice %arg4[%add3A, %dma_wait3A_69, %dma_wait3A_70] : memref<32x125x80xi32, #tpu.memory_space<hbm>> -> memref<1x125x80xi32, #tpu.memory_space<hbm>>
      %dma_wait3A_72 = tpu.memref_squeeze %dma_wait3A_71 : memref<1x125x80xi32, #tpu.memory_space<hbm>> -> memref<125x80xi32, #tpu.memory_space<hbm>>
      tpu.wait_dma2 semaphore(%run_scoped3A : memref<!tpu.dma_semaphore, #tpu.memory_space<semaphore_mem>>) src(%dma_wait3A_72 : memref<125x80xi32, #tpu.memory_space<hbm>>) dst(%arg8 : memref<125x80xi32, #tpu.memory_space<vmem>>)
      tpu.yield
    }) : () -> ()
    %barrier3A = arith.constant 0 : index
    tpu.barrier barrier_id(%barrier3A)
    %scan3A = arith.constant 0 : i32
    %scan3A_21 = arith.constant 0 : i32
    %scan3A_22 = arith.constant 44 : i32
    %scan3A_23 = arith.addi %scan3A_21, %scan3A_22 : i32
    %scan3A_24 = arith.constant 1 : i32
    scf.for %scan3A_59 = %scan3A_21 to %scan3A_23 step %scan3A_24  : i32 {
      %mul3A_60 = arith.constant 3 : i32
      %mul3A_61 = arith.muli %mul3A_60, %scan3A_59 : i32
      %add3A_62 = arith.constant 0 : i32
      %add3A_63 = arith.addi %mul3A_61, %add3A_62 : i32
      %ge3A = arith.constant 3 : i32
      %ge3A_64 = arith.cmpi sge, %add3A_63, %ge3A : i32
      %lt3A = arith.constant 128 : i32
      %lt3A_65 = arith.cmpi slt, %add3A_63, %lt3A : i32
      %and3A = arith.andi %ge3A_64, %lt3A_65 : i1
      %convert_element_type3A = arith.extui %and3A : i1 to i32
      %cond3A = arith.constant 0 : i32
      %cond3A_66 = arith.cmpi ne, %convert_element_type3A, %cond3A : i32
      scf.if %cond3A_66 {
        %sub3A = arith.constant 3 : i32
        %sub3A_130 = arith.subi %add3A_63, %sub3A : i32
        %dma_wait3A = arith.constant 0 : i32
        %dma_wait3A_131 = tpu.memref_slice %arg8[%sub3A_130, %dma_wait3A] : memref<125x80xi32, #tpu.memory_space<vmem>> -> memref<1x80xi32, #tpu.memory_space<vmem>>
        %dma_wait3A_132 = tpu.memref_squeeze %dma_wait3A_131 : memref<1x80xi32, #tpu.memory_space<vmem>> -> memref<80xi32, #tpu.memory_space<vmem>>
        %dma_wait3A_133 = arith.constant 0 : i32
        %dma_wait3A_134 = arith.constant 0 : i32
        %dma_wait3A_135 = tpu.memref_slice %arg18[%dma_wait3A_133, %dma_wait3A_134] : memref<10000x128xf32, #tpu.memory_space<vmem_shared>> -> memref<10000x128xf32, #tpu.memory_space<vmem_shared>>
        tpu.wait_indirect_dma semaphore(%arg15 : memref<!tpu.dma_semaphore, #tpu.memory_space<semaphore_mem>>) src(%arg9 : memref<80x128xf32, #tpu.memory_space<vmem>>) dst(%dma_wait3A_135 : memref<10000x128xf32, #tpu.memory_space<vmem_shared>>)
      } else {
      }
      %lt3A_67 = arith.constant 125 : i32
      %lt3A_68 = arith.cmpi slt, %add3A_63, %lt3A_67 : i32
      %convert_element_type3A_69 = arith.extui %lt3A_68 : i1 to i32
      %cond3A_70 = arith.constant 0 : i32
      %cond3A_71 = arith.cmpi ne, %convert_element_type3A_69, %cond3A_70 : i32
      scf.if %cond3A_71 {
        %mul3A_130 = arith.constant 80 : i32
        %mul3A_131 = arith.muli %add3A_63, %mul3A_130 : i32
        %multiple_of3A = tpu.assume_multiple %mul3A_131, 8 : i32
        %dma_start3A = tpu.memref_slice %arg7[%multiple_of3A] : memref<10000xi32, #tpu.memory_space<vmem>> -> memref<80xi32, #tpu.memory_space<vmem>>
        %dma_start3A_132 = arith.constant 0 : i32
        %dma_start3A_133 = arith.constant 0 : i32
        %dma_start3A_134 = tpu.memref_slice %arg2[%dma_start3A_132, %dma_start3A_133] : memref<10000x128xf32, #tpu.memory_space<hbm>> -> memref<10000x128xf32, #tpu.memory_space<hbm>>
        tpu.enqueue_indirect_dma source(%dma_start3A_134 : memref<10000x128xf32, #tpu.memory_space<hbm>>) target(%arg9 : memref<80x128xf32, #tpu.memory_space<vmem>>) offsets(%dma_start3A : memref<80xi32, #tpu.memory_space<vmem>>) semaphore(%arg12 : memref<!tpu.dma_semaphore, #tpu.memory_space<semaphore_mem>>)
      } else {
      }
      %ge3A_72 = arith.constant 2 : i32
      %ge3A_73 = arith.cmpi sge, %add3A_63, %ge3A_72 : i32
      %lt3A_74 = arith.constant 127 : i32
      %lt3A_75 = arith.cmpi slt, %add3A_63, %lt3A_74 : i32
      %and3A_76 = arith.andi %ge3A_73, %lt3A_75 : i1
      %convert_element_type3A_77 = arith.extui %and3A_76 : i1 to i32
      %cond3A_78 = arith.constant 0 : i32
      %cond3A_79 = arith.cmpi ne, %convert_element_type3A_77, %cond3A_78 : i32
      scf.if %cond3A_79 {
        %sub3A = arith.constant 2 : i32
        %sub3A_130 = arith.subi %add3A_63, %sub3A : i32
        %mul3A_131 = arith.constant 80 : i32
        %mul3A_132 = arith.muli %sub3A_130, %mul3A_131 : i32
        %multiple_of3A = tpu.assume_multiple %mul3A_132, 8 : i32
        %dma_wait3A = tpu.memref_slice %arg7[%multiple_of3A] : memref<10000xi32, #tpu.memory_space<vmem>> -> memref<80xi32, #tpu.memory_space<vmem>>
        %dma_wait3A_133 = arith.constant 0 : i32
        %dma_wait3A_134 = arith.constant 0 : i32
        %dma_wait3A_135 = tpu.memref_slice %arg2[%dma_wait3A_133, %dma_wait3A_134] : memref<10000x128xf32, #tpu.memory_space<hbm>> -> memref<10000x128xf32, #tpu.memory_space<hbm>>
        tpu.wait_indirect_dma semaphore(%arg13 : memref<!tpu.dma_semaphore, #tpu.memory_space<semaphore_mem>>) src(%dma_wait3A_135 : memref<10000x128xf32, #tpu.memory_space<hbm>>) dst(%arg10 : memref<80x128xf32, #tpu.memory_space<vmem>>)
        %sub3A_136 = arith.constant 2 : i32
        %sub3A_137 = arith.subi %add3A_63, %sub3A_136 : i32
        %dma_start3A = arith.constant 0 : i32
        %dma_start3A_138 = tpu.memref_slice %arg8[%sub3A_137, %dma_start3A] : memref<125x80xi32, #tpu.memory_space<vmem>> -> memref<1x80xi32, #tpu.memory_space<vmem>>
        %dma_start3A_139 = tpu.memref_squeeze %dma_start3A_138 : memref<1x80xi32, #tpu.memory_space<vmem>> -> memref<80xi32, #tpu.memory_space<vmem>>
        %dma_start3A_140 = arith.constant 0 : i32
        %dma_start3A_141 = arith.constant 0 : i32
        %dma_start3A_142 = tpu.memref_slice %arg18[%dma_start3A_140, %dma_start3A_141] : memref<10000x128xf32, #tpu.memory_space<vmem_shared>> -> memref<10000x128xf32, #tpu.memory_space<vmem_shared>>
        tpu.enqueue_indirect_dma source(%arg10 : memref<80x128xf32, #tpu.memory_space<vmem>>) target(%dma_start3A_142 : memref<10000x128xf32, #tpu.memory_space<vmem_shared>>) offsets(%dma_start3A_139 : memref<80xi32, #tpu.memory_space<vmem>>) semaphore(%arg16 : memref<!tpu.dma_semaphore, #tpu.memory_space<semaphore_mem>>) {add = true}
      } else {
      }
      %mul3A_80 = arith.constant 3 : i32
      %mul3A_81 = arith.muli %mul3A_80, %scan3A_59 : i32
      %add3A_82 = arith.constant 1 : i32
      %add3A_83 = arith.addi %mul3A_81, %add3A_82 : i32
      %ge3A_84 = arith.constant 3 : i32
      %ge3A_85 = arith.cmpi sge, %add3A_83, %ge3A_84 : i32
      %lt3A_86 = arith.constant 128 : i32
      %lt3A_87 = arith.cmpi slt, %add3A_83, %lt3A_86 : i32
      %and3A_88 = arith.andi %ge3A_85, %lt3A_87 : i1
      %convert_element_type3A_89 = arith.extui %and3A_88 : i1 to i32
      %cond3A_90 = arith.constant 0 : i32
      %cond3A_91 = arith.cmpi ne, %convert_element_type3A_89, %cond3A_90 : i32
      scf.if %cond3A_91 {
        %sub3A = arith.constant 3 : i32
        %sub3A_130 = arith.subi %add3A_83, %sub3A : i32
        %dma_wait3A = arith.constant 0 : i32
        %dma_wait3A_131 = tpu.memref_slice %arg8[%sub3A_130, %dma_wait3A] : memref<125x80xi32, #tpu.memory_space<vmem>> -> memref<1x80xi32, #tpu.memory_space<vmem>>
        %dma_wait3A_132 = tpu.memref_squeeze %dma_wait3A_131 : memref<1x80xi32, #tpu.memory_space<vmem>> -> memref<80xi32, #tpu.memory_space<vmem>>
        %dma_wait3A_133 = arith.constant 0 : i32
        %dma_wait3A_134 = arith.constant 0 : i32
        %dma_wait3A_135 = tpu.memref_slice %arg18[%dma_wait3A_133, %dma_wait3A_134] : memref<10000x128xf32, #tpu.memory_space<vmem_shared>> -> memref<10000x128xf32, #tpu.memory_space<vmem_shared>>
        tpu.wait_indirect_dma semaphore(%arg16 : memref<!tpu.dma_semaphore, #tpu.memory_space<semaphore_mem>>) src(%arg10 : memref<80x128xf32, #tpu.memory_space<vmem>>) dst(%dma_wait3A_135 : memref<10000x128xf32, #tpu.memory_space<vmem_shared>>)
      } else {
      }
      %lt3A_92 = arith.constant 125 : i32
      %lt3A_93 = arith.cmpi slt, %add3A_83, %lt3A_92 : i32
      %convert_element_type3A_94 = arith.extui %lt3A_93 : i1 to i32
      %cond3A_95 = arith.constant 0 : i32
      %cond3A_96 = arith.cmpi ne, %convert_element_type3A_94, %cond3A_95 : i32
      scf.if %cond3A_96 {
        %mul3A_130 = arith.constant 80 : i32
        %mul3A_131 = arith.muli %add3A_83, %mul3A_130 : i32
        %multiple_of3A = tpu.assume_multiple %mul3A_131, 8 : i32
        %dma_start3A = tpu.memref_slice %arg7[%multiple_of3A] : memref<10000xi32, #tpu.memory_space<vmem>> -> memref<80xi32, #tpu.memory_space<vmem>>
        %dma_start3A_132 = arith.constant 0 : i32
        %dma_start3A_133 = arith.constant 0 : i32
        %dma_start3A_134 = tpu.memref_slice %arg2[%dma_start3A_132, %dma_start3A_133] : memref<10000x128xf32, #tpu.memory_space<hbm>> -> memref<10000x128xf32, #tpu.memory_space<hbm>>
        tpu.enqueue_indirect_dma source(%dma_start3A_134 : memref<10000x128xf32, #tpu.memory_space<hbm>>) target(%arg10 : memref<80x128xf32, #tpu.memory_space<vmem>>) offsets(%dma_start3A : memref<80xi32, #tpu.memory_space<vmem>>) semaphore(%arg13 : memref<!tpu.dma_semaphore, #tpu.memory_space<semaphore_mem>>)
      } else {
      }
      %ge3A_97 = arith.constant 2 : i32
      %ge3A_98 = arith.cmpi sge, %add3A_83, %ge3A_97 : i32
      %lt3A_99 = arith.constant 127 : i32
      %lt3A_100 = arith.cmpi slt, %add3A_83, %lt3A_99 : i32
      %and3A_101 = arith.andi %ge3A_98, %lt3A_100 : i1
      %convert_element_type3A_102 = arith.extui %and3A_101 : i1 to i32
      %cond3A_103 = arith.constant 0 : i32
      %cond3A_104 = arith.cmpi ne, %convert_element_type3A_102, %cond3A_103 : i32
      scf.if %cond3A_104 {
        %sub3A = arith.constant 2 : i32
        %sub3A_130 = arith.subi %add3A_83, %sub3A : i32
        %mul3A_131 = arith.constant 80 : i32
        %mul3A_132 = arith.muli %sub3A_130, %mul3A_131 : i32
        %multiple_of3A = tpu.assume_multiple %mul3A_132, 8 : i32
        %dma_wait3A = tpu.memref_slice %arg7[%multiple_of3A] : memref<10000xi32, #tpu.memory_space<vmem>> -> memref<80xi32, #tpu.memory_space<vmem>>
        %dma_wait3A_133 = arith.constant 0 : i32
        %dma_wait3A_134 = arith.constant 0 : i32
        %dma_wait3A_135 = tpu.memref_slice %arg2[%dma_wait3A_133, %dma_wait3A_134] : memref<10000x128xf32, #tpu.memory_space<hbm>> -> memref<10000x128xf32, #tpu.memory_space<hbm>>
        tpu.wait_indirect_dma semaphore(%arg14 : memref<!tpu.dma_semaphore, #tpu.memory_space<semaphore_mem>>) src(%dma_wait3A_135 : memref<10000x128xf32, #tpu.memory_space<hbm>>) dst(%arg11 : memref<80x128xf32, #tpu.memory_space<vmem>>)
        %sub3A_136 = arith.constant 2 : i32
        %sub3A_137 = arith.subi %add3A_83, %sub3A_136 : i32
        %dma_start3A = arith.constant 0 : i32
        %dma_start3A_138 = tpu.memref_slice %arg8[%sub3A_137, %dma_start3A] : memref<125x80xi32, #tpu.memory_space<vmem>> -> memref<1x80xi32, #tpu.memory_space<vmem>>
        %dma_start3A_139 = tpu.memref_squeeze %dma_start3A_138 : memref<1x80xi32, #tpu.memory_space<vmem>> -> memref<80xi32, #tpu.memory_space<vmem>>
        %dma_start3A_140 = arith.constant 0 : i32
        %dma_start3A_141 = arith.constant 0 : i32
        %dma_start3A_142 = tpu.memref_slice %arg18[%dma_start3A_140, %dma_start3A_141] : memref<10000x128xf32, #tpu.memory_space<vmem_shared>> -> memref<10000x128xf32, #tpu.memory_space<vmem_shared>>
        tpu.enqueue_indirect_dma source(%arg11 : memref<80x128xf32, #tpu.memory_space<vmem>>) target(%dma_start3A_142 : memref<10000x128xf32, #tpu.memory_space<vmem_shared>>) offsets(%dma_start3A_139 : memref<80xi32, #tpu.memory_space<vmem>>) semaphore(%arg17 : memref<!tpu.dma_semaphore, #tpu.memory_space<semaphore_mem>>) {add = true}
      } else {
      }
      %mul3A_105 = arith.constant 3 : i32
      %mul3A_106 = arith.muli %mul3A_105, %scan3A_59 : i32
      %add3A_107 = arith.constant 2 : i32
      %add3A_108 = arith.addi %mul3A_106, %add3A_107 : i32
      %ge3A_109 = arith.constant 3 : i32
      %ge3A_110 = arith.cmpi sge, %add3A_108, %ge3A_109 : i32
      %lt3A_111 = arith.constant 128 : i32
      %lt3A_112 = arith.cmpi slt, %add3A_108, %lt3A_111 : i32
      %and3A_113 = arith.andi %ge3A_110, %lt3A_112 : i1
      %convert_element_type3A_114 = arith.extui %and3A_113 : i1 to i32
      %cond3A_115 = arith.constant 0 : i32
      %cond3A_116 = arith.cmpi ne, %convert_element_type3A_114, %cond3A_115 : i32
      scf.if %cond3A_116 {
        %sub3A = arith.constant 3 : i32
        %sub3A_130 = arith.subi %add3A_108, %sub3A : i32
        %dma_wait3A = arith.constant 0 : i32
        %dma_wait3A_131 = tpu.memref_slice %arg8[%sub3A_130, %dma_wait3A] : memref<125x80xi32, #tpu.memory_space<vmem>> -> memref<1x80xi32, #tpu.memory_space<vmem>>
        %dma_wait3A_132 = tpu.memref_squeeze %dma_wait3A_131 : memref<1x80xi32, #tpu.memory_space<vmem>> -> memref<80xi32, #tpu.memory_space<vmem>>
        %dma_wait3A_133 = arith.constant 0 : i32
        %dma_wait3A_134 = arith.constant 0 : i32
        %dma_wait3A_135 = tpu.memref_slice %arg18[%dma_wait3A_133, %dma_wait3A_134] : memref<10000x128xf32, #tpu.memory_space<vmem_shared>> -> memref<10000x128xf32, #tpu.memory_space<vmem_shared>>
        tpu.wait_indirect_dma semaphore(%arg17 : memref<!tpu.dma_semaphore, #tpu.memory_space<semaphore_mem>>) src(%arg11 : memref<80x128xf32, #tpu.memory_space<vmem>>) dst(%dma_wait3A_135 : memref<10000x128xf32, #tpu.memory_space<vmem_shared>>)
      } else {
      }
      %lt3A_117 = arith.constant 125 : i32
      %lt3A_118 = arith.cmpi slt, %add3A_108, %lt3A_117 : i32
      %convert_element_type3A_119 = arith.extui %lt3A_118 : i1 to i32
      %cond3A_120 = arith.constant 0 : i32
      %cond3A_121 = arith.cmpi ne, %convert_element_type3A_119, %cond3A_120 : i32
      scf.if %cond3A_121 {
        %mul3A_130 = arith.constant 80 : i32
        %mul3A_131 = arith.muli %add3A_108, %mul3A_130 : i32
        %multiple_of3A = tpu.assume_multiple %mul3A_131, 8 : i32
        %dma_start3A = tpu.memref_slice %arg7[%multiple_of3A] : memref<10000xi32, #tpu.memory_space<vmem>> -> memref<80xi32, #tpu.memory_space<vmem>>
        %dma_start3A_132 = arith.constant 0 : i32
        %dma_start3A_133 = arith.constant 0 : i32
        %dma_start3A_134 = tpu.memref_slice %arg2[%dma_start3A_132, %dma_start3A_133] : memref<10000x128xf32, #tpu.memory_space<hbm>> -> memref<10000x128xf32, #tpu.memory_space<hbm>>
        tpu.enqueue_indirect_dma source(%dma_start3A_134 : memref<10000x128xf32, #tpu.memory_space<hbm>>) target(%arg11 : memref<80x128xf32, #tpu.memory_space<vmem>>) offsets(%dma_start3A : memref<80xi32, #tpu.memory_space<vmem>>) semaphore(%arg14 : memref<!tpu.dma_semaphore, #tpu.memory_space<semaphore_mem>>)
      } else {
      }
      %ge3A_122 = arith.constant 2 : i32
      %ge3A_123 = arith.cmpi sge, %add3A_108, %ge3A_122 : i32
      %lt3A_124 = arith.constant 127 : i32
      %lt3A_125 = arith.cmpi slt, %add3A_108, %lt3A_124 : i32
      %and3A_126 = arith.andi %ge3A_123, %lt3A_125 : i1
      %convert_element_type3A_127 = arith.extui %and3A_126 : i1 to i32
      %cond3A_128 = arith.constant 0 : i32
      %cond3A_129 = arith.cmpi ne, %convert_element_type3A_127, %cond3A_128 : i32
      scf.if %cond3A_129 {
        %sub3A = arith.constant 2 : i32
        %sub3A_130 = arith.subi %add3A_108, %sub3A : i32
        %mul3A_131 = arith.constant 80 : i32
        %mul3A_132 = arith.muli %sub3A_130, %mul3A_131 : i32
        %multiple_of3A = tpu.assume_multiple %mul3A_132, 8 : i32
        %dma_wait3A = tpu.memref_slice %arg7[%multiple_of3A] : memref<10000xi32, #tpu.memory_space<vmem>> -> memref<80xi32, #tpu.memory_space<vmem>>
        %dma_wait3A_133 = arith.constant 0 : i32
        %dma_wait3A_134 = arith.constant 0 : i32
        %dma_wait3A_135 = tpu.memref_slice %arg2[%dma_wait3A_133, %dma_wait3A_134] : memref<10000x128xf32, #tpu.memory_space<hbm>> -> memref<10000x128xf32, #tpu.memory_space<hbm>>
        tpu.wait_indirect_dma semaphore(%arg12 : memref<!tpu.dma_semaphore, #tpu.memory_space<semaphore_mem>>) src(%dma_wait3A_135 : memref<10000x128xf32, #tpu.memory_space<hbm>>) dst(%arg9 : memref<80x128xf32, #tpu.memory_space<vmem>>)
        %sub3A_136 = arith.constant 2 : i32
        %sub3A_137 = arith.subi %add3A_108, %sub3A_136 : i32
        %dma_start3A = arith.constant 0 : i32
        %dma_start3A_138 = tpu.memref_slice %arg8[%sub3A_137, %dma_start3A] : memref<125x80xi32, #tpu.memory_space<vmem>> -> memref<1x80xi32, #tpu.memory_space<vmem>>
        %dma_start3A_139 = tpu.memref_squeeze %dma_start3A_138 : memref<1x80xi32, #tpu.memory_space<vmem>> -> memref<80xi32, #tpu.memory_space<vmem>>
        %dma_start3A_140 = arith.constant 0 : i32
        %dma_start3A_141 = arith.constant 0 : i32
        %dma_start3A_142 = tpu.memref_slice %arg18[%dma_start3A_140, %dma_start3A_141] : memref<10000x128xf32, #tpu.memory_space<vmem_shared>> -> memref<10000x128xf32, #tpu.memory_space<vmem_shared>>
        tpu.enqueue_indirect_dma source(%arg9 : memref<80x128xf32, #tpu.memory_space<vmem>>) target(%dma_start3A_142 : memref<10000x128xf32, #tpu.memory_space<vmem_shared>>) offsets(%dma_start3A_139 : memref<80xi32, #tpu.memory_space<vmem>>) semaphore(%arg15 : memref<!tpu.dma_semaphore, #tpu.memory_space<semaphore_mem>>) {add = true}
      } else {
      }
    }
    %scan3A_25 = arith.constant 44 : i32
    %barrier3A_26 = arith.constant 0 : index
    tpu.barrier barrier_id(%barrier3A_26)
    %add3A_27 = arith.constant 0 : i32
    %add3A_28 = arith.addi %mul3A_2, %add3A_27 : i32
    "tpu.region"() ({
      %run_scoped3A = tpu.sem_alloc : memref<!tpu.dma_semaphore, #tpu.memory_space<semaphore_mem>>
      %dma_start3A = arith.constant 0 : i32
      %dma_start3A_59 = tpu.memref_slice %arg18[%add3A_28, %dma_start3A] : memref<10000x128xf32, #tpu.memory_space<vmem_shared>> -> memref<80x128xf32, #tpu.memory_space<vmem_shared>>
      %dma_start3A_60 = arith.constant 0 : i32
      %dma_start3A_61 = tpu.memref_slice %arg18[%add3A_28, %dma_start3A_60] : memref<10000x128xf32, #tpu.memory_space<vmem_shared>> -> memref<80x128xf32, #tpu.memory_space<vmem_shared>>
      tpu.enqueue_dma source(%dma_start3A_61 : memref<80x128xf32, #tpu.memory_space<vmem_shared>>) target(%arg9 : memref<80x128xf32, #tpu.memory_space<vmem>>) target_semaphore(%run_scoped3A : memref<!tpu.dma_semaphore, #tpu.memory_space<semaphore_mem>>)
      %dma_wait3A = arith.constant 0 : i32
      %dma_wait3A_62 = tpu.memref_slice %arg18[%add3A_28, %dma_wait3A] : memref<10000x128xf32, #tpu.memory_space<vmem_shared>> -> memref<80x128xf32, #tpu.memory_space<vmem_shared>>
      %dma_wait3A_63 = arith.constant 0 : i32
      %dma_wait3A_64 = tpu.memref_slice %arg18[%add3A_28, %dma_wait3A_63] : memref<10000x128xf32, #tpu.memory_space<vmem_shared>> -> memref<80x128xf32, #tpu.memory_space<vmem_shared>>
      tpu.wait_dma2 semaphore(%run_scoped3A : memref<!tpu.dma_semaphore, #tpu.memory_space<semaphore_mem>>) src(%dma_wait3A_64 : memref<80x128xf32, #tpu.memory_space<vmem_shared>>) dst(%arg9 : memref<80x128xf32, #tpu.memory_space<vmem>>)
      tpu.yield
    }) : () -> ()
    %add3A_29 = arith.constant 0 : i32
    %add3A_30 = arith.addi %mul3A_2, %add3A_29 : i32
    "tpu.region"() ({
      %run_scoped3A = tpu.sem_alloc : memref<!tpu.dma_semaphore, #tpu.memory_space<semaphore_mem>>
      %dma_start3A = arith.constant 0 : i32
      %dma_start3A_59 = tpu.memref_slice %arg6[%arg0, %add3A_30, %dma_start3A] : memref<2x10000x128xf32, #tpu.memory_space<hbm>> -> memref<1x80x128xf32, #tpu.memory_space<hbm>>
      %dma_start3A_60 = tpu.memref_squeeze %dma_start3A_59 : memref<1x80x128xf32, #tpu.memory_space<hbm>> -> memref<80x128xf32, #tpu.memory_space<hbm>>
      %dma_start3A_61 = arith.constant 0 : i32
      %dma_start3A_62 = tpu.memref_slice %arg6[%arg0, %add3A_30, %dma_start3A_61] : memref<2x10000x128xf32, #tpu.memory_space<hbm>> -> memref<1x80x128xf32, #tpu.memory_space<hbm>>
      %dma_start3A_63 = tpu.memref_squeeze %dma_start3A_62 : memref<1x80x128xf32, #tpu.memory_space<hbm>> -> memref<80x128xf32, #tpu.memory_space<hbm>>
      tpu.enqueue_dma source(%arg9 : memref<80x128xf32, #tpu.memory_space<vmem>>) target(%dma_start3A_63 : memref<80x128xf32, #tpu.memory_space<hbm>>) target_semaphore(%run_scoped3A : memref<!tpu.dma_semaphore, #tpu.memory_space<semaphore_mem>>)
      %dma_wait3A = arith.constant 0 : i32
      %dma_wait3A_64 = tpu.memref_slice %arg6[%arg0, %add3A_30, %dma_wait3A] : memref<2x10000x128xf32, #tpu.memory_space<hbm>> -> memref<1x80x128xf32, #tpu.memory_space<hbm>>
      %dma_wait3A_65 = tpu.memref_squeeze %dma_wait3A_64 : memref<1x80x128xf32, #tpu.memory_space<hbm>> -> memref<80x128xf32, #tpu.memory_space<hbm>>
      %dma_wait3A_66 = arith.constant 0 : i32
      %dma_wait3A_67 = tpu.memref_slice %arg6[%arg0, %add3A_30, %dma_wait3A_66] : memref<2x10000x128xf32, #tpu.memory_space<hbm>> -> memref<1x80x128xf32, #tpu.memory_space<hbm>>
      %dma_wait3A_68 = tpu.memref_squeeze %dma_wait3A_67 : memref<1x80x128xf32, #tpu.memory_space<hbm>> -> memref<80x128xf32, #tpu.memory_space<hbm>>
      tpu.wait_dma2 semaphore(%run_scoped3A : memref<!tpu.dma_semaphore, #tpu.memory_space<semaphore_mem>>) src(%arg9 : memref<80x128xf32, #tpu.memory_space<vmem>>) dst(%dma_wait3A_68 : memref<80x128xf32, #tpu.memory_space<hbm>>)
      tpu.yield
    }) : () -> ()
    %add3A_31 = arith.constant 80 : i32
    %add3A_32 = arith.addi %mul3A_2, %add3A_31 : i32
    "tpu.region"() ({
      %run_scoped3A = tpu.sem_alloc : memref<!tpu.dma_semaphore, #tpu.memory_space<semaphore_mem>>
      %dma_start3A = arith.constant 0 : i32
      %dma_start3A_59 = tpu.memref_slice %arg18[%add3A_32, %dma_start3A] : memref<10000x128xf32, #tpu.memory_space<vmem_shared>> -> memref<80x128xf32, #tpu.memory_space<vmem_shared>>
      %dma_start3A_60 = arith.constant 0 : i32
      %dma_start3A_61 = tpu.memref_slice %arg18[%add3A_32, %dma_start3A_60] : memref<10000x128xf32, #tpu.memory_space<vmem_shared>> -> memref<80x128xf32, #tpu.memory_space<vmem_shared>>
      tpu.enqueue_dma source(%dma_start3A_61 : memref<80x128xf32, #tpu.memory_space<vmem_shared>>) target(%arg9 : memref<80x128xf32, #tpu.memory_space<vmem>>) target_semaphore(%run_scoped3A : memref<!tpu.dma_semaphore, #tpu.memory_space<semaphore_mem>>)
      %dma_wait3A = arith.constant 0 : i32
      %dma_wait3A_62 = tpu.memref_slice %arg18[%add3A_32, %dma_wait3A] : memref<10000x128xf32, #tpu.memory_space<vmem_shared>> -> memref<80x128xf32, #tpu.memory_space<vmem_shared>>
      %dma_wait3A_63 = arith.constant 0 : i32
      %dma_wait3A_64 = tpu.memref_slice %arg18[%add3A_32, %dma_wait3A_63] : memref<10000x128xf32, #tpu.memory_space<vmem_shared>> -> memref<80x128xf32, #tpu.memory_space<vmem_shared>>
      tpu.wait_dma2 semaphore(%run_scoped3A : memref<!tpu.dma_semaphore, #tpu.memory_space<semaphore_mem>>) src(%dma_wait3A_64 : memref<80x128xf32, #tpu.memory_space<vmem_shared>>) dst(%arg9 : memref<80x128xf32, #tpu.memory_space<vmem>>)
      tpu.yield
    }) : () -> ()
    %add3A_33 = arith.constant 80 : i32
    %add3A_34 = arith.addi %mul3A_2, %add3A_33 : i32
    "tpu.region"() ({
      %run_scoped3A = tpu.sem_alloc : memref<!tpu.dma_semaphore, #tpu.memory_space<semaphore_mem>>
      %dma_start3A = arith.constant 0 : i32
      %dma_start3A_59 = tpu.memref_slice %arg6[%arg0, %add3A_34, %dma_start3A] : memref<2x10000x128xf32, #tpu.memory_space<hbm>> -> memref<1x80x128xf32, #tpu.memory_space<hbm>>
      %dma_start3A_60 = tpu.memref_squeeze %dma_start3A_59 : memref<1x80x128xf32, #tpu.memory_space<hbm>> -> memref<80x128xf32, #tpu.memory_space<hbm>>
      %dma_start3A_61 = arith.constant 0 : i32
      %dma_start3A_62 = tpu.memref_slice %arg6[%arg0, %add3A_34, %dma_start3A_61] : memref<2x10000x128xf32, #tpu.memory_space<hbm>> -> memref<1x80x128xf32, #tpu.memory_space<hbm>>
      %dma_start3A_63 = tpu.memref_squeeze %dma_start3A_62 : memref<1x80x128xf32, #tpu.memory_space<hbm>> -> memref<80x128xf32, #tpu.memory_space<hbm>>
      tpu.enqueue_dma source(%arg9 : memref<80x128xf32, #tpu.memory_space<vmem>>) target(%dma_start3A_63 : memref<80x128xf32, #tpu.memory_space<hbm>>) target_semaphore(%run_scoped3A : memref<!tpu.dma_semaphore, #tpu.memory_space<semaphore_mem>>)
      %dma_wait3A = arith.constant 0 : i32
      %dma_wait3A_64 = tpu.memref_slice %arg6[%arg0, %add3A_34, %dma_wait3A] : memref<2x10000x128xf32, #tpu.memory_space<hbm>> -> memref<1x80x128xf32, #tpu.memory_space<hbm>>
      %dma_wait3A_65 = tpu.memref_squeeze %dma_wait3A_64 : memref<1x80x128xf32, #tpu.memory_space<hbm>> -> memref<80x128xf32, #tpu.memory_space<hbm>>
      %dma_wait3A_66 = arith.constant 0 : i32
      %dma_wait3A_67 = tpu.memref_slice %arg6[%arg0, %add3A_34, %dma_wait3A_66] : memref<2x10000x128xf32, #tpu.memory_space<hbm>> -> memref<1x80x128xf32, #tpu.memory_space<hbm>>
      %dma_wait3A_68 = tpu.memref_squeeze %dma_wait3A_67 : memref<1x80x128xf32, #tpu.memory_space<hbm>> -> memref<80x128xf32, #tpu.memory_space<hbm>>
      tpu.wait_dma2 semaphore(%run_scoped3A : memref<!tpu.dma_semaphore, #tpu.memory_space<semaphore_mem>>) src(%arg9 : memref<80x128xf32, #tpu.memory_space<vmem>>) dst(%dma_wait3A_68 : memref<80x128xf32, #tpu.memory_space<hbm>>)
      tpu.yield
    }) : () -> ()
    %add3A_35 = arith.constant 160 : i32
    %add3A_36 = arith.addi %mul3A_2, %add3A_35 : i32
    "tpu.region"() ({
      %run_scoped3A = tpu.sem_alloc : memref<!tpu.dma_semaphore, #tpu.memory_space<semaphore_mem>>
      %dma_start3A = arith.constant 0 : i32
      %dma_start3A_59 = tpu.memref_slice %arg18[%add3A_36, %dma_start3A] : memref<10000x128xf32, #tpu.memory_space<vmem_shared>> -> memref<80x128xf32, #tpu.memory_space<vmem_shared>>
      %dma_start3A_60 = arith.constant 0 : i32
      %dma_start3A_61 = tpu.memref_slice %arg18[%add3A_36, %dma_start3A_60] : memref<10000x128xf32, #tpu.memory_space<vmem_shared>> -> memref<80x128xf32, #tpu.memory_space<vmem_shared>>
      tpu.enqueue_dma source(%dma_start3A_61 : memref<80x128xf32, #tpu.memory_space<vmem_shared>>) target(%arg9 : memref<80x128xf32, #tpu.memory_space<vmem>>) target_semaphore(%run_scoped3A : memref<!tpu.dma_semaphore, #tpu.memory_space<semaphore_mem>>)
      %dma_wait3A = arith.constant 0 : i32
      %dma_wait3A_62 = tpu.memref_slice %arg18[%add3A_36, %dma_wait3A] : memref<10000x128xf32, #tpu.memory_space<vmem_shared>> -> memref<80x128xf32, #tpu.memory_space<vmem_shared>>
      %dma_wait3A_63 = arith.constant 0 : i32
      %dma_wait3A_64 = tpu.memref_slice %arg18[%add3A_36, %dma_wait3A_63] : memref<10000x128xf32, #tpu.memory_space<vmem_shared>> -> memref<80x128xf32, #tpu.memory_space<vmem_shared>>
      tpu.wait_dma2 semaphore(%run_scoped3A : memref<!tpu.dma_semaphore, #tpu.memory_space<semaphore_mem>>) src(%dma_wait3A_64 : memref<80x128xf32, #tpu.memory_space<vmem_shared>>) dst(%arg9 : memref<80x128xf32, #tpu.memory_space<vmem>>)
      tpu.yield
    }) : () -> ()
    %add3A_37 = arith.constant 160 : i32
    %add3A_38 = arith.addi %mul3A_2, %add3A_37 : i32
    "tpu.region"() ({
      %run_scoped3A = tpu.sem_alloc : memref<!tpu.dma_semaphore, #tpu.memory_space<semaphore_mem>>
      %dma_start3A = arith.constant 0 : i32
      %dma_start3A_59 = tpu.memref_slice %arg6[%arg0, %add3A_38, %dma_start3A] : memref<2x10000x128xf32, #tpu.memory_space<hbm>> -> memref<1x80x128xf32, #tpu.memory_space<hbm>>
      %dma_start3A_60 = tpu.memref_squeeze %dma_start3A_59 : memref<1x80x128xf32, #tpu.memory_space<hbm>> -> memref<80x128xf32, #tpu.memory_space<hbm>>
      %dma_start3A_61 = arith.constant 0 : i32
      %dma_start3A_62 = tpu.memref_slice %arg6[%arg0, %add3A_38, %dma_start3A_61] : memref<2x10000x128xf32, #tpu.memory_space<hbm>> -> memref<1x80x128xf32, #tpu.memory_space<hbm>>
      %dma_start3A_63 = tpu.memref_squeeze %dma_start3A_62 : memref<1x80x128xf32, #tpu.memory_space<hbm>> -> memref<80x128xf32, #tpu.memory_space<hbm>>
      tpu.enqueue_dma source(%arg9 : memref<80x128xf32, #tpu.memory_space<vmem>>) target(%dma_start3A_63 : memref<80x128xf32, #tpu.memory_space<hbm>>) target_semaphore(%run_scoped3A : memref<!tpu.dma_semaphore, #tpu.memory_space<semaphore_mem>>)
      %dma_wait3A = arith.constant 0 : i32
      %dma_wait3A_64 = tpu.memref_slice %arg6[%arg0, %add3A_38, %dma_wait3A] : memref<2x10000x128xf32, #tpu.memory_space<hbm>> -> memref<1x80x128xf32, #tpu.memory_space<hbm>>
      %dma_wait3A_65 = tpu.memref_squeeze %dma_wait3A_64 : memref<1x80x128xf32, #tpu.memory_space<hbm>> -> memref<80x128xf32, #tpu.memory_space<hbm>>
      %dma_wait3A_66 = arith.constant 0 : i32
      %dma_wait3A_67 = tpu.memref_slice %arg6[%arg0, %add3A_38, %dma_wait3A_66] : memref<2x10000x128xf32, #tpu.memory_space<hbm>> -> memref<1x80x128xf32, #tpu.memory_space<hbm>>
      %dma_wait3A_68 = tpu.memref_squeeze %dma_wait3A_67 : memref<1x80x128xf32, #tpu.memory_space<hbm>> -> memref<80x128xf32, #tpu.memory_space<hbm>>
      tpu.wait_dma2 semaphore(%run_scoped3A : memref<!tpu.dma_semaphore, #tpu.memory_space<semaphore_mem>>) src(%arg9 : memref<80x128xf32, #tpu.memory_space<vmem>>) dst(%dma_wait3A_68 : memref<80x128xf32, #tpu.memory_space<hbm>>)
      tpu.yield
    }) : () -> ()
    %add3A_39 = arith.constant 240 : i32
    %add3A_40 = arith.addi %mul3A_2, %add3A_39 : i32
    "tpu.region"() ({
      %run_scoped3A = tpu.sem_alloc : memref<!tpu.dma_semaphore, #tpu.memory_space<semaphore_mem>>
      %dma_start3A = arith.constant 0 : i32
      %dma_start3A_59 = tpu.memref_slice %arg18[%add3A_40, %dma_start3A] : memref<10000x128xf32, #tpu.memory_space<vmem_shared>> -> memref<80x128xf32, #tpu.memory_space<vmem_shared>>
      %dma_start3A_60 = arith.constant 0 : i32
      %dma_start3A_61 = tpu.memref_slice %arg18[%add3A_40, %dma_start3A_60] : memref<10000x128xf32, #tpu.memory_space<vmem_shared>> -> memref<80x128xf32, #tpu.memory_space<vmem_shared>>
      tpu.enqueue_dma source(%dma_start3A_61 : memref<80x128xf32, #tpu.memory_space<vmem_shared>>) target(%arg9 : memref<80x128xf32, #tpu.memory_space<vmem>>) target_semaphore(%run_scoped3A : memref<!tpu.dma_semaphore, #tpu.memory_space<semaphore_mem>>)
      %dma_wait3A = arith.constant 0 : i32
      %dma_wait3A_62 = tpu.memref_slice %arg18[%add3A_40, %dma_wait3A] : memref<10000x128xf32, #tpu.memory_space<vmem_shared>> -> memref<80x128xf32, #tpu.memory_space<vmem_shared>>
      %dma_wait3A_63 = arith.constant 0 : i32
      %dma_wait3A_64 = tpu.memref_slice %arg18[%add3A_40, %dma_wait3A_63] : memref<10000x128xf32, #tpu.memory_space<vmem_shared>> -> memref<80x128xf32, #tpu.memory_space<vmem_shared>>
      tpu.wait_dma2 semaphore(%run_scoped3A : memref<!tpu.dma_semaphore, #tpu.memory_space<semaphore_mem>>) src(%dma_wait3A_64 : memref<80x128xf32, #tpu.memory_space<vmem_shared>>) dst(%arg9 : memref<80x128xf32, #tpu.memory_space<vmem>>)
      tpu.yield
    }) : () -> ()
    %add3A_41 = arith.constant 240 : i32
    %add3A_42 = arith.addi %mul3A_2, %add3A_41 : i32
    "tpu.region"() ({
      %run_scoped3A = tpu.sem_alloc : memref<!tpu.dma_semaphore, #tpu.memory_space<semaphore_mem>>
      %dma_start3A = arith.constant 0 : i32
      %dma_start3A_59 = tpu.memref_slice %arg6[%arg0, %add3A_42, %dma_start3A] : memref<2x10000x128xf32, #tpu.memory_space<hbm>> -> memref<1x80x128xf32, #tpu.memory_space<hbm>>
      %dma_start3A_60 = tpu.memref_squeeze %dma_start3A_59 : memref<1x80x128xf32, #tpu.memory_space<hbm>> -> memref<80x128xf32, #tpu.memory_space<hbm>>
      %dma_start3A_61 = arith.constant 0 : i32
      %dma_start3A_62 = tpu.memref_slice %arg6[%arg0, %add3A_42, %dma_start3A_61] : memref<2x10000x128xf32, #tpu.memory_space<hbm>> -> memref<1x80x128xf32, #tpu.memory_space<hbm>>
      %dma_start3A_63 = tpu.memref_squeeze %dma_start3A_62 : memref<1x80x128xf32, #tpu.memory_space<hbm>> -> memref<80x128xf32, #tpu.memory_space<hbm>>
      tpu.enqueue_dma source(%arg9 : memref<80x128xf32, #tpu.memory_space<vmem>>) target(%dma_start3A_63 : memref<80x128xf32, #tpu.memory_space<hbm>>) target_semaphore(%run_scoped3A : memref<!tpu.dma_semaphore, #tpu.memory_space<semaphore_mem>>)
      %dma_wait3A = arith.constant 0 : i32
      %dma_wait3A_64 = tpu.memref_slice %arg6[%arg0, %add3A_42, %dma_wait3A] : memref<2x10000x128xf32, #tpu.memory_space<hbm>> -> memref<1x80x128xf32, #tpu.memory_space<hbm>>
      %dma_wait3A_65 = tpu.memref_squeeze %dma_wait3A_64 : memref<1x80x128xf32, #tpu.memory_space<hbm>> -> memref<80x128xf32, #tpu.memory_space<hbm>>
      %dma_wait3A_66 = arith.constant 0 : i32
      %dma_wait3A_67 = tpu.memref_slice %arg6[%arg0, %add3A_42, %dma_wait3A_66] : memref<2x10000x128xf32, #tpu.memory_space<hbm>> -> memref<1x80x128xf32, #tpu.memory_space<hbm>>
      %dma_wait3A_68 = tpu.memref_squeeze %dma_wait3A_67 : memref<1x80x128xf32, #tpu.memory_space<hbm>> -> memref<80x128xf32, #tpu.memory_space<hbm>>
      tpu.wait_dma2 semaphore(%run_scoped3A : memref<!tpu.dma_semaphore, #tpu.memory_space<semaphore_mem>>) src(%arg9 : memref<80x128xf32, #tpu.memory_space<vmem>>) dst(%dma_wait3A_68 : memref<80x128xf32, #tpu.memory_space<hbm>>)
      tpu.yield
    }) : () -> ()
    %add3A_43 = arith.constant 320 : i32
    %add3A_44 = arith.addi %mul3A_2, %add3A_43 : i32
    "tpu.region"() ({
      %run_scoped3A = tpu.sem_alloc : memref<!tpu.dma_semaphore, #tpu.memory_space<semaphore_mem>>
      %dma_start3A = arith.constant 0 : i32
      %dma_start3A_59 = tpu.memref_slice %arg18[%add3A_44, %dma_start3A] : memref<10000x128xf32, #tpu.memory_space<vmem_shared>> -> memref<80x128xf32, #tpu.memory_space<vmem_shared>>
      %dma_start3A_60 = arith.constant 0 : i32
      %dma_start3A_61 = tpu.memref_slice %arg18[%add3A_44, %dma_start3A_60] : memref<10000x128xf32, #tpu.memory_space<vmem_shared>> -> memref<80x128xf32, #tpu.memory_space<vmem_shared>>
      tpu.enqueue_dma source(%dma_start3A_61 : memref<80x128xf32, #tpu.memory_space<vmem_shared>>) target(%arg9 : memref<80x128xf32, #tpu.memory_space<vmem>>) target_semaphore(%run_scoped3A : memref<!tpu.dma_semaphore, #tpu.memory_space<semaphore_mem>>)
      %dma_wait3A = arith.constant 0 : i32
      %dma_wait3A_62 = tpu.memref_slice %arg18[%add3A_44, %dma_wait3A] : memref<10000x128xf32, #tpu.memory_space<vmem_shared>> -> memref<80x128xf32, #tpu.memory_space<vmem_shared>>
      %dma_wait3A_63 = arith.constant 0 : i32
      %dma_wait3A_64 = tpu.memref_slice %arg18[%add3A_44, %dma_wait3A_63] : memref<10000x128xf32, #tpu.memory_space<vmem_shared>> -> memref<80x128xf32, #tpu.memory_space<vmem_shared>>
      tpu.wait_dma2 semaphore(%run_scoped3A : memref<!tpu.dma_semaphore, #tpu.memory_space<semaphore_mem>>) src(%dma_wait3A_64 : memref<80x128xf32, #tpu.memory_space<vmem_shared>>) dst(%arg9 : memref<80x128xf32, #tpu.memory_space<vmem>>)
      tpu.yield
    }) : () -> ()
    %add3A_45 = arith.constant 320 : i32
    %add3A_46 = arith.addi %mul3A_2, %add3A_45 : i32
    "tpu.region"() ({
      %run_scoped3A = tpu.sem_alloc : memref<!tpu.dma_semaphore, #tpu.memory_space<semaphore_mem>>
      %dma_start3A = arith.constant 0 : i32
      %dma_start3A_59 = tpu.memref_slice %arg6[%arg0, %add3A_46, %dma_start3A] : memref<2x10000x128xf32, #tpu.memory_space<hbm>> -> memref<1x80x128xf32, #tpu.memory_space<hbm>>
      %dma_start3A_60 = tpu.memref_squeeze %dma_start3A_59 : memref<1x80x128xf32, #tpu.memory_space<hbm>> -> memref<80x128xf32, #tpu.memory_space<hbm>>
      %dma_start3A_61 = arith.constant 0 : i32
      %dma_start3A_62 = tpu.memref_slice %arg6[%arg0, %add3A_46, %dma_start3A_61] : memref<2x10000x128xf32, #tpu.memory_space<hbm>> -> memref<1x80x128xf32, #tpu.memory_space<hbm>>
      %dma_start3A_63 = tpu.memref_squeeze %dma_start3A_62 : memref<1x80x128xf32, #tpu.memory_space<hbm>> -> memref<80x128xf32, #tpu.memory_space<hbm>>
      tpu.enqueue_dma source(%arg9 : memref<80x128xf32, #tpu.memory_space<vmem>>) target(%dma_start3A_63 : memref<80x128xf32, #tpu.memory_space<hbm>>) target_semaphore(%run_scoped3A : memref<!tpu.dma_semaphore, #tpu.memory_space<semaphore_mem>>)
      %dma_wait3A = arith.constant 0 : i32
      %dma_wait3A_64 = tpu.memref_slice %arg6[%arg0, %add3A_46, %dma_wait3A] : memref<2x10000x128xf32, #tpu.memory_space<hbm>> -> memref<1x80x128xf32, #tpu.memory_space<hbm>>
      %dma_wait3A_65 = tpu.memref_squeeze %dma_wait3A_64 : memref<1x80x128xf32, #tpu.memory_space<hbm>> -> memref<80x128xf32, #tpu.memory_space<hbm>>
      %dma_wait3A_66 = arith.constant 0 : i32
      %dma_wait3A_67 = tpu.memref_slice %arg6[%arg0, %add3A_46, %dma_wait3A_66] : memref<2x10000x128xf32, #tpu.memory_space<hbm>> -> memref<1x80x128xf32, #tpu.memory_space<hbm>>
      %dma_wait3A_68 = tpu.memref_squeeze %dma_wait3A_67 : memref<1x80x128xf32, #tpu.memory_space<hbm>> -> memref<80x128xf32, #tpu.memory_space<hbm>>
      tpu.wait_dma2 semaphore(%run_scoped3A : memref<!tpu.dma_semaphore, #tpu.memory_space<semaphore_mem>>) src(%arg9 : memref<80x128xf32, #tpu.memory_space<vmem>>) dst(%dma_wait3A_68 : memref<80x128xf32, #tpu.memory_space<hbm>>)
      tpu.yield
    }) : () -> ()
    %add3A_47 = arith.constant 400 : i32
    %add3A_48 = arith.addi %mul3A_2, %add3A_47 : i32
    "tpu.region"() ({
      %run_scoped3A = tpu.sem_alloc : memref<!tpu.dma_semaphore, #tpu.memory_space<semaphore_mem>>
      %dma_start3A = arith.constant 0 : i32
      %dma_start3A_59 = tpu.memref_slice %arg18[%add3A_48, %dma_start3A] : memref<10000x128xf32, #tpu.memory_space<vmem_shared>> -> memref<80x128xf32, #tpu.memory_space<vmem_shared>>
      %dma_start3A_60 = arith.constant 0 : i32
      %dma_start3A_61 = tpu.memref_slice %arg18[%add3A_48, %dma_start3A_60] : memref<10000x128xf32, #tpu.memory_space<vmem_shared>> -> memref<80x128xf32, #tpu.memory_space<vmem_shared>>
      tpu.enqueue_dma source(%dma_start3A_61 : memref<80x128xf32, #tpu.memory_space<vmem_shared>>) target(%arg9 : memref<80x128xf32, #tpu.memory_space<vmem>>) target_semaphore(%run_scoped3A : memref<!tpu.dma_semaphore, #tpu.memory_space<semaphore_mem>>)
      %dma_wait3A = arith.constant 0 : i32
      %dma_wait3A_62 = tpu.memref_slice %arg18[%add3A_48, %dma_wait3A] : memref<10000x128xf32, #tpu.memory_space<vmem_shared>> -> memref<80x128xf32, #tpu.memory_space<vmem_shared>>
      %dma_wait3A_63 = arith.constant 0 : i32
      %dma_wait3A_64 = tpu.memref_slice %arg18[%add3A_48, %dma_wait3A_63] : memref<10000x128xf32, #tpu.memory_space<vmem_shared>> -> memref<80x128xf32, #tpu.memory_space<vmem_shared>>
      tpu.wait_dma2 semaphore(%run_scoped3A : memref<!tpu.dma_semaphore, #tpu.memory_space<semaphore_mem>>) src(%dma_wait3A_64 : memref<80x128xf32, #tpu.memory_space<vmem_shared>>) dst(%arg9 : memref<80x128xf32, #tpu.memory_space<vmem>>)
      tpu.yield
    }) : () -> ()
    %add3A_49 = arith.constant 400 : i32
    %add3A_50 = arith.addi %mul3A_2, %add3A_49 : i32
    "tpu.region"() ({
      %run_scoped3A = tpu.sem_alloc : memref<!tpu.dma_semaphore, #tpu.memory_space<semaphore_mem>>
      %dma_start3A = arith.constant 0 : i32
      %dma_start3A_59 = tpu.memref_slice %arg6[%arg0, %add3A_50, %dma_start3A] : memref<2x10000x128xf32, #tpu.memory_space<hbm>> -> memref<1x80x128xf32, #tpu.memory_space<hbm>>
      %dma_start3A_60 = tpu.memref_squeeze %dma_start3A_59 : memref<1x80x128xf32, #tpu.memory_space<hbm>> -> memref<80x128xf32, #tpu.memory_space<hbm>>
      %dma_start3A_61 = arith.constant 0 : i32
      %dma_start3A_62 = tpu.memref_slice %arg6[%arg0, %add3A_50, %dma_start3A_61] : memref<2x10000x128xf32, #tpu.memory_space<hbm>> -> memref<1x80x128xf32, #tpu.memory_space<hbm>>
      %dma_start3A_63 = tpu.memref_squeeze %dma_start3A_62 : memref<1x80x128xf32, #tpu.memory_space<hbm>> -> memref<80x128xf32, #tpu.memory_space<hbm>>
      tpu.enqueue_dma source(%arg9 : memref<80x128xf32, #tpu.memory_space<vmem>>) target(%dma_start3A_63 : memref<80x128xf32, #tpu.memory_space<hbm>>) target_semaphore(%run_scoped3A : memref<!tpu.dma_semaphore, #tpu.memory_space<semaphore_mem>>)
      %dma_wait3A = arith.constant 0 : i32
      %dma_wait3A_64 = tpu.memref_slice %arg6[%arg0, %add3A_50, %dma_wait3A] : memref<2x10000x128xf32, #tpu.memory_space<hbm>> -> memref<1x80x128xf32, #tpu.memory_space<hbm>>
      %dma_wait3A_65 = tpu.memref_squeeze %dma_wait3A_64 : memref<1x80x128xf32, #tpu.memory_space<hbm>> -> memref<80x128xf32, #tpu.memory_space<hbm>>
      %dma_wait3A_66 = arith.constant 0 : i32
      %dma_wait3A_67 = tpu.memref_slice %arg6[%arg0, %add3A_50, %dma_wait3A_66] : memref<2x10000x128xf32, #tpu.memory_space<hbm>> -> memref<1x80x128xf32, #tpu.memory_space<hbm>>
      %dma_wait3A_68 = tpu.memref_squeeze %dma_wait3A_67 : memref<1x80x128xf32, #tpu.memory_space<hbm>> -> memref<80x128xf32, #tpu.memory_space<hbm>>
      tpu.wait_dma2 semaphore(%run_scoped3A : memref<!tpu.dma_semaphore, #tpu.memory_space<semaphore_mem>>) src(%arg9 : memref<80x128xf32, #tpu.memory_space<vmem>>) dst(%dma_wait3A_68 : memref<80x128xf32, #tpu.memory_space<hbm>>)
      tpu.yield
    }) : () -> ()
    %add3A_51 = arith.constant 480 : i32
    %add3A_52 = arith.addi %mul3A_2, %add3A_51 : i32
    "tpu.region"() ({
      %run_scoped3A = tpu.sem_alloc : memref<!tpu.dma_semaphore, #tpu.memory_space<semaphore_mem>>
      %dma_start3A = arith.constant 0 : i32
      %dma_start3A_59 = tpu.memref_slice %arg18[%add3A_52, %dma_start3A] : memref<10000x128xf32, #tpu.memory_space<vmem_shared>> -> memref<80x128xf32, #tpu.memory_space<vmem_shared>>
      %dma_start3A_60 = arith.constant 0 : i32
      %dma_start3A_61 = tpu.memref_slice %arg18[%add3A_52, %dma_start3A_60] : memref<10000x128xf32, #tpu.memory_space<vmem_shared>> -> memref<80x128xf32, #tpu.memory_space<vmem_shared>>
      tpu.enqueue_dma source(%dma_start3A_61 : memref<80x128xf32, #tpu.memory_space<vmem_shared>>) target(%arg9 : memref<80x128xf32, #tpu.memory_space<vmem>>) target_semaphore(%run_scoped3A : memref<!tpu.dma_semaphore, #tpu.memory_space<semaphore_mem>>)
      %dma_wait3A = arith.constant 0 : i32
      %dma_wait3A_62 = tpu.memref_slice %arg18[%add3A_52, %dma_wait3A] : memref<10000x128xf32, #tpu.memory_space<vmem_shared>> -> memref<80x128xf32, #tpu.memory_space<vmem_shared>>
      %dma_wait3A_63 = arith.constant 0 : i32
      %dma_wait3A_64 = tpu.memref_slice %arg18[%add3A_52, %dma_wait3A_63] : memref<10000x128xf32, #tpu.memory_space<vmem_shared>> -> memref<80x128xf32, #tpu.memory_space<vmem_shared>>
      tpu.wait_dma2 semaphore(%run_scoped3A : memref<!tpu.dma_semaphore, #tpu.memory_space<semaphore_mem>>) src(%dma_wait3A_64 : memref<80x128xf32, #tpu.memory_space<vmem_shared>>) dst(%arg9 : memref<80x128xf32, #tpu.memory_space<vmem>>)
      tpu.yield
    }) : () -> ()
    %add3A_53 = arith.constant 480 : i32
    %add3A_54 = arith.addi %mul3A_2, %add3A_53 : i32
    "tpu.region"() ({
      %run_scoped3A = tpu.sem_alloc : memref<!tpu.dma_semaphore, #tpu.memory_space<semaphore_mem>>
      %dma_start3A = arith.constant 0 : i32
      %dma_start3A_59 = tpu.memref_slice %arg6[%arg0, %add3A_54, %dma_start3A] : memref<2x10000x128xf32, #tpu.memory_space<hbm>> -> memref<1x80x128xf32, #tpu.memory_space<hbm>>
      %dma_start3A_60 = tpu.memref_squeeze %dma_start3A_59 : memref<1x80x128xf32, #tpu.memory_space<hbm>> -> memref<80x128xf32, #tpu.memory_space<hbm>>
      %dma_start3A_61 = arith.constant 0 : i32
      %dma_start3A_62 = tpu.memref_slice %arg6[%arg0, %add3A_54, %dma_start3A_61] : memref<2x10000x128xf32, #tpu.memory_space<hbm>> -> memref<1x80x128xf32, #tpu.memory_space<hbm>>
      %dma_start3A_63 = tpu.memref_squeeze %dma_start3A_62 : memref<1x80x128xf32, #tpu.memory_space<hbm>> -> memref<80x128xf32, #tpu.memory_space<hbm>>
      tpu.enqueue_dma source(%arg9 : memref<80x128xf32, #tpu.memory_space<vmem>>) target(%dma_start3A_63 : memref<80x128xf32, #tpu.memory_space<hbm>>) target_semaphore(%run_scoped3A : memref<!tpu.dma_semaphore, #tpu.memory_space<semaphore_mem>>)
      %dma_wait3A = arith.constant 0 : i32
      %dma_wait3A_64 = tpu.memref_slice %arg6[%arg0, %add3A_54, %dma_wait3A] : memref<2x10000x128xf32, #tpu.memory_space<hbm>> -> memref<1x80x128xf32, #tpu.memory_space<hbm>>
      %dma_wait3A_65 = tpu.memref_squeeze %dma_wait3A_64 : memref<1x80x128xf32, #tpu.memory_space<hbm>> -> memref<80x128xf32, #tpu.memory_space<hbm>>
      %dma_wait3A_66 = arith.constant 0 : i32
      %dma_wait3A_67 = tpu.memref_slice %arg6[%arg0, %add3A_54, %dma_wait3A_66] : memref<2x10000x128xf32, #tpu.memory_space<hbm>> -> memref<1x80x128xf32, #tpu.memory_space<hbm>>
      %dma_wait3A_68 = tpu.memref_squeeze %dma_wait3A_67 : memref<1x80x128xf32, #tpu.memory_space<hbm>> -> memref<80x128xf32, #tpu.memory_space<hbm>>
      tpu.wait_dma2 semaphore(%run_scoped3A : memref<!tpu.dma_semaphore, #tpu.memory_space<semaphore_mem>>) src(%arg9 : memref<80x128xf32, #tpu.memory_space<vmem>>) dst(%dma_wait3A_68 : memref<80x128xf32, #tpu.memory_space<hbm>>)
      tpu.yield
    }) : () -> ()
    %add3A_55 = arith.constant 560 : i32
    %add3A_56 = arith.addi %mul3A_2, %add3A_55 : i32
    "tpu.region"() ({
      %run_scoped3A = tpu.sem_alloc : memref<!tpu.dma_semaphore, #tpu.memory_space<semaphore_mem>>
      %dma_start3A = arith.constant 0 : i32
      %dma_start3A_59 = arith.constant 0 : i32
      %dma_start3A_60 = tpu.memref_slice %arg9[%dma_start3A, %dma_start3A_59] : memref<80x128xf32, #tpu.memory_space<vmem>> -> memref<65x128xf32, #tpu.memory_space<vmem>>
      %dma_start3A_61 = arith.constant 0 : i32
      %dma_start3A_62 = tpu.memref_slice %arg18[%add3A_56, %dma_start3A_61] : memref<10000x128xf32, #tpu.memory_space<vmem_shared>> -> memref<65x128xf32, #tpu.memory_space<vmem_shared>>
      %dma_start3A_63 = arith.constant 0 : i32
      %dma_start3A_64 = arith.constant 0 : i32
      %dma_start3A_65 = tpu.memref_slice %arg9[%dma_start3A_63, %dma_start3A_64] : memref<80x128xf32, #tpu.memory_space<vmem>> -> memref<65x128xf32, #tpu.memory_space<vmem>>
      %dma_start3A_66 = arith.constant 0 : i32
      %dma_start3A_67 = tpu.memref_slice %arg18[%add3A_56, %dma_start3A_66] : memref<10000x128xf32, #tpu.memory_space<vmem_shared>> -> memref<65x128xf32, #tpu.memory_space<vmem_shared>>
      tpu.enqueue_dma source(%dma_start3A_67 : memref<65x128xf32, #tpu.memory_space<vmem_shared>>) target(%dma_start3A_65 : memref<65x128xf32, #tpu.memory_space<vmem>>) target_semaphore(%run_scoped3A : memref<!tpu.dma_semaphore, #tpu.memory_space<semaphore_mem>>)
      %dma_wait3A = arith.constant 0 : i32
      %dma_wait3A_68 = arith.constant 0 : i32
      %dma_wait3A_69 = tpu.memref_slice %arg9[%dma_wait3A, %dma_wait3A_68] : memref<80x128xf32, #tpu.memory_space<vmem>> -> memref<65x128xf32, #tpu.memory_space<vmem>>
      %dma_wait3A_70 = arith.constant 0 : i32
      %dma_wait3A_71 = tpu.memref_slice %arg18[%add3A_56, %dma_wait3A_70] : memref<10000x128xf32, #tpu.memory_space<vmem_shared>> -> memref<65x128xf32, #tpu.memory_space<vmem_shared>>
      %dma_wait3A_72 = arith.constant 0 : i32
      %dma_wait3A_73 = arith.constant 0 : i32
      %dma_wait3A_74 = tpu.memref_slice %arg9[%dma_wait3A_72, %dma_wait3A_73] : memref<80x128xf32, #tpu.memory_space<vmem>> -> memref<65x128xf32, #tpu.memory_space<vmem>>
      %dma_wait3A_75 = arith.constant 0 : i32
      %dma_wait3A_76 = tpu.memref_slice %arg18[%add3A_56, %dma_wait3A_75] : memref<10000x128xf32, #tpu.memory_space<vmem_shared>> -> memref<65x128xf32, #tpu.memory_space<vmem_shared>>
      tpu.wait_dma2 semaphore(%run_scoped3A : memref<!tpu.dma_semaphore, #tpu.memory_space<semaphore_mem>>) src(%dma_wait3A_76 : memref<65x128xf32, #tpu.memory_space<vmem_shared>>) dst(%dma_wait3A_74 : memref<65x128xf32, #tpu.memory_space<vmem>>)
      tpu.yield
    }) : () -> ()
    %add3A_57 = arith.constant 560 : i32
    %add3A_58 = arith.addi %mul3A_2, %add3A_57 : i32
    "tpu.region"() ({
      %run_scoped3A = tpu.sem_alloc : memref<!tpu.dma_semaphore, #tpu.memory_space<semaphore_mem>>
      %dma_start3A = arith.constant 0 : i32
      %dma_start3A_59 = arith.constant 0 : i32
      %dma_start3A_60 = tpu.memref_slice %arg9[%dma_start3A, %dma_start3A_59] : memref<80x128xf32, #tpu.memory_space<vmem>> -> memref<65x128xf32, #tpu.memory_space<vmem>>
      %dma_start3A_61 = arith.constant 0 : i32
      %dma_start3A_62 = tpu.memref_slice %arg6[%arg0, %add3A_58, %dma_start3A_61] : memref<2x10000x128xf32, #tpu.memory_space<hbm>> -> memref<1x65x128xf32, #tpu.memory_space<hbm>>
      %dma_start3A_63 = tpu.memref_squeeze %dma_start3A_62 : memref<1x65x128xf32, #tpu.memory_space<hbm>> -> memref<65x128xf32, #tpu.memory_space<hbm>>
      %dma_start3A_64 = arith.constant 0 : i32
      %dma_start3A_65 = tpu.memref_slice %arg6[%arg0, %add3A_58, %dma_start3A_64] : memref<2x10000x128xf32, #tpu.memory_space<hbm>> -> memref<1x65x128xf32, #tpu.memory_space<hbm>>
      %dma_start3A_66 = tpu.memref_squeeze %dma_start3A_65 : memref<1x65x128xf32, #tpu.memory_space<hbm>> -> memref<65x128xf32, #tpu.memory_space<hbm>>
      %dma_start3A_67 = arith.constant 0 : i32
      %dma_start3A_68 = arith.constant 0 : i32
      %dma_start3A_69 = tpu.memref_slice %arg9[%dma_start3A_67, %dma_start3A_68] : memref<80x128xf32, #tpu.memory_space<vmem>> -> memref<65x128xf32, #tpu.memory_space<vmem>>
      tpu.enqueue_dma source(%dma_start3A_69 : memref<65x128xf32, #tpu.memory_space<vmem>>) target(%dma_start3A_66 : memref<65x128xf32, #tpu.memory_space<hbm>>) target_semaphore(%run_scoped3A : memref<!tpu.dma_semaphore, #tpu.memory_space<semaphore_mem>>)
      %dma_wait3A = arith.constant 0 : i32
      %dma_wait3A_70 = arith.constant 0 : i32
      %dma_wait3A_71 = tpu.memref_slice %arg9[%dma_wait3A, %dma_wait3A_70] : memref<80x128xf32, #tpu.memory_space<vmem>> -> memref<65x128xf32, #tpu.memory_space<vmem>>
      %dma_wait3A_72 = arith.constant 0 : i32
      %dma_wait3A_73 = tpu.memref_slice %arg6[%arg0, %add3A_58, %dma_wait3A_72] : memref<2x10000x128xf32, #tpu.memory_space<hbm>> -> memref<1x65x128xf32, #tpu.memory_space<hbm>>
      %dma_wait3A_74 = tpu.memref_squeeze %dma_wait3A_73 : memref<1x65x128xf32, #tpu.memory_space<hbm>> -> memref<65x128xf32, #tpu.memory_space<hbm>>
      %dma_wait3A_75 = arith.constant 0 : i32
      %dma_wait3A_76 = tpu.memref_slice %arg6[%arg0, %add3A_58, %dma_wait3A_75] : memref<2x10000x128xf32, #tpu.memory_space<hbm>> -> memref<1x65x128xf32, #tpu.memory_space<hbm>>
      %dma_wait3A_77 = tpu.memref_squeeze %dma_wait3A_76 : memref<1x65x128xf32, #tpu.memory_space<hbm>> -> memref<65x128xf32, #tpu.memory_space<hbm>>
      %dma_wait3A_78 = arith.constant 0 : i32
      %dma_wait3A_79 = arith.constant 0 : i32
      %dma_wait3A_80 = tpu.memref_slice %arg9[%dma_wait3A_78, %dma_wait3A_79] : memref<80x128xf32, #tpu.memory_space<vmem>> -> memref<65x128xf32, #tpu.memory_space<vmem>>
      tpu.wait_dma2 semaphore(%run_scoped3A : memref<!tpu.dma_semaphore, #tpu.memory_space<semaphore_mem>>) src(%dma_wait3A_80 : memref<65x128xf32, #tpu.memory_space<vmem>>) dst(%dma_wait3A_77 : memref<65x128xf32, #tpu.memory_space<hbm>>)
      tpu.yield
    }) : () -> ()
    return
  }
}

module attributes {stable_mosaic.version = 14 : i64} {
  func.func @_pre_body(%arg0: i32, %arg1: memref<2000x128xf32, #tpu.memory_space<vmem>>, %arg2: memref<128x128xf32, #tpu.memory_space<vmem>>, %arg3: memref<2x2000x16xf32, #tpu.memory_space<vmem>>, %arg4: memref<2000x128xf32, #tpu.memory_space<vmem>>, %arg5: memref<2000x128xf32, #tpu.memory_space<vmem>>) attributes {dimension_semantics = [#tpu.dimension_semantics<arbitrary>], iteration_bounds = array<i64: 5>, scalar_prefetch = 0 : i64, scratch_operands = 0 : i64, tpu.core_type = #tpu.core_type<tc>, window_params = [{transform_indices = @transform_0, window_bounds = array<i64: 2000, 128>}, {pipeline_mode = #tpu.pipeline_mode<synchronous>, transform_indices = @transform_1, window_bounds = array<i64: 128, 128>}, {transform_indices = @transform_2, window_bounds = array<i64: 2, 2000, 16>}, {transform_indices = @transform_3, window_bounds = array<i64: 2000, 128>}, {transform_indices = @transform_4, window_bounds = array<i64: 2000, 128>}]} {
    %get3A = arith.constant 0 : index
    %get3A_0 = arith.constant 0 : index
    %get3A_1 = arith.constant 0 : index
    %get3A_2 = vector.load %arg3[%get3A, %get3A_0, %get3A_1] : memref<2x2000x16xf32, #tpu.memory_space<vmem>>, vector<1x2000x1xf32>
    %get3A_3 = vector.shape_cast %get3A_2 : vector<1x2000x1xf32> to vector<2000x1xf32>
    %get3A_4 = arith.constant 1 : index
    %get3A_5 = arith.constant 0 : index
    %get3A_6 = arith.constant 0 : index
    %get3A_7 = vector.load %arg3[%get3A_4, %get3A_5, %get3A_6] : memref<2x2000x16xf32, #tpu.memory_space<vmem>>, vector<1x2000x1xf32>
    %get3A_8 = vector.shape_cast %get3A_7 : vector<1x2000x1xf32> to vector<2000x1xf32>
    %add3A = arith.addf %get3A_3, %get3A_8 : vector<2000x1xf32>
    %add3A_9 = arith.constant 1.000000e+00 : f32
    %add3A_10 = vector.broadcast %add3A_9 : f32 to vector<2000x1xf32>
    %add3A_11 = arith.addf %add3A, %add3A_10 : vector<2000x1xf32>
    %rsqrt3A = math.rsqrt %add3A_11 : vector<2000x1xf32>
    %broadcast_in_dim3A = vector.shape_cast %rsqrt3A : vector<2000x1xf32> to vector<2000x1xf32>
    %broadcast_in_dim3A_12 = vector.broadcast %broadcast_in_dim3A : vector<2000x1xf32> to vector<2000x128xf32>
    %get3A_13 = arith.constant 0 : index
    %get3A_14 = arith.constant 0 : index
    %get3A_15 = vector.load %arg1[%get3A_13, %get3A_14] : memref<2000x128xf32, #tpu.memory_space<vmem>>, vector<2000x128xf32>
    %get3A_16 = arith.constant 0 : index
    %get3A_17 = arith.constant 0 : index
    %get3A_18 = vector.load %arg2[%get3A_16, %get3A_17] : memref<128x128xf32, #tpu.memory_space<vmem>>, vector<128x128xf32>
    %dot_general3A = arith.constant dense<0.000000e+00> : vector<2000x128xf32>
    %dot_general3A_19 = tpu.matmul %get3A_15, %get3A_18, %dot_general3A {dimension_numbers = #tpu.dot_dimension_numbers<[1], [0], [0], [1], [0, 0, 1, 1], [], []>, transpose_lhs_hint = false} : vector<2000x128xf32>, vector<128x128xf32>, vector<2000x128xf32> -> vector<2000x128xf32>
    %mul3A = arith.mulf %broadcast_in_dim3A_12, %dot_general3A_19 : vector<2000x128xf32>
    %swap3A = arith.constant 0 : index
    %swap3A_20 = arith.constant 0 : index
    %swap3A_21 = vector.load %arg4[%swap3A, %swap3A_20] : memref<2000x128xf32, #tpu.memory_space<vmem>>, vector<2000x128xf32>
    tpu.vector_store %arg4[%swap3A, %swap3A_20], %mul3A {strides = array<i32>} : memref<2000x128xf32, #tpu.memory_space<vmem>>, vector<2000x128xf32>,
    %swap3A_22 = arith.constant 0 : index
    %swap3A_23 = arith.constant 0 : index
    %swap3A_24 = vector.load %arg5[%swap3A_22, %swap3A_23] : memref<2000x128xf32, #tpu.memory_space<vmem>>, vector<2000x128xf32>
    tpu.vector_store %arg5[%swap3A_22, %swap3A_23], %broadcast_in_dim3A_12 {strides = array<i32>} : memref<2000x128xf32, #tpu.memory_space<vmem>>, vector<2000x128xf32>,
    return
  }
  func.func @transform_0(%arg0: i32) -> (i32, i32) {
    %c0_i32 = arith.constant 0 : i32
    %c0_i32_0 = arith.constant 0 : i32
    return %arg0, %c0_i32 : i32, i32
  }
  func.func @transform_1(%arg0: i32) -> (i32, i32) {
    %c0_i32 = arith.constant 0 : i32
    %c0_i32_0 = arith.constant 0 : i32
    %c0_i32_1 = arith.constant 0 : i32
    return %c0_i32, %c0_i32_0 : i32, i32
  }
  func.func @transform_2(%arg0: i32) -> (i32, i32, i32) {
    %c0_i32 = arith.constant 0 : i32
    %c0_i32_0 = arith.constant 0 : i32
    %c0_i32_1 = arith.constant 0 : i32
    return %c0_i32, %arg0, %c0_i32_0 : i32, i32, i32
  }
  func.func @transform_3(%arg0: i32) -> (i32, i32) {
    %c0_i32 = arith.constant 0 : i32
    %c0_i32_0 = arith.constant 0 : i32
    return %arg0, %c0_i32 : i32, i32
  }
  func.func @transform_4(%arg0: i32) -> (i32, i32) {
    %c0_i32 = arith.constant 0 : i32
    %c0_i32_0 = arith.constant 0 : i32
    return %arg0, %c0_i32 : i32, i32
  }
}

module attributes {stable_mosaic.version = 14 : i64} {
  func.func @_layer_body(%arg0: i32, %arg1: i32, %arg2: memref<2x2000x128xf32, #tpu.memory_space<vmem>>, %arg3: memref<2000x128xf32, #tpu.memory_space<vmem>>, %arg4: memref<2000x128xf32, #tpu.memory_space<vmem>>, %arg5: memref<1x128xf32, #tpu.memory_space<vmem>>, %arg6: memref<1x128xf32, #tpu.memory_space<vmem>>, %arg7: memref<1x128xf32, #tpu.memory_space<vmem>>, %arg8: memref<128x128xf32, #tpu.memory_space<vmem>>, %arg9: memref<2000x128xf32, #tpu.memory_space<vmem>>, %arg10: memref<10000x128xf32, #tpu.memory_space<vmem>>, %arg11: memref<8x128xf32, #tpu.memory_space<vmem>>) attributes {dimension_semantics = [#tpu.dimension_semantics<arbitrary>, #tpu.dimension_semantics<arbitrary>], iteration_bounds = array<i64: 2, 5>, scalar_prefetch = 0 : i64, scratch_operands = 2 : i64, tpu.core_type = #tpu.core_type<tc>, window_params = [{transform_indices = @transform_0, window_bounds = array<i64: 2, 2000, 128>}, {transform_indices = @transform_1, window_bounds = array<i64: 2000, 128>}, {transform_indices = @transform_2, window_bounds = array<i64: 2000, 128>}, {pipeline_mode = #tpu.pipeline_mode<synchronous>, transform_indices = @transform_3, window_bounds = array<i64: 1, 128>}, {pipeline_mode = #tpu.pipeline_mode<synchronous>, transform_indices = @transform_4, window_bounds = array<i64: 1, 128>}, {pipeline_mode = #tpu.pipeline_mode<synchronous>, transform_indices = @transform_5, window_bounds = array<i64: 1, 128>}, {pipeline_mode = #tpu.pipeline_mode<synchronous>, transform_indices = @transform_6, window_bounds = array<i64: 128, 128>}, {transform_indices = @transform_7, window_bounds = array<i64: 2000, 128>}]} {
    %eq3A = arith.constant 0 : i32
    %eq3A_0 = arith.cmpi eq, %arg0, %eq3A : i32
    %convert_element_type3A = arith.extui %eq3A_0 : i1 to i32
    %cond3A = arith.constant 0 : i32
    %cond3A_1 = arith.cmpi ne, %convert_element_type3A, %cond3A : i32
    scf.if %cond3A_1 {
      %get3A = arith.constant 0 : index
      %get3A_7 = arith.constant 0 : index
      %get3A_8 = vector.load %arg4[%get3A, %get3A_7] : memref<2000x128xf32, #tpu.memory_space<vmem>>, vector<2000x128xf32>
      %get3A_9 = arith.constant 0 : index
      %get3A_10 = arith.constant 0 : index
      %get3A_11 = arith.constant 0 : index
      %get3A_12 = vector.load %arg2[%get3A_9, %get3A_10, %get3A_11] : memref<2x2000x128xf32, #tpu.memory_space<vmem>>, vector<1x2000x128xf32>
      %get3A_13 = vector.shape_cast %get3A_12 : vector<1x2000x128xf32> to vector<2000x128xf32>
      %get3A_14 = arith.constant 1 : index
      %get3A_15 = arith.constant 0 : index
      %get3A_16 = arith.constant 0 : index
      %get3A_17 = vector.load %arg2[%get3A_14, %get3A_15, %get3A_16] : memref<2x2000x128xf32, #tpu.memory_space<vmem>>, vector<1x2000x128xf32>
      %get3A_18 = vector.shape_cast %get3A_17 : vector<1x2000x128xf32> to vector<2000x128xf32>
      %add3A = arith.addf %get3A_13, %get3A_18 : vector<2000x128xf32>
      %get3A_19 = arith.constant 0 : index
      %get3A_20 = arith.constant 0 : index
      %get3A_21 = vector.load %arg3[%get3A_19, %get3A_20] : memref<2000x128xf32, #tpu.memory_space<vmem>>, vector<2000x128xf32>
      %add3A_22 = arith.addf %add3A, %get3A_21 : vector<2000x128xf32>
      %mul3A = arith.mulf %get3A_8, %add3A_22 : vector<2000x128xf32>
      %get3A_23 = arith.constant 0 : index
      %get3A_24 = arith.constant 0 : index
      %get3A_25 = vector.load %arg5[%get3A_23, %get3A_24] : memref<1x128xf32, #tpu.memory_space<vmem>>, vector<1x128xf32>
      %add3A_26 = vector.broadcast %get3A_25 : vector<1x128xf32> to vector<2000x128xf32>
      %add3A_27 = arith.addf %mul3A, %add3A_26 : vector<2000x128xf32>
      %logistic3A = arith.negf %add3A_27 : vector<2000x128xf32>
      %logistic3A_28 = math.exp %logistic3A : vector<2000x128xf32>
      %logistic3A_29 = arith.constant 1.000000e+00 : f32
      %logistic3A_30 = vector.broadcast %logistic3A_29 : f32 to vector<2000x128xf32>
      %logistic3A_31 = arith.addf %logistic3A_30, %logistic3A_28 : vector<2000x128xf32>
      %logistic3A_32 = arith.divf %logistic3A_30, %logistic3A_31 : vector<2000x128xf32>
      %mul3A_33 = arith.constant 2000 : i32
      %mul3A_34 = arith.muli %arg1, %mul3A_33 : i32
      %swap3A = arith.index_cast %mul3A_34 : i32 to index
      %swap3A_35 = arith.constant 0 : index
      %swap3A_36 = vector.load %arg10[%swap3A, %swap3A_35] : memref<10000x128xf32, #tpu.memory_space<vmem>>, vector<2000x128xf32>
      tpu.vector_store %arg10[%swap3A, %swap3A_35], %logistic3A_32 {strides = array<i32>} : memref<10000x128xf32, #tpu.memory_space<vmem>>, vector<2000x128xf32>,
      %eq3A_37 = arith.constant 0 : i32
      %eq3A_38 = arith.cmpi eq, %arg1, %eq3A_37 : i32
      %convert_element_type3A_39 = arith.extui %eq3A_38 : i1 to i32
      %cond3A_40 = arith.constant 0 : i32
      %cond3A_41 = arith.cmpi ne, %convert_element_type3A_39, %cond3A_40 : i32
      scf.if %cond3A_41 {
        %broadcast_in_dim3A_61 = arith.constant 0.000000e+00 : f32
        %broadcast_in_dim3A_62 = vector.broadcast %broadcast_in_dim3A_61 : f32 to vector<8x128xf32>
        %swap3A_63 = arith.constant 0 : index
        %swap3A_64 = arith.constant 0 : index
        %swap3A_65 = vector.load %arg11[%swap3A_63, %swap3A_64] : memref<8x128xf32, #tpu.memory_space<vmem>>, vector<8x128xf32>
        tpu.vector_store %arg11[%swap3A_63, %swap3A_64], %broadcast_in_dim3A_62 {strides = array<i32>} : memref<8x128xf32, #tpu.memory_space<vmem>>, vector<8x128xf32>,
      } else {
      }
      %get3A_42 = arith.constant 0 : index
      %get3A_43 = arith.constant 0 : index
      %get3A_44 = vector.load %arg11[%get3A_42, %get3A_43] : memref<8x128xf32, #tpu.memory_space<vmem>>, vector<1x128xf32>
      %reduce_sum3A = arith.constant dense<0.000000e+00> : vector<128xf32>
      %reduce_sum3A_45 = vector.multi_reduction <add>, %logistic3A_32, %reduce_sum3A [0] : vector<2000x128xf32> to vector<128xf32>
      %broadcast_in_dim3A = vector.shape_cast %reduce_sum3A_45 : vector<128xf32> to vector<1x128xf32>
      %add3A_46 = arith.addf %get3A_44, %broadcast_in_dim3A : vector<1x128xf32>
      %swap3A_47 = arith.constant 0 : index
      %swap3A_48 = arith.constant 0 : index
      %swap3A_49 = vector.load %arg11[%swap3A_47, %swap3A_48] : memref<8x128xf32, #tpu.memory_space<vmem>>, vector<1x128xf32>
      tpu.vector_store %arg11[%swap3A_47, %swap3A_48], %add3A_46 {strides = array<i32>} : memref<8x128xf32, #tpu.memory_space<vmem>>, vector<1x128xf32>,
      %get3A_50 = arith.constant 1 : index
      %get3A_51 = arith.constant 0 : index
      %get3A_52 = vector.load %arg11[%get3A_50, %get3A_51] : memref<8x128xf32, #tpu.memory_space<vmem>>, vector<1x128xf32>
      %mul3A_53 = arith.mulf %logistic3A_32, %logistic3A_32 : vector<2000x128xf32>
      %reduce_sum3A_54 = arith.constant dense<0.000000e+00> : vector<128xf32>
      %reduce_sum3A_55 = vector.multi_reduction <add>, %mul3A_53, %reduce_sum3A_54 [0] : vector<2000x128xf32> to vector<128xf32>
      %broadcast_in_dim3A_56 = vector.shape_cast %reduce_sum3A_55 : vector<128xf32> to vector<1x128xf32>
      %add3A_57 = arith.addf %get3A_52, %broadcast_in_dim3A_56 : vector<1x128xf32>
      %swap3A_58 = arith.constant 1 : index
      %swap3A_59 = arith.constant 0 : index
      %swap3A_60 = vector.load %arg11[%swap3A_58, %swap3A_59] : memref<8x128xf32, #tpu.memory_space<vmem>>, vector<1x128xf32>
      tpu.vector_store %arg11[%swap3A_58, %swap3A_59], %add3A_57 {strides = array<i32>} : memref<8x128xf32, #tpu.memory_space<vmem>>, vector<1x128xf32>,
    } else {
    }
    %eq3A_2 = arith.constant 1 : i32
    %eq3A_3 = arith.cmpi eq, %arg0, %eq3A_2 : i32
    %convert_element_type3A_4 = arith.extui %eq3A_3 : i1 to i32
    %cond3A_5 = arith.constant 0 : i32
    %cond3A_6 = arith.cmpi ne, %convert_element_type3A_4, %cond3A_5 : i32
    scf.if %cond3A_6 {
      %get3A = arith.constant 0 : index
      %get3A_7 = arith.constant 0 : index
      %get3A_8 = vector.load %arg11[%get3A, %get3A_7] : memref<8x128xf32, #tpu.memory_space<vmem>>, vector<1x128xf32>
      %div3A = arith.constant 1.000000e+04 : f32
      %div3A_9 = vector.broadcast %div3A : f32 to vector<1x128xf32>
      %div3A_10 = arith.divf %get3A_8, %div3A_9 : vector<1x128xf32>
      %get3A_11 = arith.constant 1 : index
      %get3A_12 = arith.constant 0 : index
      %get3A_13 = vector.load %arg11[%get3A_11, %get3A_12] : memref<8x128xf32, #tpu.memory_space<vmem>>, vector<1x128xf32>
      %div3A_14 = arith.constant 1.000000e+04 : f32
      %div3A_15 = vector.broadcast %div3A_14 : f32 to vector<1x128xf32>
      %div3A_16 = arith.divf %get3A_13, %div3A_15 : vector<1x128xf32>
      %mul3A = arith.mulf %div3A_10, %div3A_10 : vector<1x128xf32>
      %sub3A = arith.subf %div3A_16, %mul3A : vector<1x128xf32>
      %mul3A_17 = arith.constant 2000 : i32
      %mul3A_18 = arith.muli %arg1, %mul3A_17 : i32
      %get3A_19 = arith.index_cast %mul3A_18 : i32 to index
      %get3A_20 = arith.constant 0 : index
      %get3A_21 = vector.load %arg10[%get3A_19, %get3A_20] : memref<10000x128xf32, #tpu.memory_space<vmem>>, vector<2000x128xf32>
      %sub3A_22 = vector.broadcast %div3A_10 : vector<1x128xf32> to vector<2000x128xf32>
      %sub3A_23 = arith.subf %get3A_21, %sub3A_22 : vector<2000x128xf32>
      %add3A = arith.constant 9.99999974E-5 : f32
      %add3A_24 = vector.broadcast %add3A : f32 to vector<1x128xf32>
      %add3A_25 = arith.addf %sub3A, %add3A_24 : vector<1x128xf32>
      %rsqrt3A = math.rsqrt %add3A_25 : vector<1x128xf32>
      %mul3A_26 = vector.broadcast %rsqrt3A : vector<1x128xf32> to vector<2000x128xf32>
      %mul3A_27 = arith.mulf %sub3A_23, %mul3A_26 : vector<2000x128xf32>
      %get3A_28 = arith.constant 0 : index
      %get3A_29 = arith.constant 0 : index
      %get3A_30 = vector.load %arg6[%get3A_28, %get3A_29] : memref<1x128xf32, #tpu.memory_space<vmem>>, vector<1x128xf32>
      %mul3A_31 = vector.broadcast %get3A_30 : vector<1x128xf32> to vector<2000x128xf32>
      %mul3A_32 = arith.mulf %mul3A_27, %mul3A_31 : vector<2000x128xf32>
      %get3A_33 = arith.constant 0 : index
      %get3A_34 = arith.constant 0 : index
      %get3A_35 = vector.load %arg7[%get3A_33, %get3A_34] : memref<1x128xf32, #tpu.memory_space<vmem>>, vector<1x128xf32>
      %add3A_36 = vector.broadcast %get3A_35 : vector<1x128xf32> to vector<2000x128xf32>
      %add3A_37 = arith.addf %mul3A_32, %add3A_36 : vector<2000x128xf32>
      %get3A_38 = arith.constant 0 : index
      %get3A_39 = arith.constant 0 : index
      %get3A_40 = vector.load %arg4[%get3A_38, %get3A_39] : memref<2000x128xf32, #tpu.memory_space<vmem>>, vector<2000x128xf32>
      %get3A_41 = arith.constant 0 : index
      %get3A_42 = arith.constant 0 : index
      %get3A_43 = vector.load %arg8[%get3A_41, %get3A_42] : memref<128x128xf32, #tpu.memory_space<vmem>>, vector<128x128xf32>
      %dot_general3A = arith.constant dense<0.000000e+00> : vector<2000x128xf32>
      %dot_general3A_44 = tpu.matmul %add3A_37, %get3A_43, %dot_general3A {dimension_numbers = #tpu.dot_dimension_numbers<[1], [0], [0], [1], [0, 0, 1, 1], [], []>, transpose_lhs_hint = false} : vector<2000x128xf32>, vector<128x128xf32>, vector<2000x128xf32> -> vector<2000x128xf32>
      %mul3A_45 = arith.mulf %get3A_40, %dot_general3A_44 : vector<2000x128xf32>
      %swap3A = arith.constant 0 : index
      %swap3A_46 = arith.constant 0 : index
      %swap3A_47 = vector.load %arg9[%swap3A, %swap3A_46] : memref<2000x128xf32, #tpu.memory_space<vmem>>, vector<2000x128xf32>
      tpu.vector_store %arg9[%swap3A, %swap3A_46], %mul3A_45 {strides = array<i32>} : memref<2000x128xf32, #tpu.memory_space<vmem>>, vector<2000x128xf32>,
    } else {
    }
    return
  }
  func.func @transform_0(%arg0: i32, %arg1: i32) -> (i32, i32, i32) {
    %c0_i32 = arith.constant 0 : i32
    %c0_i32_0 = arith.constant 0 : i32
    %c0_i32_1 = arith.constant 0 : i32
    return %c0_i32, %arg1, %c0_i32_0 : i32, i32, i32
  }
  func.func @transform_1(%arg0: i32, %arg1: i32) -> (i32, i32) {
    %c0_i32 = arith.constant 0 : i32
    %c0_i32_0 = arith.constant 0 : i32
    return %arg1, %c0_i32 : i32, i32
  }
  func.func @transform_2(%arg0: i32, %arg1: i32) -> (i32, i32) {
    %c0_i32 = arith.constant 0 : i32
    %c0_i32_0 = arith.constant 0 : i32
    return %arg1, %c0_i32 : i32, i32
  }
  func.func @transform_3(%arg0: i32, %arg1: i32) -> (i32, i32) {
    %c0_i32 = arith.constant 0 : i32
    %c0_i32_0 = arith.constant 0 : i32
    %c0_i32_1 = arith.constant 0 : i32
    return %c0_i32, %c0_i32_0 : i32, i32
  }
  func.func @transform_4(%arg0: i32, %arg1: i32) -> (i32, i32) {
    %c0_i32 = arith.constant 0 : i32
    %c0_i32_0 = arith.constant 0 : i32
    %c0_i32_1 = arith.constant 0 : i32
    return %c0_i32, %c0_i32_0 : i32, i32
  }
  func.func @transform_5(%arg0: i32, %arg1: i32) -> (i32, i32) {
    %c0_i32 = arith.constant 0 : i32
    %c0_i32_0 = arith.constant 0 : i32
    %c0_i32_1 = arith.constant 0 : i32
    return %c0_i32, %c0_i32_0 : i32, i32
  }
  func.func @transform_6(%arg0: i32, %arg1: i32) -> (i32, i32) {
    %c0_i32 = arith.constant 0 : i32
    %c0_i32_0 = arith.constant 0 : i32
    %c0_i32_1 = arith.constant 0 : i32
    return %c0_i32, %c0_i32_0 : i32, i32
  }
  func.func @transform_7(%arg0: i32, %arg1: i32) -> (i32, i32) {
    %c0_i32 = arith.constant 0 : i32
    %c0_i32_0 = arith.constant 0 : i32
    return %arg1, %c0_i32 : i32, i32
  }
}

module attributes {stable_mosaic.version = 14 : i64} {
  func.func @_last_body(%arg0: i32, %arg1: i32, %arg2: memref<2x2000x128xf32, #tpu.memory_space<vmem>>, %arg3: memref<2000x128xf32, #tpu.memory_space<vmem>>, %arg4: memref<2000x128xf32, #tpu.memory_space<vmem>>, %arg5: memref<1x128xf32, #tpu.memory_space<vmem>>, %arg6: memref<1x128xf32, #tpu.memory_space<vmem>>, %arg7: memref<1x128xf32, #tpu.memory_space<vmem>>, %arg8: memref<2000x1xi32, #tpu.memory_space<vmem>>, %arg9: memref<2000x128xf32, #tpu.memory_space<vmem>>, %arg10: memref<128x128xf32, #tpu.memory_space<vmem>>, %arg11: memref<10000x128xf32, #tpu.memory_space<vmem>>, %arg12: memref<8x128xf32, #tpu.memory_space<vmem>>, %arg13: memref<128x128xf32, #tpu.memory_space<vmem>>, %arg14: memref<1x128xf32, #tpu.memory_space<vmem>>) attributes {dimension_semantics = [#tpu.dimension_semantics<arbitrary>, #tpu.dimension_semantics<arbitrary>], iteration_bounds = array<i64: 2, 5>, scalar_prefetch = 0 : i64, scratch_operands = 4 : i64, tpu.core_type = #tpu.core_type<tc>, window_params = [{transform_indices = @transform_0, window_bounds = array<i64: 2, 2000, 128>}, {transform_indices = @transform_1, window_bounds = array<i64: 2000, 128>}, {transform_indices = @transform_2, window_bounds = array<i64: 2000, 128>}, {pipeline_mode = #tpu.pipeline_mode<synchronous>, transform_indices = @transform_3, window_bounds = array<i64: 1, 128>}, {pipeline_mode = #tpu.pipeline_mode<synchronous>, transform_indices = @transform_4, window_bounds = array<i64: 1, 128>}, {pipeline_mode = #tpu.pipeline_mode<synchronous>, transform_indices = @transform_5, window_bounds = array<i64: 1, 128>}, {transform_indices = @transform_6, window_bounds = array<i64: 2000, 1>}, {transform_indices = @transform_7, window_bounds = array<i64: 2000, 128>}, {pipeline_mode = #tpu.pipeline_mode<synchronous>, transform_indices = @transform_8, window_bounds = array<i64: 128, 128>}]} {
    %eq3A = arith.constant 0 : i32
    %eq3A_0 = arith.cmpi eq, %arg0, %eq3A : i32
    %convert_element_type3A = arith.extui %eq3A_0 : i1 to i32
    %cond3A = arith.constant 0 : i32
    %cond3A_1 = arith.cmpi ne, %convert_element_type3A, %cond3A : i32
    scf.if %cond3A_1 {
      %get3A = arith.constant 0 : index
      %get3A_7 = arith.constant 0 : index
      %get3A_8 = vector.load %arg4[%get3A, %get3A_7] : memref<2000x128xf32, #tpu.memory_space<vmem>>, vector<2000x128xf32>
      %get3A_9 = arith.constant 0 : index
      %get3A_10 = arith.constant 0 : index
      %get3A_11 = arith.constant 0 : index
      %get3A_12 = vector.load %arg2[%get3A_9, %get3A_10, %get3A_11] : memref<2x2000x128xf32, #tpu.memory_space<vmem>>, vector<1x2000x128xf32>
      %get3A_13 = vector.shape_cast %get3A_12 : vector<1x2000x128xf32> to vector<2000x128xf32>
      %get3A_14 = arith.constant 1 : index
      %get3A_15 = arith.constant 0 : index
      %get3A_16 = arith.constant 0 : index
      %get3A_17 = vector.load %arg2[%get3A_14, %get3A_15, %get3A_16] : memref<2x2000x128xf32, #tpu.memory_space<vmem>>, vector<1x2000x128xf32>
      %get3A_18 = vector.shape_cast %get3A_17 : vector<1x2000x128xf32> to vector<2000x128xf32>
      %add3A = arith.addf %get3A_13, %get3A_18 : vector<2000x128xf32>
      %get3A_19 = arith.constant 0 : index
      %get3A_20 = arith.constant 0 : index
      %get3A_21 = vector.load %arg3[%get3A_19, %get3A_20] : memref<2000x128xf32, #tpu.memory_space<vmem>>, vector<2000x128xf32>
      %add3A_22 = arith.addf %add3A, %get3A_21 : vector<2000x128xf32>
      %mul3A = arith.mulf %get3A_8, %add3A_22 : vector<2000x128xf32>
      %get3A_23 = arith.constant 0 : index
      %get3A_24 = arith.constant 0 : index
      %get3A_25 = vector.load %arg5[%get3A_23, %get3A_24] : memref<1x128xf32, #tpu.memory_space<vmem>>, vector<1x128xf32>
      %add3A_26 = vector.broadcast %get3A_25 : vector<1x128xf32> to vector<2000x128xf32>
      %add3A_27 = arith.addf %mul3A, %add3A_26 : vector<2000x128xf32>
      %logistic3A = arith.negf %add3A_27 : vector<2000x128xf32>
      %logistic3A_28 = math.exp %logistic3A : vector<2000x128xf32>
      %logistic3A_29 = arith.constant 1.000000e+00 : f32
      %logistic3A_30 = vector.broadcast %logistic3A_29 : f32 to vector<2000x128xf32>
      %logistic3A_31 = arith.addf %logistic3A_30, %logistic3A_28 : vector<2000x128xf32>
      %logistic3A_32 = arith.divf %logistic3A_30, %logistic3A_31 : vector<2000x128xf32>
      %mul3A_33 = arith.constant 2000 : i32
      %mul3A_34 = arith.muli %arg1, %mul3A_33 : i32
      %swap3A = arith.index_cast %mul3A_34 : i32 to index
      %swap3A_35 = arith.constant 0 : index
      %swap3A_36 = vector.load %arg11[%swap3A, %swap3A_35] : memref<10000x128xf32, #tpu.memory_space<vmem>>, vector<2000x128xf32>
      tpu.vector_store %arg11[%swap3A, %swap3A_35], %logistic3A_32 {strides = array<i32>} : memref<10000x128xf32, #tpu.memory_space<vmem>>, vector<2000x128xf32>,
      %eq3A_37 = arith.constant 0 : i32
      %eq3A_38 = arith.cmpi eq, %arg1, %eq3A_37 : i32
      %convert_element_type3A_39 = arith.extui %eq3A_38 : i1 to i32
      %cond3A_40 = arith.constant 0 : i32
      %cond3A_41 = arith.cmpi ne, %convert_element_type3A_39, %cond3A_40 : i32
      scf.if %cond3A_41 {
        %broadcast_in_dim3A_61 = arith.constant 0.000000e+00 : f32
        %broadcast_in_dim3A_62 = vector.broadcast %broadcast_in_dim3A_61 : f32 to vector<8x128xf32>
        %swap3A_63 = arith.constant 0 : index
        %swap3A_64 = arith.constant 0 : index
        %swap3A_65 = vector.load %arg12[%swap3A_63, %swap3A_64] : memref<8x128xf32, #tpu.memory_space<vmem>>, vector<8x128xf32>
        tpu.vector_store %arg12[%swap3A_63, %swap3A_64], %broadcast_in_dim3A_62 {strides = array<i32>} : memref<8x128xf32, #tpu.memory_space<vmem>>, vector<8x128xf32>,
      } else {
      }
      %get3A_42 = arith.constant 0 : index
      %get3A_43 = arith.constant 0 : index
      %get3A_44 = vector.load %arg12[%get3A_42, %get3A_43] : memref<8x128xf32, #tpu.memory_space<vmem>>, vector<1x128xf32>
      %reduce_sum3A = arith.constant dense<0.000000e+00> : vector<128xf32>
      %reduce_sum3A_45 = vector.multi_reduction <add>, %logistic3A_32, %reduce_sum3A [0] : vector<2000x128xf32> to vector<128xf32>
      %broadcast_in_dim3A = vector.shape_cast %reduce_sum3A_45 : vector<128xf32> to vector<1x128xf32>
      %add3A_46 = arith.addf %get3A_44, %broadcast_in_dim3A : vector<1x128xf32>
      %swap3A_47 = arith.constant 0 : index
      %swap3A_48 = arith.constant 0 : index
      %swap3A_49 = vector.load %arg12[%swap3A_47, %swap3A_48] : memref<8x128xf32, #tpu.memory_space<vmem>>, vector<1x128xf32>
      tpu.vector_store %arg12[%swap3A_47, %swap3A_48], %add3A_46 {strides = array<i32>} : memref<8x128xf32, #tpu.memory_space<vmem>>, vector<1x128xf32>,
      %get3A_50 = arith.constant 1 : index
      %get3A_51 = arith.constant 0 : index
      %get3A_52 = vector.load %arg12[%get3A_50, %get3A_51] : memref<8x128xf32, #tpu.memory_space<vmem>>, vector<1x128xf32>
      %mul3A_53 = arith.mulf %logistic3A_32, %logistic3A_32 : vector<2000x128xf32>
      %reduce_sum3A_54 = arith.constant dense<0.000000e+00> : vector<128xf32>
      %reduce_sum3A_55 = vector.multi_reduction <add>, %mul3A_53, %reduce_sum3A_54 [0] : vector<2000x128xf32> to vector<128xf32>
      %broadcast_in_dim3A_56 = vector.shape_cast %reduce_sum3A_55 : vector<128xf32> to vector<1x128xf32>
      %add3A_57 = arith.addf %get3A_52, %broadcast_in_dim3A_56 : vector<1x128xf32>
      %swap3A_58 = arith.constant 1 : index
      %swap3A_59 = arith.constant 0 : index
      %swap3A_60 = vector.load %arg12[%swap3A_58, %swap3A_59] : memref<8x128xf32, #tpu.memory_space<vmem>>, vector<1x128xf32>
      tpu.vector_store %arg12[%swap3A_58, %swap3A_59], %add3A_57 {strides = array<i32>} : memref<8x128xf32, #tpu.memory_space<vmem>>, vector<1x128xf32>,
    } else {
    }
    %eq3A_2 = arith.constant 1 : i32
    %eq3A_3 = arith.cmpi eq, %arg0, %eq3A_2 : i32
    %convert_element_type3A_4 = arith.extui %eq3A_3 : i1 to i32
    %cond3A_5 = arith.constant 0 : i32
    %cond3A_6 = arith.cmpi ne, %convert_element_type3A_4, %cond3A_5 : i32
    scf.if %cond3A_6 {
      %get3A = arith.constant 0 : index
      %get3A_7 = arith.constant 0 : index
      %get3A_8 = vector.load %arg12[%get3A, %get3A_7] : memref<8x128xf32, #tpu.memory_space<vmem>>, vector<1x128xf32>
      %div3A = arith.constant 1.000000e+04 : f32
      %div3A_9 = vector.broadcast %div3A : f32 to vector<1x128xf32>
      %div3A_10 = arith.divf %get3A_8, %div3A_9 : vector<1x128xf32>
      %get3A_11 = arith.constant 1 : index
      %get3A_12 = arith.constant 0 : index
      %get3A_13 = vector.load %arg12[%get3A_11, %get3A_12] : memref<8x128xf32, #tpu.memory_space<vmem>>, vector<1x128xf32>
      %div3A_14 = arith.constant 1.000000e+04 : f32
      %div3A_15 = vector.broadcast %div3A_14 : f32 to vector<1x128xf32>
      %div3A_16 = arith.divf %get3A_13, %div3A_15 : vector<1x128xf32>
      %mul3A = arith.mulf %div3A_10, %div3A_10 : vector<1x128xf32>
      %sub3A = arith.subf %div3A_16, %mul3A : vector<1x128xf32>
      %mul3A_17 = arith.constant 2000 : i32
      %mul3A_18 = arith.muli %arg1, %mul3A_17 : i32
      %get3A_19 = arith.index_cast %mul3A_18 : i32 to index
      %get3A_20 = arith.constant 0 : index
      %get3A_21 = vector.load %arg11[%get3A_19, %get3A_20] : memref<10000x128xf32, #tpu.memory_space<vmem>>, vector<2000x128xf32>
      %sub3A_22 = vector.broadcast %div3A_10 : vector<1x128xf32> to vector<2000x128xf32>
      %sub3A_23 = arith.subf %get3A_21, %sub3A_22 : vector<2000x128xf32>
      %add3A = arith.constant 9.99999974E-5 : f32
      %add3A_24 = vector.broadcast %add3A : f32 to vector<1x128xf32>
      %add3A_25 = arith.addf %sub3A, %add3A_24 : vector<1x128xf32>
      %rsqrt3A = math.rsqrt %add3A_25 : vector<1x128xf32>
      %mul3A_26 = vector.broadcast %rsqrt3A : vector<1x128xf32> to vector<2000x128xf32>
      %mul3A_27 = arith.mulf %sub3A_23, %mul3A_26 : vector<2000x128xf32>
      %get3A_28 = arith.constant 0 : index
      %get3A_29 = arith.constant 0 : index
      %get3A_30 = vector.load %arg6[%get3A_28, %get3A_29] : memref<1x128xf32, #tpu.memory_space<vmem>>, vector<1x128xf32>
      %mul3A_31 = vector.broadcast %get3A_30 : vector<1x128xf32> to vector<2000x128xf32>
      %mul3A_32 = arith.mulf %mul3A_27, %mul3A_31 : vector<2000x128xf32>
      %get3A_33 = arith.constant 0 : index
      %get3A_34 = arith.constant 0 : index
      %get3A_35 = vector.load %arg7[%get3A_33, %get3A_34] : memref<1x128xf32, #tpu.memory_space<vmem>>, vector<1x128xf32>
      %add3A_36 = vector.broadcast %get3A_35 : vector<1x128xf32> to vector<2000x128xf32>
      %add3A_37 = arith.addf %mul3A_32, %add3A_36 : vector<2000x128xf32>
      %swap3A = arith.constant 0 : index
      %swap3A_38 = arith.constant 0 : index
      %swap3A_39 = vector.load %arg9[%swap3A, %swap3A_38] : memref<2000x128xf32, #tpu.memory_space<vmem>>, vector<2000x128xf32>
      tpu.vector_store %arg9[%swap3A, %swap3A_38], %add3A_37 {strides = array<i32>} : memref<2000x128xf32, #tpu.memory_space<vmem>>, vector<2000x128xf32>,
      %get3A_40 = arith.constant 0 : index
      %get3A_41 = arith.constant 0 : index
      %get3A_42 = vector.load %arg8[%get3A_40, %get3A_41] : memref<2000x1xi32, #tpu.memory_space<vmem>>, vector<2000x1xi32>
      %iota3A = tpu.iota {dimensions = array<i32: 1>} : vector<2000x128xi32>
      %eq3A_43 = vector.broadcast %get3A_42 : vector<2000x1xi32> to vector<2000x128xi32>
      %eq3A_44 = arith.cmpi eq, %eq3A_43, %iota3A : vector<2000x128xi32>
      %convert_element_type3A_45 = arith.extui %eq3A_44 : vector<2000x128xi1> to vector<2000x128xi32>
      %convert_element_type3A_46 = arith.sitofp %convert_element_type3A_45 : vector<2000x128xi32> to vector<2000x128xf32>
      %eq3A_47 = arith.constant 0 : i32
      %eq3A_48 = arith.cmpi eq, %arg1, %eq3A_47 : i32
      %convert_element_type3A_49 = arith.extui %eq3A_48 : i1 to i32
      %cond3A_50 = arith.constant 0 : i32
      %cond3A_51 = arith.cmpi ne, %convert_element_type3A_49, %cond3A_50 : i32
      scf.if %cond3A_51 {
        %broadcast_in_dim3A_73 = arith.constant 0.000000e+00 : f32
        %broadcast_in_dim3A_74 = vector.broadcast %broadcast_in_dim3A_73 : f32 to vector<128x128xf32>
        %swap3A_75 = arith.constant 0 : index
        %swap3A_76 = arith.constant 0 : index
        %swap3A_77 = vector.load %arg13[%swap3A_75, %swap3A_76] : memref<128x128xf32, #tpu.memory_space<vmem>>, vector<128x128xf32>
        tpu.vector_store %arg13[%swap3A_75, %swap3A_76], %broadcast_in_dim3A_74 {strides = array<i32>} : memref<128x128xf32, #tpu.memory_space<vmem>>, vector<128x128xf32>,
        %broadcast_in_dim3A_78 = arith.constant 0.000000e+00 : f32
        %broadcast_in_dim3A_79 = vector.broadcast %broadcast_in_dim3A_78 : f32 to vector<1x128xf32>
        %swap3A_80 = arith.constant 0 : index
        %swap3A_81 = arith.constant 0 : index
        %swap3A_82 = vector.load %arg14[%swap3A_80, %swap3A_81] : memref<1x128xf32, #tpu.memory_space<vmem>>, vector<1x128xf32>
        tpu.vector_store %arg14[%swap3A_80, %swap3A_81], %broadcast_in_dim3A_79 {strides = array<i32>} : memref<1x128xf32, #tpu.memory_space<vmem>>, vector<1x128xf32>,
      } else {
      }
      %get3A_52 = arith.constant 0 : index
      %get3A_53 = arith.constant 0 : index
      %get3A_54 = vector.load %arg13[%get3A_52, %get3A_53] : memref<128x128xf32, #tpu.memory_space<vmem>>, vector<128x128xf32>
      %dot_general3A = arith.constant dense<0.000000e+00> : vector<128x128xf32>
      %dot_general3A_55 = tpu.matmul %convert_element_type3A_46, %add3A_37, %dot_general3A {dimension_numbers = #tpu.dot_dimension_numbers<[0], [0], [1], [1], [0, 1, 1, 1], [], []>, transpose_lhs_hint = false} : vector<2000x128xf32>, vector<2000x128xf32>, vector<128x128xf32> -> vector<128x128xf32>
      %add3A_56 = arith.addf %get3A_54, %dot_general3A_55 : vector<128x128xf32>
      %swap3A_57 = arith.constant 0 : index
      %swap3A_58 = arith.constant 0 : index
      %swap3A_59 = vector.load %arg13[%swap3A_57, %swap3A_58] : memref<128x128xf32, #tpu.memory_space<vmem>>, vector<128x128xf32>
      tpu.vector_store %arg13[%swap3A_57, %swap3A_58], %add3A_56 {strides = array<i32>} : memref<128x128xf32, #tpu.memory_space<vmem>>, vector<128x128xf32>,
      %get3A_60 = arith.constant 0 : index
      %get3A_61 = arith.constant 0 : index
      %get3A_62 = vector.load %arg14[%get3A_60, %get3A_61] : memref<1x128xf32, #tpu.memory_space<vmem>>, vector<1x128xf32>
      %reduce_sum3A = arith.constant dense<0.000000e+00> : vector<128xf32>
      %reduce_sum3A_63 = vector.multi_reduction <add>, %convert_element_type3A_46, %reduce_sum3A [0] : vector<2000x128xf32> to vector<128xf32>
      %broadcast_in_dim3A = vector.shape_cast %reduce_sum3A_63 : vector<128xf32> to vector<1x128xf32>
      %add3A_64 = arith.addf %get3A_62, %broadcast_in_dim3A : vector<1x128xf32>
      %swap3A_65 = arith.constant 0 : index
      %swap3A_66 = arith.constant 0 : index
      %swap3A_67 = vector.load %arg14[%swap3A_65, %swap3A_66] : memref<1x128xf32, #tpu.memory_space<vmem>>, vector<1x128xf32>
      tpu.vector_store %arg14[%swap3A_65, %swap3A_66], %add3A_64 {strides = array<i32>} : memref<1x128xf32, #tpu.memory_space<vmem>>, vector<1x128xf32>,
      %eq3A_68 = arith.constant 4 : i32
      %eq3A_69 = arith.cmpi eq, %arg1, %eq3A_68 : i32
      %convert_element_type3A_70 = arith.extui %eq3A_69 : i1 to i32
      %cond3A_71 = arith.constant 0 : i32
      %cond3A_72 = arith.cmpi ne, %convert_element_type3A_70, %cond3A_71 : i32
      scf.if %cond3A_72 {
        %get3A_73 = arith.constant 0 : index
        %get3A_74 = arith.constant 0 : index
        %get3A_75 = vector.load %arg13[%get3A_73, %get3A_74] : memref<128x128xf32, #tpu.memory_space<vmem>>, vector<128x128xf32>
        %get3A_76 = arith.constant 0 : index
        %get3A_77 = arith.constant 0 : index
        %get3A_78 = vector.load %arg14[%get3A_76, %get3A_77] : memref<1x128xf32, #tpu.memory_space<vmem>>, vector<1x128xf32>
        %max3A = arith.constant 1.000000e+00 : f32
        %max3A_79 = vector.broadcast %max3A : f32 to vector<1x128xf32>
        %max3A_80 = arith.maximumf %get3A_78, %max3A_79 : vector<1x128xf32>
        %reshape3A = vector.shape_cast %max3A_80 : vector<1x128xf32> to vector<128x1xf32>
        %div3A_81 = vector.broadcast %reshape3A : vector<128x1xf32> to vector<128x128xf32>
        %div3A_82 = arith.divf %get3A_75, %div3A_81 : vector<128x128xf32>
        %swap3A_83 = arith.constant 0 : index
        %swap3A_84 = arith.constant 0 : index
        %swap3A_85 = vector.load %arg10[%swap3A_83, %swap3A_84] : memref<128x128xf32, #tpu.memory_space<vmem>>, vector<128x128xf32>
        tpu.vector_store %arg10[%swap3A_83, %swap3A_84], %div3A_82 {strides = array<i32>} : memref<128x128xf32, #tpu.memory_space<vmem>>, vector<128x128xf32>,
      } else {
      }
    } else {
    }
    return
  }
  func.func @transform_0(%arg0: i32, %arg1: i32) -> (i32, i32, i32) {
    %c0_i32 = arith.constant 0 : i32
    %c0_i32_0 = arith.constant 0 : i32
    %c0_i32_1 = arith.constant 0 : i32
    return %c0_i32, %arg1, %c0_i32_0 : i32, i32, i32
  }
  func.func @transform_1(%arg0: i32, %arg1: i32) -> (i32, i32) {
    %c0_i32 = arith.constant 0 : i32
    %c0_i32_0 = arith.constant 0 : i32
    return %arg1, %c0_i32 : i32, i32
  }
  func.func @transform_2(%arg0: i32, %arg1: i32) -> (i32, i32) {
    %c0_i32 = arith.constant 0 : i32
    %c0_i32_0 = arith.constant 0 : i32
    return %arg1, %c0_i32 : i32, i32
  }
  func.func @transform_3(%arg0: i32, %arg1: i32) -> (i32, i32) {
    %c0_i32 = arith.constant 0 : i32
    %c0_i32_0 = arith.constant 0 : i32
    %c0_i32_1 = arith.constant 0 : i32
    return %c0_i32, %c0_i32_0 : i32, i32
  }
  func.func @transform_4(%arg0: i32, %arg1: i32) -> (i32, i32) {
    %c0_i32 = arith.constant 0 : i32
    %c0_i32_0 = arith.constant 0 : i32
    %c0_i32_1 = arith.constant 0 : i32
    return %c0_i32, %c0_i32_0 : i32, i32
  }
  func.func @transform_5(%arg0: i32, %arg1: i32) -> (i32, i32) {
    %c0_i32 = arith.constant 0 : i32
    %c0_i32_0 = arith.constant 0 : i32
    %c0_i32_1 = arith.constant 0 : i32
    return %c0_i32, %c0_i32_0 : i32, i32
  }
  func.func @transform_6(%arg0: i32, %arg1: i32) -> (i32, i32) {
    %c0_i32 = arith.constant 0 : i32
    %c0_i32_0 = arith.constant 0 : i32
    return %arg1, %c0_i32 : i32, i32
  }
  func.func @transform_7(%arg0: i32, %arg1: i32) -> (i32, i32) {
    %c0_i32 = arith.constant 0 : i32
    %c0_i32_0 = arith.constant 0 : i32
    return %arg1, %c0_i32 : i32, i32
  }
  func.func @transform_8(%arg0: i32, %arg1: i32) -> (i32, i32) {
    %c0_i32 = arith.constant 0 : i32
    %c0_i32_0 = arith.constant 0 : i32
    %c0_i32_1 = arith.constant 0 : i32
    return %c0_i32, %c0_i32_0 : i32, i32
  }
}

</mosaic_0001>

<sc_bundles>
// kernel: kernel.10.cloned.1.call-start
scs
__scs_entry_jumppad:
0x0: {  	(pc) =	sbr.rel $0x88, $3  }
0x1: {  	(tag) =	ssettag $0x0;
	lr =	simm.s32 $0x1  }
0x2: {  	[smem:$0x3F92] =	sst lr;
	_ =	strace $0xD0000000  }
0x3: {  	_ = 	snop  }
0x4: {  	_ = 	snop  }
0x5: {  	_ = 	snop  }
0x6: {  	_ = 	snop  }
0x7: {  	_ = 	snop  }
__scs_overlays_trampoline_lowered:
0x8: {  	[smem:$0x3FA1] =	sst s0  }
0x9: {  	[smem:$0x3FA2] =	sst s1  }
0xa: {  	[smem:$0x3FA3] =	sst s2  }
0xb: {  	[smem:$0x3FA4] =	sst s3  }
0xc: {  	[smem:$0x3FA5] =	sst s4  }
0xd: {  	[smem:$0x3FA6] =	sst s5  }
0xe: {  	[smem:$0x3FA7] =	sst s6  }
0xf: {  	[smem:$0x3FA8] =	sst s7  }
0x10: {  	[smem:$0x3FA9] =	sst s8  }
0x11: {  	[smem:$0x3FAA] =	sst s9;
	s0 =	simm.s32 @!p0 $0x0  }
0x12: {  	s1 =	sld [smem:$0x3F90];
	s0 =	simm.s32 @p0 $0x1  }
0x13: {  	[smem:$0x3FAB] =	sst s0;
	s0 =	simm.s32 @!p1 $0x0  }
0x14: {  	s2 =	sld [smem:$0x3F8F];
	s0 =	simm.s32 @p1 $0x1  }
0x15: {  	[smem:$0x3FAC] =	sst s0;
	s0 =	simm.s32 @!p2 $0x0  }
0x16: {  	s3 =	sld [smem:$0x3FDB];
	s0 =	simm.s32 @p2 $0x1  }
0x17: {  	s4 =	simm.s32 $0x1BF5;
	[smem:$0x3FAE] =	sst s0  }
0x18: {  	s0 =	sld [smem:$0x3F91];
	_ =	swait.ge [sflag:s4], $0x0  }
0x19: {  	s7 =	sld [smem:$0x3F92]  }
0x1a: {  	s8 =	sadd.s32 $0xFFFFE003, lr  }
0x1b: {  	s9 =	sadd.s32 $0xFFFFFEF7, lr;
	s5 =	simm.s32 $0xFFFFFFFF;
	p2 =	slt.u32 s8, $0xFFFFF086  }
0x1c: {  	p1 =	slt.u32 s9, $0xF7A;
	s5 =	simm.s32 @!p2 $0x0  }
0x1d: {  	s5 =	simm.s32 @p1 $0x1;
	p0 =	seq.s32 s7, s2  }
0x1e: {  	s7 =	smul.u32 @!p0 $0xF7A, s2;
	p2 =	seq.s32 @!p0 s5, $0x0  }
0x1f: {  	s9 =	smul.u32 $0xF7A, s1;
	s8 =	simm.s32 @!p0 $0x1BF5;
	p2 =	por !p2, p0  }
0x20: {  	[sflag:s8] =	ssyncset.s32 @!p0 $0xFFFFF086;
	s6 =	sadd.s32 @!p0 s3, s7;
	s7 =	simm.s32 @!p0 $0x108  }
0x21: {  	s3 =	sadd.s32 s3, s9;
	s6 =	sadd.s32 @!p0 $0x88, s6;
	s7 =	simm.s32 @p2 $0x1082  }
0x22: {  	[simem:s7], [sflag:s8] =	dma.local @!p0 [hbm:s6], $0xF7A  }
0x23: {  	s9 =	sor.u32 $0xD0000000, s2;
	s6 =	simm.s32 $0x108;
	_ =	swait.ge @!p0 [sflag:s8], $0x0  }
0x24: {  	s3 =	sadd.s32 $0x88, s3;
	s6 =	simm.s32 @!p1 $0x1082;
	[sflag:s4] =	ssyncset.s32 $0xFFFFF086  }
0x25: {  	[simem:s6], [sflag:s4] =	dma.local [hbm:s3], $0xF7A  }
0x26: {  	[smem:$0x3F92] =	sst s1;
	(tag) =	ssettag s2;
	_ =	strace s9  }
0x27: {  	s1 =	sld [smem:$0x3FA2]  }
0x28: {  	s2 =	sld [smem:$0x3FA3]  }
0x29: {  	s4 =	sld [smem:$0x3FA5]  }
0x2a: {  	p0 =	seq.s32 s5, $0x0;
	s5 =	sld [smem:$0x3FA6]  }
0x2b: {  	s6 =	sld [smem:$0x3FA7]  }
0x2c: {  	s7 =	sld [smem:$0x3FA8]  }
0x2d: {  	s3 =	simm.s32 $0x108;
	s8 =	sld [smem:$0x3FA9]  }
0x2e: {  	s3 =	simm.s32 @!p0 $0x1082;
	s9 =	sld [smem:$0x3FAA]  }
0x2f: {  	lr =	sadd.s32 s0, s3;
	s0 =	sld [smem:$0x3FA1]  }
0x30: {  	s3 =	sld [smem:$0x3FA4]  }
0x31: {  	[smem:$0x3FAD] =	sst s10  }
0x32: {  	s10 =	sld [smem:$0x3FAB];
	_ =	sdelay $0x3  }
0x33: {  	p0 =	seq.s32 s10, $0x1;
	s10 =	sld [smem:$0x3FAD];
	_ =	sdelay $0x3  }
0x34: {  	[smem:$0x3FAD] =	sst s10  }
0x35: {  	s10 =	sld [smem:$0x3FAC];
	_ =	sdelay $0x3  }
0x36: {  	p1 =	seq.s32 s10, $0x1;
	s10 =	sld [smem:$0x3FAD];
	_ =	sdelay $0x3  }
0x37: {  	[smem:$0x3FAD] =	sst s10  }
0x38: {  	s10 =	sld [smem:$0x3FAE]  }
0x39: {  	_ = 	snop;
	(pc) =	sbr.ind lr, $3  }
0x3a: {  	_ = 	snop  }
0x3b: {  	_ = 	snop  }
0x3c: {  	p2 =	seq.s32 s10, $0x1;
	s10 =	sld [smem:$0x3FAD]  }
0x3d: {  	_ =	shalt  }
0x3e: {  	_ =	shalt  }
0x3f: {  	_ =	shalt  }
0x40: {  	_ =	shalt  }
0x41: {  	_ =	shalt  }
0x42: {  	_ =	shalt  }
0x43: {  	_ =	shalt  }
0x44: {  	_ =	shalt  }
0x45: {  	_ =	shalt  }
0x46: {  	_ =	shalt  }
0x47: {  	_ =	shalt  }
0x48: {  	_ =	shalt  }
0x49: {  	_ =	shalt  }
0x4a: {  	_ =	shalt  }
0x4b: {  	_ =	shalt  }
0x4c: {  	_ =	shalt  }
0x4d: {  	_ =	shalt  }
0x4e: {  	_ =	shalt  }
0x4f: {  	_ =	shalt  }
0x50: {  	_ =	shalt  }
0x51: {  	_ =	shalt  }
0x52: {  	_ =	shalt  }
0x53: {  	_ =	shalt  }
0x54: {  	_ =	shalt  }
0x55: {  	_ =	shalt  }
0x56: {  	_ =	shalt  }
0x57: {  	_ =	shalt  }
0x58: {  	_ =	shalt  }
0x59: {  	_ =	shalt  }
0x5a: {  	_ =	shalt  }
0x5b: {  	_ =	shalt  }
0x5c: {  	_ =	shalt  }
0x5d: {  	_ =	shalt  }
0x5e: {  	_ =	shalt  }
0x5f: {  	_ =	shalt  }
0x60: {  	_ =	shalt  }
0x61: {  	_ =	shalt  }
0x62: {  	_ =	shalt  }
0x63: {  	_ =	shalt  }
0x64: {  	_ =	shalt  }
0x65: {  	_ =	shalt  }
0x66: {  	_ =	shalt  }
0x67: {  	_ =	shalt  }
0x68: {  	_ =	shalt  }
0x69: {  	_ =	shalt  }
0x6a: {  	_ =	shalt  }
0x6b: {  	_ =	shalt  }
0x6c: {  	_ =	shalt  }
0x6d: {  	_ =	shalt  }
0x6e: {  	_ =	shalt  }
0x6f: {  	_ =	shalt  }
0x70: {  	_ =	shalt  }
0x71: {  	_ =	shalt  }
0x72: {  	_ =	shalt  }
0x73: {  	_ =	shalt  }
0x74: {  	_ =	shalt  }
0x75: {  	_ =	shalt  }
0x76: {  	_ =	shalt  }
0x77: {  	_ =	shalt  }
0x78: {  	_ =	shalt  }
0x79: {  	_ =	shalt  }
0x7a: {  	_ =	shalt  }
0x7b: {  	_ =	shalt  }
0x7c: {  	_ =	shalt  }
0x7d: {  	_ =	shalt  }
0x7e: {  	_ =	shalt  }
0x7f: {  	_ =	shalt  }
0x80: {  	_ =	shalt  }
0x81: {  	_ =	shalt  }
0x82: {  	_ =	shalt  }
0x83: {  	_ =	shalt  }
0x84: {  	_ =	shalt  }
0x85: {  	_ =	shalt  }
0x86: {  	_ =	shalt  }
0x87: {  	_ =	shalt  }
.Lfunc_end0:
.L_simem_size_0:
called_computation_lowered:
.L_overlay_start_0:
0x88: {  	s2 =	sld [smem:$0x3FD9]  }
0x89: {  	s3 =	sld [smem:$0x3FFE];
	_ =	sdelay $0x1  }
0x8a: {  	s1 =	srdreg.scid  }
0x8b: {  	s0 =	sand.u32 $0x1, s1  }
0x8c: {  	s14 =	sshll.u32 s0, $0xA;
	s2 =	sadd.s32 s3, s2  }
0x8d: {  	s2 =	sadd.s32 s2, s14  }
0x8e: {  	[smem:$0x3FB9] =	sst s2  }
0x8f: {  	_ = 	snop  }
0x90: {  	s2 =	sld [smem:$0x3FD0];
	_ =	sdelay $0x2  }
0x91: {  	s15 =	simm.s32 $0xA;
	s4 =	simm.s32 $0x10  }
0x92: {  	[smem:s4], [sflag:s15] =	dma.local [hbm:s2], $0x1  }
0x93: {  	_ =	swait.eq [sflag:s15], $0x1  }
0x94: {  	[sflag:s15] =	ssyncset.done $0x0  }
0x95: {  	s16 =	sld [smem:$0x10];
	[sflag:s15] =	ssyncadd.s32 $0xFFFFFFFF  }
0x96: {  	s17 =	sld [smem:$0x11];
	(tm) =	ssettm $0x1  }
0x97: {  	s18 =	sld [smem:$0x3FFB];
	_ =	sdelay $0x3  }
0x98: {  	_ =	strace s18  }
0x99: {  	s4 =	sld [smem:$0x3FFC];
	_ =	sdelay $0x3  }
0x9a: {  	_ =	strace s4  }
0x9b: {  	s4 =	sld [smem:$0x3FFD];
	_ =	sdelay $0x3  }
0x9c: {  	_ =	strace s4  }
0x9d: {  	_ =	strace $0x8FFFFFFF  }
0x9e: {  	s19 =	sld [smem:$0x3FDB];
	_ =	sdelay $0x1  }
0x9f: {  	s5 =	simm.s32 $_scs_section_size  }
0xa0: {  	s6 =	simm.s32 $_size__tile_overlayer_lowered;
	s7 =	simm.s32 $_tile_overlayer_lowered  }
0xa1: {  	s22 =	simm.s32 $0x1BFF;
	s21 =	sshll.u32 s7, $0x1;
	s4 =	sadd.s32 s5, s19  }
0xa2: {  	s8 =	simm.s32 $0x0;
	s20 =	sshll.u32 s6, $0x1;
	s6 =	sadd.s32 s21, s4  }
0xa3: {  	[timem:s8], [sflag:s22] =	dma.local [hbm:s6], s20  }
0xa4: {  	_ =	swait.ge [sflag:s22], s20  }
0xa5: {  	s5 =	ssub.s32 $0x0, s20;
	[sflag:s22] =	ssyncset.done $0x0  }
0xa6: {  	[sflag:s22] =	ssyncadd.s32 s5;
	_ =	sdelay $0x1  }
0xa7: {  	s23 =	simm.s32 $0x1B8B  }
0xa8: {  	_ =	swait.ge [sflag:s23], $0x1  }
0xa9: {  	[sflag:s23] =	ssyncset.done $0x0  }
0xaa: {  	s25 =	simm.s32 $0x1B8E;
	s24 =	sld [smem:$0x3FFE];
	[sflag:s23] =	ssyncadd.s32 $0xFFFFFFFF  }
0xab: {  	s26 =	simm.s32 $execute0_lowered;
	[smem:$0x3FD2] =	sst s25  }
0xac: {  	s6 =	sshll.u32 s26, $0x1;
	_ =	strace $0x80000046;
	[dreg:$0x1] =	wrdreg $0xFFFFFFFF  }
0xad: {  	s28 =	simm.s32 $_size_execute0_lowered;
	s4 =	sadd.s32 s4, s6;
	[dreg:$0x0] =	wrdreg $0x0  }
0xae: {  	s6 =	sshll.u32 s28, $0x1;
	[dreg:$0x2] =	wrdreg s4  }
0xaf: {  	[dreg:$0x3] =	wrdreg s6  }
0xb0: {  	[dreg:$0x4] =	wrdreg $0xC0  }
0xb1: {  	_ =	task [dreg:s8], $0x5FFFF  }
0xb2: {  	[dreg:$0x1] =	wrdreg $0xFFFFFFFF  }
0xb3: {  	[dreg:$0x0] =	wrdreg $0x60  }
0xb4: {  	[dreg:$0x2] =	wrdreg s24  }
0xb5: {  	[dreg:$0x3] =	wrdreg s16  }
0xb6: {  	[dreg:$0x4] =	wrdreg s17  }
0xb7: {  	[dreg:$0x5] =	wrdreg $0x34100  }
0xb8: {  	[dreg:$0x6] =	wrdreg $0x9  }
0xb9: {  	_ =	task.clear_ibuf [dreg:s8], $0x7FFFF;
	_ =	strace $0x90000046  }
0xba: {  	s29 =	simm.s32 $0x9;
	_ =	strace $0x80000048  }
0xbb: {  	_ =	swait.ge [sflag:s29], $0x1  }
0xbc: {  	[sflag:s29] =	ssyncadd.s32 $0xFFFFFFFF  }
0xbd: {  	_ =	strace $0x90000048  }
0xbe: {  	_ =	sfence  }
0xbf: {  	s30 =	sld [smem:$0x0];
	_ =	sdelay $0x2  }
0xc0: {  	s31 =	sshll.u32 s1, $0xD;
	s1 =	sshrl.u32 s1, $0x2  }
0xc1: {  	s3 =	sand.u32 $0x4000, s31;
	s1 =	sadd.s32 s1, s30  }
0xc2: {  	s0 =	sor.u32 s3, s0;
	s1 =	sshll.u32 s1, $0x11  }
0xc3: {  	s0 =	sor.u32 s1, s0  }
0xc4: {  	s0 =	sadd.s32 $0x8F2B, s0  }
0xc5: {  	[sflag:s0] =	ssyncadd.remote.s32 $0x1  }
0xc6: {  	_ =	sfence.sel $0xFFFF  }
0xc7: {  	[dreg:$0x0] =	wrdreg $0xFFFFFFFF;
	(pc) =	sbr.abs _section_cstart, $3  }
0xc8: {  	[dreg:$0x1] =	wrdreg $0xFFFFFFFF  }
0xc9: {  	_ =	task.clear_ibuf [dreg:s8], $0x2FFFF;
	_ =	strace $0x9FFFFFFF  }
0xca: {  	(tm) =	ssettm $0x7FFFFFFF  }
0xcb: {  	_ =	shalt  }
tec
execute0_lowered:
.L_overlay_start_1:
0x0: {  	(tag) =	ssettag $0x1  }
0x1: {  	s5 =	rddreg [dreg:$0x0]  }
0x2: {  	s1 =	rddreg [dreg:$0x1]  }
0x3: {  	s16 =	rddreg [dreg:$0x2]  }
0x4: {  	s0 =	srdreg.scid;
	s3 =	rddreg [dreg:$0x3];
	s4 =	simm.s32 $0x0  }
0x5: {  	s21 =	simm.s32 $0x50;
	s22 =	simm.s32 $0x1;
	s23 =	simm.s32 $0x2  }
0x6: {  	s24 =	simm.s32 $0x0;
	s7 =	sand.u32 $0x1, s0;
	s0 =	stileid.u32  }
0x7: {  	[smem:$0x7FF] =	sst s4;
	s2 =	sshll.u32 s7, $0x4;
	s10 =	smul.u32 $0x2800, s0  }
0x8: {  	s8 =	ssub.s32 $0x2, s7;
	s15 =	smul.u32 $0x28000, s7;
	s6 =	sor.u32 s0, s2  }
0x9: {  	s2 =	rddreg [dreg:$0x4];
	_ =	strace $0x80000047;
	s29 =	sshrl.u32 s8, $0x1  }
0xa: {  	s6 =	smul.u32 $0x4E2, s6;
	s17 =	ssub.s32 s8, s29;
	s12 =	sadd.s32 $0x800, s10  }
0xb: {  	s14 =	sadd.s32 $0x1000, s10;
	s18 =	sadd.s32 $0x1800, s10;
	s19 =	sadd.s32 $0x2000, s10  }
0xc: {  	s13 =	sadd.s32 s10, s15;
	s7 =	sadd.s32 s12, s3;
	s8 =	sadd.s32 s14, s3  }
0xd: {  	s9 =	sadd.s32 s18, s3;
	s13 =	sshrl.u32 s13, $0x3;
	s20 =	sadd.s32 s15, s12  }
0xe: {  	s14 =	sadd.s32 s15, s14;
	s18 =	sadd.s32 s15, s18;
	s17 =	smax.u32 s17, $0x1  }
0xf: {  	s11 =	sadd.s32 s6, s5;
	s5 =	sadd.s32 $0x17600, s5;
	s6 =	sadd.s32 s10, s3  }
0x10: {  	s10 =	sadd.s32 s19, s3;
	s12 =	sadd.s32 s16, s13;
	s30 =	sshrl.u32 s20, $0x3  }
0x11: {  	s14 =	sshrl.u32 s14, $0x3;
	s18 =	sshrl.u32 s18, $0x3;
	s19 =	sadd.s32 s15, s19  }
0x12: {  	s20 =	simm.s32 $0x2710;
	s11 =	sadd.s32 $0xD800, s11;
	s13 =	sadd.s32 s16, s30  }
0x13: {  	s14 =	sadd.s32 s16, s14;
	s15 =	sadd.s32 s16, s18;
	s31 =	sshrl.u32 s19, $0x3  }
0x14: {  	s18 =	simm.s32 $0x2C10;
	s19 =	simm.s32 $0x3;
	s16 =	sadd.s32 s16, s31  }
.LBB2_1:
0x15: {  	[tilespmem:s18], [sflag:$0x3] =	stream.linear.gather [hbm4b:s5+s4], $0x800, $0x38;
	[tilespmem:$0x5C10] =	vst v63  }
0x16: {  	_ =	swait.ge [sflag:s19], $0x800  }
0x17: {  	[sflag:s19] =	ssyncset.done $0x0  }
0x18: {  	[sflag:s19] =	ssyncadd.s32 $0xFFFFF800  }
0x19: {  	[spmem:s6] =	stream.linear.scatter [tilespmem:s18], [sflag:$0x3], $0x800, $0x38;
	[tilespmem:$0x5C10] =	vst v63  }
0x1a: {  	_ =	swait.ge [sflag:s19], $0x800  }
0x1b: {  	[sflag:s19] =	ssyncset.done $0x0  }
0x1c: {  	[sflag:s19] =	ssyncadd.s32 $0xFFFFF800  }
0x1d: {  	[spmem:s7] =	stream.linear.scatter [tilespmem:s18], [sflag:$0x3], $0x800, $0x38;
	[tilespmem:$0x5C10] =	vst v63  }
0x1e: {  	_ =	swait.ge [sflag:s19], $0x800  }
0x1f: {  	[sflag:s19] =	ssyncset.done $0x0  }
0x20: {  	[sflag:s19] =	ssyncadd.s32 $0xFFFFF800  }
0x21: {  	[spmem:s8] =	stream.linear.scatter [tilespmem:s18], [sflag:$0x3], $0x800, $0x38;
	[tilespmem:$0x5C10] =	vst v63  }
0x22: {  	_ =	swait.ge [sflag:s19], $0x800  }
0x23: {  	[sflag:s19] =	ssyncset.done $0x0  }
0x24: {  	[sflag:s19] =	ssyncadd.s32 $0xFFFFF800  }
0x25: {  	[spmem:s9] =	stream.linear.scatter [tilespmem:s18], [sflag:$0x3], $0x800, $0x38;
	[tilespmem:$0x5C10] =	vst v63  }
0x26: {  	_ =	swait.ge [sflag:s19], $0x800  }
0x27: {  	[sflag:s19] =	ssyncset.done $0x0  }
0x28: {  	[sflag:s19] =	ssyncadd.s32 $0xFFFFF800  }
0x29: {  	[spmem:s10] =	stream.linear.scatter [tilespmem:s18], [sflag:$0x3], $0x800, $0x38;
	[tilespmem:$0x5C10] =	vst v63  }
0x2a: {  	_ =	swait.ge [sflag:s19], $0x800  }
0x2b: {  	[sflag:s19] =	ssyncset.done $0x0  }
0x2c: {  	[sflag:s19] =	ssyncadd.s32 $0xFFFFF800  }
0x2d: {  	[tilespmem:s20], [sflag:$0x3] =	stream.linear.gather [hbm4b:s1+s4], $0x500, $0x38;
	[tilespmem:$0x5C10] =	vst v63  }
0x2e: {  	_ =	swait.ge [sflag:s19], $0x500  }
0x2f: {  	[sflag:s19] =	ssyncset.done $0x0  }
0x30: {  	[sflag:s19] =	ssyncadd.s32 $0xFFFFFB00  }
0x31: {  	[tilespmem:s4], [sflag:$0x3] =	stream.linear.gather [hbm4b:s11+s4], $0x2710, $0x38;
	[tilespmem:$0x5C10] =	vst v63  }
0x32: {  	_ =	swait.ge [sflag:s19], $0x2710  }
0x33: {  	[sflag:s19] =	ssyncset.done $0x0  }
0x34: {  	[sflag:s19] =	ssyncadd.s32 $0xFFFFD8F0  }
0x35: {  	[bflag:$0x0] =	sbarrier.arrive $0xFFFF  }
0x36: {  	[spmem:s3] =	stream.indirect.scatter.add.f32 [tilespmem:s20], [sflag:$0x1], $0x10, s4, s21, $0xb8;
	[tilespmem:$0x5C10] =	vst v63  }
0x37: {  	_ = 	snop  }
0x38: {  	[spmem:s3] =	stream.indirect.scatter.add.f32 [tilespmem:s20], [sflag:$0x2], $0x10, s21, s21, $0xb8;
	[tilespmem:$0x5C10] =	vst v63  }
0x39: {  	_ =	swait.ge [sflag:s22], $0x500  }
0x3a: {  	[sflag:s22] =	ssyncset.done $0x0  }
0x3b: {  	s25 =	simm.s32 $0xA0;
	[sflag:s22] =	ssyncadd.s32 $0xFFFFFB00  }
0x3c: {  	[spmem:s3] =	stream.indirect.scatter.add.f32 [tilespmem:s20], [sflag:$0x1], $0x10, s25, s21, $0xb8;
	[tilespmem:$0x5C10] =	vst v63  }
0x3d: {  	_ =	swait.ge [sflag:s23], $0x500  }
0x3e: {  	[sflag:s23] =	ssyncset.done $0x0  }
0x3f: {  	s26 =	simm.s32 $0xF0;
	s25 =	simm.s32 $0xFFFF6A00;
	[sflag:s23] =	ssyncadd.s32 $0xFFFFFB00  }
.LBB2_2:
0x40: {  	[spmem:s3] =	stream.indirect.scatter.add.f32 [tilespmem:s20], [sflag:$0x2], $0x10, s26, s21, $0xb8;
	[tilespmem:$0x5C10] =	vst v63  }
0x41: {  	s26 =	smov.u32 s25;
	s25 =	sadd.s32 $0x280, s25;
	_ =	swait.ge [sflag:s22], $0x500  }
0x42: {  	s26 =	sshra.s32 s26, $0x2;
	p0 =	sne.s32 s25, $0x0;
	[sflag:s22] =	ssyncset.done $0x0  }
.Ltmp0:
0x43: {  	s28 =	sadd.s32 $0x26C0, s26;
	[sflag:s22] =	ssyncadd.s32 $0xFFFFFB00;
	(pc) =	sbr.rel @p0 .LBB2_2-.Ltmp0, $4  }
0x44: {  	[spmem:s3] =	stream.indirect.scatter.add.f32 [tilespmem:s20], [sflag:$0x1], $0x10, s28, s21, $0xb8;
	[tilespmem:$0x5C10] =	vst v63  }
0x45: {  	_ =	swait.ge [sflag:s23], $0x500  }
0x46: {  	[sflag:s23] =	ssyncset.done $0x0  }
0x47: {  	s26 =	sadd.s32 $0x2710, s26;
	[sflag:s23] =	ssyncadd.s32 $0xFFFFFB00  }
0x48: {  	[spmem:s3] =	stream.indirect.scatter.add.f32 [tilespmem:s20], [sflag:$0x2], $0x10, s26, s21, $0xb8;
	[tilespmem:$0x5C10] =	vst v63  }
0x49: {  	_ =	swait.ge [sflag:s22], $0x500  }
0x4a: {  	s25 =	sshra.s32 s25, $0x2;
	[sflag:s22] =	ssyncset.done $0x0  }
0x4b: {  	s25 =	sadd.s32 $0x26C0, s25;
	[sflag:s22] =	ssyncadd.s32 $0xFFFFFB00  }
0x4c: {  	[spmem:s3] =	stream.indirect.scatter.add.f32 [tilespmem:s20], [sflag:$0x1], $0x10, s25, s21, $0xb8;
	[tilespmem:$0x5C10] =	vst v63  }
0x4d: {  	_ =	swait.ge [sflag:s23], $0x500  }
0x4e: {  	[sflag:s23] =	ssyncset.done $0x0  }
0x4f: {  	[sflag:s23] =	ssyncadd.s32 $0xFFFFFB00  }
0x50: {  	_ =	swait.ge [sflag:s22], $0x500  }
0x51: {  	[sflag:s22] =	ssyncset.done $0x0  }
0x52: {  	[sflag:s22] =	ssyncadd.s32 $0xFFFFFB00  }
0x53: {  	[bflag:$0x0] =	sbarrier.arrive $0xFFFF  }
0x54: {  	[tilespmem:s18], [sflag:$0x3] =	stream.linear.gather [spmem:s6], $0x800, $0x38;
	[tilespmem:$0x5C10] =	vst v63  }
0x55: {  	_ =	swait.ge [sflag:s19], $0x800  }
0x56: {  	[sflag:s19] =	ssyncset.done $0x0  }
0x57: {  	[sflag:s19] =	ssyncadd.s32 $0xFFFFF800  }
0x58: {  	[hbm4b:s12+s4] =	stream.linear.scatter [tilespmem:s18], [sflag:$0x3], $0x800, $0x38;
	[tilespmem:$0x5C10] =	vst v63  }
0x59: {  	_ =	swait.ge [sflag:s19], $0x800  }
0x5a: {  	[sflag:s19] =	ssyncset.done $0x0  }
0x5b: {  	[sflag:s19] =	ssyncadd.s32 $0xFFFFF800  }
0x5c: {  	[tilespmem:s18], [sflag:$0x3] =	stream.linear.gather [spmem:s7], $0x800, $0x38;
	[tilespmem:$0x5C10] =	vst v63  }
0x5d: {  	_ =	swait.ge [sflag:s19], $0x800  }
0x5e: {  	[sflag:s19] =	ssyncset.done $0x0  }
0x5f: {  	[sflag:s19] =	ssyncadd.s32 $0xFFFFF800  }
0x60: {  	[hbm4b:s13+s4] =	stream.linear.scatter [tilespmem:s18], [sflag:$0x3], $0x800, $0x38;
	[tilespmem:$0x5C10] =	vst v63  }
0x61: {  	_ =	swait.ge [sflag:s19], $0x800  }
0x62: {  	[sflag:s19] =	ssyncset.done $0x0  }
0x63: {  	[sflag:s19] =	ssyncadd.s32 $0xFFFFF800  }
0x64: {  	[tilespmem:s18], [sflag:$0x3] =	stream.linear.gather [spmem:s8], $0x800, $0x38;
	[tilespmem:$0x5C10] =	vst v63  }
0x65: {  	_ =	swait.ge [sflag:s19], $0x800  }
0x66: {  	[sflag:s19] =	ssyncset.done $0x0  }
0x67: {  	[sflag:s19] =	ssyncadd.s32 $0xFFFFF800  }
0x68: {  	[hbm4b:s14+s4] =	stream.linear.scatter [tilespmem:s18], [sflag:$0x3], $0x800, $0x38;
	[tilespmem:$0x5C10] =	vst v63  }
0x69: {  	_ =	swait.ge [sflag:s19], $0x800  }
0x6a: {  	[sflag:s19] =	ssyncset.done $0x0  }
0x6b: {  	[sflag:s19] =	ssyncadd.s32 $0xFFFFF800  }
0x6c: {  	[tilespmem:s18], [sflag:$0x3] =	stream.linear.gather [spmem:s9], $0x800, $0x38;
	[tilespmem:$0x5C10] =	vst v63  }
0x6d: {  	_ =	swait.ge [sflag:s19], $0x800  }
0x6e: {  	[sflag:s19] =	ssyncset.done $0x0  }
0x6f: {  	[sflag:s19] =	ssyncadd.s32 $0xFFFFF800  }
0x70: {  	[hbm4b:s15+s4] =	stream.linear.scatter [tilespmem:s18], [sflag:$0x3], $0x800, $0x38;
	[tilespmem:$0x5C10] =	vst v63  }
0x71: {  	_ =	swait.ge [sflag:s19], $0x800  }
0x72: {  	[sflag:s19] =	ssyncset.done $0x0  }
0x73: {  	[sflag:s19] =	ssyncadd.s32 $0xFFFFF800  }
0x74: {  	[tilespmem:s18], [sflag:$0x3] =	stream.linear.gather [spmem:s10], $0x800, $0x38;
	[tilespmem:$0x5C10] =	vst v63  }
0x75: {  	s24 =	sadd.s32 $0x1, s24;
	_ =	swait.ge [sflag:s19], $0x800  }
0x76: {  	p0 =	sne.s32 s24, s17;
	[sflag:s19] =	ssyncset.done $0x0  }
.Ltmp1:
0x77: {  	[sflag:s19] =	ssyncadd.s32 $0xFFFFF800;
	(pc) =	sbr.rel @p0 .LBB2_1-.Ltmp1, $4  }
0x78: {  	[hbm4b:s16+s4] =	stream.linear.scatter [tilespmem:s18], [sflag:$0x3], $0x800, $0x38;
	[tilespmem:$0x5C10] =	vst v63  }
0x79: {  	_ =	swait.ge [sflag:s19], $0x800  }
0x7a: {  	[sflag:s19] =	ssyncset.done $0x0  }
0x7b: {  	[sflag:s19] =	ssyncadd.s32 $0xFFFFF800  }
0x7c: {  	_ =	sfence.sel $0x180000  }
0x7d: {  	[bflag:$0x0] =	sbarrier.arrive $0xFFFF  }
0x7e: {  	p0 =	sne.s32 s0, $0x0;
	_ =	strace $0x90000047  }
0x7f: {  	s0 =	sadd.s32 @!p0 $0x100000, s2;
	[bflag:$0x2] =	sbarrier.arrive $0xFFFF  }
0x80: {  	[sflag:s0] =	ssyncadd.tile.s32 @!p0 $0x1;
	_ =	shalt  }
.Lfunc_end2:
_tile_overlayer_lowered:
.L_overlay_start_2:
0x81: {  	(tag) =	ssettag $0x2  }
0x82: {  	s0 =	rddreg [dreg:$0x0];
	s2 =	stileid.u32  }
0x83: {  	s1 =	rddreg [dreg:$0x1];
	p0 =	sne.s32 s2, $0x0  }
0x84: {  	s3 =	rddreg [dreg:$0x2];
	[bflag:$0x3] =	sbarrier.arrive $0xFFFF;
	s2 =	simm.s32 @!p0 $0x1C03  }
0x85: {  	[timem:s3], [sflag:s2] =	dma.local @!p0 [hbm:s0], s1  }
0x86: {  	s0 =	simm.s32 @!p0 $0x3  }
0x87: {  	_ =	swait.ge @!p0 [sflag:s0], s1  }
0x88: {  	s1 =	ssub.s32 @!p0 $0x0, s1;
	[sflag:s0] =	ssyncset.done @!p0 $0x0  }
0x89: {  	[sflag:s0] =	ssyncadd.s32 @!p0 s1  }
0x8a: {  	[bflag:$0x3] =	sbarrier.arrive $0xFFFF  }
0x8b: {  	_ =	shalt  }

// kernel: kernel.13.cloned.1.call-start
scs
__scs_entry_jumppad:
0x0: {  	(pc) =	sbr.rel $0x88, $3  }
0x1: {  	(tag) =	ssettag $0x0;
	lr =	simm.s32 $0x1  }
0x2: {  	[smem:$0x3F92] =	sst lr;
	_ =	strace $0xD0000000  }
0x3: {  	_ = 	snop  }
0x4: {  	_ = 	snop  }
0x5: {  	_ = 	snop  }
0x6: {  	_ = 	snop  }
0x7: {  	_ = 	snop  }
__scs_overlays_trampoline_lowered:
0x8: {  	[smem:$0x3FA1] =	sst s0  }
0x9: {  	[smem:$0x3FA2] =	sst s1  }
0xa: {  	[smem:$0x3FA3] =	sst s2  }
0xb: {  	[smem:$0x3FA4] =	sst s3  }
0xc: {  	[smem:$0x3FA5] =	sst s4  }
0xd: {  	[smem:$0x3FA6] =	sst s5  }
0xe: {  	[smem:$0x3FA7] =	sst s6  }
0xf: {  	[smem:$0x3FA8] =	sst s7  }
0x10: {  	[smem:$0x3FA9] =	sst s8  }
0x11: {  	[smem:$0x3FAA] =	sst s9;
	s0 =	simm.s32 @!p0 $0x0  }
0x12: {  	s1 =	sld [smem:$0x3F90];
	s0 =	simm.s32 @p0 $0x1  }
0x13: {  	[smem:$0x3FAB] =	sst s0;
	s0 =	simm.s32 @!p1 $0x0  }
0x14: {  	s2 =	sld [smem:$0x3F8F];
	s0 =	simm.s32 @p1 $0x1  }
0x15: {  	[smem:$0x3FAC] =	sst s0;
	s0 =	simm.s32 @!p2 $0x0  }
0x16: {  	s3 =	sld [smem:$0x3FDB];
	s0 =	simm.s32 @p2 $0x1  }
0x17: {  	s4 =	simm.s32 $0x1BF5;
	[smem:$0x3FAE] =	sst s0  }
0x18: {  	s0 =	sld [smem:$0x3F91];
	_ =	swait.ge [sflag:s4], $0x0  }
0x19: {  	s7 =	sld [smem:$0x3F92]  }
0x1a: {  	s8 =	sadd.s32 $0xFFFFE003, lr  }
0x1b: {  	s9 =	sadd.s32 $0xFFFFFEF7, lr;
	s5 =	simm.s32 $0xFFFFFFFF;
	p2 =	slt.u32 s8, $0xFFFFF086  }
0x1c: {  	p1 =	slt.u32 s9, $0xF7A;
	s5 =	simm.s32 @!p2 $0x0  }
0x1d: {  	s5 =	simm.s32 @p1 $0x1;
	p0 =	seq.s32 s7, s2  }
0x1e: {  	s7 =	smul.u32 @!p0 $0xF7A, s2;
	p2 =	seq.s32 @!p0 s5, $0x0  }
0x1f: {  	s9 =	smul.u32 $0xF7A, s1;
	s8 =	simm.s32 @!p0 $0x1BF5;
	p2 =	por !p2, p0  }
0x20: {  	[sflag:s8] =	ssyncset.s32 @!p0 $0xFFFFF086;
	s6 =	sadd.s32 @!p0 s3, s7;
	s7 =	simm.s32 @!p0 $0x108  }
0x21: {  	s3 =	sadd.s32 s3, s9;
	s6 =	sadd.s32 @!p0 $0x88, s6;
	s7 =	simm.s32 @p2 $0x1082  }
0x22: {  	[simem:s7], [sflag:s8] =	dma.local @!p0 [hbm:s6], $0xF7A  }
0x23: {  	s9 =	sor.u32 $0xD0000000, s2;
	s6 =	simm.s32 $0x108;
	_ =	swait.ge @!p0 [sflag:s8], $0x0  }
0x24: {  	s3 =	sadd.s32 $0x88, s3;
	s6 =	simm.s32 @!p1 $0x1082;
	[sflag:s4] =	ssyncset.s32 $0xFFFFF086  }
0x25: {  	[simem:s6], [sflag:s4] =	dma.local [hbm:s3], $0xF7A  }
0x26: {  	[smem:$0x3F92] =	sst s1;
	(tag) =	ssettag s2;
	_ =	strace s9  }
0x27: {  	s1 =	sld [smem:$0x3FA2]  }
0x28: {  	s2 =	sld [smem:$0x3FA3]  }
0x29: {  	s4 =	sld [smem:$0x3FA5]  }
0x2a: {  	p0 =	seq.s32 s5, $0x0;
	s5 =	sld [smem:$0x3FA6]  }
0x2b: {  	s6 =	sld [smem:$0x3FA7]  }
0x2c: {  	s7 =	sld [smem:$0x3FA8]  }
0x2d: {  	s3 =	simm.s32 $0x108;
	s8 =	sld [smem:$0x3FA9]  }
0x2e: {  	s3 =	simm.s32 @!p0 $0x1082;
	s9 =	sld [smem:$0x3FAA]  }
0x2f: {  	lr =	sadd.s32 s0, s3;
	s0 =	sld [smem:$0x3FA1]  }
0x30: {  	s3 =	sld [smem:$0x3FA4]  }
0x31: {  	[smem:$0x3FAD] =	sst s10  }
0x32: {  	s10 =	sld [smem:$0x3FAB];
	_ =	sdelay $0x3  }
0x33: {  	p0 =	seq.s32 s10, $0x1;
	s10 =	sld [smem:$0x3FAD];
	_ =	sdelay $0x3  }
0x34: {  	[smem:$0x3FAD] =	sst s10  }
0x35: {  	s10 =	sld [smem:$0x3FAC];
	_ =	sdelay $0x3  }
0x36: {  	p1 =	seq.s32 s10, $0x1;
	s10 =	sld [smem:$0x3FAD];
	_ =	sdelay $0x3  }
0x37: {  	[smem:$0x3FAD] =	sst s10  }
0x38: {  	s10 =	sld [smem:$0x3FAE]  }
0x39: {  	_ = 	snop;
	(pc) =	sbr.ind lr, $3  }
0x3a: {  	_ = 	snop  }
0x3b: {  	_ = 	snop  }
0x3c: {  	p2 =	seq.s32 s10, $0x1;
	s10 =	sld [smem:$0x3FAD]  }
0x3d: {  	_ =	shalt  }
0x3e: {  	_ =	shalt  }
0x3f: {  	_ =	shalt  }
0x40: {  	_ =	shalt  }
0x41: {  	_ =	shalt  }
0x42: {  	_ =	shalt  }
0x43: {  	_ =	shalt  }
0x44: {  	_ =	shalt  }
0x45: {  	_ =	shalt  }
0x46: {  	_ =	shalt  }
0x47: {  	_ =	shalt  }
0x48: {  	_ =	shalt  }
0x49: {  	_ =	shalt  }
0x4a: {  	_ =	shalt  }
0x4b: {  	_ =	shalt  }
0x4c: {  	_ =	shalt  }
0x4d: {  	_ =	shalt  }
0x4e: {  	_ =	shalt  }
0x4f: {  	_ =	shalt  }
0x50: {  	_ =	shalt  }
0x51: {  	_ =	shalt  }
0x52: {  	_ =	shalt  }
0x53: {  	_ =	shalt  }
0x54: {  	_ =	shalt  }
0x55: {  	_ =	shalt  }
0x56: {  	_ =	shalt  }
0x57: {  	_ =	shalt  }
0x58: {  	_ =	shalt  }
0x59: {  	_ =	shalt  }
0x5a: {  	_ =	shalt  }
0x5b: {  	_ =	shalt  }
0x5c: {  	_ =	shalt  }
0x5d: {  	_ =	shalt  }
0x5e: {  	_ =	shalt  }
0x5f: {  	_ =	shalt  }
0x60: {  	_ =	shalt  }
0x61: {  	_ =	shalt  }
0x62: {  	_ =	shalt  }
0x63: {  	_ =	shalt  }
0x64: {  	_ =	shalt  }
0x65: {  	_ =	shalt  }
0x66: {  	_ =	shalt  }
0x67: {  	_ =	shalt  }
0x68: {  	_ =	shalt  }
0x69: {  	_ =	shalt  }
0x6a: {  	_ =	shalt  }
0x6b: {  	_ =	shalt  }
0x6c: {  	_ =	shalt  }
0x6d: {  	_ =	shalt  }
0x6e: {  	_ =	shalt  }
0x6f: {  	_ =	shalt  }
0x70: {  	_ =	shalt  }
0x71: {  	_ =	shalt  }
0x72: {  	_ =	shalt  }
0x73: {  	_ =	shalt  }
0x74: {  	_ =	shalt  }
0x75: {  	_ =	shalt  }
0x76: {  	_ =	shalt  }
0x77: {  	_ =	shalt  }
0x78: {  	_ =	shalt  }
0x79: {  	_ =	shalt  }
0x7a: {  	_ =	shalt  }
0x7b: {  	_ =	shalt  }
0x7c: {  	_ =	shalt  }
0x7d: {  	_ =	shalt  }
0x7e: {  	_ =	shalt  }
0x7f: {  	_ =	shalt  }
0x80: {  	_ =	shalt  }
0x81: {  	_ =	shalt  }
0x82: {  	_ =	shalt  }
0x83: {  	_ =	shalt  }
0x84: {  	_ =	shalt  }
0x85: {  	_ =	shalt  }
0x86: {  	_ =	shalt  }
0x87: {  	_ =	shalt  }
.Lfunc_end0:
.L_simem_size_0:
called_computation.1_lowered:
.L_overlay_start_0:
0x88: {  	s2 =	sld [smem:$0x3FD9]  }
0x89: {  	s3 =	sld [smem:$0x3FFE];
	_ =	sdelay $0x1  }
0x8a: {  	s1 =	srdreg.scid  }
0x8b: {  	s0 =	sand.u32 $0x1, s1  }
0x8c: {  	s14 =	sshll.u32 s0, $0xA;
	s2 =	sadd.s32 s3, s2  }
0x8d: {  	s2 =	sadd.s32 s2, s14  }
0x8e: {  	[smem:$0x3FB9] =	sst s2  }
0x8f: {  	_ = 	snop  }
0x90: {  	s2 =	sld [smem:$0x3FD0];
	_ =	sdelay $0x2  }
0x91: {  	s15 =	simm.s32 $0xA;
	s4 =	simm.s32 $0x10  }
0x92: {  	[smem:s4], [sflag:s15] =	dma.local [hbm:s2], $0x1  }
0x93: {  	_ =	swait.eq [sflag:s15], $0x1  }
0x94: {  	[sflag:s15] =	ssyncset.done $0x0  }
0x95: {  	s16 =	sld [smem:$0x10];
	[sflag:s15] =	ssyncadd.s32 $0xFFFFFFFF  }
0x96: {  	s17 =	sld [smem:$0x11];
	(tm) =	ssettm $0x1  }
0x97: {  	s18 =	sld [smem:$0x3FFB];
	_ =	sdelay $0x3  }
0x98: {  	_ =	strace s18  }
0x99: {  	s4 =	sld [smem:$0x3FFC];
	_ =	sdelay $0x3  }
0x9a: {  	_ =	strace s4  }
0x9b: {  	s4 =	sld [smem:$0x3FFD];
	_ =	sdelay $0x3  }
0x9c: {  	_ =	strace s4  }
0x9d: {  	_ =	strace $0x8FFFFFFF  }
0x9e: {  	s19 =	sld [smem:$0x3FDB];
	_ =	sdelay $0x1  }
0x9f: {  	s5 =	simm.s32 $_scs_section_size  }
0xa0: {  	s6 =	simm.s32 $_size__tile_overlayer_lowered;
	s7 =	simm.s32 $_tile_overlayer_lowered  }
0xa1: {  	s22 =	simm.s32 $0x1BFF;
	s21 =	sshll.u32 s7, $0x1;
	s4 =	sadd.s32 s5, s19  }
0xa2: {  	s8 =	simm.s32 $0x0;
	s20 =	sshll.u32 s6, $0x1;
	s6 =	sadd.s32 s21, s4  }
0xa3: {  	[timem:s8], [sflag:s22] =	dma.local [hbm:s6], s20  }
0xa4: {  	_ =	swait.ge [sflag:s22], s20  }
0xa5: {  	s5 =	ssub.s32 $0x0, s20;
	[sflag:s22] =	ssyncset.done $0x0  }
0xa6: {  	[sflag:s22] =	ssyncadd.s32 s5;
	_ =	sdelay $0x1  }
0xa7: {  	s23 =	simm.s32 $0x1B8B  }
0xa8: {  	_ =	swait.ge [sflag:s23], $0x1  }
0xa9: {  	[sflag:s23] =	ssyncset.done $0x0  }
0xaa: {  	s25 =	simm.s32 $0x1B8E;
	s24 =	sld [smem:$0x3FFE];
	[sflag:s23] =	ssyncadd.s32 $0xFFFFFFFF  }
0xab: {  	s26 =	simm.s32 $execute0_lowered;
	[smem:$0x3FD2] =	sst s25  }
0xac: {  	s6 =	sshll.u32 s26, $0x1;
	_ =	strace $0x80000049;
	[dreg:$0x1] =	wrdreg $0xFFFFFFFF  }
0xad: {  	s28 =	simm.s32 $_size_execute0_lowered;
	s4 =	sadd.s32 s4, s6;
	[dreg:$0x0] =	wrdreg $0x0  }
0xae: {  	s6 =	sshll.u32 s28, $0x1;
	[dreg:$0x2] =	wrdreg s4  }
0xaf: {  	[dreg:$0x3] =	wrdreg s6  }
0xb0: {  	[dreg:$0x4] =	wrdreg $0xC0  }
0xb1: {  	_ =	task [dreg:s8], $0x5FFFF  }
0xb2: {  	[dreg:$0x1] =	wrdreg $0xFFFFFFFF  }
0xb3: {  	[dreg:$0x0] =	wrdreg $0x60  }
0xb4: {  	[dreg:$0x2] =	wrdreg s17  }
0xb5: {  	[dreg:$0x3] =	wrdreg s24  }
0xb6: {  	[dreg:$0x4] =	wrdreg s16  }
0xb7: {  	[dreg:$0x5] =	wrdreg $0xC6200  }
0xb8: {  	[dreg:$0x6] =	wrdreg $0x9  }
0xb9: {  	_ =	task.clear_ibuf [dreg:s8], $0x7FFFF;
	_ =	strace $0x90000049  }
0xba: {  	s29 =	simm.s32 $0x9;
	_ =	strace $0x8000004B  }
0xbb: {  	_ =	swait.ge [sflag:s29], $0x1  }
0xbc: {  	[sflag:s29] =	ssyncadd.s32 $0xFFFFFFFF  }
0xbd: {  	_ =	strace $0x9000004B  }
0xbe: {  	_ =	sfence  }
0xbf: {  	s30 =	sld [smem:$0x0];
	_ =	sdelay $0x2  }
0xc0: {  	s31 =	sshll.u32 s1, $0xD;
	s1 =	sshrl.u32 s1, $0x2  }
0xc1: {  	s3 =	sand.u32 $0x4000, s31;
	s1 =	sadd.s32 s1, s30  }
0xc2: {  	s0 =	sor.u32 s3, s0;
	s1 =	sshll.u32 s1, $0x11  }
0xc3: {  	s0 =	sor.u32 s1, s0  }
0xc4: {  	s0 =	sadd.s32 $0x8F2B, s0  }
0xc5: {  	[sflag:s0] =	ssyncadd.remote.s32 $0x1  }
0xc6: {  	_ =	sfence.sel $0xFFFF  }
0xc7: {  	[dreg:$0x0] =	wrdreg $0xFFFFFFFF;
	(pc) =	sbr.abs _section_cstart, $3  }
0xc8: {  	[dreg:$0x1] =	wrdreg $0xFFFFFFFF  }
0xc9: {  	_ =	task.clear_ibuf [dreg:s8], $0x2FFFF;
	_ =	strace $0x9FFFFFFF  }
0xca: {  	(tm) =	ssettm $0x7FFFFFFF  }
0xcb: {  	_ =	shalt  }
tec
execute0_lowered:
.L_overlay_start_1:
0x0: {  	(tag) =	ssettag $0x1  }
0x1: {  	s0 =	rddreg [dreg:$0x0]  }
0x2: {  	s1 =	rddreg [dreg:$0x1]  }
0x3: {  	s2 =	srdreg.scid;
	s4 =	rddreg [dreg:$0x3]  }
0x4: {  	s7 =	stileid.u32;
	s5 =	simm.s32 $0x0;
	s30 =	simm.s32 $0x9E20  }
0x5: {  	s31 =	simm.s32 $0x1;
	s2 =	sand.u32 $0x1, s2;
	[smem:$0x7FF] =	sst s5  }
0x6: {  	s14 =	smul.u32 $0x13880, s7;
	s3 =	sshll.u32 s2, $0x4;
	_ =	strace $0x8000004A  }
0x7: {  	s6 =	ssub.s32 $0x2, s2;
	s2 =	smul.u32 $0x138800, s2;
	s3 =	sor.u32 s7, s3  }
0x8: {  	s18 =	sshrl.u32 s6, $0x1;
	s15 =	sadd.s32 $0x2800, s14;
	s16 =	sadd.s32 $0x5000, s14  }
0x9: {  	s17 =	sadd.s32 $0x7800, s14;
	s19 =	sadd.s32 $0xC800, s14;
	s20 =	sadd.s32 $0xF000, s14  }
0xa: {  	s21 =	sadd.s32 $0x11800, s14;
	s3 =	smul.u32 $0x4E2, s3;
	s24 =	ssub.s32 s6, s18  }
0xb: {  	s6 =	sadd.s32 s14, s4;
	s7 =	sadd.s32 s15, s4;
	s8 =	sadd.s32 s16, s4  }
0xc: {  	s9 =	sadd.s32 s17, s4;
	s18 =	sadd.s32 $0xA000, s14;
	s11 =	sadd.s32 s19, s4  }
0xd: {  	s12 =	sadd.s32 s20, s4;
	s13 =	sadd.s32 s21, s4;
	s14 =	sadd.s32 s14, s2  }
0xe: {  	s22 =	sadd.s32 s2, s15;
	s23 =	sadd.s32 s2, s16;
	s25 =	sadd.s32 s2, s17  }
0xf: {  	s28 =	sadd.s32 s2, s19;
	s29 =	sadd.s32 s2, s20;
	s10 =	sadd.s32 s18, s4  }
0x10: {  	s26 =	sadd.s32 s2, s18;
	s2 =	sadd.s32 s2, s21;
	s14 =	sshrl.u32 s14, $0x3  }
0x11: {  	s21 =	sshrl.u32 s22, $0x3;
	s22 =	sshrl.u32 s23, $0x3;
	s23 =	sshrl.u32 s25, $0x3  }
0x12: {  	s24 =	smax.u32 s24, $0x1;
	s3 =	sadd.s32 s3, s1;
	s1 =	sadd.s32 $0x17600, s1  }
0x13: {  	s25 =	sshrl.u32 s26, $0x3;
	s26 =	sshrl.u32 s28, $0x3;
	s19 =	sadd.s32 $0x3A00, s3  }
0x14: {  	s28 =	sshrl.u32 s29, $0x3;
	s3 =	sadd.s32 $0xD800, s3;
	[dreg:$0x5] =	wrdreg s19  }
0x15: {  	s2 =	sshrl.u32 s2, $0x3;
	s20 =	sadd.s32 s1, s14;
	[dreg:$0x6] =	wrdreg s3  }
.Ltmp0:
0x16: {  	s29 =	simm.s32 $0x50;
	[dreg:$0x7] =	wrdreg s20;
	(pc) =	sbr.rel .LBB2_1-.Ltmp0, $4  }
0x17: {  	s3 =	sadd.s32 s1, s21;
	s19 =	sadd.s32 s1, s23;
	s20 =	sadd.s32 s1, s25  }
0x18: {  	s21 =	sadd.s32 s1, s26;
	s23 =	sadd.s32 s1, s2;
	s25 =	simm.s32 $0x4E20  }
0x19: {  	s26 =	simm.s32 $0x7;
	[dreg:$0x8] =	wrdreg s3;
	s3 =	sadd.s32 s1, s22  }
0x1a: {  	s22 =	sadd.s32 s1, s28;
	s1 =	simm.s32 $0x0;
	[dreg:$0x9] =	wrdreg s3  }
.LBB2_7:
0x1b: {  	[bflag:$0x0] =	sbarrier.arrive $0xFFFF  }
0x1c: {  	[tilespmem:s25], [sflag:$0x7] =	stream.linear.gather [spmem:s6], $0x2800, $0x38;
	[tilespmem:$0x1FEA0] =	vst v63  }
0x1d: {  	_ =	swait.ge [sflag:s26], $0x2800  }
0x1e: {  	[sflag:s26] =	ssyncset.done $0x0  }
0x1f: {  	s2 =	rddreg [dreg:$0x7];
	[sflag:s26] =	ssyncadd.s32 $0xFFFFD800  }
0x20: {  	[hbm4b:s2+s5] =	stream.linear.scatter [tilespmem:s25], [sflag:$0x7], $0x2800, $0x38;
	[tilespmem:$0x1FEA0] =	vst v63  }
0x21: {  	_ =	swait.ge [sflag:s26], $0x2800  }
0x22: {  	[sflag:s26] =	ssyncset.done $0x0  }
0x23: {  	[sflag:s26] =	ssyncadd.s32 $0xFFFFD800  }
0x24: {  	[tilespmem:s25], [sflag:$0x7] =	stream.linear.gather [spmem:s7], $0x2800, $0x38;
	[tilespmem:$0x1FEA0] =	vst v63  }
0x25: {  	_ =	swait.ge [sflag:s26], $0x2800  }
0x26: {  	[sflag:s26] =	ssyncset.done $0x0  }
0x27: {  	s18 =	rddreg [dreg:$0x8];
	[sflag:s26] =	ssyncadd.s32 $0xFFFFD800  }
0x28: {  	[hbm4b:s18+s5] =	stream.linear.scatter [tilespmem:s25], [sflag:$0x7], $0x2800, $0x38;
	[tilespmem:$0x1FEA0] =	vst v63  }
0x29: {  	_ =	swait.ge [sflag:s26], $0x2800  }
0x2a: {  	[sflag:s26] =	ssyncset.done $0x0  }
0x2b: {  	[sflag:s26] =	ssyncadd.s32 $0xFFFFD800  }
0x2c: {  	[tilespmem:s25], [sflag:$0x7] =	stream.linear.gather [spmem:s8], $0x2800, $0x38;
	[tilespmem:$0x1FEA0] =	vst v63  }
0x2d: {  	_ =	swait.ge [sflag:s26], $0x2800  }
0x2e: {  	[sflag:s26] =	ssyncset.done $0x0  }
0x2f: {  	s28 =	rddreg [dreg:$0x9];
	[sflag:s26] =	ssyncadd.s32 $0xFFFFD800  }
0x30: {  	[hbm4b:s28+s5] =	stream.linear.scatter [tilespmem:s25], [sflag:$0x7], $0x2800, $0x38;
	[tilespmem:$0x1FEA0] =	vst v63  }
0x31: {  	_ =	swait.ge [sflag:s26], $0x2800  }
0x32: {  	[sflag:s26] =	ssyncset.done $0x0  }
0x33: {  	[sflag:s26] =	ssyncadd.s32 $0xFFFFD800  }
0x34: {  	[tilespmem:s25], [sflag:$0x7] =	stream.linear.gather [spmem:s9], $0x2800, $0x38;
	[tilespmem:$0x1FEA0] =	vst v63  }
0x35: {  	_ =	swait.ge [sflag:s26], $0x2800  }
0x36: {  	[sflag:s26] =	ssyncset.done $0x0  }
0x37: {  	[sflag:s26] =	ssyncadd.s32 $0xFFFFD800  }
0x38: {  	[hbm4b:s19+s5] =	stream.linear.scatter [tilespmem:s25], [sflag:$0x7], $0x2800, $0x38;
	[tilespmem:$0x1FEA0] =	vst v63  }
0x39: {  	_ =	swait.ge [sflag:s26], $0x2800  }
0x3a: {  	[sflag:s26] =	ssyncset.done $0x0  }
0x3b: {  	[sflag:s26] =	ssyncadd.s32 $0xFFFFD800  }
0x3c: {  	[tilespmem:s25], [sflag:$0x7] =	stream.linear.gather [spmem:s10], $0x2800, $0x38;
	[tilespmem:$0x1FEA0] =	vst v63  }
0x3d: {  	_ =	swait.ge [sflag:s26], $0x2800  }
0x3e: {  	[sflag:s26] =	ssyncset.done $0x0  }
0x3f: {  	[sflag:s26] =	ssyncadd.s32 $0xFFFFD800  }
0x40: {  	[hbm4b:s20+s5] =	stream.linear.scatter [tilespmem:s25], [sflag:$0x7], $0x2800, $0x38;
	[tilespmem:$0x1FEA0] =	vst v63  }
0x41: {  	_ =	swait.ge [sflag:s26], $0x2800  }
0x42: {  	[sflag:s26] =	ssyncset.done $0x0  }
0x43: {  	[sflag:s26] =	ssyncadd.s32 $0xFFFFD800  }
0x44: {  	[tilespmem:s25], [sflag:$0x7] =	stream.linear.gather [spmem:s11], $0x2800, $0x38;
	[tilespmem:$0x1FEA0] =	vst v63  }
0x45: {  	_ =	swait.ge [sflag:s26], $0x2800  }
0x46: {  	[sflag:s26] =	ssyncset.done $0x0  }
0x47: {  	[sflag:s26] =	ssyncadd.s32 $0xFFFFD800  }
0x48: {  	[hbm4b:s21+s5] =	stream.linear.scatter [tilespmem:s25], [sflag:$0x7], $0x2800, $0x38;
	[tilespmem:$0x1FEA0] =	vst v63  }
0x49: {  	_ =	swait.ge [sflag:s26], $0x2800  }
0x4a: {  	[sflag:s26] =	ssyncset.done $0x0  }
0x4b: {  	[sflag:s26] =	ssyncadd.s32 $0xFFFFD800  }
0x4c: {  	[tilespmem:s25], [sflag:$0x7] =	stream.linear.gather [spmem:s12], $0x2800, $0x38;
	[tilespmem:$0x1FEA0] =	vst v63  }
0x4d: {  	_ =	swait.ge [sflag:s26], $0x2800  }
0x4e: {  	[sflag:s26] =	ssyncset.done $0x0  }
0x4f: {  	[sflag:s26] =	ssyncadd.s32 $0xFFFFD800  }
0x50: {  	[hbm4b:s22+s5] =	stream.linear.scatter [tilespmem:s25], [sflag:$0x7], $0x2800, $0x38;
	[tilespmem:$0x1FEA0] =	vst v63  }
0x51: {  	_ =	swait.ge [sflag:s26], $0x2800  }
0x52: {  	[sflag:s26] =	ssyncset.done $0x0  }
0x53: {  	[sflag:s26] =	ssyncadd.s32 $0xFFFFD800  }
0x54: {  	[tilespmem:s25], [sflag:$0x7] =	stream.linear.gather [spmem:s13], $0x2080, $0x38;
	[tilespmem:$0x1FEA0] =	vst v63  }
0x55: {  	s1 =	sadd.s32 $0x1, s1;
	_ =	swait.ge [sflag:s26], $0x2080  }
0x56: {  	p0 =	sne.s32 s1, s24;
	[sflag:s26] =	ssyncset.done $0x0  }
.Ltmp1:
0x57: {  	[sflag:s26] =	ssyncadd.s32 $0xFFFFDF80;
	(pc) =	sbr.rel @!p0 .LBB2_8-.Ltmp1, $4  }
0x58: {  	[hbm4b:s23+s5] =	stream.linear.scatter [tilespmem:s25], [sflag:$0x7], $0x2080, $0x38;
	[tilespmem:$0x1FEA0] =	vst v63  }
0x59: {  	_ =	swait.ge [sflag:s26], $0x2080  }
0x5a: {  	[sflag:s26] =	ssyncset.done $0x0  }
0x5b: {  	[sflag:s26] =	ssyncadd.s32 $0xFFFFDF80  }
.LBB2_1:
0x5c: {  	s2 =	rddreg [dreg:$0x2]  }
0x5d: {  	[tilespmem:s25], [sflag:$0x7] =	stream.linear.gather [hbm4b:s2+s5], $0x2800, $0x38;
	[tilespmem:$0x1FEA0] =	vst v63  }
0x5e: {  	_ =	swait.ge [sflag:s26], $0x2800  }
0x5f: {  	[sflag:s26] =	ssyncset.done $0x0  }
0x60: {  	[sflag:s26] =	ssyncadd.s32 $0xFFFFD800  }
0x61: {  	[spmem:s6] =	stream.linear.scatter [tilespmem:s25], [sflag:$0x7], $0x2800, $0x38;
	[tilespmem:$0x1FEA0] =	vst v63  }
0x62: {  	_ =	swait.ge [sflag:s26], $0x2800  }
0x63: {  	[sflag:s26] =	ssyncset.done $0x0  }
0x64: {  	[sflag:s26] =	ssyncadd.s32 $0xFFFFD800  }
0x65: {  	[spmem:s7] =	stream.linear.scatter [tilespmem:s25], [sflag:$0x7], $0x2800, $0x38;
	[tilespmem:$0x1FEA0] =	vst v63  }
0x66: {  	_ =	swait.ge [sflag:s26], $0x2800  }
0x67: {  	[sflag:s26] =	ssyncset.done $0x0  }
0x68: {  	[sflag:s26] =	ssyncadd.s32 $0xFFFFD800  }
0x69: {  	[spmem:s8] =	stream.linear.scatter [tilespmem:s25], [sflag:$0x7], $0x2800, $0x38;
	[tilespmem:$0x1FEA0] =	vst v63  }
0x6a: {  	_ =	swait.ge [sflag:s26], $0x2800  }
0x6b: {  	[sflag:s26] =	ssyncset.done $0x0  }
0x6c: {  	[sflag:s26] =	ssyncadd.s32 $0xFFFFD800  }
0x6d: {  	[spmem:s9] =	stream.linear.scatter [tilespmem:s25], [sflag:$0x7], $0x2800, $0x38;
	[tilespmem:$0x1FEA0] =	vst v63  }
0x6e: {  	_ =	swait.ge [sflag:s26], $0x2800  }
0x6f: {  	[sflag:s26] =	ssyncset.done $0x0  }
0x70: {  	[sflag:s26] =	ssyncadd.s32 $0xFFFFD800  }
0x71: {  	[spmem:s10] =	stream.linear.scatter [tilespmem:s25], [sflag:$0x7], $0x2800, $0x38;
	[tilespmem:$0x1FEA0] =	vst v63  }
0x72: {  	_ =	swait.ge [sflag:s26], $0x2800  }
0x73: {  	[sflag:s26] =	ssyncset.done $0x0  }
0x74: {  	[sflag:s26] =	ssyncadd.s32 $0xFFFFD800  }
0x75: {  	[spmem:s11] =	stream.linear.scatter [tilespmem:s25], [sflag:$0x7], $0x2800, $0x38;
	[tilespmem:$0x1FEA0] =	vst v63  }
0x76: {  	_ =	swait.ge [sflag:s26], $0x2800  }
0x77: {  	[sflag:s26] =	ssyncset.done $0x0  }
0x78: {  	[sflag:s26] =	ssyncadd.s32 $0xFFFFD800  }
0x79: {  	[spmem:s12] =	stream.linear.scatter [tilespmem:s25], [sflag:$0x7], $0x2800, $0x38;
	[tilespmem:$0x1FEA0] =	vst v63  }
0x7a: {  	_ =	swait.ge [sflag:s26], $0x2800  }
0x7b: {  	[sflag:s26] =	ssyncset.done $0x0  }
0x7c: {  	[sflag:s26] =	ssyncadd.s32 $0xFFFFD800  }
0x7d: {  	[spmem:s13] =	stream.linear.scatter [tilespmem:s25], [sflag:$0x7], $0x2080, $0x38;
	[tilespmem:$0x1FEA0] =	vst v63  }
0x7e: {  	_ =	swait.ge [sflag:s26], $0x2080  }
0x7f: {  	[sflag:s26] =	ssyncset.done $0x0  }
0x80: {  	s17 =	rddreg [dreg:$0x5];
	[sflag:s26] =	ssyncadd.s32 $0xFFFFDF80  }
0x81: {  	[tilespmem:s5], [sflag:$0x7] =	stream.linear.gather [hbm4b:s17+s5], $0x2710, $0x38;
	[tilespmem:$0x1FEA0] =	vst v63  }
0x82: {  	_ =	swait.ge [sflag:s26], $0x2710  }
0x83: {  	[sflag:s26] =	ssyncset.done $0x0  }
0x84: {  	s3 =	simm.s32 $0x2710;
	s18 =	rddreg [dreg:$0x6];
	[sflag:s26] =	ssyncadd.s32 $0xFFFFD8F0  }
0x85: {  	[tilespmem:s3], [sflag:$0x7] =	stream.linear.gather [hbm4b:s18+s5], $0x2710, $0x38;
	[tilespmem:$0x1FEA0] =	vst v63  }
.Ltmp2:
0x86: {  	_ =	swait.ge [sflag:s26], $0x2710;
	(pc) =	sbr.rel .LBB2_2-.Ltmp2, $4  }
0x87: {  	[sflag:s26] =	ssyncset.done $0x0  }
0x88: {  	[sflag:s26] =	ssyncadd.s32 $0xFFFFD8F0  }
0x89: {  	[bflag:$0x0] =	sbarrier.arrive $0xFFFF  }
0x8a: {  	s28 =	simm.s32 $0x0;
	s2 =	simm.s32 $0xFFFFFFFD;
	s3 =	simm.s32 $0x0  }
.LBB2_3:
0x8b: {  	s14 =	sshra.s32 s3, $0x2  }
0x8c: {  	s14 =	sadd.s32 $0xA0, s14  }
0x8d: {  	[tilespmem:s30], [sflag:$0x3] =	stream.indirect.gather [hbm4b:s0+s29], $0x80, s14, s29, $0xb8;
	[tilespmem:$0x1FEA0] =	vst v63  }
0x8e: {  	s14 =	smov.u32 s3  }
.LBB2_5:
0x8f: {  	_ =	swait.ge [sflag:s31], $0x2800  }
0x90: {  	s14 =	sshra.s32 s14, $0x2;
	[sflag:s31] =	ssyncset.done $0x0  }
0x91: {  	s14 =	sadd.s32 $0x2710, s14;
	[sflag:s31] =	ssyncadd.s32 $0xFFFFD800  }
0x92: {  	[spmem:s4] =	stream.indirect.scatter.add.f32 [tilespmem:s25], [sflag:$0x4], $0x80, s14, s29, $0xb8;
	[tilespmem:$0x1FEA0] =	vst v63  }
.LBB2_6:
0x93: {  	s3 =	sadd.s32 $0x3C0, s3  }
0x94: {  	p0 =	sne.s32 s3, $0xA500  }
.Ltmp3:
0x95: {  	_ = 	snop;
	(pc) =	sbr.rel @!p0 .LBB2_7-.Ltmp3, $2  }
0x96: {  	_ =	sdelay $0x2  }
0x97: {  	s28 =	sadd.s32 $0x1, s28;
	s2 =	sadd.s32 $0x3, s2  }
.LBB2_2:
0x98: {  	p0 =	sgt.u32 s2, $0x7C  }
0x99: {  	s14 =	simm.s32 @!p0 $0x4  }
0x9a: {  	_ =	swait.ge @!p0 [sflag:s14], $0x2800  }
0x9b: {  	s17 =	sadd.s32 $0x1, s2;
	[sflag:s14] =	ssyncset.done @!p0 $0x0  }
0x9c: {  	p1 =	sgt.u32 s17, $0x7C;
	[sflag:s14] =	ssyncadd.s32 @!p0 $0xFFFFD800;
	p0 =	sgt.u32 s28, $0x29  }
0x9d: {  	s14 =	sshra.s32 @!p0 s3, $0x2;
	s15 =	simm.s32 @!p0 $0x50;
	s16 =	simm.s32 @!p0 $0x4E20  }
0x9e: {  	[tilespmem:s16], [sflag:$0x1] =	stream.indirect.gather @!p0 [hbm4b:s0+s15], $0x80, s14, s15, $0xb8;
	[tilespmem:$0x1FEA0] =	vst v63  }
0x9f: {  	s16 =	simm.s32 @!p1 $0x2  }
0xa0: {  	_ =	swait.ge @!p1 [sflag:s16], $0x2800  }
0xa1: {  	[sflag:s16] =	ssyncset.done @!p1 $0x0  }
0xa2: {  	[sflag:s16] =	ssyncadd.s32 @!p1 $0xFFFFD800;
	s16 =	sshra.s32 @!p1 s3, $0x2  }
0xa3: {  	s17 =	simm.s32 @!p1 $0x50;
	s18 =	simm.s32 @!p1 $0x7620;
	s16 =	sadd.s32 @!p1 $0x2670, s16  }
0xa4: {  	[spmem:s4] =	stream.indirect.scatter.add.f32 @!p1 [tilespmem:s18], [sflag:$0x5], $0x80, s16, s17, $0xb8;
	[tilespmem:$0x1FEA0] =	vst v63  }
0xa5: {  	s16 =	simm.s32 @!p1 $0x5  }
0xa6: {  	_ =	swait.ge @!p1 [sflag:s16], $0x2800  }
0xa7: {  	s14 =	sadd.s32 @!p0 $0x50, s14;
	s18 =	sadd.s32 $0x2, s2;
	[sflag:s16] =	ssyncset.done @!p1 $0x0  }
0xa8: {  	[sflag:s16] =	ssyncadd.s32 @!p1 $0xFFFFD800;
	s16 =	simm.s32 @!p0 $0x7620;
	p1 =	sgt.u32 s18, $0x7C  }
0xa9: {  	[tilespmem:s16], [sflag:$0x2] =	stream.indirect.gather @!p0 [hbm4b:s0+s15], $0x80, s14, s15, $0xb8;
	[tilespmem:$0x1FEA0] =	vst v63  }
0xaa: {  	s14 =	simm.s32 @!p1 $0x3  }
0xab: {  	_ =	swait.ge @!p1 [sflag:s14], $0x2800  }
0xac: {  	[sflag:s14] =	ssyncset.done @!p1 $0x0  }
0xad: {  	p2 =	sgt.u32 s28, $0x28;
	[sflag:s14] =	ssyncadd.s32 @!p1 $0xFFFFD800;
	s14 =	sshra.s32 @!p1 s3, $0x2  }
0xae: {  	s15 =	simm.s32 @!p1 $0x50;
	s16 =	simm.s32 @!p1 $0x9E20;
	s14 =	sadd.s32 @!p1 $0x26C0, s14  }
0xaf: {  	[spmem:s4] =	stream.indirect.scatter.add.f32 @!p1 [tilespmem:s16], [sflag:$0x6], $0x80, s14, s15, $0xb8;
	[tilespmem:$0x1FEA0] =	vst v63  }
.Ltmp4:
0xb0: {  	_ = 	snop;
	(pc) =	sbr.rel @!p2 .LBB2_3-.Ltmp4, $4  }
0xb1: {  	s14 =	simm.s32 @!p1 $0x6  }
0xb2: {  	_ =	swait.ge @!p1 [sflag:s14], $0x2800  }
0xb3: {  	[sflag:s14] =	ssyncset.done @!p1 $0x0  }
0xb4: {  	[sflag:s14] =	ssyncadd.s32 @!p1 $0xFFFFD800  }
.Ltmp5:
0xb5: {  	(pc) =	sbr.rel @p0 .LBB2_6-.Ltmp5, $4  }
.Ltmp6:
0xb6: {  	(pc) =	sbr.rel @!p0 .LBB2_5-.Ltmp6, $4  }
0xb7: {  	_ = 	snop  }
0xb8: {  	_ = 	snop  }
0xb9: {  	s14 =	simm.s32 $0x99C0  }
0xba: {  	_ = 	snop  }
.LBB2_8:
0xbb: {  	_ =	sfence.sel $0x180000  }
0xbc: {  	[bflag:$0x0] =	sbarrier.arrive $0xFFFF  }
0xbd: {  	_ =	strace $0x9000004A  }
0xbe: {  	s0 =	stileid.u32;
	[bflag:$0x2] =	sbarrier.arrive $0xFFFF  }
0xbf: {  	p0 =	sne.s32 s0, $0x0;
	s0 =	rddreg [dreg:$0x4]  }
0xc0: {  	s0 =	sadd.s32 @!p0 $0x100000, s0  }
0xc1: {  	[sflag:s0] =	ssyncadd.tile.s32 @!p0 $0x1;
	_ =	shalt  }
.Lfunc_end2:
_tile_overlayer_lowered:
.L_overlay_start_2:
0xc2: {  	(tag) =	ssettag $0x2  }
0xc3: {  	s0 =	rddreg [dreg:$0x0];
	s2 =	stileid.u32  }
0xc4: {  	s1 =	rddreg [dreg:$0x1];
	p0 =	sne.s32 s2, $0x0  }
0xc5: {  	s3 =	rddreg [dreg:$0x2];
	[bflag:$0x3] =	sbarrier.arrive $0xFFFF;
	s2 =	simm.s32 @!p0 $0x1C07  }
0xc6: {  	[timem:s3], [sflag:s2] =	dma.local @!p0 [hbm:s0], s1  }
0xc7: {  	s0 =	simm.s32 @!p0 $0x7  }
0xc8: {  	_ =	swait.ge @!p0 [sflag:s0], s1  }
0xc9: {  	s1 =	ssub.s32 @!p0 $0x0, s1;
	[sflag:s0] =	ssyncset.done @!p0 $0x0  }
0xca: {  	[sflag:s0] =	ssyncadd.s32 @!p0 s1  }
0xcb: {  	[bflag:$0x3] =	sbarrier.arrive $0xFFFF  }
0xcc: {  	_ =	shalt  }

// kernel: kernel.16.cloned.1.call-start
scs
__scs_entry_jumppad:
0x0: {  	(pc) =	sbr.rel $0x88, $3  }
0x1: {  	(tag) =	ssettag $0x0;
	lr =	simm.s32 $0x1  }
0x2: {  	[smem:$0x3F92] =	sst lr;
	_ =	strace $0xD0000000  }
0x3: {  	_ = 	snop  }
0x4: {  	_ = 	snop  }
0x5: {  	_ = 	snop  }
0x6: {  	_ = 	snop  }
0x7: {  	_ = 	snop  }
__scs_overlays_trampoline_lowered:
0x8: {  	[smem:$0x3FA1] =	sst s0  }
0x9: {  	[smem:$0x3FA2] =	sst s1  }
0xa: {  	[smem:$0x3FA3] =	sst s2  }
0xb: {  	[smem:$0x3FA4] =	sst s3  }
0xc: {  	[smem:$0x3FA5] =	sst s4  }
0xd: {  	[smem:$0x3FA6] =	sst s5  }
0xe: {  	[smem:$0x3FA7] =	sst s6  }
0xf: {  	[smem:$0x3FA8] =	sst s7  }
0x10: {  	[smem:$0x3FA9] =	sst s8  }
0x11: {  	[smem:$0x3FAA] =	sst s9;
	s0 =	simm.s32 @!p0 $0x0  }
0x12: {  	s1 =	sld [smem:$0x3F90];
	s0 =	simm.s32 @p0 $0x1  }
0x13: {  	[smem:$0x3FAB] =	sst s0;
	s0 =	simm.s32 @!p1 $0x0  }
0x14: {  	s2 =	sld [smem:$0x3F8F];
	s0 =	simm.s32 @p1 $0x1  }
0x15: {  	[smem:$0x3FAC] =	sst s0;
	s0 =	simm.s32 @!p2 $0x0  }
0x16: {  	s3 =	sld [smem:$0x3FDB];
	s0 =	simm.s32 @p2 $0x1  }
0x17: {  	s4 =	simm.s32 $0x1BF5;
	[smem:$0x3FAE] =	sst s0  }
0x18: {  	s0 =	sld [smem:$0x3F91];
	_ =	swait.ge [sflag:s4], $0x0  }
0x19: {  	s7 =	sld [smem:$0x3F92]  }
0x1a: {  	s8 =	sadd.s32 $0xFFFFE003, lr  }
0x1b: {  	s9 =	sadd.s32 $0xFFFFFEF7, lr;
	s5 =	simm.s32 $0xFFFFFFFF;
	p2 =	slt.u32 s8, $0xFFFFF086  }
0x1c: {  	p1 =	slt.u32 s9, $0xF7A;
	s5 =	simm.s32 @!p2 $0x0  }
0x1d: {  	s5 =	simm.s32 @p1 $0x1;
	p0 =	seq.s32 s7, s2  }
0x1e: {  	s7 =	smul.u32 @!p0 $0xF7A, s2;
	p2 =	seq.s32 @!p0 s5, $0x0  }
0x1f: {  	s9 =	smul.u32 $0xF7A, s1;
	s8 =	simm.s32 @!p0 $0x1BF5;
	p2 =	por !p2, p0  }
0x20: {  	[sflag:s8] =	ssyncset.s32 @!p0 $0xFFFFF086;
	s6 =	sadd.s32 @!p0 s3, s7;
	s7 =	simm.s32 @!p0 $0x108  }
0x21: {  	s3 =	sadd.s32 s3, s9;
	s6 =	sadd.s32 @!p0 $0x88, s6;
	s7 =	simm.s32 @p2 $0x1082  }
0x22: {  	[simem:s7], [sflag:s8] =	dma.local @!p0 [hbm:s6], $0xF7A  }
0x23: {  	s9 =	sor.u32 $0xD0000000, s2;
	s6 =	simm.s32 $0x108;
	_ =	swait.ge @!p0 [sflag:s8], $0x0  }
0x24: {  	s3 =	sadd.s32 $0x88, s3;
	s6 =	simm.s32 @!p1 $0x1082;
	[sflag:s4] =	ssyncset.s32 $0xFFFFF086  }
0x25: {  	[simem:s6], [sflag:s4] =	dma.local [hbm:s3], $0xF7A  }
0x26: {  	[smem:$0x3F92] =	sst s1;
	(tag) =	ssettag s2;
	_ =	strace s9  }
0x27: {  	s1 =	sld [smem:$0x3FA2]  }
0x28: {  	s2 =	sld [smem:$0x3FA3]  }
0x29: {  	s4 =	sld [smem:$0x3FA5]  }
0x2a: {  	p0 =	seq.s32 s5, $0x0;
	s5 =	sld [smem:$0x3FA6]  }
0x2b: {  	s6 =	sld [smem:$0x3FA7]  }
0x2c: {  	s7 =	sld [smem:$0x3FA8]  }
0x2d: {  	s3 =	simm.s32 $0x108;
	s8 =	sld [smem:$0x3FA9]  }
0x2e: {  	s3 =	simm.s32 @!p0 $0x1082;
	s9 =	sld [smem:$0x3FAA]  }
0x2f: {  	lr =	sadd.s32 s0, s3;
	s0 =	sld [smem:$0x3FA1]  }
0x30: {  	s3 =	sld [smem:$0x3FA4]  }
0x31: {  	[smem:$0x3FAD] =	sst s10  }
0x32: {  	s10 =	sld [smem:$0x3FAB];
	_ =	sdelay $0x3  }
0x33: {  	p0 =	seq.s32 s10, $0x1;
	s10 =	sld [smem:$0x3FAD];
	_ =	sdelay $0x3  }
0x34: {  	[smem:$0x3FAD] =	sst s10  }
0x35: {  	s10 =	sld [smem:$0x3FAC];
	_ =	sdelay $0x3  }
0x36: {  	p1 =	seq.s32 s10, $0x1;
	s10 =	sld [smem:$0x3FAD];
	_ =	sdelay $0x3  }
0x37: {  	[smem:$0x3FAD] =	sst s10  }
0x38: {  	s10 =	sld [smem:$0x3FAE]  }
0x39: {  	_ = 	snop;
	(pc) =	sbr.ind lr, $3  }
0x3a: {  	_ = 	snop  }
0x3b: {  	_ = 	snop  }
0x3c: {  	p2 =	seq.s32 s10, $0x1;
	s10 =	sld [smem:$0x3FAD]  }
0x3d: {  	_ =	shalt  }
0x3e: {  	_ =	shalt  }
0x3f: {  	_ =	shalt  }
0x40: {  	_ =	shalt  }
0x41: {  	_ =	shalt  }
0x42: {  	_ =	shalt  }
0x43: {  	_ =	shalt  }
0x44: {  	_ =	shalt  }
0x45: {  	_ =	shalt  }
0x46: {  	_ =	shalt  }
0x47: {  	_ =	shalt  }
0x48: {  	_ =	shalt  }
0x49: {  	_ =	shalt  }
0x4a: {  	_ =	shalt  }
0x4b: {  	_ =	shalt  }
0x4c: {  	_ =	shalt  }
0x4d: {  	_ =	shalt  }
0x4e: {  	_ =	shalt  }
0x4f: {  	_ =	shalt  }
0x50: {  	_ =	shalt  }
0x51: {  	_ =	shalt  }
0x52: {  	_ =	shalt  }
0x53: {  	_ =	shalt  }
0x54: {  	_ =	shalt  }
0x55: {  	_ =	shalt  }
0x56: {  	_ =	shalt  }
0x57: {  	_ =	shalt  }
0x58: {  	_ =	shalt  }
0x59: {  	_ =	shalt  }
0x5a: {  	_ =	shalt  }
0x5b: {  	_ =	shalt  }
0x5c: {  	_ =	shalt  }
0x5d: {  	_ =	shalt  }
0x5e: {  	_ =	shalt  }
0x5f: {  	_ =	shalt  }
0x60: {  	_ =	shalt  }
0x61: {  	_ =	shalt  }
0x62: {  	_ =	shalt  }
0x63: {  	_ =	shalt  }
0x64: {  	_ =	shalt  }
0x65: {  	_ =	shalt  }
0x66: {  	_ =	shalt  }
0x67: {  	_ =	shalt  }
0x68: {  	_ =	shalt  }
0x69: {  	_ =	shalt  }
0x6a: {  	_ =	shalt  }
0x6b: {  	_ =	shalt  }
0x6c: {  	_ =	shalt  }
0x6d: {  	_ =	shalt  }
0x6e: {  	_ =	shalt  }
0x6f: {  	_ =	shalt  }
0x70: {  	_ =	shalt  }
0x71: {  	_ =	shalt  }
0x72: {  	_ =	shalt  }
0x73: {  	_ =	shalt  }
0x74: {  	_ =	shalt  }
0x75: {  	_ =	shalt  }
0x76: {  	_ =	shalt  }
0x77: {  	_ =	shalt  }
0x78: {  	_ =	shalt  }
0x79: {  	_ =	shalt  }
0x7a: {  	_ =	shalt  }
0x7b: {  	_ =	shalt  }
0x7c: {  	_ =	shalt  }
0x7d: {  	_ =	shalt  }
0x7e: {  	_ =	shalt  }
0x7f: {  	_ =	shalt  }
0x80: {  	_ =	shalt  }
0x81: {  	_ =	shalt  }
0x82: {  	_ =	shalt  }
0x83: {  	_ =	shalt  }
0x84: {  	_ =	shalt  }
0x85: {  	_ =	shalt  }
0x86: {  	_ =	shalt  }
0x87: {  	_ =	shalt  }
.Lfunc_end0:
.L_simem_size_0:
called_computation.2_lowered:
.L_overlay_start_0:
0x88: {  	s2 =	sld [smem:$0x3FD9]  }
0x89: {  	s3 =	sld [smem:$0x3FFE];
	_ =	sdelay $0x1  }
0x8a: {  	s1 =	srdreg.scid  }
0x8b: {  	s0 =	sand.u32 $0x1, s1  }
0x8c: {  	s14 =	sshll.u32 s0, $0xA;
	s2 =	sadd.s32 s3, s2  }
0x8d: {  	s2 =	sadd.s32 s2, s14  }
0x8e: {  	[smem:$0x3FB9] =	sst s2  }
0x8f: {  	_ = 	snop  }
0x90: {  	s2 =	sld [smem:$0x3FD0];
	_ =	sdelay $0x2  }
0x91: {  	s15 =	simm.s32 $0xA;
	s4 =	simm.s32 $0x10  }
0x92: {  	[smem:s4], [sflag:s15] =	dma.local [hbm:s2], $0x1  }
0x93: {  	_ =	swait.eq [sflag:s15], $0x1  }
0x94: {  	[sflag:s15] =	ssyncset.done $0x0  }
0x95: {  	s16 =	sld [smem:$0x10];
	[sflag:s15] =	ssyncadd.s32 $0xFFFFFFFF  }
0x96: {  	s17 =	sld [smem:$0x11];
	(tm) =	ssettm $0x1  }
0x97: {  	s18 =	sld [smem:$0x3FFB];
	_ =	sdelay $0x3  }
0x98: {  	_ =	strace s18  }
0x99: {  	s4 =	sld [smem:$0x3FFC];
	_ =	sdelay $0x3  }
0x9a: {  	_ =	strace s4  }
0x9b: {  	s4 =	sld [smem:$0x3FFD];
	_ =	sdelay $0x3  }
0x9c: {  	_ =	strace s4  }
0x9d: {  	_ =	strace $0x8FFFFFFF  }
0x9e: {  	s19 =	sld [smem:$0x3FDB];
	_ =	sdelay $0x1  }
0x9f: {  	s5 =	simm.s32 $_scs_section_size  }
0xa0: {  	s6 =	simm.s32 $_size__tile_overlayer_lowered;
	s7 =	simm.s32 $_tile_overlayer_lowered  }
0xa1: {  	s22 =	simm.s32 $0x1BFF;
	s21 =	sshll.u32 s7, $0x1;
	s4 =	sadd.s32 s5, s19  }
0xa2: {  	s8 =	simm.s32 $0x0;
	s20 =	sshll.u32 s6, $0x1;
	s6 =	sadd.s32 s21, s4  }
0xa3: {  	[timem:s8], [sflag:s22] =	dma.local [hbm:s6], s20  }
0xa4: {  	_ =	swait.ge [sflag:s22], s20  }
0xa5: {  	s5 =	ssub.s32 $0x0, s20;
	[sflag:s22] =	ssyncset.done $0x0  }
0xa6: {  	[sflag:s22] =	ssyncadd.s32 s5;
	_ =	sdelay $0x1  }
0xa7: {  	s23 =	simm.s32 $0x1B8B  }
0xa8: {  	_ =	swait.ge [sflag:s23], $0x1  }
0xa9: {  	[sflag:s23] =	ssyncset.done $0x0  }
0xaa: {  	s25 =	simm.s32 $0x1B8E;
	s24 =	sld [smem:$0x3FFE];
	[sflag:s23] =	ssyncadd.s32 $0xFFFFFFFF  }
0xab: {  	s26 =	simm.s32 $execute0_lowered;
	[smem:$0x3FD2] =	sst s25  }
0xac: {  	s6 =	sshll.u32 s26, $0x1;
	_ =	strace $0x8000004C;
	[dreg:$0x1] =	wrdreg $0xFFFFFFFF  }
0xad: {  	s28 =	simm.s32 $_size_execute0_lowered;
	s4 =	sadd.s32 s4, s6;
	[dreg:$0x0] =	wrdreg $0x0  }
0xae: {  	s6 =	sshll.u32 s28, $0x1;
	[dreg:$0x2] =	wrdreg s4  }
0xaf: {  	[dreg:$0x3] =	wrdreg s6  }
0xb0: {  	[dreg:$0x4] =	wrdreg $0xC0  }
0xb1: {  	_ =	task [dreg:s8], $0x5FFFF  }
0xb2: {  	[dreg:$0x1] =	wrdreg $0xFFFFFFFF  }
0xb3: {  	[dreg:$0x0] =	wrdreg $0x60  }
0xb4: {  	[dreg:$0x2] =	wrdreg s17  }
0xb5: {  	[dreg:$0x3] =	wrdreg s24  }
0xb6: {  	[dreg:$0x4] =	wrdreg s16  }
0xb7: {  	[dreg:$0x5] =	wrdreg $0xC6200  }
0xb8: {  	[dreg:$0x6] =	wrdreg $0x9  }
0xb9: {  	_ =	task.clear_ibuf [dreg:s8], $0x7FFFF;
	_ =	strace $0x9000004C  }
0xba: {  	s29 =	simm.s32 $0x9;
	_ =	strace $0x8000004E  }
0xbb: {  	_ =	swait.ge [sflag:s29], $0x1  }
0xbc: {  	[sflag:s29] =	ssyncadd.s32 $0xFFFFFFFF  }
0xbd: {  	_ =	strace $0x9000004E  }
0xbe: {  	_ =	sfence  }
0xbf: {  	s30 =	sld [smem:$0x0];
	_ =	sdelay $0x2  }
0xc0: {  	s31 =	sshll.u32 s1, $0xD;
	s1 =	sshrl.u32 s1, $0x2  }
0xc1: {  	s3 =	sand.u32 $0x4000, s31;
	s1 =	sadd.s32 s1, s30  }
0xc2: {  	s0 =	sor.u32 s3, s0;
	s1 =	sshll.u32 s1, $0x11  }
0xc3: {  	s0 =	sor.u32 s1, s0  }
0xc4: {  	s0 =	sadd.s32 $0x8F2B, s0  }
0xc5: {  	[sflag:s0] =	ssyncadd.remote.s32 $0x1  }
0xc6: {  	_ =	sfence.sel $0xFFFF  }
0xc7: {  	[dreg:$0x0] =	wrdreg $0xFFFFFFFF;
	(pc) =	sbr.abs _section_cstart, $3  }
0xc8: {  	[dreg:$0x1] =	wrdreg $0xFFFFFFFF  }
0xc9: {  	_ =	task.clear_ibuf [dreg:s8], $0x2FFFF;
	_ =	strace $0x9FFFFFFF  }
0xca: {  	(tm) =	ssettm $0x7FFFFFFF  }
0xcb: {  	_ =	shalt  }
tec
execute0_lowered:
.L_overlay_start_1:
0x0: {  	(tag) =	ssettag $0x1  }
0x1: {  	s0 =	rddreg [dreg:$0x0]  }
0x2: {  	s1 =	rddreg [dreg:$0x1]  }
0x3: {  	s2 =	srdreg.scid;
	s4 =	rddreg [dreg:$0x3]  }
0x4: {  	s7 =	stileid.u32;
	s5 =	simm.s32 $0x0;
	s30 =	simm.s32 $0x9E20  }
0x5: {  	s31 =	simm.s32 $0x1;
	s2 =	sand.u32 $0x1, s2;
	[smem:$0x7FF] =	sst s5  }
0x6: {  	s14 =	smul.u32 $0x13880, s7;
	s3 =	sshll.u32 s2, $0x4;
	_ =	strace $0x8000004D  }
0x7: {  	s6 =	ssub.s32 $0x2, s2;
	s2 =	smul.u32 $0x138800, s2;
	s3 =	sor.u32 s7, s3  }
0x8: {  	s18 =	sshrl.u32 s6, $0x1;
	s15 =	sadd.s32 $0x2800, s14;
	s16 =	sadd.s32 $0x5000, s14  }
0x9: {  	s17 =	sadd.s32 $0x7800, s14;
	s19 =	sadd.s32 $0xC800, s14;
	s20 =	sadd.s32 $0xF000, s14  }
0xa: {  	s21 =	sadd.s32 $0x11800, s14;
	s3 =	smul.u32 $0x4E2, s3;
	s24 =	ssub.s32 s6, s18  }
0xb: {  	s6 =	sadd.s32 s14, s4;
	s7 =	sadd.s32 s15, s4;
	s8 =	sadd.s32 s16, s4  }
0xc: {  	s9 =	sadd.s32 s17, s4;
	s18 =	sadd.s32 $0xA000, s14;
	s11 =	sadd.s32 s19, s4  }
0xd: {  	s12 =	sadd.s32 s20, s4;
	s13 =	sadd.s32 s21, s4;
	s14 =	sadd.s32 s14, s2  }
0xe: {  	s22 =	sadd.s32 s2, s15;
	s23 =	sadd.s32 s2, s16;
	s25 =	sadd.s32 s2, s17  }
0xf: {  	s28 =	sadd.s32 s2, s19;
	s29 =	sadd.s32 s2, s20;
	s10 =	sadd.s32 s18, s4  }
0x10: {  	s26 =	sadd.s32 s2, s18;
	s2 =	sadd.s32 s2, s21;
	s14 =	sshrl.u32 s14, $0x3  }
0x11: {  	s21 =	sshrl.u32 s22, $0x3;
	s22 =	sshrl.u32 s23, $0x3;
	s23 =	sshrl.u32 s25, $0x3  }
0x12: {  	s24 =	smax.u32 s24, $0x1;
	s3 =	sadd.s32 s3, s1;
	s1 =	sadd.s32 $0x17600, s1  }
0x13: {  	s25 =	sshrl.u32 s26, $0x3;
	s26 =	sshrl.u32 s28, $0x3;
	s19 =	sadd.s32 $0x3A00, s3  }
0x14: {  	s28 =	sshrl.u32 s29, $0x3;
	s3 =	sadd.s32 $0xD800, s3;
	[dreg:$0x5] =	wrdreg s19  }
0x15: {  	s2 =	sshrl.u32 s2, $0x3;
	s20 =	sadd.s32 s1, s14;
	[dreg:$0x6] =	wrdreg s3  }
.Ltmp0:
0x16: {  	s29 =	simm.s32 $0x50;
	[dreg:$0x7] =	wrdreg s20;
	(pc) =	sbr.rel .LBB2_1-.Ltmp0, $4  }
0x17: {  	s3 =	sadd.s32 s1, s21;
	s19 =	sadd.s32 s1, s23;
	s20 =	sadd.s32 s1, s25  }
0x18: {  	s21 =	sadd.s32 s1, s26;
	s23 =	sadd.s32 s1, s2;
	s25 =	simm.s32 $0x4E20  }
0x19: {  	s26 =	simm.s32 $0x7;
	[dreg:$0x8] =	wrdreg s3;
	s3 =	sadd.s32 s1, s22  }
0x1a: {  	s22 =	sadd.s32 s1, s28;
	s1 =	simm.s32 $0x0;
	[dreg:$0x9] =	wrdreg s3  }
.LBB2_7:
0x1b: {  	[bflag:$0x0] =	sbarrier.arrive $0xFFFF  }
0x1c: {  	[tilespmem:s25], [sflag:$0x7] =	stream.linear.gather [spmem:s6], $0x2800, $0x38;
	[tilespmem:$0x1FEA0] =	vst v63  }
0x1d: {  	_ =	swait.ge [sflag:s26], $0x2800  }
0x1e: {  	[sflag:s26] =	ssyncset.done $0x0  }
0x1f: {  	s2 =	rddreg [dreg:$0x7];
	[sflag:s26] =	ssyncadd.s32 $0xFFFFD800  }
0x20: {  	[hbm4b:s2+s5] =	stream.linear.scatter [tilespmem:s25], [sflag:$0x7], $0x2800, $0x38;
	[tilespmem:$0x1FEA0] =	vst v63  }
0x21: {  	_ =	swait.ge [sflag:s26], $0x2800  }
0x22: {  	[sflag:s26] =	ssyncset.done $0x0  }
0x23: {  	[sflag:s26] =	ssyncadd.s32 $0xFFFFD800  }
0x24: {  	[tilespmem:s25], [sflag:$0x7] =	stream.linear.gather [spmem:s7], $0x2800, $0x38;
	[tilespmem:$0x1FEA0] =	vst v63  }
0x25: {  	_ =	swait.ge [sflag:s26], $0x2800  }
0x26: {  	[sflag:s26] =	ssyncset.done $0x0  }
0x27: {  	s18 =	rddreg [dreg:$0x8];
	[sflag:s26] =	ssyncadd.s32 $0xFFFFD800  }
0x28: {  	[hbm4b:s18+s5] =	stream.linear.scatter [tilespmem:s25], [sflag:$0x7], $0x2800, $0x38;
	[tilespmem:$0x1FEA0] =	vst v63  }
0x29: {  	_ =	swait.ge [sflag:s26], $0x2800  }
0x2a: {  	[sflag:s26] =	ssyncset.done $0x0  }
0x2b: {  	[sflag:s26] =	ssyncadd.s32 $0xFFFFD800  }
0x2c: {  	[tilespmem:s25], [sflag:$0x7] =	stream.linear.gather [spmem:s8], $0x2800, $0x38;
	[tilespmem:$0x1FEA0] =	vst v63  }
0x2d: {  	_ =	swait.ge [sflag:s26], $0x2800  }
0x2e: {  	[sflag:s26] =	ssyncset.done $0x0  }
0x2f: {  	s28 =	rddreg [dreg:$0x9];
	[sflag:s26] =	ssyncadd.s32 $0xFFFFD800  }
0x30: {  	[hbm4b:s28+s5] =	stream.linear.scatter [tilespmem:s25], [sflag:$0x7], $0x2800, $0x38;
	[tilespmem:$0x1FEA0] =	vst v63  }
0x31: {  	_ =	swait.ge [sflag:s26], $0x2800  }
0x32: {  	[sflag:s26] =	ssyncset.done $0x0  }
0x33: {  	[sflag:s26] =	ssyncadd.s32 $0xFFFFD800  }
0x34: {  	[tilespmem:s25], [sflag:$0x7] =	stream.linear.gather [spmem:s9], $0x2800, $0x38;
	[tilespmem:$0x1FEA0] =	vst v63  }
0x35: {  	_ =	swait.ge [sflag:s26], $0x2800  }
0x36: {  	[sflag:s26] =	ssyncset.done $0x0  }
0x37: {  	[sflag:s26] =	ssyncadd.s32 $0xFFFFD800  }
0x38: {  	[hbm4b:s19+s5] =	stream.linear.scatter [tilespmem:s25], [sflag:$0x7], $0x2800, $0x38;
	[tilespmem:$0x1FEA0] =	vst v63  }
0x39: {  	_ =	swait.ge [sflag:s26], $0x2800  }
0x3a: {  	[sflag:s26] =	ssyncset.done $0x0  }
0x3b: {  	[sflag:s26] =	ssyncadd.s32 $0xFFFFD800  }
0x3c: {  	[tilespmem:s25], [sflag:$0x7] =	stream.linear.gather [spmem:s10], $0x2800, $0x38;
	[tilespmem:$0x1FEA0] =	vst v63  }
0x3d: {  	_ =	swait.ge [sflag:s26], $0x2800  }
0x3e: {  	[sflag:s26] =	ssyncset.done $0x0  }
0x3f: {  	[sflag:s26] =	ssyncadd.s32 $0xFFFFD800  }
0x40: {  	[hbm4b:s20+s5] =	stream.linear.scatter [tilespmem:s25], [sflag:$0x7], $0x2800, $0x38;
	[tilespmem:$0x1FEA0] =	vst v63  }
0x41: {  	_ =	swait.ge [sflag:s26], $0x2800  }
0x42: {  	[sflag:s26] =	ssyncset.done $0x0  }
0x43: {  	[sflag:s26] =	ssyncadd.s32 $0xFFFFD800  }
0x44: {  	[tilespmem:s25], [sflag:$0x7] =	stream.linear.gather [spmem:s11], $0x2800, $0x38;
	[tilespmem:$0x1FEA0] =	vst v63  }
0x45: {  	_ =	swait.ge [sflag:s26], $0x2800  }
0x46: {  	[sflag:s26] =	ssyncset.done $0x0  }
0x47: {  	[sflag:s26] =	ssyncadd.s32 $0xFFFFD800  }
0x48: {  	[hbm4b:s21+s5] =	stream.linear.scatter [tilespmem:s25], [sflag:$0x7], $0x2800, $0x38;
	[tilespmem:$0x1FEA0] =	vst v63  }
0x49: {  	_ =	swait.ge [sflag:s26], $0x2800  }
0x4a: {  	[sflag:s26] =	ssyncset.done $0x0  }
0x4b: {  	[sflag:s26] =	ssyncadd.s32 $0xFFFFD800  }
0x4c: {  	[tilespmem:s25], [sflag:$0x7] =	stream.linear.gather [spmem:s12], $0x2800, $0x38;
	[tilespmem:$0x1FEA0] =	vst v63  }
0x4d: {  	_ =	swait.ge [sflag:s26], $0x2800  }
0x4e: {  	[sflag:s26] =	ssyncset.done $0x0  }
0x4f: {  	[sflag:s26] =	ssyncadd.s32 $0xFFFFD800  }
0x50: {  	[hbm4b:s22+s5] =	stream.linear.scatter [tilespmem:s25], [sflag:$0x7], $0x2800, $0x38;
	[tilespmem:$0x1FEA0] =	vst v63  }
0x51: {  	_ =	swait.ge [sflag:s26], $0x2800  }
0x52: {  	[sflag:s26] =	ssyncset.done $0x0  }
0x53: {  	[sflag:s26] =	ssyncadd.s32 $0xFFFFD800  }
0x54: {  	[tilespmem:s25], [sflag:$0x7] =	stream.linear.gather [spmem:s13], $0x2080, $0x38;
	[tilespmem:$0x1FEA0] =	vst v63  }
0x55: {  	s1 =	sadd.s32 $0x1, s1;
	_ =	swait.ge [sflag:s26], $0x2080  }
0x56: {  	p0 =	sne.s32 s1, s24;
	[sflag:s26] =	ssyncset.done $0x0  }
.Ltmp1:
0x57: {  	[sflag:s26] =	ssyncadd.s32 $0xFFFFDF80;
	(pc) =	sbr.rel @!p0 .LBB2_8-.Ltmp1, $4  }
0x58: {  	[hbm4b:s23+s5] =	stream.linear.scatter [tilespmem:s25], [sflag:$0x7], $0x2080, $0x38;
	[tilespmem:$0x1FEA0] =	vst v63  }
0x59: {  	_ =	swait.ge [sflag:s26], $0x2080  }
0x5a: {  	[sflag:s26] =	ssyncset.done $0x0  }
0x5b: {  	[sflag:s26] =	ssyncadd.s32 $0xFFFFDF80  }
.LBB2_1:
0x5c: {  	s2 =	rddreg [dreg:$0x2]  }
0x5d: {  	[tilespmem:s25], [sflag:$0x7] =	stream.linear.gather [hbm4b:s2+s5], $0x2800, $0x38;
	[tilespmem:$0x1FEA0] =	vst v63  }
0x5e: {  	_ =	swait.ge [sflag:s26], $0x2800  }
0x5f: {  	[sflag:s26] =	ssyncset.done $0x0  }
0x60: {  	[sflag:s26] =	ssyncadd.s32 $0xFFFFD800  }
0x61: {  	[spmem:s6] =	stream.linear.scatter [tilespmem:s25], [sflag:$0x7], $0x2800, $0x38;
	[tilespmem:$0x1FEA0] =	vst v63  }
0x62: {  	_ =	swait.ge [sflag:s26], $0x2800  }
0x63: {  	[sflag:s26] =	ssyncset.done $0x0  }
0x64: {  	[sflag:s26] =	ssyncadd.s32 $0xFFFFD800  }
0x65: {  	[spmem:s7] =	stream.linear.scatter [tilespmem:s25], [sflag:$0x7], $0x2800, $0x38;
	[tilespmem:$0x1FEA0] =	vst v63  }
0x66: {  	_ =	swait.ge [sflag:s26], $0x2800  }
0x67: {  	[sflag:s26] =	ssyncset.done $0x0  }
0x68: {  	[sflag:s26] =	ssyncadd.s32 $0xFFFFD800  }
0x69: {  	[spmem:s8] =	stream.linear.scatter [tilespmem:s25], [sflag:$0x7], $0x2800, $0x38;
	[tilespmem:$0x1FEA0] =	vst v63  }
0x6a: {  	_ =	swait.ge [sflag:s26], $0x2800  }
0x6b: {  	[sflag:s26] =	ssyncset.done $0x0  }
0x6c: {  	[sflag:s26] =	ssyncadd.s32 $0xFFFFD800  }
0x6d: {  	[spmem:s9] =	stream.linear.scatter [tilespmem:s25], [sflag:$0x7], $0x2800, $0x38;
	[tilespmem:$0x1FEA0] =	vst v63  }
0x6e: {  	_ =	swait.ge [sflag:s26], $0x2800  }
0x6f: {  	[sflag:s26] =	ssyncset.done $0x0  }
0x70: {  	[sflag:s26] =	ssyncadd.s32 $0xFFFFD800  }
0x71: {  	[spmem:s10] =	stream.linear.scatter [tilespmem:s25], [sflag:$0x7], $0x2800, $0x38;
	[tilespmem:$0x1FEA0] =	vst v63  }
0x72: {  	_ =	swait.ge [sflag:s26], $0x2800  }
0x73: {  	[sflag:s26] =	ssyncset.done $0x0  }
0x74: {  	[sflag:s26] =	ssyncadd.s32 $0xFFFFD800  }
0x75: {  	[spmem:s11] =	stream.linear.scatter [tilespmem:s25], [sflag:$0x7], $0x2800, $0x38;
	[tilespmem:$0x1FEA0] =	vst v63  }
0x76: {  	_ =	swait.ge [sflag:s26], $0x2800  }
0x77: {  	[sflag:s26] =	ssyncset.done $0x0  }
0x78: {  	[sflag:s26] =	ssyncadd.s32 $0xFFFFD800  }
0x79: {  	[spmem:s12] =	stream.linear.scatter [tilespmem:s25], [sflag:$0x7], $0x2800, $0x38;
	[tilespmem:$0x1FEA0] =	vst v63  }
0x7a: {  	_ =	swait.ge [sflag:s26], $0x2800  }
0x7b: {  	[sflag:s26] =	ssyncset.done $0x0  }
0x7c: {  	[sflag:s26] =	ssyncadd.s32 $0xFFFFD800  }
0x7d: {  	[spmem:s13] =	stream.linear.scatter [tilespmem:s25], [sflag:$0x7], $0x2080, $0x38;
	[tilespmem:$0x1FEA0] =	vst v63  }
0x7e: {  	_ =	swait.ge [sflag:s26], $0x2080  }
0x7f: {  	[sflag:s26] =	ssyncset.done $0x0  }
0x80: {  	s17 =	rddreg [dreg:$0x5];
	[sflag:s26] =	ssyncadd.s32 $0xFFFFDF80  }
0x81: {  	[tilespmem:s5], [sflag:$0x7] =	stream.linear.gather [hbm4b:s17+s5], $0x2710, $0x38;
	[tilespmem:$0x1FEA0] =	vst v63  }
0x82: {  	_ =	swait.ge [sflag:s26], $0x2710  }
0x83: {  	[sflag:s26] =	ssyncset.done $0x0  }
0x84: {  	s3 =	simm.s32 $0x2710;
	s18 =	rddreg [dreg:$0x6];
	[sflag:s26] =	ssyncadd.s32 $0xFFFFD8F0  }
0x85: {  	[tilespmem:s3], [sflag:$0x7] =	stream.linear.gather [hbm4b:s18+s5], $0x2710, $0x38;
	[tilespmem:$0x1FEA0] =	vst v63  }
.Ltmp2:
0x86: {  	_ =	swait.ge [sflag:s26], $0x2710;
	(pc) =	sbr.rel .LBB2_2-.Ltmp2, $4  }
0x87: {  	[sflag:s26] =	ssyncset.done $0x0  }
0x88: {  	[sflag:s26] =	ssyncadd.s32 $0xFFFFD8F0  }
0x89: {  	[bflag:$0x0] =	sbarrier.arrive $0xFFFF  }
0x8a: {  	s28 =	simm.s32 $0x0;
	s2 =	simm.s32 $0xFFFFFFFD;
	s3 =	simm.s32 $0x0  }
.LBB2_3:
0x8b: {  	s14 =	sshra.s32 s3, $0x2  }
0x8c: {  	s14 =	sadd.s32 $0xA0, s14  }
0x8d: {  	[tilespmem:s30], [sflag:$0x3] =	stream.indirect.gather [hbm4b:s0+s29], $0x80, s14, s29, $0xb8;
	[tilespmem:$0x1FEA0] =	vst v63  }
0x8e: {  	s14 =	smov.u32 s3  }
.LBB2_5:
0x8f: {  	_ =	swait.ge [sflag:s31], $0x2800  }
0x90: {  	s14 =	sshra.s32 s14, $0x2;
	[sflag:s31] =	ssyncset.done $0x0  }
0x91: {  	s14 =	sadd.s32 $0x2710, s14;
	[sflag:s31] =	ssyncadd.s32 $0xFFFFD800  }
0x92: {  	[spmem:s4] =	stream.indirect.scatter.add.f32 [tilespmem:s25], [sflag:$0x4], $0x80, s14, s29, $0xb8;
	[tilespmem:$0x1FEA0] =	vst v63  }
.LBB2_6:
0x93: {  	s3 =	sadd.s32 $0x3C0, s3  }
0x94: {  	p0 =	sne.s32 s3, $0xA500  }
.Ltmp3:
0x95: {  	_ = 	snop;
	(pc) =	sbr.rel @!p0 .LBB2_7-.Ltmp3, $2  }
0x96: {  	_ =	sdelay $0x2  }
0x97: {  	s28 =	sadd.s32 $0x1, s28;
	s2 =	sadd.s32 $0x3, s2  }
.LBB2_2:
0x98: {  	p0 =	sgt.u32 s2, $0x7C  }
0x99: {  	s14 =	simm.s32 @!p0 $0x4  }
0x9a: {  	_ =	swait.ge @!p0 [sflag:s14], $0x2800  }
0x9b: {  	s17 =	sadd.s32 $0x1, s2;
	[sflag:s14] =	ssyncset.done @!p0 $0x0  }
0x9c: {  	p1 =	sgt.u32 s17, $0x7C;
	[sflag:s14] =	ssyncadd.s32 @!p0 $0xFFFFD800;
	p0 =	sgt.u32 s28, $0x29  }
0x9d: {  	s14 =	sshra.s32 @!p0 s3, $0x2;
	s15 =	simm.s32 @!p0 $0x50;
	s16 =	simm.s32 @!p0 $0x4E20  }
0x9e: {  	[tilespmem:s16], [sflag:$0x1] =	stream.indirect.gather @!p0 [hbm4b:s0+s15], $0x80, s14, s15, $0xb8;
	[tilespmem:$0x1FEA0] =	vst v63  }
0x9f: {  	s16 =	simm.s32 @!p1 $0x2  }
0xa0: {  	_ =	swait.ge @!p1 [sflag:s16], $0x2800  }
0xa1: {  	[sflag:s16] =	ssyncset.done @!p1 $0x0  }
0xa2: {  	[sflag:s16] =	ssyncadd.s32 @!p1 $0xFFFFD800;
	s16 =	sshra.s32 @!p1 s3, $0x2  }
0xa3: {  	s17 =	simm.s32 @!p1 $0x50;
	s18 =	simm.s32 @!p1 $0x7620;
	s16 =	sadd.s32 @!p1 $0x2670, s16  }
0xa4: {  	[spmem:s4] =	stream.indirect.scatter.add.f32 @!p1 [tilespmem:s18], [sflag:$0x5], $0x80, s16, s17, $0xb8;
	[tilespmem:$0x1FEA0] =	vst v63  }
0xa5: {  	s16 =	simm.s32 @!p1 $0x5  }
0xa6: {  	_ =	swait.ge @!p1 [sflag:s16], $0x2800  }
0xa7: {  	s14 =	sadd.s32 @!p0 $0x50, s14;
	s18 =	sadd.s32 $0x2, s2;
	[sflag:s16] =	ssyncset.done @!p1 $0x0  }
0xa8: {  	[sflag:s16] =	ssyncadd.s32 @!p1 $0xFFFFD800;
	s16 =	simm.s32 @!p0 $0x7620;
	p1 =	sgt.u32 s18, $0x7C  }
0xa9: {  	[tilespmem:s16], [sflag:$0x2] =	stream.indirect.gather @!p0 [hbm4b:s0+s15], $0x80, s14, s15, $0xb8;
	[tilespmem:$0x1FEA0] =	vst v63  }
0xaa: {  	s14 =	simm.s32 @!p1 $0x3  }
0xab: {  	_ =	swait.ge @!p1 [sflag:s14], $0x2800  }
0xac: {  	[sflag:s14] =	ssyncset.done @!p1 $0x0  }
0xad: {  	p2 =	sgt.u32 s28, $0x28;
	[sflag:s14] =	ssyncadd.s32 @!p1 $0xFFFFD800;
	s14 =	sshra.s32 @!p1 s3, $0x2  }
0xae: {  	s15 =	simm.s32 @!p1 $0x50;
	s16 =	simm.s32 @!p1 $0x9E20;
	s14 =	sadd.s32 @!p1 $0x26C0, s14  }
0xaf: {  	[spmem:s4] =	stream.indirect.scatter.add.f32 @!p1 [tilespmem:s16], [sflag:$0x6], $0x80, s14, s15, $0xb8;
	[tilespmem:$0x1FEA0] =	vst v63  }
.Ltmp4:
0xb0: {  	_ = 	snop;
	(pc) =	sbr.rel @!p2 .LBB2_3-.Ltmp4, $4  }
0xb1: {  	s14 =	simm.s32 @!p1 $0x6  }
0xb2: {  	_ =	swait.ge @!p1 [sflag:s14], $0x2800  }
0xb3: {  	[sflag:s14] =	ssyncset.done @!p1 $0x0  }
0xb4: {  	[sflag:s14] =	ssyncadd.s32 @!p1 $0xFFFFD800  }
.Ltmp5:
0xb5: {  	(pc) =	sbr.rel @p0 .LBB2_6-.Ltmp5, $4  }
.Ltmp6:
0xb6: {  	(pc) =	sbr.rel @!p0 .LBB2_5-.Ltmp6, $4  }
0xb7: {  	_ = 	snop  }
0xb8: {  	_ = 	snop  }
0xb9: {  	s14 =	simm.s32 $0x99C0  }
0xba: {  	_ = 	snop  }
.LBB2_8:
0xbb: {  	_ =	sfence.sel $0x180000  }
0xbc: {  	[bflag:$0x0] =	sbarrier.arrive $0xFFFF  }
0xbd: {  	_ =	strace $0x9000004D  }
0xbe: {  	s0 =	stileid.u32;
	[bflag:$0x2] =	sbarrier.arrive $0xFFFF  }
0xbf: {  	p0 =	sne.s32 s0, $0x0;
	s0 =	rddreg [dreg:$0x4]  }
0xc0: {  	s0 =	sadd.s32 @!p0 $0x100000, s0  }
0xc1: {  	[sflag:s0] =	ssyncadd.tile.s32 @!p0 $0x1;
	_ =	shalt  }
.Lfunc_end2:
_tile_overlayer_lowered:
.L_overlay_start_2:
0xc2: {  	(tag) =	ssettag $0x2  }
0xc3: {  	s0 =	rddreg [dreg:$0x0];
	s2 =	stileid.u32  }
0xc4: {  	s1 =	rddreg [dreg:$0x1];
	p0 =	sne.s32 s2, $0x0  }
0xc5: {  	s3 =	rddreg [dreg:$0x2];
	[bflag:$0x3] =	sbarrier.arrive $0xFFFF;
	s2 =	simm.s32 @!p0 $0x1C07  }
0xc6: {  	[timem:s3], [sflag:s2] =	dma.local @!p0 [hbm:s0], s1  }
0xc7: {  	s0 =	simm.s32 @!p0 $0x7  }
0xc8: {  	_ =	swait.ge @!p0 [sflag:s0], s1  }
0xc9: {  	s1 =	ssub.s32 @!p0 $0x0, s1;
	[sflag:s0] =	ssyncset.done @!p0 $0x0  }
0xca: {  	[sflag:s0] =	ssyncadd.s32 @!p0 s1  }
0xcb: {  	[bflag:$0x3] =	sbarrier.arrive $0xFFFF  }
0xcc: {  	_ =	shalt  }

// kernel: kernel.19.cloned.1.call-start
scs
__scs_entry_jumppad:
0x0: {  	(pc) =	sbr.rel $0x88, $3  }
0x1: {  	(tag) =	ssettag $0x0;
	lr =	simm.s32 $0x1  }
0x2: {  	[smem:$0x3F92] =	sst lr;
	_ =	strace $0xD0000000  }
0x3: {  	_ = 	snop  }
0x4: {  	_ = 	snop  }
0x5: {  	_ = 	snop  }
0x6: {  	_ = 	snop  }
0x7: {  	_ = 	snop  }
__scs_overlays_trampoline_lowered:
0x8: {  	[smem:$0x3FA1] =	sst s0  }
0x9: {  	[smem:$0x3FA2] =	sst s1  }
0xa: {  	[smem:$0x3FA3] =	sst s2  }
0xb: {  	[smem:$0x3FA4] =	sst s3  }
0xc: {  	[smem:$0x3FA5] =	sst s4  }
0xd: {  	[smem:$0x3FA6] =	sst s5  }
0xe: {  	[smem:$0x3FA7] =	sst s6  }
0xf: {  	[smem:$0x3FA8] =	sst s7  }
0x10: {  	[smem:$0x3FA9] =	sst s8  }
0x11: {  	[smem:$0x3FAA] =	sst s9;
	s0 =	simm.s32 @!p0 $0x0  }
0x12: {  	s1 =	sld [smem:$0x3F90];
	s0 =	simm.s32 @p0 $0x1  }
0x13: {  	[smem:$0x3FAB] =	sst s0;
	s0 =	simm.s32 @!p1 $0x0  }
0x14: {  	s2 =	sld [smem:$0x3F8F];
	s0 =	simm.s32 @p1 $0x1  }
0x15: {  	[smem:$0x3FAC] =	sst s0;
	s0 =	simm.s32 @!p2 $0x0  }
0x16: {  	s3 =	sld [smem:$0x3FDB];
	s0 =	simm.s32 @p2 $0x1  }
0x17: {  	s4 =	simm.s32 $0x1BF5;
	[smem:$0x3FAE] =	sst s0  }
0x18: {  	s0 =	sld [smem:$0x3F91];
	_ =	swait.ge [sflag:s4], $0x0  }
0x19: {  	s7 =	sld [smem:$0x3F92]  }
0x1a: {  	s8 =	sadd.s32 $0xFFFFE003, lr  }
0x1b: {  	s9 =	sadd.s32 $0xFFFFFEF7, lr;
	s5 =	simm.s32 $0xFFFFFFFF;
	p2 =	slt.u32 s8, $0xFFFFF086  }
0x1c: {  	p1 =	slt.u32 s9, $0xF7A;
	s5 =	simm.s32 @!p2 $0x0  }
0x1d: {  	s5 =	simm.s32 @p1 $0x1;
	p0 =	seq.s32 s7, s2  }
0x1e: {  	s7 =	smul.u32 @!p0 $0xF7A, s2;
	p2 =	seq.s32 @!p0 s5, $0x0  }
0x1f: {  	s9 =	smul.u32 $0xF7A, s1;
	s8 =	simm.s32 @!p0 $0x1BF5;
	p2 =	por !p2, p0  }
0x20: {  	[sflag:s8] =	ssyncset.s32 @!p0 $0xFFFFF086;
	s6 =	sadd.s32 @!p0 s3, s7;
	s7 =	simm.s32 @!p0 $0x108  }
0x21: {  	s3 =	sadd.s32 s3, s9;
	s6 =	sadd.s32 @!p0 $0x88, s6;
	s7 =	simm.s32 @p2 $0x1082  }
0x22: {  	[simem:s7], [sflag:s8] =	dma.local @!p0 [hbm:s6], $0xF7A  }
0x23: {  	s9 =	sor.u32 $0xD0000000, s2;
	s6 =	simm.s32 $0x108;
	_ =	swait.ge @!p0 [sflag:s8], $0x0  }
0x24: {  	s3 =	sadd.s32 $0x88, s3;
	s6 =	simm.s32 @!p1 $0x1082;
	[sflag:s4] =	ssyncset.s32 $0xFFFFF086  }
0x25: {  	[simem:s6], [sflag:s4] =	dma.local [hbm:s3], $0xF7A  }
0x26: {  	[smem:$0x3F92] =	sst s1;
	(tag) =	ssettag s2;
	_ =	strace s9  }
0x27: {  	s1 =	sld [smem:$0x3FA2]  }
0x28: {  	s2 =	sld [smem:$0x3FA3]  }
0x29: {  	s4 =	sld [smem:$0x3FA5]  }
0x2a: {  	p0 =	seq.s32 s5, $0x0;
	s5 =	sld [smem:$0x3FA6]  }
0x2b: {  	s6 =	sld [smem:$0x3FA7]  }
0x2c: {  	s7 =	sld [smem:$0x3FA8]  }
0x2d: {  	s3 =	simm.s32 $0x108;
	s8 =	sld [smem:$0x3FA9]  }
0x2e: {  	s3 =	simm.s32 @!p0 $0x1082;
	s9 =	sld [smem:$0x3FAA]  }
0x2f: {  	lr =	sadd.s32 s0, s3;
	s0 =	sld [smem:$0x3FA1]  }
0x30: {  	s3 =	sld [smem:$0x3FA4]  }
0x31: {  	[smem:$0x3FAD] =	sst s10  }
0x32: {  	s10 =	sld [smem:$0x3FAB];
	_ =	sdelay $0x3  }
0x33: {  	p0 =	seq.s32 s10, $0x1;
	s10 =	sld [smem:$0x3FAD];
	_ =	sdelay $0x3  }
0x34: {  	[smem:$0x3FAD] =	sst s10  }
0x35: {  	s10 =	sld [smem:$0x3FAC];
	_ =	sdelay $0x3  }
0x36: {  	p1 =	seq.s32 s10, $0x1;
	s10 =	sld [smem:$0x3FAD];
	_ =	sdelay $0x3  }
0x37: {  	[smem:$0x3FAD] =	sst s10  }
0x38: {  	s10 =	sld [smem:$0x3FAE]  }
0x39: {  	_ = 	snop;
	(pc) =	sbr.ind lr, $3  }
0x3a: {  	_ = 	snop  }
0x3b: {  	_ = 	snop  }
0x3c: {  	p2 =	seq.s32 s10, $0x1;
	s10 =	sld [smem:$0x3FAD]  }
0x3d: {  	_ =	shalt  }
0x3e: {  	_ =	shalt  }
0x3f: {  	_ =	shalt  }
0x40: {  	_ =	shalt  }
0x41: {  	_ =	shalt  }
0x42: {  	_ =	shalt  }
0x43: {  	_ =	shalt  }
0x44: {  	_ =	shalt  }
0x45: {  	_ =	shalt  }
0x46: {  	_ =	shalt  }
0x47: {  	_ =	shalt  }
0x48: {  	_ =	shalt  }
0x49: {  	_ =	shalt  }
0x4a: {  	_ =	shalt  }
0x4b: {  	_ =	shalt  }
0x4c: {  	_ =	shalt  }
0x4d: {  	_ =	shalt  }
0x4e: {  	_ =	shalt  }
0x4f: {  	_ =	shalt  }
0x50: {  	_ =	shalt  }
0x51: {  	_ =	shalt  }
0x52: {  	_ =	shalt  }
0x53: {  	_ =	shalt  }
0x54: {  	_ =	shalt  }
0x55: {  	_ =	shalt  }
0x56: {  	_ =	shalt  }
0x57: {  	_ =	shalt  }
0x58: {  	_ =	shalt  }
0x59: {  	_ =	shalt  }
0x5a: {  	_ =	shalt  }
0x5b: {  	_ =	shalt  }
0x5c: {  	_ =	shalt  }
0x5d: {  	_ =	shalt  }
0x5e: {  	_ =	shalt  }
0x5f: {  	_ =	shalt  }
0x60: {  	_ =	shalt  }
0x61: {  	_ =	shalt  }
0x62: {  	_ =	shalt  }
0x63: {  	_ =	shalt  }
0x64: {  	_ =	shalt  }
0x65: {  	_ =	shalt  }
0x66: {  	_ =	shalt  }
0x67: {  	_ =	shalt  }
0x68: {  	_ =	shalt  }
0x69: {  	_ =	shalt  }
0x6a: {  	_ =	shalt  }
0x6b: {  	_ =	shalt  }
0x6c: {  	_ =	shalt  }
0x6d: {  	_ =	shalt  }
0x6e: {  	_ =	shalt  }
0x6f: {  	_ =	shalt  }
0x70: {  	_ =	shalt  }
0x71: {  	_ =	shalt  }
0x72: {  	_ =	shalt  }
0x73: {  	_ =	shalt  }
0x74: {  	_ =	shalt  }
0x75: {  	_ =	shalt  }
0x76: {  	_ =	shalt  }
0x77: {  	_ =	shalt  }
0x78: {  	_ =	shalt  }
0x79: {  	_ =	shalt  }
0x7a: {  	_ =	shalt  }
0x7b: {  	_ =	shalt  }
0x7c: {  	_ =	shalt  }
0x7d: {  	_ =	shalt  }
0x7e: {  	_ =	shalt  }
0x7f: {  	_ =	shalt  }
0x80: {  	_ =	shalt  }
0x81: {  	_ =	shalt  }
0x82: {  	_ =	shalt  }
0x83: {  	_ =	shalt  }
0x84: {  	_ =	shalt  }
0x85: {  	_ =	shalt  }
0x86: {  	_ =	shalt  }
0x87: {  	_ =	shalt  }
.Lfunc_end0:
.L_simem_size_0:
called_computation.3_lowered:
.L_overlay_start_0:
0x88: {  	s2 =	sld [smem:$0x3FD9]  }
0x89: {  	s3 =	sld [smem:$0x3FFE];
	_ =	sdelay $0x1  }
0x8a: {  	s1 =	srdreg.scid  }
0x8b: {  	s0 =	sand.u32 $0x1, s1  }
0x8c: {  	s14 =	sshll.u32 s0, $0xA;
	s2 =	sadd.s32 s3, s2  }
0x8d: {  	s2 =	sadd.s32 s2, s14  }
0x8e: {  	[smem:$0x3FB9] =	sst s2  }
0x8f: {  	_ = 	snop  }
0x90: {  	s2 =	sld [smem:$0x3FD0];
	_ =	sdelay $0x2  }
0x91: {  	s15 =	simm.s32 $0xA;
	s4 =	simm.s32 $0x10  }
0x92: {  	[smem:s4], [sflag:s15] =	dma.local [hbm:s2], $0x1  }
0x93: {  	_ =	swait.eq [sflag:s15], $0x1  }
0x94: {  	[sflag:s15] =	ssyncset.done $0x0  }
0x95: {  	s16 =	sld [smem:$0x10];
	[sflag:s15] =	ssyncadd.s32 $0xFFFFFFFF  }
0x96: {  	s17 =	sld [smem:$0x11];
	(tm) =	ssettm $0x1  }
0x97: {  	s18 =	sld [smem:$0x3FFB];
	_ =	sdelay $0x3  }
0x98: {  	_ =	strace s18  }
0x99: {  	s4 =	sld [smem:$0x3FFC];
	_ =	sdelay $0x3  }
0x9a: {  	_ =	strace s4  }
0x9b: {  	s4 =	sld [smem:$0x3FFD];
	_ =	sdelay $0x3  }
0x9c: {  	_ =	strace s4  }
0x9d: {  	_ =	strace $0x8FFFFFFF  }
0x9e: {  	s19 =	sld [smem:$0x3FDB];
	_ =	sdelay $0x1  }
0x9f: {  	s5 =	simm.s32 $_scs_section_size  }
0xa0: {  	s6 =	simm.s32 $_size__tile_overlayer_lowered;
	s7 =	simm.s32 $_tile_overlayer_lowered  }
0xa1: {  	s22 =	simm.s32 $0x1BFF;
	s21 =	sshll.u32 s7, $0x1;
	s4 =	sadd.s32 s5, s19  }
0xa2: {  	s8 =	simm.s32 $0x0;
	s20 =	sshll.u32 s6, $0x1;
	s6 =	sadd.s32 s21, s4  }
0xa3: {  	[timem:s8], [sflag:s22] =	dma.local [hbm:s6], s20  }
0xa4: {  	_ =	swait.ge [sflag:s22], s20  }
0xa5: {  	s5 =	ssub.s32 $0x0, s20;
	[sflag:s22] =	ssyncset.done $0x0  }
0xa6: {  	[sflag:s22] =	ssyncadd.s32 s5;
	_ =	sdelay $0x1  }
0xa7: {  	s23 =	simm.s32 $0x1B8B  }
0xa8: {  	_ =	swait.ge [sflag:s23], $0x1  }
0xa9: {  	[sflag:s23] =	ssyncset.done $0x0  }
0xaa: {  	s25 =	simm.s32 $0x1B8E;
	s24 =	sld [smem:$0x3FFE];
	[sflag:s23] =	ssyncadd.s32 $0xFFFFFFFF  }
0xab: {  	s26 =	simm.s32 $execute0_lowered;
	[smem:$0x3FD2] =	sst s25  }
0xac: {  	s6 =	sshll.u32 s26, $0x1;
	_ =	strace $0x8000004F;
	[dreg:$0x1] =	wrdreg $0xFFFFFFFF  }
0xad: {  	s28 =	simm.s32 $_size_execute0_lowered;
	s4 =	sadd.s32 s4, s6;
	[dreg:$0x0] =	wrdreg $0x0  }
0xae: {  	s6 =	sshll.u32 s28, $0x1;
	[dreg:$0x2] =	wrdreg s4  }
0xaf: {  	[dreg:$0x3] =	wrdreg s6  }
0xb0: {  	[dreg:$0x4] =	wrdreg $0xC0  }
0xb1: {  	_ =	task [dreg:s8], $0x5FFFF  }
0xb2: {  	[dreg:$0x1] =	wrdreg $0xFFFFFFFF  }
0xb3: {  	[dreg:$0x0] =	wrdreg $0x60  }
0xb4: {  	[dreg:$0x2] =	wrdreg s17  }
0xb5: {  	[dreg:$0x3] =	wrdreg s24  }
0xb6: {  	[dreg:$0x4] =	wrdreg s16  }
0xb7: {  	[dreg:$0x5] =	wrdreg $0xC6200  }
0xb8: {  	[dreg:$0x6] =	wrdreg $0x9  }
0xb9: {  	_ =	task.clear_ibuf [dreg:s8], $0x7FFFF;
	_ =	strace $0x9000004F  }
0xba: {  	s29 =	simm.s32 $0x9;
	_ =	strace $0x80000051  }
0xbb: {  	_ =	swait.ge [sflag:s29], $0x1  }
0xbc: {  	[sflag:s29] =	ssyncadd.s32 $0xFFFFFFFF  }
0xbd: {  	_ =	strace $0x90000051  }
0xbe: {  	_ =	sfence  }
0xbf: {  	s30 =	sld [smem:$0x0];
	_ =	sdelay $0x2  }
0xc0: {  	s31 =	sshll.u32 s1, $0xD;
	s1 =	sshrl.u32 s1, $0x2  }
0xc1: {  	s3 =	sand.u32 $0x4000, s31;
	s1 =	sadd.s32 s1, s30  }
0xc2: {  	s0 =	sor.u32 s3, s0;
	s1 =	sshll.u32 s1, $0x11  }
0xc3: {  	s0 =	sor.u32 s1, s0  }
0xc4: {  	s0 =	sadd.s32 $0x8F2B, s0  }
0xc5: {  	[sflag:s0] =	ssyncadd.remote.s32 $0x1  }
0xc6: {  	_ =	sfence.sel $0xFFFF  }
0xc7: {  	[dreg:$0x0] =	wrdreg $0xFFFFFFFF;
	(pc) =	sbr.abs _section_cstart, $3  }
0xc8: {  	[dreg:$0x1] =	wrdreg $0xFFFFFFFF  }
0xc9: {  	_ =	task.clear_ibuf [dreg:s8], $0x2FFFF;
	_ =	strace $0x9FFFFFFF  }
0xca: {  	(tm) =	ssettm $0x7FFFFFFF  }
0xcb: {  	_ =	shalt  }
tec
execute0_lowered:
.L_overlay_start_1:
0x0: {  	(tag) =	ssettag $0x1  }
0x1: {  	s0 =	rddreg [dreg:$0x0]  }
0x2: {  	s1 =	rddreg [dreg:$0x1]  }
0x3: {  	s2 =	srdreg.scid;
	s4 =	rddreg [dreg:$0x3]  }
0x4: {  	s7 =	stileid.u32;
	s5 =	simm.s32 $0x0;
	s30 =	simm.s32 $0x9E20  }
0x5: {  	s31 =	simm.s32 $0x1;
	s2 =	sand.u32 $0x1, s2;
	[smem:$0x7FF] =	sst s5  }
0x6: {  	s14 =	smul.u32 $0x13880, s7;
	s3 =	sshll.u32 s2, $0x4;
	_ =	strace $0x80000050  }
0x7: {  	s6 =	ssub.s32 $0x2, s2;
	s2 =	smul.u32 $0x138800, s2;
	s3 =	sor.u32 s7, s3  }
0x8: {  	s18 =	sshrl.u32 s6, $0x1;
	s15 =	sadd.s32 $0x2800, s14;
	s16 =	sadd.s32 $0x5000, s14  }
0x9: {  	s17 =	sadd.s32 $0x7800, s14;
	s19 =	sadd.s32 $0xC800, s14;
	s20 =	sadd.s32 $0xF000, s14  }
0xa: {  	s21 =	sadd.s32 $0x11800, s14;
	s3 =	smul.u32 $0x4E2, s3;
	s24 =	ssub.s32 s6, s18  }
0xb: {  	s6 =	sadd.s32 s14, s4;
	s7 =	sadd.s32 s15, s4;
	s8 =	sadd.s32 s16, s4  }
0xc: {  	s9 =	sadd.s32 s17, s4;
	s18 =	sadd.s32 $0xA000, s14;
	s11 =	sadd.s32 s19, s4  }
0xd: {  	s12 =	sadd.s32 s20, s4;
	s13 =	sadd.s32 s21, s4;
	s14 =	sadd.s32 s14, s2  }
0xe: {  	s22 =	sadd.s32 s2, s15;
	s23 =	sadd.s32 s2, s16;
	s25 =	sadd.s32 s2, s17  }
0xf: {  	s28 =	sadd.s32 s2, s19;
	s29 =	sadd.s32 s2, s20;
	s10 =	sadd.s32 s18, s4  }
0x10: {  	s26 =	sadd.s32 s2, s18;
	s2 =	sadd.s32 s2, s21;
	s14 =	sshrl.u32 s14, $0x3  }
0x11: {  	s21 =	sshrl.u32 s22, $0x3;
	s22 =	sshrl.u32 s23, $0x3;
	s23 =	sshrl.u32 s25, $0x3  }
0x12: {  	s24 =	smax.u32 s24, $0x1;
	s3 =	sadd.s32 s3, s1;
	s1 =	sadd.s32 $0x17600, s1  }
0x13: {  	s25 =	sshrl.u32 s26, $0x3;
	s26 =	sshrl.u32 s28, $0x3;
	s19 =	sadd.s32 $0x3A00, s3  }
0x14: {  	s28 =	sshrl.u32 s29, $0x3;
	s3 =	sadd.s32 $0xD800, s3;
	[dreg:$0x5] =	wrdreg s19  }
0x15: {  	s2 =	sshrl.u32 s2, $0x3;
	s20 =	sadd.s32 s1, s14;
	[dreg:$0x6] =	wrdreg s3  }
.Ltmp0:
0x16: {  	s29 =	simm.s32 $0x50;
	[dreg:$0x7] =	wrdreg s20;
	(pc) =	sbr.rel .LBB2_1-.Ltmp0, $4  }
0x17: {  	s3 =	sadd.s32 s1, s21;
	s19 =	sadd.s32 s1, s23;
	s20 =	sadd.s32 s1, s25  }
0x18: {  	s21 =	sadd.s32 s1, s26;
	s23 =	sadd.s32 s1, s2;
	s25 =	simm.s32 $0x4E20  }
0x19: {  	s26 =	simm.s32 $0x7;
	[dreg:$0x8] =	wrdreg s3;
	s3 =	sadd.s32 s1, s22  }
0x1a: {  	s22 =	sadd.s32 s1, s28;
	s1 =	simm.s32 $0x0;
	[dreg:$0x9] =	wrdreg s3  }
.LBB2_7:
0x1b: {  	[bflag:$0x0] =	sbarrier.arrive $0xFFFF  }
0x1c: {  	[tilespmem:s25], [sflag:$0x7] =	stream.linear.gather [spmem:s6], $0x2800, $0x38;
	[tilespmem:$0x1FEA0] =	vst v63  }
0x1d: {  	_ =	swait.ge [sflag:s26], $0x2800  }
0x1e: {  	[sflag:s26] =	ssyncset.done $0x0  }
0x1f: {  	s2 =	rddreg [dreg:$0x7];
	[sflag:s26] =	ssyncadd.s32 $0xFFFFD800  }
0x20: {  	[hbm4b:s2+s5] =	stream.linear.scatter [tilespmem:s25], [sflag:$0x7], $0x2800, $0x38;
	[tilespmem:$0x1FEA0] =	vst v63  }
0x21: {  	_ =	swait.ge [sflag:s26], $0x2800  }
0x22: {  	[sflag:s26] =	ssyncset.done $0x0  }
0x23: {  	[sflag:s26] =	ssyncadd.s32 $0xFFFFD800  }
0x24: {  	[tilespmem:s25], [sflag:$0x7] =	stream.linear.gather [spmem:s7], $0x2800, $0x38;
	[tilespmem:$0x1FEA0] =	vst v63  }
0x25: {  	_ =	swait.ge [sflag:s26], $0x2800  }
0x26: {  	[sflag:s26] =	ssyncset.done $0x0  }
0x27: {  	s18 =	rddreg [dreg:$0x8];
	[sflag:s26] =	ssyncadd.s32 $0xFFFFD800  }
0x28: {  	[hbm4b:s18+s5] =	stream.linear.scatter [tilespmem:s25], [sflag:$0x7], $0x2800, $0x38;
	[tilespmem:$0x1FEA0] =	vst v63  }
0x29: {  	_ =	swait.ge [sflag:s26], $0x2800  }
0x2a: {  	[sflag:s26] =	ssyncset.done $0x0  }
0x2b: {  	[sflag:s26] =	ssyncadd.s32 $0xFFFFD800  }
0x2c: {  	[tilespmem:s25], [sflag:$0x7] =	stream.linear.gather [spmem:s8], $0x2800, $0x38;
	[tilespmem:$0x1FEA0] =	vst v63  }
0x2d: {  	_ =	swait.ge [sflag:s26], $0x2800  }
0x2e: {  	[sflag:s26] =	ssyncset.done $0x0  }
0x2f: {  	s28 =	rddreg [dreg:$0x9];
	[sflag:s26] =	ssyncadd.s32 $0xFFFFD800  }
0x30: {  	[hbm4b:s28+s5] =	stream.linear.scatter [tilespmem:s25], [sflag:$0x7], $0x2800, $0x38;
	[tilespmem:$0x1FEA0] =	vst v63  }
0x31: {  	_ =	swait.ge [sflag:s26], $0x2800  }
0x32: {  	[sflag:s26] =	ssyncset.done $0x0  }
0x33: {  	[sflag:s26] =	ssyncadd.s32 $0xFFFFD800  }
0x34: {  	[tilespmem:s25], [sflag:$0x7] =	stream.linear.gather [spmem:s9], $0x2800, $0x38;
	[tilespmem:$0x1FEA0] =	vst v63  }
0x35: {  	_ =	swait.ge [sflag:s26], $0x2800  }
0x36: {  	[sflag:s26] =	ssyncset.done $0x0  }
0x37: {  	[sflag:s26] =	ssyncadd.s32 $0xFFFFD800  }
0x38: {  	[hbm4b:s19+s5] =	stream.linear.scatter [tilespmem:s25], [sflag:$0x7], $0x2800, $0x38;
	[tilespmem:$0x1FEA0] =	vst v63  }
0x39: {  	_ =	swait.ge [sflag:s26], $0x2800  }
0x3a: {  	[sflag:s26] =	ssyncset.done $0x0  }
0x3b: {  	[sflag:s26] =	ssyncadd.s32 $0xFFFFD800  }
0x3c: {  	[tilespmem:s25], [sflag:$0x7] =	stream.linear.gather [spmem:s10], $0x2800, $0x38;
	[tilespmem:$0x1FEA0] =	vst v63  }
0x3d: {  	_ =	swait.ge [sflag:s26], $0x2800  }
0x3e: {  	[sflag:s26] =	ssyncset.done $0x0  }
0x3f: {  	[sflag:s26] =	ssyncadd.s32 $0xFFFFD800  }
0x40: {  	[hbm4b:s20+s5] =	stream.linear.scatter [tilespmem:s25], [sflag:$0x7], $0x2800, $0x38;
	[tilespmem:$0x1FEA0] =	vst v63  }
0x41: {  	_ =	swait.ge [sflag:s26], $0x2800  }
0x42: {  	[sflag:s26] =	ssyncset.done $0x0  }
0x43: {  	[sflag:s26] =	ssyncadd.s32 $0xFFFFD800  }
0x44: {  	[tilespmem:s25], [sflag:$0x7] =	stream.linear.gather [spmem:s11], $0x2800, $0x38;
	[tilespmem:$0x1FEA0] =	vst v63  }
0x45: {  	_ =	swait.ge [sflag:s26], $0x2800  }
0x46: {  	[sflag:s26] =	ssyncset.done $0x0  }
0x47: {  	[sflag:s26] =	ssyncadd.s32 $0xFFFFD800  }
0x48: {  	[hbm4b:s21+s5] =	stream.linear.scatter [tilespmem:s25], [sflag:$0x7], $0x2800, $0x38;
	[tilespmem:$0x1FEA0] =	vst v63  }
0x49: {  	_ =	swait.ge [sflag:s26], $0x2800  }
0x4a: {  	[sflag:s26] =	ssyncset.done $0x0  }
0x4b: {  	[sflag:s26] =	ssyncadd.s32 $0xFFFFD800  }
0x4c: {  	[tilespmem:s25], [sflag:$0x7] =	stream.linear.gather [spmem:s12], $0x2800, $0x38;
	[tilespmem:$0x1FEA0] =	vst v63  }
0x4d: {  	_ =	swait.ge [sflag:s26], $0x2800  }
0x4e: {  	[sflag:s26] =	ssyncset.done $0x0  }
0x4f: {  	[sflag:s26] =	ssyncadd.s32 $0xFFFFD800  }
0x50: {  	[hbm4b:s22+s5] =	stream.linear.scatter [tilespmem:s25], [sflag:$0x7], $0x2800, $0x38;
	[tilespmem:$0x1FEA0] =	vst v63  }
0x51: {  	_ =	swait.ge [sflag:s26], $0x2800  }
0x52: {  	[sflag:s26] =	ssyncset.done $0x0  }
0x53: {  	[sflag:s26] =	ssyncadd.s32 $0xFFFFD800  }
0x54: {  	[tilespmem:s25], [sflag:$0x7] =	stream.linear.gather [spmem:s13], $0x2080, $0x38;
	[tilespmem:$0x1FEA0] =	vst v63  }
0x55: {  	s1 =	sadd.s32 $0x1, s1;
	_ =	swait.ge [sflag:s26], $0x2080  }
0x56: {  	p0 =	sne.s32 s1, s24;
	[sflag:s26] =	ssyncset.done $0x0  }
.Ltmp1:
0x57: {  	[sflag:s26] =	ssyncadd.s32 $0xFFFFDF80;
	(pc) =	sbr.rel @!p0 .LBB2_8-.Ltmp1, $4  }
0x58: {  	[hbm4b:s23+s5] =	stream.linear.scatter [tilespmem:s25], [sflag:$0x7], $0x2080, $0x38;
	[tilespmem:$0x1FEA0] =	vst v63  }
0x59: {  	_ =	swait.ge [sflag:s26], $0x2080  }
0x5a: {  	[sflag:s26] =	ssyncset.done $0x0  }
0x5b: {  	[sflag:s26] =	ssyncadd.s32 $0xFFFFDF80  }
.LBB2_1:
0x5c: {  	s2 =	rddreg [dreg:$0x2]  }
0x5d: {  	[tilespmem:s25], [sflag:$0x7] =	stream.linear.gather [hbm4b:s2+s5], $0x2800, $0x38;
	[tilespmem:$0x1FEA0] =	vst v63  }
0x5e: {  	_ =	swait.ge [sflag:s26], $0x2800  }
0x5f: {  	[sflag:s26] =	ssyncset.done $0x0  }
0x60: {  	[sflag:s26] =	ssyncadd.s32 $0xFFFFD800  }
0x61: {  	[spmem:s6] =	stream.linear.scatter [tilespmem:s25], [sflag:$0x7], $0x2800, $0x38;
	[tilespmem:$0x1FEA0] =	vst v63  }
0x62: {  	_ =	swait.ge [sflag:s26], $0x2800  }
0x63: {  	[sflag:s26] =	ssyncset.done $0x0  }
0x64: {  	[sflag:s26] =	ssyncadd.s32 $0xFFFFD800  }
0x65: {  	[spmem:s7] =	stream.linear.scatter [tilespmem:s25], [sflag:$0x7], $0x2800, $0x38;
	[tilespmem:$0x1FEA0] =	vst v63  }
0x66: {  	_ =	swait.ge [sflag:s26], $0x2800  }
0x67: {  	[sflag:s26] =	ssyncset.done $0x0  }
0x68: {  	[sflag:s26] =	ssyncadd.s32 $0xFFFFD800  }
0x69: {  	[spmem:s8] =	stream.linear.scatter [tilespmem:s25], [sflag:$0x7], $0x2800, $0x38;
	[tilespmem:$0x1FEA0] =	vst v63  }
0x6a: {  	_ =	swait.ge [sflag:s26], $0x2800  }
0x6b: {  	[sflag:s26] =	ssyncset.done $0x0  }
0x6c: {  	[sflag:s26] =	ssyncadd.s32 $0xFFFFD800  }
0x6d: {  	[spmem:s9] =	stream.linear.scatter [tilespmem:s25], [sflag:$0x7], $0x2800, $0x38;
	[tilespmem:$0x1FEA0] =	vst v63  }
0x6e: {  	_ =	swait.ge [sflag:s26], $0x2800  }
0x6f: {  	[sflag:s26] =	ssyncset.done $0x0  }
0x70: {  	[sflag:s26] =	ssyncadd.s32 $0xFFFFD800  }
0x71: {  	[spmem:s10] =	stream.linear.scatter [tilespmem:s25], [sflag:$0x7], $0x2800, $0x38;
	[tilespmem:$0x1FEA0] =	vst v63  }
0x72: {  	_ =	swait.ge [sflag:s26], $0x2800  }
0x73: {  	[sflag:s26] =	ssyncset.done $0x0  }
0x74: {  	[sflag:s26] =	ssyncadd.s32 $0xFFFFD800  }
0x75: {  	[spmem:s11] =	stream.linear.scatter [tilespmem:s25], [sflag:$0x7], $0x2800, $0x38;
	[tilespmem:$0x1FEA0] =	vst v63  }
0x76: {  	_ =	swait.ge [sflag:s26], $0x2800  }
0x77: {  	[sflag:s26] =	ssyncset.done $0x0  }
0x78: {  	[sflag:s26] =	ssyncadd.s32 $0xFFFFD800  }
0x79: {  	[spmem:s12] =	stream.linear.scatter [tilespmem:s25], [sflag:$0x7], $0x2800, $0x38;
	[tilespmem:$0x1FEA0] =	vst v63  }
0x7a: {  	_ =	swait.ge [sflag:s26], $0x2800  }
0x7b: {  	[sflag:s26] =	ssyncset.done $0x0  }
0x7c: {  	[sflag:s26] =	ssyncadd.s32 $0xFFFFD800  }
0x7d: {  	[spmem:s13] =	stream.linear.scatter [tilespmem:s25], [sflag:$0x7], $0x2080, $0x38;
	[tilespmem:$0x1FEA0] =	vst v63  }
0x7e: {  	_ =	swait.ge [sflag:s26], $0x2080  }
0x7f: {  	[sflag:s26] =	ssyncset.done $0x0  }
0x80: {  	s17 =	rddreg [dreg:$0x5];
	[sflag:s26] =	ssyncadd.s32 $0xFFFFDF80  }
0x81: {  	[tilespmem:s5], [sflag:$0x7] =	stream.linear.gather [hbm4b:s17+s5], $0x2710, $0x38;
	[tilespmem:$0x1FEA0] =	vst v63  }
0x82: {  	_ =	swait.ge [sflag:s26], $0x2710  }
0x83: {  	[sflag:s26] =	ssyncset.done $0x0  }
0x84: {  	s3 =	simm.s32 $0x2710;
	s18 =	rddreg [dreg:$0x6];
	[sflag:s26] =	ssyncadd.s32 $0xFFFFD8F0  }
0x85: {  	[tilespmem:s3], [sflag:$0x7] =	stream.linear.gather [hbm4b:s18+s5], $0x2710, $0x38;
	[tilespmem:$0x1FEA0] =	vst v63  }
.Ltmp2:
0x86: {  	_ =	swait.ge [sflag:s26], $0x2710;
	(pc) =	sbr.rel .LBB2_2-.Ltmp2, $4  }
0x87: {  	[sflag:s26] =	ssyncset.done $0x0  }
0x88: {  	[sflag:s26] =	ssyncadd.s32 $0xFFFFD8F0  }
0x89: {  	[bflag:$0x0] =	sbarrier.arrive $0xFFFF  }
0x8a: {  	s28 =	simm.s32 $0x0;
	s2 =	simm.s32 $0xFFFFFFFD;
	s3 =	simm.s32 $0x0  }
.LBB2_3:
0x8b: {  	s14 =	sshra.s32 s3, $0x2  }
0x8c: {  	s14 =	sadd.s32 $0xA0, s14  }
0x8d: {  	[tilespmem:s30], [sflag:$0x3] =	stream.indirect.gather [hbm4b:s0+s29], $0x80, s14, s29, $0xb8;
	[tilespmem:$0x1FEA0] =	vst v63  }
0x8e: {  	s14 =	smov.u32 s3  }
.LBB2_5:
0x8f: {  	_ =	swait.ge [sflag:s31], $0x2800  }
0x90: {  	s14 =	sshra.s32 s14, $0x2;
	[sflag:s31] =	ssyncset.done $0x0  }
0x91: {  	s14 =	sadd.s32 $0x2710, s14;
	[sflag:s31] =	ssyncadd.s32 $0xFFFFD800  }
0x92: {  	[spmem:s4] =	stream.indirect.scatter.add.f32 [tilespmem:s25], [sflag:$0x4], $0x80, s14, s29, $0xb8;
	[tilespmem:$0x1FEA0] =	vst v63  }
.LBB2_6:
0x93: {  	s3 =	sadd.s32 $0x3C0, s3  }
0x94: {  	p0 =	sne.s32 s3, $0xA500  }
.Ltmp3:
0x95: {  	_ = 	snop;
	(pc) =	sbr.rel @!p0 .LBB2_7-.Ltmp3, $2  }
0x96: {  	_ =	sdelay $0x2  }
0x97: {  	s28 =	sadd.s32 $0x1, s28;
	s2 =	sadd.s32 $0x3, s2  }
.LBB2_2:
0x98: {  	p0 =	sgt.u32 s2, $0x7C  }
0x99: {  	s14 =	simm.s32 @!p0 $0x4  }
0x9a: {  	_ =	swait.ge @!p0 [sflag:s14], $0x2800  }
0x9b: {  	s17 =	sadd.s32 $0x1, s2;
	[sflag:s14] =	ssyncset.done @!p0 $0x0  }
0x9c: {  	p1 =	sgt.u32 s17, $0x7C;
	[sflag:s14] =	ssyncadd.s32 @!p0 $0xFFFFD800;
	p0 =	sgt.u32 s28, $0x29  }
0x9d: {  	s14 =	sshra.s32 @!p0 s3, $0x2;
	s15 =	simm.s32 @!p0 $0x50;
	s16 =	simm.s32 @!p0 $0x4E20  }
0x9e: {  	[tilespmem:s16], [sflag:$0x1] =	stream.indirect.gather @!p0 [hbm4b:s0+s15], $0x80, s14, s15, $0xb8;
	[tilespmem:$0x1FEA0] =	vst v63  }
0x9f: {  	s16 =	simm.s32 @!p1 $0x2  }
0xa0: {  	_ =	swait.ge @!p1 [sflag:s16], $0x2800  }
0xa1: {  	[sflag:s16] =	ssyncset.done @!p1 $0x0  }
0xa2: {  	[sflag:s16] =	ssyncadd.s32 @!p1 $0xFFFFD800;
	s16 =	sshra.s32 @!p1 s3, $0x2  }
0xa3: {  	s17 =	simm.s32 @!p1 $0x50;
	s18 =	simm.s32 @!p1 $0x7620;
	s16 =	sadd.s32 @!p1 $0x2670, s16  }
0xa4: {  	[spmem:s4] =	stream.indirect.scatter.add.f32 @!p1 [tilespmem:s18], [sflag:$0x5], $0x80, s16, s17, $0xb8;
	[tilespmem:$0x1FEA0] =	vst v63  }
0xa5: {  	s16 =	simm.s32 @!p1 $0x5  }
0xa6: {  	_ =	swait.ge @!p1 [sflag:s16], $0x2800  }
0xa7: {  	s14 =	sadd.s32 @!p0 $0x50, s14;
	s18 =	sadd.s32 $0x2, s2;
	[sflag:s16] =	ssyncset.done @!p1 $0x0  }
0xa8: {  	[sflag:s16] =	ssyncadd.s32 @!p1 $0xFFFFD800;
	s16 =	simm.s32 @!p0 $0x7620;
	p1 =	sgt.u32 s18, $0x7C  }
0xa9: {  	[tilespmem:s16], [sflag:$0x2] =	stream.indirect.gather @!p0 [hbm4b:s0+s15], $0x80, s14, s15, $0xb8;
	[tilespmem:$0x1FEA0] =	vst v63  }
0xaa: {  	s14 =	simm.s32 @!p1 $0x3  }
0xab: {  	_ =	swait.ge @!p1 [sflag:s14], $0x2800  }
0xac: {  	[sflag:s14] =	ssyncset.done @!p1 $0x0  }
0xad: {  	p2 =	sgt.u32 s28, $0x28;
	[sflag:s14] =	ssyncadd.s32 @!p1 $0xFFFFD800;
	s14 =	sshra.s32 @!p1 s3, $0x2  }
0xae: {  	s15 =	simm.s32 @!p1 $0x50;
	s16 =	simm.s32 @!p1 $0x9E20;
	s14 =	sadd.s32 @!p1 $0x26C0, s14  }
0xaf: {  	[spmem:s4] =	stream.indirect.scatter.add.f32 @!p1 [tilespmem:s16], [sflag:$0x6], $0x80, s14, s15, $0xb8;
	[tilespmem:$0x1FEA0] =	vst v63  }
.Ltmp4:
0xb0: {  	_ = 	snop;
	(pc) =	sbr.rel @!p2 .LBB2_3-.Ltmp4, $4  }
0xb1: {  	s14 =	simm.s32 @!p1 $0x6  }
0xb2: {  	_ =	swait.ge @!p1 [sflag:s14], $0x2800  }
0xb3: {  	[sflag:s14] =	ssyncset.done @!p1 $0x0  }
0xb4: {  	[sflag:s14] =	ssyncadd.s32 @!p1 $0xFFFFD800  }
.Ltmp5:
0xb5: {  	(pc) =	sbr.rel @p0 .LBB2_6-.Ltmp5, $4  }
.Ltmp6:
0xb6: {  	(pc) =	sbr.rel @!p0 .LBB2_5-.Ltmp6, $4  }
0xb7: {  	_ = 	snop  }
0xb8: {  	_ = 	snop  }
0xb9: {  	s14 =	simm.s32 $0x99C0  }
0xba: {  	_ = 	snop  }
.LBB2_8:
0xbb: {  	_ =	sfence.sel $0x180000  }
0xbc: {  	[bflag:$0x0] =	sbarrier.arrive $0xFFFF  }
0xbd: {  	_ =	strace $0x90000050  }
0xbe: {  	s0 =	stileid.u32;
	[bflag:$0x2] =	sbarrier.arrive $0xFFFF  }
0xbf: {  	p0 =	sne.s32 s0, $0x0;
	s0 =	rddreg [dreg:$0x4]  }
0xc0: {  	s0 =	sadd.s32 @!p0 $0x100000, s0  }
0xc1: {  	[sflag:s0] =	ssyncadd.tile.s32 @!p0 $0x1;
	_ =	shalt  }
.Lfunc_end2:
_tile_overlayer_lowered:
.L_overlay_start_2:
0xc2: {  	(tag) =	ssettag $0x2  }
0xc3: {  	s0 =	rddreg [dreg:$0x0];
	s2 =	stileid.u32  }
0xc4: {  	s1 =	rddreg [dreg:$0x1];
	p0 =	sne.s32 s2, $0x0  }
0xc5: {  	s3 =	rddreg [dreg:$0x2];
	[bflag:$0x3] =	sbarrier.arrive $0xFFFF;
	s2 =	simm.s32 @!p0 $0x1C07  }
0xc6: {  	[timem:s3], [sflag:s2] =	dma.local @!p0 [hbm:s0], s1  }
0xc7: {  	s0 =	simm.s32 @!p0 $0x7  }
0xc8: {  	_ =	swait.ge @!p0 [sflag:s0], s1  }
0xc9: {  	s1 =	ssub.s32 @!p0 $0x0, s1;
	[sflag:s0] =	ssyncset.done @!p0 $0x0  }
0xca: {  	[sflag:s0] =	ssyncadd.s32 @!p0 s1  }
0xcb: {  	[bflag:$0x3] =	sbarrier.arrive $0xFFFF  }
0xcc: {  	_ =	shalt  }

</sc_bundles>
